<compile_context>
chip_gen: v7x
topology: tpu7x:2x2x1
jax: 0.10.2.dev20260603
libtpu: 0.0.44.dev20260713+nightly
codegen_flags: <defaults>
</compile_context>

<pallas_src>
import functools

import jax
import jax.numpy as jnp
from jax.experimental import pallas as pl
from jax.experimental.pallas import tpu as pltpu

_N = 65536
_B = 8
_T = 64
_K = 16
_R = 512
_C = 128
_CHUNK = 4096
_NEG = float(jnp.finfo(jnp.float32).min)
_BIGI = 2147483647


def _fps_kernel(bid_ref, xyz_ref, sel_ref, valid_ref, counts_ref,
                mind2_ref):
    bid = bid_ref[...]

    cnts = []
    means = []
    for b in range(_B):
        mask_b = bid == b
        cnt_f = jnp.sum(mask_b.astype(jnp.float32))
        cnt_b = cnt_f.astype(jnp.int32)
        counts_ref[b] = cnt_b
        cnts.append(cnt_b)
        denom = jnp.maximum(cnt_f, 1.0)
        means.append([jnp.sum(jnp.where(mask_b, xyz_ref[c], 0.0)) / denom
                      for c in range(4)])
    active0 = tuple(cnts[b] > 0 for b in range(_B))
    offs = []
    o = jnp.int32(0)
    for b in range(_B):
        offs.append(o)
        o = o + cnts[b]

    mplanes = []
    for c in range(4):
        mp = jnp.zeros((_R, _C), jnp.float32)
        for b in range(_B):
            mp = jnp.where(bid == b, means[b][c], mp)
        mplanes.append(mp)
    d2m = ((xyz_ref[0] - mplanes[0]) ** 2
           + (xyz_ref[1] - mplanes[1]) ** 2
           + (xyz_ref[2] - mplanes[2]) ** 2
           + (xyz_ref[3] - mplanes[3]) ** 2)
    act_plane = jnp.zeros((_R, _C), jnp.float32)
    for b in range(_B):
        act_plane = jnp.where((bid == b) & active0[b], 1.0, act_plane)
    mind2_ref[...] = jnp.where(act_plane > 0, d2m, _NEG)

    lane = jax.lax.broadcasted_iota(jnp.int32, (1, _C), 1)
    gip = (jax.lax.broadcasted_iota(jnp.int32, (_R, _C), 0) * _C
           + jax.lax.broadcasted_iota(jnp.int32, (_R, _C), 1))
    rio = jax.lax.broadcasted_iota(jnp.int32, (_R, 1), 0)

    rmask_b, brows_b = [], []
    for b in range(_B):
        off, cnt = offs[b], cnts[b]
        end = off + cnt
        rmask_b.append((rio * _C >= off) & ((rio + 1) * _C <= end))
        rows = []
        for r in (off // _C, jnp.minimum(end // _C, _R - 1)):
            gir = r * _C + lane
            rows.append((r, (gir >= off) & (gir < end), gir))
        brows_b.append(rows)

    def _merge(bv, bi, cm, ci):
        bi = jnp.where(cm > bv, ci,
                       jnp.where(cm == bv, jnp.minimum(ci, bi), bi))
        return jnp.maximum(bv, cm), bi

    def body(t, active):
        sc = mind2_ref[...]
        rm = jnp.max(sc, axis=1, keepdims=True)
        ra = jnp.min(jnp.where(sc == rm, gip, _BIGI), axis=1,
                     keepdims=True)
        sels = []
        for b in range(_B):
            bv = jnp.max(jnp.where(rmask_b[b], rm, _NEG))
            bi = jnp.min(jnp.where(rmask_b[b] & (rm == bv), ra, _BIGI))
            for r, lm, gir in brows_b[b]:
                lo = mind2_ref[pl.ds(r, 1), :]
                mlo = jnp.where(lm, lo, _NEG)
                cm = jnp.max(mlo)
                ci = jnp.min(jnp.where(mlo == cm, gir, _BIGI))
                bv, bi = _merge(bv, bi, cm, ci)
            sels.append(bi)

        new_active = []
        cxs = []
        cxrow = [jnp.zeros((_R, 1), jnp.float32) for _ in range(4)]
        pvrow = jnp.zeros((_R, 1), jnp.float32)
        actrow = jnp.ones((_R, 1), jnp.float32)
        for b in range(_B):
            sel_b = sels[b]
            valid_b = active[b]
            a_b = valid_b & ((t + 1) < cnts[b])
            new_active.append(a_b)
            rs = jnp.minimum(sel_b, _N - 1)
            r = rs // _C
            col = rs % _C
            cx = []
            for c in range(4):
                rowv = xyz_ref[c, pl.ds(r, 1), :]
                cx.append(jnp.sum(jnp.where(lane == col, rowv, 0.0)))
            cxs.append(cx)
            for c in range(4):
                cxrow[c] = jnp.where(rmask_b[b], cx[c], cxrow[c])
            pvrow = jnp.where(rmask_b[b] & valid_b, 1.0, pvrow)
            actrow = jnp.where(rmask_b[b],
                               jnp.where(a_b, 1.0, 0.0), actrow)

        md = mind2_ref[...]
        d2n = ((xyz_ref[0] - cxrow[0]) ** 2 + (xyz_ref[1] - cxrow[1]) ** 2
               + (xyz_ref[2] - cxrow[2]) ** 2 + (xyz_ref[3] - cxrow[3]) ** 2)
        upd = jnp.where(t == 0, d2n, jnp.minimum(md, d2n))
        nm = jnp.where(pvrow > 0, upd, md)
        mind2_ref[...] = jnp.where(actrow > 0, nm, _NEG)

        for b in range(_B):
            sel_b = sels[b]
            valid_b = active[b]
            a_b = new_active[b]
            cx = cxs[b]
            for r, lm, gir in brows_b[b]:
                mrow = mind2_ref[pl.ds(r, 1), :]
                d2r = ((xyz_ref[0, pl.ds(r, 1), :] - cx[0]) ** 2
                       + (xyz_ref[1, pl.ds(r, 1), :] - cx[1]) ** 2
                       + (xyz_ref[2, pl.ds(r, 1), :] - cx[2]) ** 2
                       + (xyz_ref[3, pl.ds(r, 1), :] - cx[3]) ** 2)
                updr = jnp.where(t == 0, d2r, jnp.minimum(mrow, d2r))
                nmr = jnp.where(lm & valid_b, updr, mrow)
                nmr = jnp.where(lm & jnp.logical_not(a_b), _NEG, nmr)
                mind2_ref[pl.ds(r, 1), :] = nmr
            rs = jnp.minimum(sel_b, _N - 1)
            r = rs // _C
            col = rs % _C
            mrow = mind2_ref[pl.ds(r, 1), :]
            mind2_ref[pl.ds(r, 1), :] = jnp.where(
                (lane == col) & valid_b, _NEG, mrow)
            sel_ref[t, b] = jnp.where(valid_b, sel_b, jnp.int32(_N))
            valid_ref[t, b] = valid_b.astype(jnp.int32)
        return tuple(new_active)

    jax.lax.fori_loop(0, _T, body, active0, unroll=False)


def _knn_kernel(q_ref, xyz_ref, counts_ref, offs_ref, kidx_ref, kval_ref,
                topv_ref, topi_ref):
    b = pl.program_id(0)
    off = offs_ref[b]
    cnt = counts_ref[b]
    q = q_ref[0]
    qq = jnp.sum(q * q, axis=1, keepdims=True)
    topv_ref[...] = jnp.full((_T, _K), jnp.inf, jnp.float32)
    topi_ref[...] = jnp.zeros((_T, _K), jnp.int32)
    fc = off // _CHUNK
    nch = jnp.where(cnt > 0, (off + cnt - 1) // _CHUNK - fc + 1, 0)

    def body(i, _):
        start = pl.multiple_of((fc + i) * _CHUNK, _CHUNK)
        xs = xyz_ref[:, pl.ds(start, _CHUNK)]
        xx = jnp.sum(xs * xs, axis=0, keepdims=True)
        qx = jnp.dot(q, xs, preferred_element_type=jnp.float32)
        d2 = qq + xx - 2.0 * qx
        gidx = start + jax.lax.broadcasted_iota(jnp.int32, (_T, _CHUNK), 1)
        live = (gidx >= off) & (gidx < off + cnt)
        d2 = jnp.where(live, d2, jnp.inf)
        topv = topv_ref[...]
        topi = topi_ref[...]
        newv = []
        newi = []
        for _ in range(_K):
            m = jnp.minimum(jnp.min(d2, axis=1, keepdims=True),
                            jnp.min(topv, axis=1, keepdims=True))
            pick_d = jnp.min(jnp.where(d2 == m, gidx, _BIGI), axis=1,
                             keepdims=True)
            pick_t = jnp.min(jnp.where(topv == m, topi, _BIGI), axis=1,
                             keepdims=True)
            pick = jnp.minimum(pick_d, pick_t)
            d2 = jnp.where((d2 == m) & (gidx == pick), jnp.inf, d2)
            topv = jnp.where((topv == m) & (topi == pick), jnp.inf, topv)
            newv.append(m)
            newi.append(pick)
        topv_ref[...] = jnp.concatenate(newv, axis=1)
        topi_ref[...] = jnp.concatenate(newi, axis=1)
        return 0

    jax.lax.fori_loop(0, nch, body, 0, unroll=False)
    kidx_ref[0] = topi_ref[...]
    kval_ref[0] = topv_ref[...]


def _head_kernel(g_ref, kv_ref, qv_ref, w0_ref, b0_ref, w1_ref, b1_ref,
                 w2_ref, b2_ref, wn0_ref, bn0_ref, wn1_ref, bn1_ref,
                 out_ref):
    h = jnp.maximum(
        jnp.dot(g_ref[...], w0_ref[...], preferred_element_type=jnp.float32)
        + b0_ref[...], 0.0)
    h = jnp.maximum(
        jnp.dot(h, w1_ref[...], preferred_element_type=jnp.float32)
        + b1_ref[...], 0.0)
    pf = (jnp.dot(h, w2_ref[...], preferred_element_type=jnp.float32)
          + b2_ref[...])
    pf = jnp.where(kv_ref[...] > 0, pf, _NEG)
    pooled = pf[0:512, :]
    for j in range(1, _K):
        pooled = jnp.maximum(pooled, pf[512 * j:512 * (j + 1), :])
    a = jnp.maximum(
        jnp.dot(pooled, wn0_ref[...], preferred_element_type=jnp.float32)
        + bn0_ref[...], 0.0)
    a = (jnp.dot(a, wn1_ref[...], preferred_element_type=jnp.float32)
         + bn1_ref[...])
    out_ref[...] = jnp.where(qv_ref[...] > 0, a, 0.0)


@functools.partial(jax.jit, static_argnames=())
def kernel(coords, features, batch_ids, W0, b0, W1, b1, W2, b2,
           Wn0, bn0, Wn1, bn1):
    f32 = jnp.float32
    time_col = features[:, -1:]
    xyzt = jnp.concatenate([coords, time_col], axis=-1)

    xyz_planes = xyzt.T.reshape(4, _R, _C)
    sel_rows, valid_rows, counts = pl.pallas_call(
        _fps_kernel,
        in_specs=[pl.BlockSpec(memory_space=pltpu.VMEM),
                  pl.BlockSpec(memory_space=pltpu.VMEM)],
        out_specs=(pl.BlockSpec(memory_space=pltpu.SMEM),
                   pl.BlockSpec(memory_space=pltpu.SMEM),
                   pl.BlockSpec(memory_space=pltpu.SMEM)),
        out_shape=(jax.ShapeDtypeStruct((_T, _B), jnp.int32),
                   jax.ShapeDtypeStruct((_T, _B), jnp.int32),
                   jax.ShapeDtypeStruct((_B,), jnp.int32)),
        scratch_shapes=[pltpu.VMEM((_R, _C), f32)],
    )(batch_ids.reshape(_R, _C), xyz_planes)
    offsets = jnp.concatenate(
        [jnp.zeros((1,), counts.dtype), jnp.cumsum(counts[:-1])])

    sel = sel_rows.T
    valid = valid_rows.T.astype(bool)
    valid_flat = valid.reshape(-1)
    safe_flat = jnp.where(valid_flat, sel.reshape(-1), 0)
    q = xyzt[safe_flat]
    centroids = jnp.where(valid_flat[:, None], q, 0.0).reshape(_B, _T, 4)

    kidx, kval = pl.pallas_call(
        _knn_kernel,
        grid=(_B,),
        in_specs=[
            pl.BlockSpec((1, _T, 4), lambda b: (b, 0, 0)),
            pl.BlockSpec((4, _N), lambda b: (0, 0)),
            pl.BlockSpec(memory_space=pltpu.SMEM),
            pl.BlockSpec(memory_space=pltpu.SMEM),
        ],
        out_specs=(pl.BlockSpec((1, _T, _K), lambda b: (b, 0, 0)),
                   pl.BlockSpec((1, _T, _K), lambda b: (b, 0, 0))),
        out_shape=(jax.ShapeDtypeStruct((_B, _T, _K), jnp.int32),
                   jax.ShapeDtypeStruct((_B, _T, _K), f32)),
        scratch_shapes=[pltpu.VMEM((_T, _K), f32),
                        pltpu.VMEM((_T, _K), jnp.int32)],
    )(q.reshape(_B, _T, 4), xyzt.T.reshape(4, _N),
      counts.astype(jnp.int32), offsets.astype(jnp.int32))

    kidx2 = kidx.reshape(_B * _T, _K)
    kvalid = kval.reshape(_B * _T, _K) < jnp.inf
    gather_rows = jnp.minimum(kidx2.T.reshape(-1), _N - 1)
    G = features[gather_rows]
    kvm = kvalid.T.reshape(-1, 1).astype(f32)
    qvm = valid_flat[:, None].astype(f32)

    tokens512 = pl.pallas_call(
        _head_kernel,
        out_shape=jax.ShapeDtypeStruct((_B * _T, 256), f32),
    )(G, kvm, qvm, W0, b0.reshape(1, -1), W1, b1.reshape(1, -1),
      W2, b2.reshape(1, -1), Wn0, bn0.reshape(1, -1),
      Wn1, bn1.reshape(1, -1))

    tokens = tokens512.reshape(_B, _T, 256)
    return tokens, centroids, valid

# --- scband reference (transcript-rebuilt; emitter-appended) ---
"""Pipeline reference for scband-fpstokenizer-5403068858479 (READ-ONLY COPY).

The authoritative reference and input builder live on the scoring server;
editing this copy changes nothing except your own understanding.
"""

import jax, jax.numpy as jnp
import numpy as np

N = 65536
B_HINT = 8
FEATURE_DIM = 32
MAX_TOKENS = 64
TOKEN_DIM = 256
K_NEIGHBORS = 16


def setup_inputs(seed: int = 0):
    key = jax.random.key(seed)
    ks = jax.random.split(key, 10)
    coords = jax.random.normal(ks[0], (N, 3), dtype=jnp.float32)
    features = jax.random.normal(ks[1], (N, FEATURE_DIM), dtype=jnp.float32)
    batch_ids = jnp.sort(jax.random.randint(ks[2], (N,), 0, B_HINT, dtype=jnp.int32))

    def lin(k, i, o):
        return jax.random.normal(k, (i, o), dtype=jnp.float32) / np.sqrt(i)

    W0 = lin(ks[3], FEATURE_DIM, 64); b0 = jnp.zeros((64,), jnp.float32)
    W1 = lin(ks[4], 64, 128); b1 = jnp.zeros((128,), jnp.float32)
    W2 = lin(ks[5], 128, TOKEN_DIM); b2 = jnp.zeros((TOKEN_DIM,), jnp.float32)
    Wn0 = lin(ks[6], TOKEN_DIM, TOKEN_DIM); bn0 = jnp.zeros((TOKEN_DIM,), jnp.float32)
    Wn1 = lin(ks[7], TOKEN_DIM, TOKEN_DIM); bn1 = jnp.zeros((TOKEN_DIM,), jnp.float32)
    return {"coords": coords, "features": features, "batch_ids": batch_ids,
            "W0": W0, "b0": b0, "W1": W1, "b1": b1, "W2": W2, "b2": b2,
            "Wn0": Wn0, "bn0": bn0, "Wn1": Wn1, "bn1": bn1}


def _forward(coords, features, batch_ids, W0, b0, W1, b1, W2, b2, Wn0, bn0, Wn1, bn1):
    Np = coords.shape[0]
    B = B_HINT
    T = MAX_TOKENS
    counts = jnp.bincount(batch_ids, length=B)
    offsets = jnp.concatenate([jnp.zeros((1,), counts.dtype), jnp.cumsum(counts[:-1])])
    perm = jnp.argsort(batch_ids)
    b_sorted = batch_ids[perm]
    pos_in_b = jnp.arange(Np) - offsets[b_sorted]
    max_per_b = Np
    pad_idx = Np
    idx_table = jnp.full((B, max_per_b), pad_idx, dtype=jnp.int32).at[b_sorted, pos_in_b].set(perm.astype(jnp.int32))
    neg_inf = jnp.finfo(jnp.float32).min

    time_col = features[:, -1:]
    xyzt = jnp.concatenate([coords, time_col], axis=-1)

    sums = jnp.zeros((B, 4), jnp.float32).at[batch_ids].add(xyzt)
    means = sums / jnp.maximum(counts, 1).astype(jnp.float32)[:, None]
    dist2_mean = jnp.sum((xyzt - means[batch_ids]) ** 2, axis=1)

    active = counts > 0
    min_d2 = jnp.where(active[batch_ids], jnp.float32(jnp.inf), neg_inf)
    arangeB = jnp.arange(B)
    sel_cols, mask_cols = [], []
    for t in range(T):
        scores = dist2_mean if t == 0 else min_d2
        S = jnp.full((B, max_per_b), neg_inf, jnp.float32).at[b_sorted, pos_in_b].set(scores[perm])
        top_pos = jnp.argmax(S, axis=1)
        sel_t = idx_table[arangeB, top_pos]
        valid = (top_pos < counts) & active
        sel_cols.append(jnp.where(valid, sel_t, pad_idx))
        mask_cols.append(valid)
        safe_idx = jnp.where(valid, sel_t, 0)
        batch_centroids = jnp.where(valid[:, None], xyzt[safe_idx], 0.0)
        d2_new = jnp.sum((xyzt - batch_centroids[batch_ids]) ** 2, axis=1)
        pv = valid[batch_ids]
        min_d2 = jnp.where(pv, jnp.minimum(min_d2, d2_new), min_d2)
        chosen = jnp.zeros((Np,), jnp.int32).at[safe_idx].add(valid.astype(jnp.int32))
        min_d2 = jnp.where(chosen > 0, neg_inf, min_d2)
        active = active & ((t + 1) < counts)
        min_d2 = jnp.where(active[batch_ids], min_d2, neg_inf)

    centroid_indices = jnp.stack(sel_cols, axis=1)
    centroid_mask = jnp.stack(mask_cols, axis=1)

    h = jax.nn.relu(features @ W0 + b0)
    h = jax.nn.relu(h @ W1 + b1)
    point_feats = h @ W2 + b2

    valid_flat = centroid_mask.reshape(-1)
    batch_flat = jnp.repeat(arangeB, T)
    idx_flat = centroid_indices.reshape(-1)
    safe_flat = jnp.where(valid_flat, idx_flat, 0)
    q = xyzt[safe_flat]
    centroids = jnp.where(valid_flat[:, None], q, 0.0).reshape(B, T, 4)

    k = min(K_NEIGHBORS, Np)
    d2 = jnp.sum(q * q, axis=1)[:, None] + jnp.sum(xyzt * xyzt, axis=1)[None, :] - 2.0 * (q @ xyzt.T)
    dist = jnp.sqrt(jnp.maximum(d2, 1e-12))
    mismatch = batch_flat[:, None] != batch_ids[None, :]
    dist = jnp.where(mismatch, jnp.float32(jnp.inf), dist)
    negd, knn_idx = jax.lax.top_k(-dist, k)
    knn_valid = jnp.isfinite(-negd)
    gathered = point_feats[knn_idx]
    gathered = jnp.where(knn_valid[:, :, None], gathered, jnp.finfo(jnp.float32).min)
    pooled = jnp.max(gathered, axis=1)
    agg = jax.nn.relu(pooled @ Wn0 + bn0) @ Wn1 + bn1
    tokens = jnp.where(valid_flat[:, None], agg, 0.0).reshape(B, T, TOKEN_DIM)
    return tokens, centroids, centroid_mask


def reference(coords, features, batch_ids, W0, b0, W1, b1, W2, b2, Wn0, bn0, Wn1, bn1):
    return _forward(coords, features, batch_ids, W0, b0, W1, b1, W2, b2, Wn0, bn0, Wn1, bn1)

if __name__ == "__main__":
    import jax
    _d = setup_inputs()
    print(jax.jit(kernel)(*tuple(_d.values())))

</pallas_src>

<mosaic_0001>
module attributes {stable_mosaic.version = 14 : i64} {
  func.func @_knn_kernel(%arg0: i32, %arg1: memref<1x64x4xf32, #tpu.memory_space<vmem>>, %arg2: memref<4x65536xf32, #tpu.memory_space<vmem>>, %arg3: memref<8xi32, #tpu.memory_space<smem>>, %arg4: memref<8xi32, #tpu.memory_space<smem>>, %arg5: memref<1x64x16xi32, #tpu.memory_space<vmem>>, %arg6: memref<1x64x16xf32, #tpu.memory_space<vmem>>, %arg7: memref<64x16xf32, #tpu.memory_space<vmem>>, %arg8: memref<64x16xi32, #tpu.memory_space<vmem>>) attributes {dimension_semantics = [#tpu.dimension_semantics<arbitrary>], iteration_bounds = array<i64: 8>, scalar_prefetch = 0 : i64, scratch_operands = 2 : i64, tpu.core_type = #tpu.core_type<tc>, window_params = [{transform_indices = @transform_0, window_bounds = array<i64: 1, 64, 4>}, {pipeline_mode = #tpu.pipeline_mode<synchronous>, transform_indices = @transform_1, window_bounds = array<i64: 4, 65536>}, {transform_indices = @transform_2, window_bounds = array<i64: 8>}, {transform_indices = @transform_3, window_bounds = array<i64: 8>}, {transform_indices = @transform_4, window_bounds = array<i64: 1, 64, 16>}, {transform_indices = @transform_5, window_bounds = array<i64: 1, 64, 16>}]} {
    %get3A = arith.index_cast %arg0 : i32 to index
    %get3A_0 = memref.load %arg4[%get3A] : memref<8xi32, #tpu.memory_space<smem>>
    %get3A_1 = arith.index_cast %arg0 : i32 to index
    %get3A_2 = memref.load %arg3[%get3A_1] : memref<8xi32, #tpu.memory_space<smem>>
    %get3A_3 = arith.constant 0 : index
    %get3A_4 = arith.constant 0 : index
    %get3A_5 = arith.constant 0 : index
    %get3A_6 = vector.load %arg1[%get3A_3, %get3A_4, %get3A_5] : memref<1x64x4xf32, #tpu.memory_space<vmem>>, vector<1x64x4xf32>
    %get3A_7 = vector.shape_cast %get3A_6 : vector<1x64x4xf32> to vector<64x4xf32>
    %mul3A = arith.mulf %get3A_7, %get3A_7 : vector<64x4xf32>
    %reduce_sum3A = arith.constant dense<0.000000e+00> : vector<64xf32>
    %reduce_sum3A_8 = vector.multi_reduction <add>, %mul3A, %reduce_sum3A [1] : vector<64x4xf32> to vector<64xf32>
    %broadcast_in_dim3A = vector.shape_cast %reduce_sum3A_8 : vector<64xf32> to vector<64x1xf32>
    %broadcast_in_dim3A_9 = arith.constant 0x7F800000 : f32
    %broadcast_in_dim3A_10 = vector.broadcast %broadcast_in_dim3A_9 : f32 to vector<64x16xf32>
    %swap3A = arith.constant 0 : index
    %swap3A_11 = arith.constant 0 : index
    %swap3A_12 = vector.load %arg7[%swap3A, %swap3A_11] : memref<64x16xf32, #tpu.memory_space<vmem>>, vector<64x16xf32>
    tpu.vector_store %arg7[%swap3A, %swap3A_11], %broadcast_in_dim3A_10 {strides = array<i32>} : memref<64x16xf32, #tpu.memory_space<vmem>>, vector<64x16xf32>,
    %broadcast_in_dim3A_13 = arith.constant 0 : i32
    %broadcast_in_dim3A_14 = vector.broadcast %broadcast_in_dim3A_13 : i32 to vector<64x16xi32>
    %swap3A_15 = arith.constant 0 : index
    %swap3A_16 = arith.constant 0 : index
    %swap3A_17 = vector.load %arg8[%swap3A_15, %swap3A_16] : memref<64x16xi32, #tpu.memory_space<vmem>>, vector<64x16xi32>
    tpu.vector_store %arg8[%swap3A_15, %swap3A_16], %broadcast_in_dim3A_14 {strides = array<i32>} : memref<64x16xi32, #tpu.memory_space<vmem>>, vector<64x16xi32>,
    %jit3A = arith.constant 4096 : i32
    %div3A = arith.divsi %get3A_0, %jit3A : i32
    %sign3A = arith.constant 0 : i32
    %sign3A_18 = arith.cmpi sgt, %get3A_0, %sign3A : i32
    %sign3A_19 = arith.extui %sign3A_18 : i1 to i32
    %sign3A_20 = arith.constant 0 : i32
    %sign3A_21 = arith.cmpi slt, %get3A_0, %sign3A_20 : i32
    %sign3A_22 = arith.extui %sign3A_21 : i1 to i32
    %sign3A_23 = arith.subi %sign3A_19, %sign3A_22 : i32
    %sign3A_24 = arith.constant 0 : i32
    %sign3A_25 = arith.cmpi sgt, %jit3A, %sign3A_24 : i32
    %sign3A_26 = arith.extui %sign3A_25 : i1 to i32
    %sign3A_27 = arith.constant 0 : i32
    %sign3A_28 = arith.cmpi slt, %jit3A, %sign3A_27 : i32
    %sign3A_29 = arith.extui %sign3A_28 : i1 to i32
    %sign3A_30 = arith.subi %sign3A_26, %sign3A_29 : i32
    %ne3A = arith.cmpi ne, %sign3A_23, %sign3A_30 : i32
    %rem3A = arith.remsi %get3A_0, %jit3A : i32
    %ne3A_31 = arith.constant 0 : i32
    %ne3A_32 = arith.cmpi ne, %rem3A, %ne3A_31 : i32
    %and3A = arith.andi %ne3A, %ne3A_32 : i1
    %sub3A = arith.constant 1 : i32
    %sub3A_33 = arith.subi %div3A, %sub3A : i32
    %select_n3A = arith.select %and3A, %sub3A_33, %div3A : i32
    %gt3A = arith.constant 0 : i32
    %gt3A_34 = arith.cmpi sgt, %get3A_2, %gt3A : i32
    %add3A = arith.addi %get3A_0, %get3A_2 : i32
    %sub3A_35 = arith.constant 1 : i32
    %sub3A_36 = arith.subi %add3A, %sub3A_35 : i32
    %jit3A_37 = arith.constant 4096 : i32
    %div3A_38 = arith.divsi %sub3A_36, %jit3A_37 : i32
    %sign3A_39 = arith.constant 0 : i32
    %sign3A_40 = arith.cmpi sgt, %sub3A_36, %sign3A_39 : i32
    %sign3A_41 = arith.extui %sign3A_40 : i1 to i32
    %sign3A_42 = arith.constant 0 : i32
    %sign3A_43 = arith.cmpi slt, %sub3A_36, %sign3A_42 : i32
    %sign3A_44 = arith.extui %sign3A_43 : i1 to i32
    %sign3A_45 = arith.subi %sign3A_41, %sign3A_44 : i32
    %sign3A_46 = arith.constant 0 : i32
    %sign3A_47 = arith.cmpi sgt, %jit3A_37, %sign3A_46 : i32
    %sign3A_48 = arith.extui %sign3A_47 : i1 to i32
    %sign3A_49 = arith.constant 0 : i32
    %sign3A_50 = arith.cmpi slt, %jit3A_37, %sign3A_49 : i32
    %sign3A_51 = arith.extui %sign3A_50 : i1 to i32
    %sign3A_52 = arith.subi %sign3A_48, %sign3A_51 : i32
    %ne3A_53 = arith.cmpi ne, %sign3A_45, %sign3A_52 : i32
    %rem3A_54 = arith.remsi %sub3A_36, %jit3A_37 : i32
    %ne3A_55 = arith.constant 0 : i32
    %ne3A_56 = arith.cmpi ne, %rem3A_54, %ne3A_55 : i32
    %and3A_57 = arith.andi %ne3A_53, %ne3A_56 : i1
    %sub3A_58 = arith.constant 1 : i32
    %sub3A_59 = arith.subi %div3A_38, %sub3A_58 : i32
    %select_n3A_60 = arith.select %and3A_57, %sub3A_59, %div3A_38 : i32
    %sub3A_61 = arith.subi %select_n3A_60, %select_n3A : i32
    %add3A_62 = arith.constant 1 : i32
    %add3A_63 = arith.addi %sub3A_61, %add3A_62 : i32
    %jit3A_64 = arith.constant 0 : i32
    %select_n3A_65 = arith.select %gt3A_34, %add3A_63, %jit3A_64 : i32
    %while3A = arith.constant 0 : i32
    %while3A_66 = arith.constant 0 : i32
    %while3A_67 = arith.subi %select_n3A_65, %while3A : i32
    %while3A_68 = arith.addi %while3A, %while3A_67 : i32
    %while3A_69 = arith.constant 1 : i32
    %while3A_70 = arith.divsi %while3A_67, %while3A_69 : i32
    %while3A_71 = arith.muli %while3A_70, %while3A_69 : i32
    %while3A_72 = arith.addi %while3A, %while3A_71 : i32
    %while3A_73 = arith.constant 1 : i32
    %while3A_74 = scf.for %while3A_95 = %while3A to %while3A_72 step %while3A_73 iter_args(%while3A_96 = %while3A_66) -> (i32)  : i32 {
      %add3A_97 = arith.addi %select_n3A, %while3A_95 : i32
      %mul3A_98 = arith.constant 4096 : i32
      %mul3A_99 = arith.muli %add3A_97, %mul3A_98 : i32
      %multiple_of3A = tpu.assume_multiple %mul3A_99, 4096 : i32
      %get3A_100 = arith.constant 0 : index
      %get3A_101 = arith.index_cast %multiple_of3A : i32 to index
      %get3A_102 = vector.load %arg2[%get3A_100, %get3A_101] : memref<4x65536xf32, #tpu.memory_space<vmem>>, vector<4x4096xf32>
      %mul3A_103 = arith.mulf %get3A_102, %get3A_102 : vector<4x4096xf32>
      %reduce_sum3A_104 = arith.constant dense<0.000000e+00> : vector<4096xf32>
      %reduce_sum3A_105 = vector.multi_reduction <add>, %mul3A_103, %reduce_sum3A_104 [0] : vector<4x4096xf32> to vector<4096xf32>
      %broadcast_in_dim3A_106 = vector.shape_cast %reduce_sum3A_105 : vector<4096xf32> to vector<1x4096xf32>
      %dot_general3A = arith.constant dense<0.000000e+00> : vector<64x4096xf32>
      %dot_general3A_107 = tpu.matmul %get3A_7, %get3A_102, %dot_general3A {dimension_numbers = #tpu.dot_dimension_numbers<[1], [0], [0], [1], [0, 0, 1, 1], [], []>, transpose_lhs_hint = false} : vector<64x4xf32>, vector<4x4096xf32>, vector<64x4096xf32> -> vector<64x4096xf32>
      %add3A_108 = vector.broadcast %broadcast_in_dim3A : vector<64x1xf32> to vector<64x4096xf32>
      %add3A_109 = vector.broadcast %broadcast_in_dim3A_106 : vector<1x4096xf32> to vector<64x4096xf32>
      %add3A_110 = arith.addf %add3A_108, %add3A_109 : vector<64x4096xf32>
      %mul3A_111 = arith.constant 2.000000e+00 : f32
      %mul3A_112 = vector.broadcast %mul3A_111 : f32 to vector<64x4096xf32>
      %mul3A_113 = arith.mulf %mul3A_112, %dot_general3A_107 : vector<64x4096xf32>
      %sub3A_114 = arith.subf %add3A_110, %mul3A_113 : vector<64x4096xf32>
      %iota3A = tpu.iota {dimensions = array<i32: 1>} : vector<64x4096xi32>
      %add3A_115 = vector.broadcast %multiple_of3A : i32 to vector<64x4096xi32>
      %add3A_116 = arith.addi %add3A_115, %iota3A : vector<64x4096xi32>
      %ge3A = vector.broadcast %get3A_0 : i32 to vector<64x4096xi32>
      %ge3A_117 = arith.cmpi sge, %add3A_116, %ge3A : vector<64x4096xi32>
      %add3A_118 = arith.addi %get3A_0, %get3A_2 : i32
      %lt3A = vector.broadcast %add3A_118 : i32 to vector<64x4096xi32>
      %lt3A_119 = arith.cmpi slt, %add3A_116, %lt3A : vector<64x4096xi32>
      %and3A_120 = arith.andi %ge3A_117, %lt3A_119 : vector<64x4096xi1>
      %jit3A_121 = arith.constant 0x7F800000 : f32
      %broadcast_in_dim3A_122 = vector.broadcast %jit3A_121 : f32 to vector<64x4096xf32>
      %select_n3A_123 = arith.select %and3A_120, %sub3A_114, %broadcast_in_dim3A_122 : vector<64x4096xi1>, vector<64x4096xf32>
      %get3A_124 = arith.constant 0 : index
      %get3A_125 = arith.constant 0 : index
      %get3A_126 = vector.load %arg7[%get3A_124, %get3A_125] : memref<64x16xf32, #tpu.memory_space<vmem>>, vector<64x16xf32>
      %get3A_127 = arith.constant 0 : index
      %get3A_128 = arith.constant 0 : index
      %get3A_129 = vector.load %arg8[%get3A_127, %get3A_128] : memref<64x16xi32, #tpu.memory_space<vmem>>, vector<64x16xi32>
      %reduce_min3A = arith.constant dense<0x7F800000> : vector<64xf32>
      %reduce_min3A_130 = vector.multi_reduction <minimumf>, %select_n3A_123, %reduce_min3A [1] : vector<64x4096xf32> to vector<64xf32>
      %broadcast_in_dim3A_131 = vector.shape_cast %reduce_min3A_130 : vector<64xf32> to vector<64x1xf32>
      %reduce_min3A_132 = arith.constant dense<0x7F800000> : vector<64xf32>
      %reduce_min3A_133 = vector.multi_reduction <minimumf>, %get3A_126, %reduce_min3A_132 [1] : vector<64x16xf32> to vector<64xf32>
      %broadcast_in_dim3A_134 = vector.shape_cast %reduce_min3A_133 : vector<64xf32> to vector<64x1xf32>
      %min3A = arith.minimumf %broadcast_in_dim3A_131, %broadcast_in_dim3A_134 : vector<64x1xf32>
      %eq3A = vector.broadcast %min3A : vector<64x1xf32> to vector<64x4096xf32>
      %eq3A_135 = arith.cmpf oeq, %select_n3A_123, %eq3A : vector<64x4096xf32>
      %jit3A_136 = arith.constant 2147483647 : i32
      %broadcast_in_dim3A_137 = vector.broadcast %jit3A_136 : i32 to vector<64x4096xi32>
      %select_n3A_138 = arith.select %eq3A_135, %add3A_116, %broadcast_in_dim3A_137 : vector<64x4096xi1>, vector<64x4096xi32>
      %reduce_min3A_139 = arith.constant dense<2147483647> : vector<64xi32>
      %reduce_min3A_140 = vector.multi_reduction <minsi>, %select_n3A_138, %reduce_min3A_139 [1] : vector<64x4096xi32> to vector<64xi32>
      %broadcast_in_dim3A_141 = vector.shape_cast %reduce_min3A_140 : vector<64xi32> to vector<64x1xi32>
      %eq3A_142 = vector.broadcast %min3A : vector<64x1xf32> to vector<64x16xf32>
      %eq3A_143 = arith.cmpf oeq, %get3A_126, %eq3A_142 : vector<64x16xf32>
      %jit3A_144 = arith.constant 2147483647 : i32
      %broadcast_in_dim3A_145 = vector.broadcast %jit3A_144 : i32 to vector<64x16xi32>
      %select_n3A_146 = arith.select %eq3A_143, %get3A_129, %broadcast_in_dim3A_145 : vector<64x16xi1>, vector<64x16xi32>
      %reduce_min3A_147 = arith.constant dense<2147483647> : vector<64xi32>
      %reduce_min3A_148 = vector.multi_reduction <minsi>, %select_n3A_146, %reduce_min3A_147 [1] : vector<64x16xi32> to vector<64xi32>
      %broadcast_in_dim3A_149 = vector.shape_cast %reduce_min3A_148 : vector<64xi32> to vector<64x1xi32>
      %min3A_150 = arith.minsi %broadcast_in_dim3A_141, %broadcast_in_dim3A_149 : vector<64x1xi32>
      %eq3A_151 = vector.broadcast %min3A : vector<64x1xf32> to vector<64x4096xf32>
      %eq3A_152 = arith.cmpf oeq, %select_n3A_123, %eq3A_151 : vector<64x4096xf32>
      %eq3A_153 = vector.broadcast %min3A_150 : vector<64x1xi32> to vector<64x4096xi32>
      %eq3A_154 = arith.cmpi eq, %add3A_116, %eq3A_153 : vector<64x4096xi32>
      %and3A_155 = arith.andi %eq3A_152, %eq3A_154 : vector<64x4096xi1>
      %jit3A_156 = arith.constant 0x7F800000 : f32
      %broadcast_in_dim3A_157 = vector.broadcast %jit3A_156 : f32 to vector<64x4096xf32>
      %select_n3A_158 = arith.select %and3A_155, %broadcast_in_dim3A_157, %select_n3A_123 : vector<64x4096xi1>, vector<64x4096xf32>
      %eq3A_159 = vector.broadcast %min3A : vector<64x1xf32> to vector<64x16xf32>
      %eq3A_160 = arith.cmpf oeq, %get3A_126, %eq3A_159 : vector<64x16xf32>
      %eq3A_161 = vector.broadcast %min3A_150 : vector<64x1xi32> to vector<64x16xi32>
      %eq3A_162 = arith.cmpi eq, %get3A_129, %eq3A_161 : vector<64x16xi32>
      %and3A_163 = arith.andi %eq3A_160, %eq3A_162 : vector<64x16xi1>
      %jit3A_164 = arith.constant 0x7F800000 : f32
      %broadcast_in_dim3A_165 = vector.broadcast %jit3A_164 : f32 to vector<64x16xf32>
      %select_n3A_166 = arith.select %and3A_163, %broadcast_in_dim3A_165, %get3A_126 : vector<64x16xi1>, vector<64x16xf32>
      %reduce_min3A_167 = arith.constant dense<0x7F800000> : vector<64xf32>
      %reduce_min3A_168 = vector.multi_reduction <minimumf>, %select_n3A_158, %reduce_min3A_167 [1] : vector<64x4096xf32> to vector<64xf32>
      %broadcast_in_dim3A_169 = vector.shape_cast %reduce_min3A_168 : vector<64xf32> to vector<64x1xf32>
      %reduce_min3A_170 = arith.constant dense<0x7F800000> : vector<64xf32>
      %reduce_min3A_171 = vector.multi_reduction <minimumf>, %select_n3A_166, %reduce_min3A_170 [1] : vector<64x16xf32> to vector<64xf32>
      %broadcast_in_dim3A_172 = vector.shape_cast %reduce_min3A_171 : vector<64xf32> to vector<64x1xf32>
      %min3A_173 = arith.minimumf %broadcast_in_dim3A_169, %broadcast_in_dim3A_172 : vector<64x1xf32>
      %eq3A_174 = vector.broadcast %min3A_173 : vector<64x1xf32> to vector<64x4096xf32>
      %eq3A_175 = arith.cmpf oeq, %select_n3A_158, %eq3A_174 : vector<64x4096xf32>
      %jit3A_176 = arith.constant 2147483647 : i32
      %broadcast_in_dim3A_177 = vector.broadcast %jit3A_176 : i32 to vector<64x4096xi32>
      %select_n3A_178 = arith.select %eq3A_175, %add3A_116, %broadcast_in_dim3A_177 : vector<64x4096xi1>, vector<64x4096xi32>
      %reduce_min3A_179 = arith.constant dense<2147483647> : vector<64xi32>
      %reduce_min3A_180 = vector.multi_reduction <minsi>, %select_n3A_178, %reduce_min3A_179 [1] : vector<64x4096xi32> to vector<64xi32>
      %broadcast_in_dim3A_181 = vector.shape_cast %reduce_min3A_180 : vector<64xi32> to vector<64x1xi32>
      %eq3A_182 = vector.broadcast %min3A_173 : vector<64x1xf32> to vector<64x16xf32>
      %eq3A_183 = arith.cmpf oeq, %select_n3A_166, %eq3A_182 : vector<64x16xf32>
      %jit3A_184 = arith.constant 2147483647 : i32
      %broadcast_in_dim3A_185 = vector.broadcast %jit3A_184 : i32 to vector<64x16xi32>
      %select_n3A_186 = arith.select %eq3A_183, %get3A_129, %broadcast_in_dim3A_185 : vector<64x16xi1>, vector<64x16xi32>
      %reduce_min3A_187 = arith.constant dense<2147483647> : vector<64xi32>
      %reduce_min3A_188 = vector.multi_reduction <minsi>, %select_n3A_186, %reduce_min3A_187 [1] : vector<64x16xi32> to vector<64xi32>
      %broadcast_in_dim3A_189 = vector.shape_cast %reduce_min3A_188 : vector<64xi32> to vector<64x1xi32>
      %min3A_190 = arith.minsi %broadcast_in_dim3A_181, %broadcast_in_dim3A_189 : vector<64x1xi32>
      %eq3A_191 = vector.broadcast %min3A_173 : vector<64x1xf32> to vector<64x4096xf32>
      %eq3A_192 = arith.cmpf oeq, %select_n3A_158, %eq3A_191 : vector<64x4096xf32>
      %eq3A_193 = vector.broadcast %min3A_190 : vector<64x1xi32> to vector<64x4096xi32>
      %eq3A_194 = arith.cmpi eq, %add3A_116, %eq3A_193 : vector<64x4096xi32>
      %and3A_195 = arith.andi %eq3A_192, %eq3A_194 : vector<64x4096xi1>
      %jit3A_196 = arith.constant 0x7F800000 : f32
      %broadcast_in_dim3A_197 = vector.broadcast %jit3A_196 : f32 to vector<64x4096xf32>
      %select_n3A_198 = arith.select %and3A_195, %broadcast_in_dim3A_197, %select_n3A_158 : vector<64x4096xi1>, vector<64x4096xf32>
      %eq3A_199 = vector.broadcast %min3A_173 : vector<64x1xf32> to vector<64x16xf32>
      %eq3A_200 = arith.cmpf oeq, %select_n3A_166, %eq3A_199 : vector<64x16xf32>
      %eq3A_201 = vector.broadcast %min3A_190 : vector<64x1xi32> to vector<64x16xi32>
      %eq3A_202 = arith.cmpi eq, %get3A_129, %eq3A_201 : vector<64x16xi32>
      %and3A_203 = arith.andi %eq3A_200, %eq3A_202 : vector<64x16xi1>
      %jit3A_204 = arith.constant 0x7F800000 : f32
      %broadcast_in_dim3A_205 = vector.broadcast %jit3A_204 : f32 to vector<64x16xf32>
      %select_n3A_206 = arith.select %and3A_203, %broadcast_in_dim3A_205, %select_n3A_166 : vector<64x16xi1>, vector<64x16xf32>
      %reduce_min3A_207 = arith.constant dense<0x7F800000> : vector<64xf32>
      %reduce_min3A_208 = vector.multi_reduction <minimumf>, %select_n3A_198, %reduce_min3A_207 [1] : vector<64x4096xf32> to vector<64xf32>
      %broadcast_in_dim3A_209 = vector.shape_cast %reduce_min3A_208 : vector<64xf32> to vector<64x1xf32>
      %reduce_min3A_210 = arith.constant dense<0x7F800000> : vector<64xf32>
      %reduce_min3A_211 = vector.multi_reduction <minimumf>, %select_n3A_206, %reduce_min3A_210 [1] : vector<64x16xf32> to vector<64xf32>
      %broadcast_in_dim3A_212 = vector.shape_cast %reduce_min3A_211 : vector<64xf32> to vector<64x1xf32>
      %min3A_213 = arith.minimumf %broadcast_in_dim3A_209, %broadcast_in_dim3A_212 : vector<64x1xf32>
      %eq3A_214 = vector.broadcast %min3A_213 : vector<64x1xf32> to vector<64x4096xf32>
      %eq3A_215 = arith.cmpf oeq, %select_n3A_198, %eq3A_214 : vector<64x4096xf32>
      %jit3A_216 = arith.constant 2147483647 : i32
      %broadcast_in_dim3A_217 = vector.broadcast %jit3A_216 : i32 to vector<64x4096xi32>
      %select_n3A_218 = arith.select %eq3A_215, %add3A_116, %broadcast_in_dim3A_217 : vector<64x4096xi1>, vector<64x4096xi32>
      %reduce_min3A_219 = arith.constant dense<2147483647> : vector<64xi32>
      %reduce_min3A_220 = vector.multi_reduction <minsi>, %select_n3A_218, %reduce_min3A_219 [1] : vector<64x4096xi32> to vector<64xi32>
      %broadcast_in_dim3A_221 = vector.shape_cast %reduce_min3A_220 : vector<64xi32> to vector<64x1xi32>
      %eq3A_222 = vector.broadcast %min3A_213 : vector<64x1xf32> to vector<64x16xf32>
      %eq3A_223 = arith.cmpf oeq, %select_n3A_206, %eq3A_222 : vector<64x16xf32>
      %jit3A_224 = arith.constant 2147483647 : i32
      %broadcast_in_dim3A_225 = vector.broadcast %jit3A_224 : i32 to vector<64x16xi32>
      %select_n3A_226 = arith.select %eq3A_223, %get3A_129, %broadcast_in_dim3A_225 : vector<64x16xi1>, vector<64x16xi32>
      %reduce_min3A_227 = arith.constant dense<2147483647> : vector<64xi32>
      %reduce_min3A_228 = vector.multi_reduction <minsi>, %select_n3A_226, %reduce_min3A_227 [1] : vector<64x16xi32> to vector<64xi32>
      %broadcast_in_dim3A_229 = vector.shape_cast %reduce_min3A_228 : vector<64xi32> to vector<64x1xi32>
      %min3A_230 = arith.minsi %broadcast_in_dim3A_221, %broadcast_in_dim3A_229 : vector<64x1xi32>
      %eq3A_231 = vector.broadcast %min3A_213 : vector<64x1xf32> to vector<64x4096xf32>
      %eq3A_232 = arith.cmpf oeq, %select_n3A_198, %eq3A_231 : vector<64x4096xf32>
      %eq3A_233 = vector.broadcast %min3A_230 : vector<64x1xi32> to vector<64x4096xi32>
      %eq3A_234 = arith.cmpi eq, %add3A_116, %eq3A_233 : vector<64x4096xi32>
      %and3A_235 = arith.andi %eq3A_232, %eq3A_234 : vector<64x4096xi1>
      %jit3A_236 = arith.constant 0x7F800000 : f32
      %broadcast_in_dim3A_237 = vector.broadcast %jit3A_236 : f32 to vector<64x4096xf32>
      %select_n3A_238 = arith.select %and3A_235, %broadcast_in_dim3A_237, %select_n3A_198 : vector<64x4096xi1>, vector<64x4096xf32>
      %eq3A_239 = vector.broadcast %min3A_213 : vector<64x1xf32> to vector<64x16xf32>
      %eq3A_240 = arith.cmpf oeq, %select_n3A_206, %eq3A_239 : vector<64x16xf32>
      %eq3A_241 = vector.broadcast %min3A_230 : vector<64x1xi32> to vector<64x16xi32>
      %eq3A_242 = arith.cmpi eq, %get3A_129, %eq3A_241 : vector<64x16xi32>
      %and3A_243 = arith.andi %eq3A_240, %eq3A_242 : vector<64x16xi1>
      %jit3A_244 = arith.constant 0x7F800000 : f32
      %broadcast_in_dim3A_245 = vector.broadcast %jit3A_244 : f32 to vector<64x16xf32>
      %select_n3A_246 = arith.select %and3A_243, %broadcast_in_dim3A_245, %select_n3A_206 : vector<64x16xi1>, vector<64x16xf32>
      %reduce_min3A_247 = arith.constant dense<0x7F800000> : vector<64xf32>
      %reduce_min3A_248 = vector.multi_reduction <minimumf>, %select_n3A_238, %reduce_min3A_247 [1] : vector<64x4096xf32> to vector<64xf32>
      %broadcast_in_dim3A_249 = vector.shape_cast %reduce_min3A_248 : vector<64xf32> to vector<64x1xf32>
      %reduce_min3A_250 = arith.constant dense<0x7F800000> : vector<64xf32>
      %reduce_min3A_251 = vector.multi_reduction <minimumf>, %select_n3A_246, %reduce_min3A_250 [1] : vector<64x16xf32> to vector<64xf32>
      %broadcast_in_dim3A_252 = vector.shape_cast %reduce_min3A_251 : vector<64xf32> to vector<64x1xf32>
      %min3A_253 = arith.minimumf %broadcast_in_dim3A_249, %broadcast_in_dim3A_252 : vector<64x1xf32>
      %eq3A_254 = vector.broadcast %min3A_253 : vector<64x1xf32> to vector<64x4096xf32>
      %eq3A_255 = arith.cmpf oeq, %select_n3A_238, %eq3A_254 : vector<64x4096xf32>
      %jit3A_256 = arith.constant 2147483647 : i32
      %broadcast_in_dim3A_257 = vector.broadcast %jit3A_256 : i32 to vector<64x4096xi32>
      %select_n3A_258 = arith.select %eq3A_255, %add3A_116, %broadcast_in_dim3A_257 : vector<64x4096xi1>, vector<64x4096xi32>
      %reduce_min3A_259 = arith.constant dense<2147483647> : vector<64xi32>
      %reduce_min3A_260 = vector.multi_reduction <minsi>, %select_n3A_258, %reduce_min3A_259 [1] : vector<64x4096xi32> to vector<64xi32>
      %broadcast_in_dim3A_261 = vector.shape_cast %reduce_min3A_260 : vector<64xi32> to vector<64x1xi32>
      %eq3A_262 = vector.broadcast %min3A_253 : vector<64x1xf32> to vector<64x16xf32>
      %eq3A_263 = arith.cmpf oeq, %select_n3A_246, %eq3A_262 : vector<64x16xf32>
      %jit3A_264 = arith.constant 2147483647 : i32
      %broadcast_in_dim3A_265 = vector.broadcast %jit3A_264 : i32 to vector<64x16xi32>
      %select_n3A_266 = arith.select %eq3A_263, %get3A_129, %broadcast_in_dim3A_265 : vector<64x16xi1>, vector<64x16xi32>
      %reduce_min3A_267 = arith.constant dense<2147483647> : vector<64xi32>
      %reduce_min3A_268 = vector.multi_reduction <minsi>, %select_n3A_266, %reduce_min3A_267 [1] : vector<64x16xi32> to vector<64xi32>
      %broadcast_in_dim3A_269 = vector.shape_cast %reduce_min3A_268 : vector<64xi32> to vector<64x1xi32>
      %min3A_270 = arith.minsi %broadcast_in_dim3A_261, %broadcast_in_dim3A_269 : vector<64x1xi32>
      %eq3A_271 = vector.broadcast %min3A_253 : vector<64x1xf32> to vector<64x4096xf32>
      %eq3A_272 = arith.cmpf oeq, %select_n3A_238, %eq3A_271 : vector<64x4096xf32>
      %eq3A_273 = vector.broadcast %min3A_270 : vector<64x1xi32> to vector<64x4096xi32>
      %eq3A_274 = arith.cmpi eq, %add3A_116, %eq3A_273 : vector<64x4096xi32>
      %and3A_275 = arith.andi %eq3A_272, %eq3A_274 : vector<64x4096xi1>
      %jit3A_276 = arith.constant 0x7F800000 : f32
      %broadcast_in_dim3A_277 = vector.broadcast %jit3A_276 : f32 to vector<64x4096xf32>
      %select_n3A_278 = arith.select %and3A_275, %broadcast_in_dim3A_277, %select_n3A_238 : vector<64x4096xi1>, vector<64x4096xf32>
      %eq3A_279 = vector.broadcast %min3A_253 : vector<64x1xf32> to vector<64x16xf32>
      %eq3A_280 = arith.cmpf oeq, %select_n3A_246, %eq3A_279 : vector<64x16xf32>
      %eq3A_281 = vector.broadcast %min3A_270 : vector<64x1xi32> to vector<64x16xi32>
      %eq3A_282 = arith.cmpi eq, %get3A_129, %eq3A_281 : vector<64x16xi32>
      %and3A_283 = arith.andi %eq3A_280, %eq3A_282 : vector<64x16xi1>
      %jit3A_284 = arith.constant 0x7F800000 : f32
      %broadcast_in_dim3A_285 = vector.broadcast %jit3A_284 : f32 to vector<64x16xf32>
      %select_n3A_286 = arith.select %and3A_283, %broadcast_in_dim3A_285, %select_n3A_246 : vector<64x16xi1>, vector<64x16xf32>
      %reduce_min3A_287 = arith.constant dense<0x7F800000> : vector<64xf32>
      %reduce_min3A_288 = vector.multi_reduction <minimumf>, %select_n3A_278, %reduce_min3A_287 [1] : vector<64x4096xf32> to vector<64xf32>
      %broadcast_in_dim3A_289 = vector.shape_cast %reduce_min3A_288 : vector<64xf32> to vector<64x1xf32>
      %reduce_min3A_290 = arith.constant dense<0x7F800000> : vector<64xf32>
      %reduce_min3A_291 = vector.multi_reduction <minimumf>, %select_n3A_286, %reduce_min3A_290 [1] : vector<64x16xf32> to vector<64xf32>
      %broadcast_in_dim3A_292 = vector.shape_cast %reduce_min3A_291 : vector<64xf32> to vector<64x1xf32>
      %min3A_293 = arith.minimumf %broadcast_in_dim3A_289, %broadcast_in_dim3A_292 : vector<64x1xf32>
      %eq3A_294 = vector.broadcast %min3A_293 : vector<64x1xf32> to vector<64x4096xf32>
      %eq3A_295 = arith.cmpf oeq, %select_n3A_278, %eq3A_294 : vector<64x4096xf32>
      %jit3A_296 = arith.constant 2147483647 : i32
      %broadcast_in_dim3A_297 = vector.broadcast %jit3A_296 : i32 to vector<64x4096xi32>
      %select_n3A_298 = arith.select %eq3A_295, %add3A_116, %broadcast_in_dim3A_297 : vector<64x4096xi1>, vector<64x4096xi32>
      %reduce_min3A_299 = arith.constant dense<2147483647> : vector<64xi32>
      %reduce_min3A_300 = vector.multi_reduction <minsi>, %select_n3A_298, %reduce_min3A_299 [1] : vector<64x4096xi32> to vector<64xi32>
      %broadcast_in_dim3A_301 = vector.shape_cast %reduce_min3A_300 : vector<64xi32> to vector<64x1xi32>
      %eq3A_302 = vector.broadcast %min3A_293 : vector<64x1xf32> to vector<64x16xf32>
      %eq3A_303 = arith.cmpf oeq, %select_n3A_286, %eq3A_302 : vector<64x16xf32>
      %jit3A_304 = arith.constant 2147483647 : i32
      %broadcast_in_dim3A_305 = vector.broadcast %jit3A_304 : i32 to vector<64x16xi32>
      %select_n3A_306 = arith.select %eq3A_303, %get3A_129, %broadcast_in_dim3A_305 : vector<64x16xi1>, vector<64x16xi32>
      %reduce_min3A_307 = arith.constant dense<2147483647> : vector<64xi32>
      %reduce_min3A_308 = vector.multi_reduction <minsi>, %select_n3A_306, %reduce_min3A_307 [1] : vector<64x16xi32> to vector<64xi32>
      %broadcast_in_dim3A_309 = vector.shape_cast %reduce_min3A_308 : vector<64xi32> to vector<64x1xi32>
      %min3A_310 = arith.minsi %broadcast_in_dim3A_301, %broadcast_in_dim3A_309 : vector<64x1xi32>
      %eq3A_311 = vector.broadcast %min3A_293 : vector<64x1xf32> to vector<64x4096xf32>
      %eq3A_312 = arith.cmpf oeq, %select_n3A_278, %eq3A_311 : vector<64x4096xf32>
      %eq3A_313 = vector.broadcast %min3A_310 : vector<64x1xi32> to vector<64x4096xi32>
      %eq3A_314 = arith.cmpi eq, %add3A_116, %eq3A_313 : vector<64x4096xi32>
      %and3A_315 = arith.andi %eq3A_312, %eq3A_314 : vector<64x4096xi1>
      %jit3A_316 = arith.constant 0x7F800000 : f32
      %broadcast_in_dim3A_317 = vector.broadcast %jit3A_316 : f32 to vector<64x4096xf32>
      %select_n3A_318 = arith.select %and3A_315, %broadcast_in_dim3A_317, %select_n3A_278 : vector<64x4096xi1>, vector<64x4096xf32>
      %eq3A_319 = vector.broadcast %min3A_293 : vector<64x1xf32> to vector<64x16xf32>
      %eq3A_320 = arith.cmpf oeq, %select_n3A_286, %eq3A_319 : vector<64x16xf32>
      %eq3A_321 = vector.broadcast %min3A_310 : vector<64x1xi32> to vector<64x16xi32>
      %eq3A_322 = arith.cmpi eq, %get3A_129, %eq3A_321 : vector<64x16xi32>
      %and3A_323 = arith.andi %eq3A_320, %eq3A_322 : vector<64x16xi1>
      %jit3A_324 = arith.constant 0x7F800000 : f32
      %broadcast_in_dim3A_325 = vector.broadcast %jit3A_324 : f32 to vector<64x16xf32>
      %select_n3A_326 = arith.select %and3A_323, %broadcast_in_dim3A_325, %select_n3A_286 : vector<64x16xi1>, vector<64x16xf32>
      %reduce_min3A_327 = arith.constant dense<0x7F800000> : vector<64xf32>
      %reduce_min3A_328 = vector.multi_reduction <minimumf>, %select_n3A_318, %reduce_min3A_327 [1] : vector<64x4096xf32> to vector<64xf32>
      %broadcast_in_dim3A_329 = vector.shape_cast %reduce_min3A_328 : vector<64xf32> to vector<64x1xf32>
      %reduce_min3A_330 = arith.constant dense<0x7F800000> : vector<64xf32>
      %reduce_min3A_331 = vector.multi_reduction <minimumf>, %select_n3A_326, %reduce_min3A_330 [1] : vector<64x16xf32> to vector<64xf32>
      %broadcast_in_dim3A_332 = vector.shape_cast %reduce_min3A_331 : vector<64xf32> to vector<64x1xf32>
      %min3A_333 = arith.minimumf %broadcast_in_dim3A_329, %broadcast_in_dim3A_332 : vector<64x1xf32>
      %eq3A_334 = vector.broadcast %min3A_333 : vector<64x1xf32> to vector<64x4096xf32>
      %eq3A_335 = arith.cmpf oeq, %select_n3A_318, %eq3A_334 : vector<64x4096xf32>
      %jit3A_336 = arith.constant 2147483647 : i32
      %broadcast_in_dim3A_337 = vector.broadcast %jit3A_336 : i32 to vector<64x4096xi32>
      %select_n3A_338 = arith.select %eq3A_335, %add3A_116, %broadcast_in_dim3A_337 : vector<64x4096xi1>, vector<64x4096xi32>
      %reduce_min3A_339 = arith.constant dense<2147483647> : vector<64xi32>
      %reduce_min3A_340 = vector.multi_reduction <minsi>, %select_n3A_338, %reduce_min3A_339 [1] : vector<64x4096xi32> to vector<64xi32>
      %broadcast_in_dim3A_341 = vector.shape_cast %reduce_min3A_340 : vector<64xi32> to vector<64x1xi32>
      %eq3A_342 = vector.broadcast %min3A_333 : vector<64x1xf32> to vector<64x16xf32>
      %eq3A_343 = arith.cmpf oeq, %select_n3A_326, %eq3A_342 : vector<64x16xf32>
      %jit3A_344 = arith.constant 2147483647 : i32
      %broadcast_in_dim3A_345 = vector.broadcast %jit3A_344 : i32 to vector<64x16xi32>
      %select_n3A_346 = arith.select %eq3A_343, %get3A_129, %broadcast_in_dim3A_345 : vector<64x16xi1>, vector<64x16xi32>
      %reduce_min3A_347 = arith.constant dense<2147483647> : vector<64xi32>
      %reduce_min3A_348 = vector.multi_reduction <minsi>, %select_n3A_346, %reduce_min3A_347 [1] : vector<64x16xi32> to vector<64xi32>
      %broadcast_in_dim3A_349 = vector.shape_cast %reduce_min3A_348 : vector<64xi32> to vector<64x1xi32>
      %min3A_350 = arith.minsi %broadcast_in_dim3A_341, %broadcast_in_dim3A_349 : vector<64x1xi32>
      %eq3A_351 = vector.broadcast %min3A_333 : vector<64x1xf32> to vector<64x4096xf32>
      %eq3A_352 = arith.cmpf oeq, %select_n3A_318, %eq3A_351 : vector<64x4096xf32>
      %eq3A_353 = vector.broadcast %min3A_350 : vector<64x1xi32> to vector<64x4096xi32>
      %eq3A_354 = arith.cmpi eq, %add3A_116, %eq3A_353 : vector<64x4096xi32>
      %and3A_355 = arith.andi %eq3A_352, %eq3A_354 : vector<64x4096xi1>
      %jit3A_356 = arith.constant 0x7F800000 : f32
      %broadcast_in_dim3A_357 = vector.broadcast %jit3A_356 : f32 to vector<64x4096xf32>
      %select_n3A_358 = arith.select %and3A_355, %broadcast_in_dim3A_357, %select_n3A_318 : vector<64x4096xi1>, vector<64x4096xf32>
      %eq3A_359 = vector.broadcast %min3A_333 : vector<64x1xf32> to vector<64x16xf32>
      %eq3A_360 = arith.cmpf oeq, %select_n3A_326, %eq3A_359 : vector<64x16xf32>
      %eq3A_361 = vector.broadcast %min3A_350 : vector<64x1xi32> to vector<64x16xi32>
      %eq3A_362 = arith.cmpi eq, %get3A_129, %eq3A_361 : vector<64x16xi32>
      %and3A_363 = arith.andi %eq3A_360, %eq3A_362 : vector<64x16xi1>
      %jit3A_364 = arith.constant 0x7F800000 : f32
      %broadcast_in_dim3A_365 = vector.broadcast %jit3A_364 : f32 to vector<64x16xf32>
      %select_n3A_366 = arith.select %and3A_363, %broadcast_in_dim3A_365, %select_n3A_326 : vector<64x16xi1>, vector<64x16xf32>
      %reduce_min3A_367 = arith.constant dense<0x7F800000> : vector<64xf32>
      %reduce_min3A_368 = vector.multi_reduction <minimumf>, %select_n3A_358, %reduce_min3A_367 [1] : vector<64x4096xf32> to vector<64xf32>
      %broadcast_in_dim3A_369 = vector.shape_cast %reduce_min3A_368 : vector<64xf32> to vector<64x1xf32>
      %reduce_min3A_370 = arith.constant dense<0x7F800000> : vector<64xf32>
      %reduce_min3A_371 = vector.multi_reduction <minimumf>, %select_n3A_366, %reduce_min3A_370 [1] : vector<64x16xf32> to vector<64xf32>
      %broadcast_in_dim3A_372 = vector.shape_cast %reduce_min3A_371 : vector<64xf32> to vector<64x1xf32>
      %min3A_373 = arith.minimumf %broadcast_in_dim3A_369, %broadcast_in_dim3A_372 : vector<64x1xf32>
      %eq3A_374 = vector.broadcast %min3A_373 : vector<64x1xf32> to vector<64x4096xf32>
      %eq3A_375 = arith.cmpf oeq, %select_n3A_358, %eq3A_374 : vector<64x4096xf32>
      %jit3A_376 = arith.constant 2147483647 : i32
      %broadcast_in_dim3A_377 = vector.broadcast %jit3A_376 : i32 to vector<64x4096xi32>
      %select_n3A_378 = arith.select %eq3A_375, %add3A_116, %broadcast_in_dim3A_377 : vector<64x4096xi1>, vector<64x4096xi32>
      %reduce_min3A_379 = arith.constant dense<2147483647> : vector<64xi32>
      %reduce_min3A_380 = vector.multi_reduction <minsi>, %select_n3A_378, %reduce_min3A_379 [1] : vector<64x4096xi32> to vector<64xi32>
      %broadcast_in_dim3A_381 = vector.shape_cast %reduce_min3A_380 : vector<64xi32> to vector<64x1xi32>
      %eq3A_382 = vector.broadcast %min3A_373 : vector<64x1xf32> to vector<64x16xf32>
      %eq3A_383 = arith.cmpf oeq, %select_n3A_366, %eq3A_382 : vector<64x16xf32>
      %jit3A_384 = arith.constant 2147483647 : i32
      %broadcast_in_dim3A_385 = vector.broadcast %jit3A_384 : i32 to vector<64x16xi32>
      %select_n3A_386 = arith.select %eq3A_383, %get3A_129, %broadcast_in_dim3A_385 : vector<64x16xi1>, vector<64x16xi32>
      %reduce_min3A_387 = arith.constant dense<2147483647> : vector<64xi32>
      %reduce_min3A_388 = vector.multi_reduction <minsi>, %select_n3A_386, %reduce_min3A_387 [1] : vector<64x16xi32> to vector<64xi32>
      %broadcast_in_dim3A_389 = vector.shape_cast %reduce_min3A_388 : vector<64xi32> to vector<64x1xi32>
      %min3A_390 = arith.minsi %broadcast_in_dim3A_381, %broadcast_in_dim3A_389 : vector<64x1xi32>
      %eq3A_391 = vector.broadcast %min3A_373 : vector<64x1xf32> to vector<64x4096xf32>
      %eq3A_392 = arith.cmpf oeq, %select_n3A_358, %eq3A_391 : vector<64x4096xf32>
      %eq3A_393 = vector.broadcast %min3A_390 : vector<64x1xi32> to vector<64x4096xi32>
      %eq3A_394 = arith.cmpi eq, %add3A_116, %eq3A_393 : vector<64x4096xi32>
      %and3A_395 = arith.andi %eq3A_392, %eq3A_394 : vector<64x4096xi1>
      %jit3A_396 = arith.constant 0x7F800000 : f32
      %broadcast_in_dim3A_397 = vector.broadcast %jit3A_396 : f32 to vector<64x4096xf32>
      %select_n3A_398 = arith.select %and3A_395, %broadcast_in_dim3A_397, %select_n3A_358 : vector<64x4096xi1>, vector<64x4096xf32>
      %eq3A_399 = vector.broadcast %min3A_373 : vector<64x1xf32> to vector<64x16xf32>
      %eq3A_400 = arith.cmpf oeq, %select_n3A_366, %eq3A_399 : vector<64x16xf32>
      %eq3A_401 = vector.broadcast %min3A_390 : vector<64x1xi32> to vector<64x16xi32>
      %eq3A_402 = arith.cmpi eq, %get3A_129, %eq3A_401 : vector<64x16xi32>
      %and3A_403 = arith.andi %eq3A_400, %eq3A_402 : vector<64x16xi1>
      %jit3A_404 = arith.constant 0x7F800000 : f32
      %broadcast_in_dim3A_405 = vector.broadcast %jit3A_404 : f32 to vector<64x16xf32>
      %select_n3A_406 = arith.select %and3A_403, %broadcast_in_dim3A_405, %select_n3A_366 : vector<64x16xi1>, vector<64x16xf32>
      %reduce_min3A_407 = arith.constant dense<0x7F800000> : vector<64xf32>
      %reduce_min3A_408 = vector.multi_reduction <minimumf>, %select_n3A_398, %reduce_min3A_407 [1] : vector<64x4096xf32> to vector<64xf32>
      %broadcast_in_dim3A_409 = vector.shape_cast %reduce_min3A_408 : vector<64xf32> to vector<64x1xf32>
      %reduce_min3A_410 = arith.constant dense<0x7F800000> : vector<64xf32>
      %reduce_min3A_411 = vector.multi_reduction <minimumf>, %select_n3A_406, %reduce_min3A_410 [1] : vector<64x16xf32> to vector<64xf32>
      %broadcast_in_dim3A_412 = vector.shape_cast %reduce_min3A_411 : vector<64xf32> to vector<64x1xf32>
      %min3A_413 = arith.minimumf %broadcast_in_dim3A_409, %broadcast_in_dim3A_412 : vector<64x1xf32>
      %eq3A_414 = vector.broadcast %min3A_413 : vector<64x1xf32> to vector<64x4096xf32>
      %eq3A_415 = arith.cmpf oeq, %select_n3A_398, %eq3A_414 : vector<64x4096xf32>
      %jit3A_416 = arith.constant 2147483647 : i32
      %broadcast_in_dim3A_417 = vector.broadcast %jit3A_416 : i32 to vector<64x4096xi32>
      %select_n3A_418 = arith.select %eq3A_415, %add3A_116, %broadcast_in_dim3A_417 : vector<64x4096xi1>, vector<64x4096xi32>
      %reduce_min3A_419 = arith.constant dense<2147483647> : vector<64xi32>
      %reduce_min3A_420 = vector.multi_reduction <minsi>, %select_n3A_418, %reduce_min3A_419 [1] : vector<64x4096xi32> to vector<64xi32>
      %broadcast_in_dim3A_421 = vector.shape_cast %reduce_min3A_420 : vector<64xi32> to vector<64x1xi32>
      %eq3A_422 = vector.broadcast %min3A_413 : vector<64x1xf32> to vector<64x16xf32>
      %eq3A_423 = arith.cmpf oeq, %select_n3A_406, %eq3A_422 : vector<64x16xf32>
      %jit3A_424 = arith.constant 2147483647 : i32
      %broadcast_in_dim3A_425 = vector.broadcast %jit3A_424 : i32 to vector<64x16xi32>
      %select_n3A_426 = arith.select %eq3A_423, %get3A_129, %broadcast_in_dim3A_425 : vector<64x16xi1>, vector<64x16xi32>
      %reduce_min3A_427 = arith.constant dense<2147483647> : vector<64xi32>
      %reduce_min3A_428 = vector.multi_reduction <minsi>, %select_n3A_426, %reduce_min3A_427 [1] : vector<64x16xi32> to vector<64xi32>
      %broadcast_in_dim3A_429 = vector.shape_cast %reduce_min3A_428 : vector<64xi32> to vector<64x1xi32>
      %min3A_430 = arith.minsi %broadcast_in_dim3A_421, %broadcast_in_dim3A_429 : vector<64x1xi32>
      %eq3A_431 = vector.broadcast %min3A_413 : vector<64x1xf32> to vector<64x4096xf32>
      %eq3A_432 = arith.cmpf oeq, %select_n3A_398, %eq3A_431 : vector<64x4096xf32>
      %eq3A_433 = vector.broadcast %min3A_430 : vector<64x1xi32> to vector<64x4096xi32>
      %eq3A_434 = arith.cmpi eq, %add3A_116, %eq3A_433 : vector<64x4096xi32>
      %and3A_435 = arith.andi %eq3A_432, %eq3A_434 : vector<64x4096xi1>
      %jit3A_436 = arith.constant 0x7F800000 : f32
      %broadcast_in_dim3A_437 = vector.broadcast %jit3A_436 : f32 to vector<64x4096xf32>
      %select_n3A_438 = arith.select %and3A_435, %broadcast_in_dim3A_437, %select_n3A_398 : vector<64x4096xi1>, vector<64x4096xf32>
      %eq3A_439 = vector.broadcast %min3A_413 : vector<64x1xf32> to vector<64x16xf32>
      %eq3A_440 = arith.cmpf oeq, %select_n3A_406, %eq3A_439 : vector<64x16xf32>
      %eq3A_441 = vector.broadcast %min3A_430 : vector<64x1xi32> to vector<64x16xi32>
      %eq3A_442 = arith.cmpi eq, %get3A_129, %eq3A_441 : vector<64x16xi32>
      %and3A_443 = arith.andi %eq3A_440, %eq3A_442 : vector<64x16xi1>
      %jit3A_444 = arith.constant 0x7F800000 : f32
      %broadcast_in_dim3A_445 = vector.broadcast %jit3A_444 : f32 to vector<64x16xf32>
      %select_n3A_446 = arith.select %and3A_443, %broadcast_in_dim3A_445, %select_n3A_406 : vector<64x16xi1>, vector<64x16xf32>
      %reduce_min3A_447 = arith.constant dense<0x7F800000> : vector<64xf32>
      %reduce_min3A_448 = vector.multi_reduction <minimumf>, %select_n3A_438, %reduce_min3A_447 [1] : vector<64x4096xf32> to vector<64xf32>
      %broadcast_in_dim3A_449 = vector.shape_cast %reduce_min3A_448 : vector<64xf32> to vector<64x1xf32>
      %reduce_min3A_450 = arith.constant dense<0x7F800000> : vector<64xf32>
      %reduce_min3A_451 = vector.multi_reduction <minimumf>, %select_n3A_446, %reduce_min3A_450 [1] : vector<64x16xf32> to vector<64xf32>
      %broadcast_in_dim3A_452 = vector.shape_cast %reduce_min3A_451 : vector<64xf32> to vector<64x1xf32>
      %min3A_453 = arith.minimumf %broadcast_in_dim3A_449, %broadcast_in_dim3A_452 : vector<64x1xf32>
      %eq3A_454 = vector.broadcast %min3A_453 : vector<64x1xf32> to vector<64x4096xf32>
      %eq3A_455 = arith.cmpf oeq, %select_n3A_438, %eq3A_454 : vector<64x4096xf32>
      %jit3A_456 = arith.constant 2147483647 : i32
      %broadcast_in_dim3A_457 = vector.broadcast %jit3A_456 : i32 to vector<64x4096xi32>
      %select_n3A_458 = arith.select %eq3A_455, %add3A_116, %broadcast_in_dim3A_457 : vector<64x4096xi1>, vector<64x4096xi32>
      %reduce_min3A_459 = arith.constant dense<2147483647> : vector<64xi32>
      %reduce_min3A_460 = vector.multi_reduction <minsi>, %select_n3A_458, %reduce_min3A_459 [1] : vector<64x4096xi32> to vector<64xi32>
      %broadcast_in_dim3A_461 = vector.shape_cast %reduce_min3A_460 : vector<64xi32> to vector<64x1xi32>
      %eq3A_462 = vector.broadcast %min3A_453 : vector<64x1xf32> to vector<64x16xf32>
      %eq3A_463 = arith.cmpf oeq, %select_n3A_446, %eq3A_462 : vector<64x16xf32>
      %jit3A_464 = arith.constant 2147483647 : i32
      %broadcast_in_dim3A_465 = vector.broadcast %jit3A_464 : i32 to vector<64x16xi32>
      %select_n3A_466 = arith.select %eq3A_463, %get3A_129, %broadcast_in_dim3A_465 : vector<64x16xi1>, vector<64x16xi32>
      %reduce_min3A_467 = arith.constant dense<2147483647> : vector<64xi32>
      %reduce_min3A_468 = vector.multi_reduction <minsi>, %select_n3A_466, %reduce_min3A_467 [1] : vector<64x16xi32> to vector<64xi32>
      %broadcast_in_dim3A_469 = vector.shape_cast %reduce_min3A_468 : vector<64xi32> to vector<64x1xi32>
      %min3A_470 = arith.minsi %broadcast_in_dim3A_461, %broadcast_in_dim3A_469 : vector<64x1xi32>
      %eq3A_471 = vector.broadcast %min3A_453 : vector<64x1xf32> to vector<64x4096xf32>
      %eq3A_472 = arith.cmpf oeq, %select_n3A_438, %eq3A_471 : vector<64x4096xf32>
      %eq3A_473 = vector.broadcast %min3A_470 : vector<64x1xi32> to vector<64x4096xi32>
      %eq3A_474 = arith.cmpi eq, %add3A_116, %eq3A_473 : vector<64x4096xi32>
      %and3A_475 = arith.andi %eq3A_472, %eq3A_474 : vector<64x4096xi1>
      %jit3A_476 = arith.constant 0x7F800000 : f32
      %broadcast_in_dim3A_477 = vector.broadcast %jit3A_476 : f32 to vector<64x4096xf32>
      %select_n3A_478 = arith.select %and3A_475, %broadcast_in_dim3A_477, %select_n3A_438 : vector<64x4096xi1>, vector<64x4096xf32>
      %eq3A_479 = vector.broadcast %min3A_453 : vector<64x1xf32> to vector<64x16xf32>
      %eq3A_480 = arith.cmpf oeq, %select_n3A_446, %eq3A_479 : vector<64x16xf32>
      %eq3A_481 = vector.broadcast %min3A_470 : vector<64x1xi32> to vector<64x16xi32>
      %eq3A_482 = arith.cmpi eq, %get3A_129, %eq3A_481 : vector<64x16xi32>
      %and3A_483 = arith.andi %eq3A_480, %eq3A_482 : vector<64x16xi1>
      %jit3A_484 = arith.constant 0x7F800000 : f32
      %broadcast_in_dim3A_485 = vector.broadcast %jit3A_484 : f32 to vector<64x16xf32>
      %select_n3A_486 = arith.select %and3A_483, %broadcast_in_dim3A_485, %select_n3A_446 : vector<64x16xi1>, vector<64x16xf32>
      %reduce_min3A_487 = arith.constant dense<0x7F800000> : vector<64xf32>
      %reduce_min3A_488 = vector.multi_reduction <minimumf>, %select_n3A_478, %reduce_min3A_487 [1] : vector<64x4096xf32> to vector<64xf32>
      %broadcast_in_dim3A_489 = vector.shape_cast %reduce_min3A_488 : vector<64xf32> to vector<64x1xf32>
      %reduce_min3A_490 = arith.constant dense<0x7F800000> : vector<64xf32>
      %reduce_min3A_491 = vector.multi_reduction <minimumf>, %select_n3A_486, %reduce_min3A_490 [1] : vector<64x16xf32> to vector<64xf32>
      %broadcast_in_dim3A_492 = vector.shape_cast %reduce_min3A_491 : vector<64xf32> to vector<64x1xf32>
      %min3A_493 = arith.minimumf %broadcast_in_dim3A_489, %broadcast_in_dim3A_492 : vector<64x1xf32>
      %eq3A_494 = vector.broadcast %min3A_493 : vector<64x1xf32> to vector<64x4096xf32>
      %eq3A_495 = arith.cmpf oeq, %select_n3A_478, %eq3A_494 : vector<64x4096xf32>
      %jit3A_496 = arith.constant 2147483647 : i32
      %broadcast_in_dim3A_497 = vector.broadcast %jit3A_496 : i32 to vector<64x4096xi32>
      %select_n3A_498 = arith.select %eq3A_495, %add3A_116, %broadcast_in_dim3A_497 : vector<64x4096xi1>, vector<64x4096xi32>
      %reduce_min3A_499 = arith.constant dense<2147483647> : vector<64xi32>
      %reduce_min3A_500 = vector.multi_reduction <minsi>, %select_n3A_498, %reduce_min3A_499 [1] : vector<64x4096xi32> to vector<64xi32>
      %broadcast_in_dim3A_501 = vector.shape_cast %reduce_min3A_500 : vector<64xi32> to vector<64x1xi32>
      %eq3A_502 = vector.broadcast %min3A_493 : vector<64x1xf32> to vector<64x16xf32>
      %eq3A_503 = arith.cmpf oeq, %select_n3A_486, %eq3A_502 : vector<64x16xf32>
      %jit3A_504 = arith.constant 2147483647 : i32
      %broadcast_in_dim3A_505 = vector.broadcast %jit3A_504 : i32 to vector<64x16xi32>
      %select_n3A_506 = arith.select %eq3A_503, %get3A_129, %broadcast_in_dim3A_505 : vector<64x16xi1>, vector<64x16xi32>
      %reduce_min3A_507 = arith.constant dense<2147483647> : vector<64xi32>
      %reduce_min3A_508 = vector.multi_reduction <minsi>, %select_n3A_506, %reduce_min3A_507 [1] : vector<64x16xi32> to vector<64xi32>
      %broadcast_in_dim3A_509 = vector.shape_cast %reduce_min3A_508 : vector<64xi32> to vector<64x1xi32>
      %min3A_510 = arith.minsi %broadcast_in_dim3A_501, %broadcast_in_dim3A_509 : vector<64x1xi32>
      %eq3A_511 = vector.broadcast %min3A_493 : vector<64x1xf32> to vector<64x4096xf32>
      %eq3A_512 = arith.cmpf oeq, %select_n3A_478, %eq3A_511 : vector<64x4096xf32>
      %eq3A_513 = vector.broadcast %min3A_510 : vector<64x1xi32> to vector<64x4096xi32>
      %eq3A_514 = arith.cmpi eq, %add3A_116, %eq3A_513 : vector<64x4096xi32>
      %and3A_515 = arith.andi %eq3A_512, %eq3A_514 : vector<64x4096xi1>
      %jit3A_516 = arith.constant 0x7F800000 : f32
      %broadcast_in_dim3A_517 = vector.broadcast %jit3A_516 : f32 to vector<64x4096xf32>
      %select_n3A_518 = arith.select %and3A_515, %broadcast_in_dim3A_517, %select_n3A_478 : vector<64x4096xi1>, vector<64x4096xf32>
      %eq3A_519 = vector.broadcast %min3A_493 : vector<64x1xf32> to vector<64x16xf32>
      %eq3A_520 = arith.cmpf oeq, %select_n3A_486, %eq3A_519 : vector<64x16xf32>
      %eq3A_521 = vector.broadcast %min3A_510 : vector<64x1xi32> to vector<64x16xi32>
      %eq3A_522 = arith.cmpi eq, %get3A_129, %eq3A_521 : vector<64x16xi32>
      %and3A_523 = arith.andi %eq3A_520, %eq3A_522 : vector<64x16xi1>
      %jit3A_524 = arith.constant 0x7F800000 : f32
      %broadcast_in_dim3A_525 = vector.broadcast %jit3A_524 : f32 to vector<64x16xf32>
      %select_n3A_526 = arith.select %and3A_523, %broadcast_in_dim3A_525, %select_n3A_486 : vector<64x16xi1>, vector<64x16xf32>
      %reduce_min3A_527 = arith.constant dense<0x7F800000> : vector<64xf32>
      %reduce_min3A_528 = vector.multi_reduction <minimumf>, %select_n3A_518, %reduce_min3A_527 [1] : vector<64x4096xf32> to vector<64xf32>
      %broadcast_in_dim3A_529 = vector.shape_cast %reduce_min3A_528 : vector<64xf32> to vector<64x1xf32>
      %reduce_min3A_530 = arith.constant dense<0x7F800000> : vector<64xf32>
      %reduce_min3A_531 = vector.multi_reduction <minimumf>, %select_n3A_526, %reduce_min3A_530 [1] : vector<64x16xf32> to vector<64xf32>
      %broadcast_in_dim3A_532 = vector.shape_cast %reduce_min3A_531 : vector<64xf32> to vector<64x1xf32>
      %min3A_533 = arith.minimumf %broadcast_in_dim3A_529, %broadcast_in_dim3A_532 : vector<64x1xf32>
      %eq3A_534 = vector.broadcast %min3A_533 : vector<64x1xf32> to vector<64x4096xf32>
      %eq3A_535 = arith.cmpf oeq, %select_n3A_518, %eq3A_534 : vector<64x4096xf32>
      %jit3A_536 = arith.constant 2147483647 : i32
      %broadcast_in_dim3A_537 = vector.broadcast %jit3A_536 : i32 to vector<64x4096xi32>
      %select_n3A_538 = arith.select %eq3A_535, %add3A_116, %broadcast_in_dim3A_537 : vector<64x4096xi1>, vector<64x4096xi32>
      %reduce_min3A_539 = arith.constant dense<2147483647> : vector<64xi32>
      %reduce_min3A_540 = vector.multi_reduction <minsi>, %select_n3A_538, %reduce_min3A_539 [1] : vector<64x4096xi32> to vector<64xi32>
      %broadcast_in_dim3A_541 = vector.shape_cast %reduce_min3A_540 : vector<64xi32> to vector<64x1xi32>
      %eq3A_542 = vector.broadcast %min3A_533 : vector<64x1xf32> to vector<64x16xf32>
      %eq3A_543 = arith.cmpf oeq, %select_n3A_526, %eq3A_542 : vector<64x16xf32>
      %jit3A_544 = arith.constant 2147483647 : i32
      %broadcast_in_dim3A_545 = vector.broadcast %jit3A_544 : i32 to vector<64x16xi32>
      %select_n3A_546 = arith.select %eq3A_543, %get3A_129, %broadcast_in_dim3A_545 : vector<64x16xi1>, vector<64x16xi32>
      %reduce_min3A_547 = arith.constant dense<2147483647> : vector<64xi32>
      %reduce_min3A_548 = vector.multi_reduction <minsi>, %select_n3A_546, %reduce_min3A_547 [1] : vector<64x16xi32> to vector<64xi32>
      %broadcast_in_dim3A_549 = vector.shape_cast %reduce_min3A_548 : vector<64xi32> to vector<64x1xi32>
      %min3A_550 = arith.minsi %broadcast_in_dim3A_541, %broadcast_in_dim3A_549 : vector<64x1xi32>
      %eq3A_551 = vector.broadcast %min3A_533 : vector<64x1xf32> to vector<64x4096xf32>
      %eq3A_552 = arith.cmpf oeq, %select_n3A_518, %eq3A_551 : vector<64x4096xf32>
      %eq3A_553 = vector.broadcast %min3A_550 : vector<64x1xi32> to vector<64x4096xi32>
      %eq3A_554 = arith.cmpi eq, %add3A_116, %eq3A_553 : vector<64x4096xi32>
      %and3A_555 = arith.andi %eq3A_552, %eq3A_554 : vector<64x4096xi1>
      %jit3A_556 = arith.constant 0x7F800000 : f32
      %broadcast_in_dim3A_557 = vector.broadcast %jit3A_556 : f32 to vector<64x4096xf32>
      %select_n3A_558 = arith.select %and3A_555, %broadcast_in_dim3A_557, %select_n3A_518 : vector<64x4096xi1>, vector<64x4096xf32>
      %eq3A_559 = vector.broadcast %min3A_533 : vector<64x1xf32> to vector<64x16xf32>
      %eq3A_560 = arith.cmpf oeq, %select_n3A_526, %eq3A_559 : vector<64x16xf32>
      %eq3A_561 = vector.broadcast %min3A_550 : vector<64x1xi32> to vector<64x16xi32>
      %eq3A_562 = arith.cmpi eq, %get3A_129, %eq3A_561 : vector<64x16xi32>
      %and3A_563 = arith.andi %eq3A_560, %eq3A_562 : vector<64x16xi1>
      %jit3A_564 = arith.constant 0x7F800000 : f32
      %broadcast_in_dim3A_565 = vector.broadcast %jit3A_564 : f32 to vector<64x16xf32>
      %select_n3A_566 = arith.select %and3A_563, %broadcast_in_dim3A_565, %select_n3A_526 : vector<64x16xi1>, vector<64x16xf32>
      %reduce_min3A_567 = arith.constant dense<0x7F800000> : vector<64xf32>
      %reduce_min3A_568 = vector.multi_reduction <minimumf>, %select_n3A_558, %reduce_min3A_567 [1] : vector<64x4096xf32> to vector<64xf32>
      %broadcast_in_dim3A_569 = vector.shape_cast %reduce_min3A_568 : vector<64xf32> to vector<64x1xf32>
      %reduce_min3A_570 = arith.constant dense<0x7F800000> : vector<64xf32>
      %reduce_min3A_571 = vector.multi_reduction <minimumf>, %select_n3A_566, %reduce_min3A_570 [1] : vector<64x16xf32> to vector<64xf32>
      %broadcast_in_dim3A_572 = vector.shape_cast %reduce_min3A_571 : vector<64xf32> to vector<64x1xf32>
      %min3A_573 = arith.minimumf %broadcast_in_dim3A_569, %broadcast_in_dim3A_572 : vector<64x1xf32>
      %eq3A_574 = vector.broadcast %min3A_573 : vector<64x1xf32> to vector<64x4096xf32>
      %eq3A_575 = arith.cmpf oeq, %select_n3A_558, %eq3A_574 : vector<64x4096xf32>
      %jit3A_576 = arith.constant 2147483647 : i32
      %broadcast_in_dim3A_577 = vector.broadcast %jit3A_576 : i32 to vector<64x4096xi32>
      %select_n3A_578 = arith.select %eq3A_575, %add3A_116, %broadcast_in_dim3A_577 : vector<64x4096xi1>, vector<64x4096xi32>
      %reduce_min3A_579 = arith.constant dense<2147483647> : vector<64xi32>
      %reduce_min3A_580 = vector.multi_reduction <minsi>, %select_n3A_578, %reduce_min3A_579 [1] : vector<64x4096xi32> to vector<64xi32>
      %broadcast_in_dim3A_581 = vector.shape_cast %reduce_min3A_580 : vector<64xi32> to vector<64x1xi32>
      %eq3A_582 = vector.broadcast %min3A_573 : vector<64x1xf32> to vector<64x16xf32>
      %eq3A_583 = arith.cmpf oeq, %select_n3A_566, %eq3A_582 : vector<64x16xf32>
      %jit3A_584 = arith.constant 2147483647 : i32
      %broadcast_in_dim3A_585 = vector.broadcast %jit3A_584 : i32 to vector<64x16xi32>
      %select_n3A_586 = arith.select %eq3A_583, %get3A_129, %broadcast_in_dim3A_585 : vector<64x16xi1>, vector<64x16xi32>
      %reduce_min3A_587 = arith.constant dense<2147483647> : vector<64xi32>
      %reduce_min3A_588 = vector.multi_reduction <minsi>, %select_n3A_586, %reduce_min3A_587 [1] : vector<64x16xi32> to vector<64xi32>
      %broadcast_in_dim3A_589 = vector.shape_cast %reduce_min3A_588 : vector<64xi32> to vector<64x1xi32>
      %min3A_590 = arith.minsi %broadcast_in_dim3A_581, %broadcast_in_dim3A_589 : vector<64x1xi32>
      %eq3A_591 = vector.broadcast %min3A_573 : vector<64x1xf32> to vector<64x4096xf32>
      %eq3A_592 = arith.cmpf oeq, %select_n3A_558, %eq3A_591 : vector<64x4096xf32>
      %eq3A_593 = vector.broadcast %min3A_590 : vector<64x1xi32> to vector<64x4096xi32>
      %eq3A_594 = arith.cmpi eq, %add3A_116, %eq3A_593 : vector<64x4096xi32>
      %and3A_595 = arith.andi %eq3A_592, %eq3A_594 : vector<64x4096xi1>
      %jit3A_596 = arith.constant 0x7F800000 : f32
      %broadcast_in_dim3A_597 = vector.broadcast %jit3A_596 : f32 to vector<64x4096xf32>
      %select_n3A_598 = arith.select %and3A_595, %broadcast_in_dim3A_597, %select_n3A_558 : vector<64x4096xi1>, vector<64x4096xf32>
      %eq3A_599 = vector.broadcast %min3A_573 : vector<64x1xf32> to vector<64x16xf32>
      %eq3A_600 = arith.cmpf oeq, %select_n3A_566, %eq3A_599 : vector<64x16xf32>
      %eq3A_601 = vector.broadcast %min3A_590 : vector<64x1xi32> to vector<64x16xi32>
      %eq3A_602 = arith.cmpi eq, %get3A_129, %eq3A_601 : vector<64x16xi32>
      %and3A_603 = arith.andi %eq3A_600, %eq3A_602 : vector<64x16xi1>
      %jit3A_604 = arith.constant 0x7F800000 : f32
      %broadcast_in_dim3A_605 = vector.broadcast %jit3A_604 : f32 to vector<64x16xf32>
      %select_n3A_606 = arith.select %and3A_603, %broadcast_in_dim3A_605, %select_n3A_566 : vector<64x16xi1>, vector<64x16xf32>
      %reduce_min3A_607 = arith.constant dense<0x7F800000> : vector<64xf32>
      %reduce_min3A_608 = vector.multi_reduction <minimumf>, %select_n3A_598, %reduce_min3A_607 [1] : vector<64x4096xf32> to vector<64xf32>
      %broadcast_in_dim3A_609 = vector.shape_cast %reduce_min3A_608 : vector<64xf32> to vector<64x1xf32>
      %reduce_min3A_610 = arith.constant dense<0x7F800000> : vector<64xf32>
      %reduce_min3A_611 = vector.multi_reduction <minimumf>, %select_n3A_606, %reduce_min3A_610 [1] : vector<64x16xf32> to vector<64xf32>
      %broadcast_in_dim3A_612 = vector.shape_cast %reduce_min3A_611 : vector<64xf32> to vector<64x1xf32>
      %min3A_613 = arith.minimumf %broadcast_in_dim3A_609, %broadcast_in_dim3A_612 : vector<64x1xf32>
      %eq3A_614 = vector.broadcast %min3A_613 : vector<64x1xf32> to vector<64x4096xf32>
      %eq3A_615 = arith.cmpf oeq, %select_n3A_598, %eq3A_614 : vector<64x4096xf32>
      %jit3A_616 = arith.constant 2147483647 : i32
      %broadcast_in_dim3A_617 = vector.broadcast %jit3A_616 : i32 to vector<64x4096xi32>
      %select_n3A_618 = arith.select %eq3A_615, %add3A_116, %broadcast_in_dim3A_617 : vector<64x4096xi1>, vector<64x4096xi32>
      %reduce_min3A_619 = arith.constant dense<2147483647> : vector<64xi32>
      %reduce_min3A_620 = vector.multi_reduction <minsi>, %select_n3A_618, %reduce_min3A_619 [1] : vector<64x4096xi32> to vector<64xi32>
      %broadcast_in_dim3A_621 = vector.shape_cast %reduce_min3A_620 : vector<64xi32> to vector<64x1xi32>
      %eq3A_622 = vector.broadcast %min3A_613 : vector<64x1xf32> to vector<64x16xf32>
      %eq3A_623 = arith.cmpf oeq, %select_n3A_606, %eq3A_622 : vector<64x16xf32>
      %jit3A_624 = arith.constant 2147483647 : i32
      %broadcast_in_dim3A_625 = vector.broadcast %jit3A_624 : i32 to vector<64x16xi32>
      %select_n3A_626 = arith.select %eq3A_623, %get3A_129, %broadcast_in_dim3A_625 : vector<64x16xi1>, vector<64x16xi32>
      %reduce_min3A_627 = arith.constant dense<2147483647> : vector<64xi32>
      %reduce_min3A_628 = vector.multi_reduction <minsi>, %select_n3A_626, %reduce_min3A_627 [1] : vector<64x16xi32> to vector<64xi32>
      %broadcast_in_dim3A_629 = vector.shape_cast %reduce_min3A_628 : vector<64xi32> to vector<64x1xi32>
      %min3A_630 = arith.minsi %broadcast_in_dim3A_621, %broadcast_in_dim3A_629 : vector<64x1xi32>
      %eq3A_631 = vector.broadcast %min3A_613 : vector<64x1xf32> to vector<64x4096xf32>
      %eq3A_632 = arith.cmpf oeq, %select_n3A_598, %eq3A_631 : vector<64x4096xf32>
      %eq3A_633 = vector.broadcast %min3A_630 : vector<64x1xi32> to vector<64x4096xi32>
      %eq3A_634 = arith.cmpi eq, %add3A_116, %eq3A_633 : vector<64x4096xi32>
      %and3A_635 = arith.andi %eq3A_632, %eq3A_634 : vector<64x4096xi1>
      %jit3A_636 = arith.constant 0x7F800000 : f32
      %broadcast_in_dim3A_637 = vector.broadcast %jit3A_636 : f32 to vector<64x4096xf32>
      %select_n3A_638 = arith.select %and3A_635, %broadcast_in_dim3A_637, %select_n3A_598 : vector<64x4096xi1>, vector<64x4096xf32>
      %eq3A_639 = vector.broadcast %min3A_613 : vector<64x1xf32> to vector<64x16xf32>
      %eq3A_640 = arith.cmpf oeq, %select_n3A_606, %eq3A_639 : vector<64x16xf32>
      %eq3A_641 = vector.broadcast %min3A_630 : vector<64x1xi32> to vector<64x16xi32>
      %eq3A_642 = arith.cmpi eq, %get3A_129, %eq3A_641 : vector<64x16xi32>
      %and3A_643 = arith.andi %eq3A_640, %eq3A_642 : vector<64x16xi1>
      %jit3A_644 = arith.constant 0x7F800000 : f32
      %broadcast_in_dim3A_645 = vector.broadcast %jit3A_644 : f32 to vector<64x16xf32>
      %select_n3A_646 = arith.select %and3A_643, %broadcast_in_dim3A_645, %select_n3A_606 : vector<64x16xi1>, vector<64x16xf32>
      %reduce_min3A_647 = arith.constant dense<0x7F800000> : vector<64xf32>
      %reduce_min3A_648 = vector.multi_reduction <minimumf>, %select_n3A_638, %reduce_min3A_647 [1] : vector<64x4096xf32> to vector<64xf32>
      %broadcast_in_dim3A_649 = vector.shape_cast %reduce_min3A_648 : vector<64xf32> to vector<64x1xf32>
      %reduce_min3A_650 = arith.constant dense<0x7F800000> : vector<64xf32>
      %reduce_min3A_651 = vector.multi_reduction <minimumf>, %select_n3A_646, %reduce_min3A_650 [1] : vector<64x16xf32> to vector<64xf32>
      %broadcast_in_dim3A_652 = vector.shape_cast %reduce_min3A_651 : vector<64xf32> to vector<64x1xf32>
      %min3A_653 = arith.minimumf %broadcast_in_dim3A_649, %broadcast_in_dim3A_652 : vector<64x1xf32>
      %eq3A_654 = vector.broadcast %min3A_653 : vector<64x1xf32> to vector<64x4096xf32>
      %eq3A_655 = arith.cmpf oeq, %select_n3A_638, %eq3A_654 : vector<64x4096xf32>
      %jit3A_656 = arith.constant 2147483647 : i32
      %broadcast_in_dim3A_657 = vector.broadcast %jit3A_656 : i32 to vector<64x4096xi32>
      %select_n3A_658 = arith.select %eq3A_655, %add3A_116, %broadcast_in_dim3A_657 : vector<64x4096xi1>, vector<64x4096xi32>
      %reduce_min3A_659 = arith.constant dense<2147483647> : vector<64xi32>
      %reduce_min3A_660 = vector.multi_reduction <minsi>, %select_n3A_658, %reduce_min3A_659 [1] : vector<64x4096xi32> to vector<64xi32>
      %broadcast_in_dim3A_661 = vector.shape_cast %reduce_min3A_660 : vector<64xi32> to vector<64x1xi32>
      %eq3A_662 = vector.broadcast %min3A_653 : vector<64x1xf32> to vector<64x16xf32>
      %eq3A_663 = arith.cmpf oeq, %select_n3A_646, %eq3A_662 : vector<64x16xf32>
      %jit3A_664 = arith.constant 2147483647 : i32
      %broadcast_in_dim3A_665 = vector.broadcast %jit3A_664 : i32 to vector<64x16xi32>
      %select_n3A_666 = arith.select %eq3A_663, %get3A_129, %broadcast_in_dim3A_665 : vector<64x16xi1>, vector<64x16xi32>
      %reduce_min3A_667 = arith.constant dense<2147483647> : vector<64xi32>
      %reduce_min3A_668 = vector.multi_reduction <minsi>, %select_n3A_666, %reduce_min3A_667 [1] : vector<64x16xi32> to vector<64xi32>
      %broadcast_in_dim3A_669 = vector.shape_cast %reduce_min3A_668 : vector<64xi32> to vector<64x1xi32>
      %min3A_670 = arith.minsi %broadcast_in_dim3A_661, %broadcast_in_dim3A_669 : vector<64x1xi32>
      %eq3A_671 = vector.broadcast %min3A_653 : vector<64x1xf32> to vector<64x4096xf32>
      %eq3A_672 = arith.cmpf oeq, %select_n3A_638, %eq3A_671 : vector<64x4096xf32>
      %eq3A_673 = vector.broadcast %min3A_670 : vector<64x1xi32> to vector<64x4096xi32>
      %eq3A_674 = arith.cmpi eq, %add3A_116, %eq3A_673 : vector<64x4096xi32>
      %and3A_675 = arith.andi %eq3A_672, %eq3A_674 : vector<64x4096xi1>
      %jit3A_676 = arith.constant 0x7F800000 : f32
      %broadcast_in_dim3A_677 = vector.broadcast %jit3A_676 : f32 to vector<64x4096xf32>
      %select_n3A_678 = arith.select %and3A_675, %broadcast_in_dim3A_677, %select_n3A_638 : vector<64x4096xi1>, vector<64x4096xf32>
      %eq3A_679 = vector.broadcast %min3A_653 : vector<64x1xf32> to vector<64x16xf32>
      %eq3A_680 = arith.cmpf oeq, %select_n3A_646, %eq3A_679 : vector<64x16xf32>
      %eq3A_681 = vector.broadcast %min3A_670 : vector<64x1xi32> to vector<64x16xi32>
      %eq3A_682 = arith.cmpi eq, %get3A_129, %eq3A_681 : vector<64x16xi32>
      %and3A_683 = arith.andi %eq3A_680, %eq3A_682 : vector<64x16xi1>
      %jit3A_684 = arith.constant 0x7F800000 : f32
      %broadcast_in_dim3A_685 = vector.broadcast %jit3A_684 : f32 to vector<64x16xf32>
      %select_n3A_686 = arith.select %and3A_683, %broadcast_in_dim3A_685, %select_n3A_646 : vector<64x16xi1>, vector<64x16xf32>
      %reduce_min3A_687 = arith.constant dense<0x7F800000> : vector<64xf32>
      %reduce_min3A_688 = vector.multi_reduction <minimumf>, %select_n3A_678, %reduce_min3A_687 [1] : vector<64x4096xf32> to vector<64xf32>
      %broadcast_in_dim3A_689 = vector.shape_cast %reduce_min3A_688 : vector<64xf32> to vector<64x1xf32>
      %reduce_min3A_690 = arith.constant dense<0x7F800000> : vector<64xf32>
      %reduce_min3A_691 = vector.multi_reduction <minimumf>, %select_n3A_686, %reduce_min3A_690 [1] : vector<64x16xf32> to vector<64xf32>
      %broadcast_in_dim3A_692 = vector.shape_cast %reduce_min3A_691 : vector<64xf32> to vector<64x1xf32>
      %min3A_693 = arith.minimumf %broadcast_in_dim3A_689, %broadcast_in_dim3A_692 : vector<64x1xf32>
      %eq3A_694 = vector.broadcast %min3A_693 : vector<64x1xf32> to vector<64x4096xf32>
      %eq3A_695 = arith.cmpf oeq, %select_n3A_678, %eq3A_694 : vector<64x4096xf32>
      %jit3A_696 = arith.constant 2147483647 : i32
      %broadcast_in_dim3A_697 = vector.broadcast %jit3A_696 : i32 to vector<64x4096xi32>
      %select_n3A_698 = arith.select %eq3A_695, %add3A_116, %broadcast_in_dim3A_697 : vector<64x4096xi1>, vector<64x4096xi32>
      %reduce_min3A_699 = arith.constant dense<2147483647> : vector<64xi32>
      %reduce_min3A_700 = vector.multi_reduction <minsi>, %select_n3A_698, %reduce_min3A_699 [1] : vector<64x4096xi32> to vector<64xi32>
      %broadcast_in_dim3A_701 = vector.shape_cast %reduce_min3A_700 : vector<64xi32> to vector<64x1xi32>
      %eq3A_702 = vector.broadcast %min3A_693 : vector<64x1xf32> to vector<64x16xf32>
      %eq3A_703 = arith.cmpf oeq, %select_n3A_686, %eq3A_702 : vector<64x16xf32>
      %jit3A_704 = arith.constant 2147483647 : i32
      %broadcast_in_dim3A_705 = vector.broadcast %jit3A_704 : i32 to vector<64x16xi32>
      %select_n3A_706 = arith.select %eq3A_703, %get3A_129, %broadcast_in_dim3A_705 : vector<64x16xi1>, vector<64x16xi32>
      %reduce_min3A_707 = arith.constant dense<2147483647> : vector<64xi32>
      %reduce_min3A_708 = vector.multi_reduction <minsi>, %select_n3A_706, %reduce_min3A_707 [1] : vector<64x16xi32> to vector<64xi32>
      %broadcast_in_dim3A_709 = vector.shape_cast %reduce_min3A_708 : vector<64xi32> to vector<64x1xi32>
      %min3A_710 = arith.minsi %broadcast_in_dim3A_701, %broadcast_in_dim3A_709 : vector<64x1xi32>
      %eq3A_711 = vector.broadcast %min3A_693 : vector<64x1xf32> to vector<64x4096xf32>
      %eq3A_712 = arith.cmpf oeq, %select_n3A_678, %eq3A_711 : vector<64x4096xf32>
      %eq3A_713 = vector.broadcast %min3A_710 : vector<64x1xi32> to vector<64x4096xi32>
      %eq3A_714 = arith.cmpi eq, %add3A_116, %eq3A_713 : vector<64x4096xi32>
      %and3A_715 = arith.andi %eq3A_712, %eq3A_714 : vector<64x4096xi1>
      %jit3A_716 = arith.constant 0x7F800000 : f32
      %broadcast_in_dim3A_717 = vector.broadcast %jit3A_716 : f32 to vector<64x4096xf32>
      %select_n3A_718 = arith.select %and3A_715, %broadcast_in_dim3A_717, %select_n3A_678 : vector<64x4096xi1>, vector<64x4096xf32>
      %eq3A_719 = vector.broadcast %min3A_693 : vector<64x1xf32> to vector<64x16xf32>
      %eq3A_720 = arith.cmpf oeq, %select_n3A_686, %eq3A_719 : vector<64x16xf32>
      %eq3A_721 = vector.broadcast %min3A_710 : vector<64x1xi32> to vector<64x16xi32>
      %eq3A_722 = arith.cmpi eq, %get3A_129, %eq3A_721 : vector<64x16xi32>
      %and3A_723 = arith.andi %eq3A_720, %eq3A_722 : vector<64x16xi1>
      %jit3A_724 = arith.constant 0x7F800000 : f32
      %broadcast_in_dim3A_725 = vector.broadcast %jit3A_724 : f32 to vector<64x16xf32>
      %select_n3A_726 = arith.select %and3A_723, %broadcast_in_dim3A_725, %select_n3A_686 : vector<64x16xi1>, vector<64x16xf32>
      %reduce_min3A_727 = arith.constant dense<0x7F800000> : vector<64xf32>
      %reduce_min3A_728 = vector.multi_reduction <minimumf>, %select_n3A_718, %reduce_min3A_727 [1] : vector<64x4096xf32> to vector<64xf32>
      %broadcast_in_dim3A_729 = vector.shape_cast %reduce_min3A_728 : vector<64xf32> to vector<64x1xf32>
      %reduce_min3A_730 = arith.constant dense<0x7F800000> : vector<64xf32>
      %reduce_min3A_731 = vector.multi_reduction <minimumf>, %select_n3A_726, %reduce_min3A_730 [1] : vector<64x16xf32> to vector<64xf32>
      %broadcast_in_dim3A_732 = vector.shape_cast %reduce_min3A_731 : vector<64xf32> to vector<64x1xf32>
      %min3A_733 = arith.minimumf %broadcast_in_dim3A_729, %broadcast_in_dim3A_732 : vector<64x1xf32>
      %eq3A_734 = vector.broadcast %min3A_733 : vector<64x1xf32> to vector<64x4096xf32>
      %eq3A_735 = arith.cmpf oeq, %select_n3A_718, %eq3A_734 : vector<64x4096xf32>
      %jit3A_736 = arith.constant 2147483647 : i32
      %broadcast_in_dim3A_737 = vector.broadcast %jit3A_736 : i32 to vector<64x4096xi32>
      %select_n3A_738 = arith.select %eq3A_735, %add3A_116, %broadcast_in_dim3A_737 : vector<64x4096xi1>, vector<64x4096xi32>
      %reduce_min3A_739 = arith.constant dense<2147483647> : vector<64xi32>
      %reduce_min3A_740 = vector.multi_reduction <minsi>, %select_n3A_738, %reduce_min3A_739 [1] : vector<64x4096xi32> to vector<64xi32>
      %broadcast_in_dim3A_741 = vector.shape_cast %reduce_min3A_740 : vector<64xi32> to vector<64x1xi32>
      %eq3A_742 = vector.broadcast %min3A_733 : vector<64x1xf32> to vector<64x16xf32>
      %eq3A_743 = arith.cmpf oeq, %select_n3A_726, %eq3A_742 : vector<64x16xf32>
      %jit3A_744 = arith.constant 2147483647 : i32
      %broadcast_in_dim3A_745 = vector.broadcast %jit3A_744 : i32 to vector<64x16xi32>
      %select_n3A_746 = arith.select %eq3A_743, %get3A_129, %broadcast_in_dim3A_745 : vector<64x16xi1>, vector<64x16xi32>
      %reduce_min3A_747 = arith.constant dense<2147483647> : vector<64xi32>
      %reduce_min3A_748 = vector.multi_reduction <minsi>, %select_n3A_746, %reduce_min3A_747 [1] : vector<64x16xi32> to vector<64xi32>
      %broadcast_in_dim3A_749 = vector.shape_cast %reduce_min3A_748 : vector<64xi32> to vector<64x1xi32>
      %min3A_750 = arith.minsi %broadcast_in_dim3A_741, %broadcast_in_dim3A_749 : vector<64x1xi32>
      %eq3A_751 = vector.broadcast %min3A_733 : vector<64x1xf32> to vector<64x4096xf32>
      %eq3A_752 = arith.cmpf oeq, %select_n3A_718, %eq3A_751 : vector<64x4096xf32>
      %eq3A_753 = vector.broadcast %min3A_750 : vector<64x1xi32> to vector<64x4096xi32>
      %eq3A_754 = arith.cmpi eq, %add3A_116, %eq3A_753 : vector<64x4096xi32>
      %and3A_755 = arith.andi %eq3A_752, %eq3A_754 : vector<64x4096xi1>
      %jit3A_756 = arith.constant 0x7F800000 : f32
      %broadcast_in_dim3A_757 = vector.broadcast %jit3A_756 : f32 to vector<64x4096xf32>
      %select_n3A_758 = arith.select %and3A_755, %broadcast_in_dim3A_757, %select_n3A_718 : vector<64x4096xi1>, vector<64x4096xf32>
      %eq3A_759 = vector.broadcast %min3A_733 : vector<64x1xf32> to vector<64x16xf32>
      %eq3A_760 = arith.cmpf oeq, %select_n3A_726, %eq3A_759 : vector<64x16xf32>
      %eq3A_761 = vector.broadcast %min3A_750 : vector<64x1xi32> to vector<64x16xi32>
      %eq3A_762 = arith.cmpi eq, %get3A_129, %eq3A_761 : vector<64x16xi32>
      %and3A_763 = arith.andi %eq3A_760, %eq3A_762 : vector<64x16xi1>
      %jit3A_764 = arith.constant 0x7F800000 : f32
      %broadcast_in_dim3A_765 = vector.broadcast %jit3A_764 : f32 to vector<64x16xf32>
      %select_n3A_766 = arith.select %and3A_763, %broadcast_in_dim3A_765, %select_n3A_726 : vector<64x16xi1>, vector<64x16xf32>
      %concatenate3A = tpu.concatenate %min3A, %min3A_173, %min3A_213, %min3A_253, %min3A_293, %min3A_333, %min3A_373, %min3A_413, %min3A_453, %min3A_493, %min3A_533, %min3A_573, %min3A_613, %min3A_653, %min3A_693, %min3A_733 in 1 : vector<64x1xf32>, vector<64x1xf32>, vector<64x1xf32>, vector<64x1xf32>, vector<64x1xf32>, vector<64x1xf32>, vector<64x1xf32>, vector<64x1xf32>, vector<64x1xf32>, vector<64x1xf32>, vector<64x1xf32>, vector<64x1xf32>, vector<64x1xf32>, vector<64x1xf32>, vector<64x1xf32>, vector<64x1xf32> -> vector<64x16xf32>
      %swap3A_767 = arith.constant 0 : index
      %swap3A_768 = arith.constant 0 : index
      %swap3A_769 = vector.load %arg7[%swap3A_767, %swap3A_768] : memref<64x16xf32, #tpu.memory_space<vmem>>, vector<64x16xf32>
      tpu.vector_store %arg7[%swap3A_767, %swap3A_768], %concatenate3A {strides = array<i32>} : memref<64x16xf32, #tpu.memory_space<vmem>>, vector<64x16xf32>,
      %concatenate3A_770 = tpu.concatenate %min3A_150, %min3A_190, %min3A_230, %min3A_270, %min3A_310, %min3A_350, %min3A_390, %min3A_430, %min3A_470, %min3A_510, %min3A_550, %min3A_590, %min3A_630, %min3A_670, %min3A_710, %min3A_750 in 1 : vector<64x1xi32>, vector<64x1xi32>, vector<64x1xi32>, vector<64x1xi32>, vector<64x1xi32>, vector<64x1xi32>, vector<64x1xi32>, vector<64x1xi32>, vector<64x1xi32>, vector<64x1xi32>, vector<64x1xi32>, vector<64x1xi32>, vector<64x1xi32>, vector<64x1xi32>, vector<64x1xi32>, vector<64x1xi32> -> vector<64x16xi32>
      %swap3A_771 = arith.constant 0 : index
      %swap3A_772 = arith.constant 0 : index
      %swap3A_773 = vector.load %arg8[%swap3A_771, %swap3A_772] : memref<64x16xi32, #tpu.memory_space<vmem>>, vector<64x16xi32>
      tpu.vector_store %arg8[%swap3A_771, %swap3A_772], %concatenate3A_770 {strides = array<i32>} : memref<64x16xi32, #tpu.memory_space<vmem>>, vector<64x16xi32>,
      %while3A_774 = arith.constant 0 : i32
      scf.yield %while3A_774 : i32
    }
    %while3A_75 = arith.constant 1 : i32
    %while3A_76 = scf.for %while3A_95 = %while3A_72 to %while3A_68 step %while3A_75 iter_args(%while3A_96 = %while3A_74) -> (i32)  : i32 {
      %add3A_97 = arith.addi %select_n3A, %while3A_95 : i32
      %mul3A_98 = arith.constant 4096 : i32
      %mul3A_99 = arith.muli %add3A_97, %mul3A_98 : i32
      %multiple_of3A = tpu.assume_multiple %mul3A_99, 4096 : i32
      %get3A_100 = arith.constant 0 : index
      %get3A_101 = arith.index_cast %multiple_of3A : i32 to index
      %get3A_102 = vector.load %arg2[%get3A_100, %get3A_101] : memref<4x65536xf32, #tpu.memory_space<vmem>>, vector<4x4096xf32>
      %mul3A_103 = arith.mulf %get3A_102, %get3A_102 : vector<4x4096xf32>
      %reduce_sum3A_104 = arith.constant dense<0.000000e+00> : vector<4096xf32>
      %reduce_sum3A_105 = vector.multi_reduction <add>, %mul3A_103, %reduce_sum3A_104 [0] : vector<4x4096xf32> to vector<4096xf32>
      %broadcast_in_dim3A_106 = vector.shape_cast %reduce_sum3A_105 : vector<4096xf32> to vector<1x4096xf32>
      %dot_general3A = arith.constant dense<0.000000e+00> : vector<64x4096xf32>
      %dot_general3A_107 = tpu.matmul %get3A_7, %get3A_102, %dot_general3A {dimension_numbers = #tpu.dot_dimension_numbers<[1], [0], [0], [1], [0, 0, 1, 1], [], []>, transpose_lhs_hint = false} : vector<64x4xf32>, vector<4x4096xf32>, vector<64x4096xf32> -> vector<64x4096xf32>
      %add3A_108 = vector.broadcast %broadcast_in_dim3A : vector<64x1xf32> to vector<64x4096xf32>
      %add3A_109 = vector.broadcast %broadcast_in_dim3A_106 : vector<1x4096xf32> to vector<64x4096xf32>
      %add3A_110 = arith.addf %add3A_108, %add3A_109 : vector<64x4096xf32>
      %mul3A_111 = arith.constant 2.000000e+00 : f32
      %mul3A_112 = vector.broadcast %mul3A_111 : f32 to vector<64x4096xf32>
      %mul3A_113 = arith.mulf %mul3A_112, %dot_general3A_107 : vector<64x4096xf32>
      %sub3A_114 = arith.subf %add3A_110, %mul3A_113 : vector<64x4096xf32>
      %iota3A = tpu.iota {dimensions = array<i32: 1>} : vector<64x4096xi32>
      %add3A_115 = vector.broadcast %multiple_of3A : i32 to vector<64x4096xi32>
      %add3A_116 = arith.addi %add3A_115, %iota3A : vector<64x4096xi32>
      %ge3A = vector.broadcast %get3A_0 : i32 to vector<64x4096xi32>
      %ge3A_117 = arith.cmpi sge, %add3A_116, %ge3A : vector<64x4096xi32>
      %add3A_118 = arith.addi %get3A_0, %get3A_2 : i32
      %lt3A = vector.broadcast %add3A_118 : i32 to vector<64x4096xi32>
      %lt3A_119 = arith.cmpi slt, %add3A_116, %lt3A : vector<64x4096xi32>
      %and3A_120 = arith.andi %ge3A_117, %lt3A_119 : vector<64x4096xi1>
      %jit3A_121 = arith.constant 0x7F800000 : f32
      %broadcast_in_dim3A_122 = vector.broadcast %jit3A_121 : f32 to vector<64x4096xf32>
      %select_n3A_123 = arith.select %and3A_120, %sub3A_114, %broadcast_in_dim3A_122 : vector<64x4096xi1>, vector<64x4096xf32>
      %get3A_124 = arith.constant 0 : index
      %get3A_125 = arith.constant 0 : index
      %get3A_126 = vector.load %arg7[%get3A_124, %get3A_125] : memref<64x16xf32, #tpu.memory_space<vmem>>, vector<64x16xf32>
      %get3A_127 = arith.constant 0 : index
      %get3A_128 = arith.constant 0 : index
      %get3A_129 = vector.load %arg8[%get3A_127, %get3A_128] : memref<64x16xi32, #tpu.memory_space<vmem>>, vector<64x16xi32>
      %reduce_min3A = arith.constant dense<0x7F800000> : vector<64xf32>
      %reduce_min3A_130 = vector.multi_reduction <minimumf>, %select_n3A_123, %reduce_min3A [1] : vector<64x4096xf32> to vector<64xf32>
      %broadcast_in_dim3A_131 = vector.shape_cast %reduce_min3A_130 : vector<64xf32> to vector<64x1xf32>
      %reduce_min3A_132 = arith.constant dense<0x7F800000> : vector<64xf32>
      %reduce_min3A_133 = vector.multi_reduction <minimumf>, %get3A_126, %reduce_min3A_132 [1] : vector<64x16xf32> to vector<64xf32>
      %broadcast_in_dim3A_134 = vector.shape_cast %reduce_min3A_133 : vector<64xf32> to vector<64x1xf32>
      %min3A = arith.minimumf %broadcast_in_dim3A_131, %broadcast_in_dim3A_134 : vector<64x1xf32>
      %eq3A = vector.broadcast %min3A : vector<64x1xf32> to vector<64x4096xf32>
      %eq3A_135 = arith.cmpf oeq, %select_n3A_123, %eq3A : vector<64x4096xf32>
      %jit3A_136 = arith.constant 2147483647 : i32
      %broadcast_in_dim3A_137 = vector.broadcast %jit3A_136 : i32 to vector<64x4096xi32>
      %select_n3A_138 = arith.select %eq3A_135, %add3A_116, %broadcast_in_dim3A_137 : vector<64x4096xi1>, vector<64x4096xi32>
      %reduce_min3A_139 = arith.constant dense<2147483647> : vector<64xi32>
      %reduce_min3A_140 = vector.multi_reduction <minsi>, %select_n3A_138, %reduce_min3A_139 [1] : vector<64x4096xi32> to vector<64xi32>
      %broadcast_in_dim3A_141 = vector.shape_cast %reduce_min3A_140 : vector<64xi32> to vector<64x1xi32>
      %eq3A_142 = vector.broadcast %min3A : vector<64x1xf32> to vector<64x16xf32>
      %eq3A_143 = arith.cmpf oeq, %get3A_126, %eq3A_142 : vector<64x16xf32>
      %jit3A_144 = arith.constant 2147483647 : i32
      %broadcast_in_dim3A_145 = vector.broadcast %jit3A_144 : i32 to vector<64x16xi32>
      %select_n3A_146 = arith.select %eq3A_143, %get3A_129, %broadcast_in_dim3A_145 : vector<64x16xi1>, vector<64x16xi32>
      %reduce_min3A_147 = arith.constant dense<2147483647> : vector<64xi32>
      %reduce_min3A_148 = vector.multi_reduction <minsi>, %select_n3A_146, %reduce_min3A_147 [1] : vector<64x16xi32> to vector<64xi32>
      %broadcast_in_dim3A_149 = vector.shape_cast %reduce_min3A_148 : vector<64xi32> to vector<64x1xi32>
      %min3A_150 = arith.minsi %broadcast_in_dim3A_141, %broadcast_in_dim3A_149 : vector<64x1xi32>
      %eq3A_151 = vector.broadcast %min3A : vector<64x1xf32> to vector<64x4096xf32>
      %eq3A_152 = arith.cmpf oeq, %select_n3A_123, %eq3A_151 : vector<64x4096xf32>
      %eq3A_153 = vector.broadcast %min3A_150 : vector<64x1xi32> to vector<64x4096xi32>
      %eq3A_154 = arith.cmpi eq, %add3A_116, %eq3A_153 : vector<64x4096xi32>
      %and3A_155 = arith.andi %eq3A_152, %eq3A_154 : vector<64x4096xi1>
      %jit3A_156 = arith.constant 0x7F800000 : f32
      %broadcast_in_dim3A_157 = vector.broadcast %jit3A_156 : f32 to vector<64x4096xf32>
      %select_n3A_158 = arith.select %and3A_155, %broadcast_in_dim3A_157, %select_n3A_123 : vector<64x4096xi1>, vector<64x4096xf32>
      %eq3A_159 = vector.broadcast %min3A : vector<64x1xf32> to vector<64x16xf32>
      %eq3A_160 = arith.cmpf oeq, %get3A_126, %eq3A_159 : vector<64x16xf32>
      %eq3A_161 = vector.broadcast %min3A_150 : vector<64x1xi32> to vector<64x16xi32>
      %eq3A_162 = arith.cmpi eq, %get3A_129, %eq3A_161 : vector<64x16xi32>
      %and3A_163 = arith.andi %eq3A_160, %eq3A_162 : vector<64x16xi1>
      %jit3A_164 = arith.constant 0x7F800000 : f32
      %broadcast_in_dim3A_165 = vector.broadcast %jit3A_164 : f32 to vector<64x16xf32>
      %select_n3A_166 = arith.select %and3A_163, %broadcast_in_dim3A_165, %get3A_126 : vector<64x16xi1>, vector<64x16xf32>
      %reduce_min3A_167 = arith.constant dense<0x7F800000> : vector<64xf32>
      %reduce_min3A_168 = vector.multi_reduction <minimumf>, %select_n3A_158, %reduce_min3A_167 [1] : vector<64x4096xf32> to vector<64xf32>
      %broadcast_in_dim3A_169 = vector.shape_cast %reduce_min3A_168 : vector<64xf32> to vector<64x1xf32>
      %reduce_min3A_170 = arith.constant dense<0x7F800000> : vector<64xf32>
      %reduce_min3A_171 = vector.multi_reduction <minimumf>, %select_n3A_166, %reduce_min3A_170 [1] : vector<64x16xf32> to vector<64xf32>
      %broadcast_in_dim3A_172 = vector.shape_cast %reduce_min3A_171 : vector<64xf32> to vector<64x1xf32>
      %min3A_173 = arith.minimumf %broadcast_in_dim3A_169, %broadcast_in_dim3A_172 : vector<64x1xf32>
      %eq3A_174 = vector.broadcast %min3A_173 : vector<64x1xf32> to vector<64x4096xf32>
      %eq3A_175 = arith.cmpf oeq, %select_n3A_158, %eq3A_174 : vector<64x4096xf32>
      %jit3A_176 = arith.constant 2147483647 : i32
      %broadcast_in_dim3A_177 = vector.broadcast %jit3A_176 : i32 to vector<64x4096xi32>
      %select_n3A_178 = arith.select %eq3A_175, %add3A_116, %broadcast_in_dim3A_177 : vector<64x4096xi1>, vector<64x4096xi32>
      %reduce_min3A_179 = arith.constant dense<2147483647> : vector<64xi32>
      %reduce_min3A_180 = vector.multi_reduction <minsi>, %select_n3A_178, %reduce_min3A_179 [1] : vector<64x4096xi32> to vector<64xi32>
      %broadcast_in_dim3A_181 = vector.shape_cast %reduce_min3A_180 : vector<64xi32> to vector<64x1xi32>
      %eq3A_182 = vector.broadcast %min3A_173 : vector<64x1xf32> to vector<64x16xf32>
      %eq3A_183 = arith.cmpf oeq, %select_n3A_166, %eq3A_182 : vector<64x16xf32>
      %jit3A_184 = arith.constant 2147483647 : i32
      %broadcast_in_dim3A_185 = vector.broadcast %jit3A_184 : i32 to vector<64x16xi32>
      %select_n3A_186 = arith.select %eq3A_183, %get3A_129, %broadcast_in_dim3A_185 : vector<64x16xi1>, vector<64x16xi32>
      %reduce_min3A_187 = arith.constant dense<2147483647> : vector<64xi32>
      %reduce_min3A_188 = vector.multi_reduction <minsi>, %select_n3A_186, %reduce_min3A_187 [1] : vector<64x16xi32> to vector<64xi32>
      %broadcast_in_dim3A_189 = vector.shape_cast %reduce_min3A_188 : vector<64xi32> to vector<64x1xi32>
      %min3A_190 = arith.minsi %broadcast_in_dim3A_181, %broadcast_in_dim3A_189 : vector<64x1xi32>
      %eq3A_191 = vector.broadcast %min3A_173 : vector<64x1xf32> to vector<64x4096xf32>
      %eq3A_192 = arith.cmpf oeq, %select_n3A_158, %eq3A_191 : vector<64x4096xf32>
      %eq3A_193 = vector.broadcast %min3A_190 : vector<64x1xi32> to vector<64x4096xi32>
      %eq3A_194 = arith.cmpi eq, %add3A_116, %eq3A_193 : vector<64x4096xi32>
      %and3A_195 = arith.andi %eq3A_192, %eq3A_194 : vector<64x4096xi1>
      %jit3A_196 = arith.constant 0x7F800000 : f32
      %broadcast_in_dim3A_197 = vector.broadcast %jit3A_196 : f32 to vector<64x4096xf32>
      %select_n3A_198 = arith.select %and3A_195, %broadcast_in_dim3A_197, %select_n3A_158 : vector<64x4096xi1>, vector<64x4096xf32>
      %eq3A_199 = vector.broadcast %min3A_173 : vector<64x1xf32> to vector<64x16xf32>
      %eq3A_200 = arith.cmpf oeq, %select_n3A_166, %eq3A_199 : vector<64x16xf32>
      %eq3A_201 = vector.broadcast %min3A_190 : vector<64x1xi32> to vector<64x16xi32>
      %eq3A_202 = arith.cmpi eq, %get3A_129, %eq3A_201 : vector<64x16xi32>
      %and3A_203 = arith.andi %eq3A_200, %eq3A_202 : vector<64x16xi1>
      %jit3A_204 = arith.constant 0x7F800000 : f32
      %broadcast_in_dim3A_205 = vector.broadcast %jit3A_204 : f32 to vector<64x16xf32>
      %select_n3A_206 = arith.select %and3A_203, %broadcast_in_dim3A_205, %select_n3A_166 : vector<64x16xi1>, vector<64x16xf32>
      %reduce_min3A_207 = arith.constant dense<0x7F800000> : vector<64xf32>
      %reduce_min3A_208 = vector.multi_reduction <minimumf>, %select_n3A_198, %reduce_min3A_207 [1] : vector<64x4096xf32> to vector<64xf32>
      %broadcast_in_dim3A_209 = vector.shape_cast %reduce_min3A_208 : vector<64xf32> to vector<64x1xf32>
      %reduce_min3A_210 = arith.constant dense<0x7F800000> : vector<64xf32>
      %reduce_min3A_211 = vector.multi_reduction <minimumf>, %select_n3A_206, %reduce_min3A_210 [1] : vector<64x16xf32> to vector<64xf32>
      %broadcast_in_dim3A_212 = vector.shape_cast %reduce_min3A_211 : vector<64xf32> to vector<64x1xf32>
      %min3A_213 = arith.minimumf %broadcast_in_dim3A_209, %broadcast_in_dim3A_212 : vector<64x1xf32>
      %eq3A_214 = vector.broadcast %min3A_213 : vector<64x1xf32> to vector<64x4096xf32>
      %eq3A_215 = arith.cmpf oeq, %select_n3A_198, %eq3A_214 : vector<64x4096xf32>
      %jit3A_216 = arith.constant 2147483647 : i32
      %broadcast_in_dim3A_217 = vector.broadcast %jit3A_216 : i32 to vector<64x4096xi32>
      %select_n3A_218 = arith.select %eq3A_215, %add3A_116, %broadcast_in_dim3A_217 : vector<64x4096xi1>, vector<64x4096xi32>
      %reduce_min3A_219 = arith.constant dense<2147483647> : vector<64xi32>
      %reduce_min3A_220 = vector.multi_reduction <minsi>, %select_n3A_218, %reduce_min3A_219 [1] : vector<64x4096xi32> to vector<64xi32>
      %broadcast_in_dim3A_221 = vector.shape_cast %reduce_min3A_220 : vector<64xi32> to vector<64x1xi32>
      %eq3A_222 = vector.broadcast %min3A_213 : vector<64x1xf32> to vector<64x16xf32>
      %eq3A_223 = arith.cmpf oeq, %select_n3A_206, %eq3A_222 : vector<64x16xf32>
      %jit3A_224 = arith.constant 2147483647 : i32
      %broadcast_in_dim3A_225 = vector.broadcast %jit3A_224 : i32 to vector<64x16xi32>
      %select_n3A_226 = arith.select %eq3A_223, %get3A_129, %broadcast_in_dim3A_225 : vector<64x16xi1>, vector<64x16xi32>
      %reduce_min3A_227 = arith.constant dense<2147483647> : vector<64xi32>
      %reduce_min3A_228 = vector.multi_reduction <minsi>, %select_n3A_226, %reduce_min3A_227 [1] : vector<64x16xi32> to vector<64xi32>
      %broadcast_in_dim3A_229 = vector.shape_cast %reduce_min3A_228 : vector<64xi32> to vector<64x1xi32>
      %min3A_230 = arith.minsi %broadcast_in_dim3A_221, %broadcast_in_dim3A_229 : vector<64x1xi32>
      %eq3A_231 = vector.broadcast %min3A_213 : vector<64x1xf32> to vector<64x4096xf32>
      %eq3A_232 = arith.cmpf oeq, %select_n3A_198, %eq3A_231 : vector<64x4096xf32>
      %eq3A_233 = vector.broadcast %min3A_230 : vector<64x1xi32> to vector<64x4096xi32>
      %eq3A_234 = arith.cmpi eq, %add3A_116, %eq3A_233 : vector<64x4096xi32>
      %and3A_235 = arith.andi %eq3A_232, %eq3A_234 : vector<64x4096xi1>
      %jit3A_236 = arith.constant 0x7F800000 : f32
      %broadcast_in_dim3A_237 = vector.broadcast %jit3A_236 : f32 to vector<64x4096xf32>
      %select_n3A_238 = arith.select %and3A_235, %broadcast_in_dim3A_237, %select_n3A_198 : vector<64x4096xi1>, vector<64x4096xf32>
      %eq3A_239 = vector.broadcast %min3A_213 : vector<64x1xf32> to vector<64x16xf32>
      %eq3A_240 = arith.cmpf oeq, %select_n3A_206, %eq3A_239 : vector<64x16xf32>
      %eq3A_241 = vector.broadcast %min3A_230 : vector<64x1xi32> to vector<64x16xi32>
      %eq3A_242 = arith.cmpi eq, %get3A_129, %eq3A_241 : vector<64x16xi32>
      %and3A_243 = arith.andi %eq3A_240, %eq3A_242 : vector<64x16xi1>
      %jit3A_244 = arith.constant 0x7F800000 : f32
      %broadcast_in_dim3A_245 = vector.broadcast %jit3A_244 : f32 to vector<64x16xf32>
      %select_n3A_246 = arith.select %and3A_243, %broadcast_in_dim3A_245, %select_n3A_206 : vector<64x16xi1>, vector<64x16xf32>
      %reduce_min3A_247 = arith.constant dense<0x7F800000> : vector<64xf32>
      %reduce_min3A_248 = vector.multi_reduction <minimumf>, %select_n3A_238, %reduce_min3A_247 [1] : vector<64x4096xf32> to vector<64xf32>
      %broadcast_in_dim3A_249 = vector.shape_cast %reduce_min3A_248 : vector<64xf32> to vector<64x1xf32>
      %reduce_min3A_250 = arith.constant dense<0x7F800000> : vector<64xf32>
      %reduce_min3A_251 = vector.multi_reduction <minimumf>, %select_n3A_246, %reduce_min3A_250 [1] : vector<64x16xf32> to vector<64xf32>
      %broadcast_in_dim3A_252 = vector.shape_cast %reduce_min3A_251 : vector<64xf32> to vector<64x1xf32>
      %min3A_253 = arith.minimumf %broadcast_in_dim3A_249, %broadcast_in_dim3A_252 : vector<64x1xf32>
      %eq3A_254 = vector.broadcast %min3A_253 : vector<64x1xf32> to vector<64x4096xf32>
      %eq3A_255 = arith.cmpf oeq, %select_n3A_238, %eq3A_254 : vector<64x4096xf32>
      %jit3A_256 = arith.constant 2147483647 : i32
      %broadcast_in_dim3A_257 = vector.broadcast %jit3A_256 : i32 to vector<64x4096xi32>
      %select_n3A_258 = arith.select %eq3A_255, %add3A_116, %broadcast_in_dim3A_257 : vector<64x4096xi1>, vector<64x4096xi32>
      %reduce_min3A_259 = arith.constant dense<2147483647> : vector<64xi32>
      %reduce_min3A_260 = vector.multi_reduction <minsi>, %select_n3A_258, %reduce_min3A_259 [1] : vector<64x4096xi32> to vector<64xi32>
      %broadcast_in_dim3A_261 = vector.shape_cast %reduce_min3A_260 : vector<64xi32> to vector<64x1xi32>
      %eq3A_262 = vector.broadcast %min3A_253 : vector<64x1xf32> to vector<64x16xf32>
      %eq3A_263 = arith.cmpf oeq, %select_n3A_246, %eq3A_262 : vector<64x16xf32>
      %jit3A_264 = arith.constant 2147483647 : i32
      %broadcast_in_dim3A_265 = vector.broadcast %jit3A_264 : i32 to vector<64x16xi32>
      %select_n3A_266 = arith.select %eq3A_263, %get3A_129, %broadcast_in_dim3A_265 : vector<64x16xi1>, vector<64x16xi32>
      %reduce_min3A_267 = arith.constant dense<2147483647> : vector<64xi32>
      %reduce_min3A_268 = vector.multi_reduction <minsi>, %select_n3A_266, %reduce_min3A_267 [1] : vector<64x16xi32> to vector<64xi32>
      %broadcast_in_dim3A_269 = vector.shape_cast %reduce_min3A_268 : vector<64xi32> to vector<64x1xi32>
      %min3A_270 = arith.minsi %broadcast_in_dim3A_261, %broadcast_in_dim3A_269 : vector<64x1xi32>
      %eq3A_271 = vector.broadcast %min3A_253 : vector<64x1xf32> to vector<64x4096xf32>
      %eq3A_272 = arith.cmpf oeq, %select_n3A_238, %eq3A_271 : vector<64x4096xf32>
      %eq3A_273 = vector.broadcast %min3A_270 : vector<64x1xi32> to vector<64x4096xi32>
      %eq3A_274 = arith.cmpi eq, %add3A_116, %eq3A_273 : vector<64x4096xi32>
      %and3A_275 = arith.andi %eq3A_272, %eq3A_274 : vector<64x4096xi1>
      %jit3A_276 = arith.constant 0x7F800000 : f32
      %broadcast_in_dim3A_277 = vector.broadcast %jit3A_276 : f32 to vector<64x4096xf32>
      %select_n3A_278 = arith.select %and3A_275, %broadcast_in_dim3A_277, %select_n3A_238 : vector<64x4096xi1>, vector<64x4096xf32>
      %eq3A_279 = vector.broadcast %min3A_253 : vector<64x1xf32> to vector<64x16xf32>
      %eq3A_280 = arith.cmpf oeq, %select_n3A_246, %eq3A_279 : vector<64x16xf32>
      %eq3A_281 = vector.broadcast %min3A_270 : vector<64x1xi32> to vector<64x16xi32>
      %eq3A_282 = arith.cmpi eq, %get3A_129, %eq3A_281 : vector<64x16xi32>
      %and3A_283 = arith.andi %eq3A_280, %eq3A_282 : vector<64x16xi1>
      %jit3A_284 = arith.constant 0x7F800000 : f32
      %broadcast_in_dim3A_285 = vector.broadcast %jit3A_284 : f32 to vector<64x16xf32>
      %select_n3A_286 = arith.select %and3A_283, %broadcast_in_dim3A_285, %select_n3A_246 : vector<64x16xi1>, vector<64x16xf32>
      %reduce_min3A_287 = arith.constant dense<0x7F800000> : vector<64xf32>
      %reduce_min3A_288 = vector.multi_reduction <minimumf>, %select_n3A_278, %reduce_min3A_287 [1] : vector<64x4096xf32> to vector<64xf32>
      %broadcast_in_dim3A_289 = vector.shape_cast %reduce_min3A_288 : vector<64xf32> to vector<64x1xf32>
      %reduce_min3A_290 = arith.constant dense<0x7F800000> : vector<64xf32>
      %reduce_min3A_291 = vector.multi_reduction <minimumf>, %select_n3A_286, %reduce_min3A_290 [1] : vector<64x16xf32> to vector<64xf32>
      %broadcast_in_dim3A_292 = vector.shape_cast %reduce_min3A_291 : vector<64xf32> to vector<64x1xf32>
      %min3A_293 = arith.minimumf %broadcast_in_dim3A_289, %broadcast_in_dim3A_292 : vector<64x1xf32>
      %eq3A_294 = vector.broadcast %min3A_293 : vector<64x1xf32> to vector<64x4096xf32>
      %eq3A_295 = arith.cmpf oeq, %select_n3A_278, %eq3A_294 : vector<64x4096xf32>
      %jit3A_296 = arith.constant 2147483647 : i32
      %broadcast_in_dim3A_297 = vector.broadcast %jit3A_296 : i32 to vector<64x4096xi32>
      %select_n3A_298 = arith.select %eq3A_295, %add3A_116, %broadcast_in_dim3A_297 : vector<64x4096xi1>, vector<64x4096xi32>
      %reduce_min3A_299 = arith.constant dense<2147483647> : vector<64xi32>
      %reduce_min3A_300 = vector.multi_reduction <minsi>, %select_n3A_298, %reduce_min3A_299 [1] : vector<64x4096xi32> to vector<64xi32>
      %broadcast_in_dim3A_301 = vector.shape_cast %reduce_min3A_300 : vector<64xi32> to vector<64x1xi32>
      %eq3A_302 = vector.broadcast %min3A_293 : vector<64x1xf32> to vector<64x16xf32>
      %eq3A_303 = arith.cmpf oeq, %select_n3A_286, %eq3A_302 : vector<64x16xf32>
      %jit3A_304 = arith.constant 2147483647 : i32
      %broadcast_in_dim3A_305 = vector.broadcast %jit3A_304 : i32 to vector<64x16xi32>
      %select_n3A_306 = arith.select %eq3A_303, %get3A_129, %broadcast_in_dim3A_305 : vector<64x16xi1>, vector<64x16xi32>
      %reduce_min3A_307 = arith.constant dense<2147483647> : vector<64xi32>
      %reduce_min3A_308 = vector.multi_reduction <minsi>, %select_n3A_306, %reduce_min3A_307 [1] : vector<64x16xi32> to vector<64xi32>
      %broadcast_in_dim3A_309 = vector.shape_cast %reduce_min3A_308 : vector<64xi32> to vector<64x1xi32>
      %min3A_310 = arith.minsi %broadcast_in_dim3A_301, %broadcast_in_dim3A_309 : vector<64x1xi32>
      %eq3A_311 = vector.broadcast %min3A_293 : vector<64x1xf32> to vector<64x4096xf32>
      %eq3A_312 = arith.cmpf oeq, %select_n3A_278, %eq3A_311 : vector<64x4096xf32>
      %eq3A_313 = vector.broadcast %min3A_310 : vector<64x1xi32> to vector<64x4096xi32>
      %eq3A_314 = arith.cmpi eq, %add3A_116, %eq3A_313 : vector<64x4096xi32>
      %and3A_315 = arith.andi %eq3A_312, %eq3A_314 : vector<64x4096xi1>
      %jit3A_316 = arith.constant 0x7F800000 : f32
      %broadcast_in_dim3A_317 = vector.broadcast %jit3A_316 : f32 to vector<64x4096xf32>
      %select_n3A_318 = arith.select %and3A_315, %broadcast_in_dim3A_317, %select_n3A_278 : vector<64x4096xi1>, vector<64x4096xf32>
      %eq3A_319 = vector.broadcast %min3A_293 : vector<64x1xf32> to vector<64x16xf32>
      %eq3A_320 = arith.cmpf oeq, %select_n3A_286, %eq3A_319 : vector<64x16xf32>
      %eq3A_321 = vector.broadcast %min3A_310 : vector<64x1xi32> to vector<64x16xi32>
      %eq3A_322 = arith.cmpi eq, %get3A_129, %eq3A_321 : vector<64x16xi32>
      %and3A_323 = arith.andi %eq3A_320, %eq3A_322 : vector<64x16xi1>
      %jit3A_324 = arith.constant 0x7F800000 : f32
      %broadcast_in_dim3A_325 = vector.broadcast %jit3A_324 : f32 to vector<64x16xf32>
      %select_n3A_326 = arith.select %and3A_323, %broadcast_in_dim3A_325, %select_n3A_286 : vector<64x16xi1>, vector<64x16xf32>
      %reduce_min3A_327 = arith.constant dense<0x7F800000> : vector<64xf32>
      %reduce_min3A_328 = vector.multi_reduction <minimumf>, %select_n3A_318, %reduce_min3A_327 [1] : vector<64x4096xf32> to vector<64xf32>
      %broadcast_in_dim3A_329 = vector.shape_cast %reduce_min3A_328 : vector<64xf32> to vector<64x1xf32>
      %reduce_min3A_330 = arith.constant dense<0x7F800000> : vector<64xf32>
      %reduce_min3A_331 = vector.multi_reduction <minimumf>, %select_n3A_326, %reduce_min3A_330 [1] : vector<64x16xf32> to vector<64xf32>
      %broadcast_in_dim3A_332 = vector.shape_cast %reduce_min3A_331 : vector<64xf32> to vector<64x1xf32>
      %min3A_333 = arith.minimumf %broadcast_in_dim3A_329, %broadcast_in_dim3A_332 : vector<64x1xf32>
      %eq3A_334 = vector.broadcast %min3A_333 : vector<64x1xf32> to vector<64x4096xf32>
      %eq3A_335 = arith.cmpf oeq, %select_n3A_318, %eq3A_334 : vector<64x4096xf32>
      %jit3A_336 = arith.constant 2147483647 : i32
      %broadcast_in_dim3A_337 = vector.broadcast %jit3A_336 : i32 to vector<64x4096xi32>
      %select_n3A_338 = arith.select %eq3A_335, %add3A_116, %broadcast_in_dim3A_337 : vector<64x4096xi1>, vector<64x4096xi32>
      %reduce_min3A_339 = arith.constant dense<2147483647> : vector<64xi32>
      %reduce_min3A_340 = vector.multi_reduction <minsi>, %select_n3A_338, %reduce_min3A_339 [1] : vector<64x4096xi32> to vector<64xi32>
      %broadcast_in_dim3A_341 = vector.shape_cast %reduce_min3A_340 : vector<64xi32> to vector<64x1xi32>
      %eq3A_342 = vector.broadcast %min3A_333 : vector<64x1xf32> to vector<64x16xf32>
      %eq3A_343 = arith.cmpf oeq, %select_n3A_326, %eq3A_342 : vector<64x16xf32>
      %jit3A_344 = arith.constant 2147483647 : i32
      %broadcast_in_dim3A_345 = vector.broadcast %jit3A_344 : i32 to vector<64x16xi32>
      %select_n3A_346 = arith.select %eq3A_343, %get3A_129, %broadcast_in_dim3A_345 : vector<64x16xi1>, vector<64x16xi32>
      %reduce_min3A_347 = arith.constant dense<2147483647> : vector<64xi32>
      %reduce_min3A_348 = vector.multi_reduction <minsi>, %select_n3A_346, %reduce_min3A_347 [1] : vector<64x16xi32> to vector<64xi32>
      %broadcast_in_dim3A_349 = vector.shape_cast %reduce_min3A_348 : vector<64xi32> to vector<64x1xi32>
      %min3A_350 = arith.minsi %broadcast_in_dim3A_341, %broadcast_in_dim3A_349 : vector<64x1xi32>
      %eq3A_351 = vector.broadcast %min3A_333 : vector<64x1xf32> to vector<64x4096xf32>
      %eq3A_352 = arith.cmpf oeq, %select_n3A_318, %eq3A_351 : vector<64x4096xf32>
      %eq3A_353 = vector.broadcast %min3A_350 : vector<64x1xi32> to vector<64x4096xi32>
      %eq3A_354 = arith.cmpi eq, %add3A_116, %eq3A_353 : vector<64x4096xi32>
      %and3A_355 = arith.andi %eq3A_352, %eq3A_354 : vector<64x4096xi1>
      %jit3A_356 = arith.constant 0x7F800000 : f32
      %broadcast_in_dim3A_357 = vector.broadcast %jit3A_356 : f32 to vector<64x4096xf32>
      %select_n3A_358 = arith.select %and3A_355, %broadcast_in_dim3A_357, %select_n3A_318 : vector<64x4096xi1>, vector<64x4096xf32>
      %eq3A_359 = vector.broadcast %min3A_333 : vector<64x1xf32> to vector<64x16xf32>
      %eq3A_360 = arith.cmpf oeq, %select_n3A_326, %eq3A_359 : vector<64x16xf32>
      %eq3A_361 = vector.broadcast %min3A_350 : vector<64x1xi32> to vector<64x16xi32>
      %eq3A_362 = arith.cmpi eq, %get3A_129, %eq3A_361 : vector<64x16xi32>
      %and3A_363 = arith.andi %eq3A_360, %eq3A_362 : vector<64x16xi1>
      %jit3A_364 = arith.constant 0x7F800000 : f32
      %broadcast_in_dim3A_365 = vector.broadcast %jit3A_364 : f32 to vector<64x16xf32>
      %select_n3A_366 = arith.select %and3A_363, %broadcast_in_dim3A_365, %select_n3A_326 : vector<64x16xi1>, vector<64x16xf32>
      %reduce_min3A_367 = arith.constant dense<0x7F800000> : vector<64xf32>
      %reduce_min3A_368 = vector.multi_reduction <minimumf>, %select_n3A_358, %reduce_min3A_367 [1] : vector<64x4096xf32> to vector<64xf32>
      %broadcast_in_dim3A_369 = vector.shape_cast %reduce_min3A_368 : vector<64xf32> to vector<64x1xf32>
      %reduce_min3A_370 = arith.constant dense<0x7F800000> : vector<64xf32>
      %reduce_min3A_371 = vector.multi_reduction <minimumf>, %select_n3A_366, %reduce_min3A_370 [1] : vector<64x16xf32> to vector<64xf32>
      %broadcast_in_dim3A_372 = vector.shape_cast %reduce_min3A_371 : vector<64xf32> to vector<64x1xf32>
      %min3A_373 = arith.minimumf %broadcast_in_dim3A_369, %broadcast_in_dim3A_372 : vector<64x1xf32>
      %eq3A_374 = vector.broadcast %min3A_373 : vector<64x1xf32> to vector<64x4096xf32>
      %eq3A_375 = arith.cmpf oeq, %select_n3A_358, %eq3A_374 : vector<64x4096xf32>
      %jit3A_376 = arith.constant 2147483647 : i32
      %broadcast_in_dim3A_377 = vector.broadcast %jit3A_376 : i32 to vector<64x4096xi32>
      %select_n3A_378 = arith.select %eq3A_375, %add3A_116, %broadcast_in_dim3A_377 : vector<64x4096xi1>, vector<64x4096xi32>
      %reduce_min3A_379 = arith.constant dense<2147483647> : vector<64xi32>
      %reduce_min3A_380 = vector.multi_reduction <minsi>, %select_n3A_378, %reduce_min3A_379 [1] : vector<64x4096xi32> to vector<64xi32>
      %broadcast_in_dim3A_381 = vector.shape_cast %reduce_min3A_380 : vector<64xi32> to vector<64x1xi32>
      %eq3A_382 = vector.broadcast %min3A_373 : vector<64x1xf32> to vector<64x16xf32>
      %eq3A_383 = arith.cmpf oeq, %select_n3A_366, %eq3A_382 : vector<64x16xf32>
      %jit3A_384 = arith.constant 2147483647 : i32
      %broadcast_in_dim3A_385 = vector.broadcast %jit3A_384 : i32 to vector<64x16xi32>
      %select_n3A_386 = arith.select %eq3A_383, %get3A_129, %broadcast_in_dim3A_385 : vector<64x16xi1>, vector<64x16xi32>
      %reduce_min3A_387 = arith.constant dense<2147483647> : vector<64xi32>
      %reduce_min3A_388 = vector.multi_reduction <minsi>, %select_n3A_386, %reduce_min3A_387 [1] : vector<64x16xi32> to vector<64xi32>
      %broadcast_in_dim3A_389 = vector.shape_cast %reduce_min3A_388 : vector<64xi32> to vector<64x1xi32>
      %min3A_390 = arith.minsi %broadcast_in_dim3A_381, %broadcast_in_dim3A_389 : vector<64x1xi32>
      %eq3A_391 = vector.broadcast %min3A_373 : vector<64x1xf32> to vector<64x4096xf32>
      %eq3A_392 = arith.cmpf oeq, %select_n3A_358, %eq3A_391 : vector<64x4096xf32>
      %eq3A_393 = vector.broadcast %min3A_390 : vector<64x1xi32> to vector<64x4096xi32>
      %eq3A_394 = arith.cmpi eq, %add3A_116, %eq3A_393 : vector<64x4096xi32>
      %and3A_395 = arith.andi %eq3A_392, %eq3A_394 : vector<64x4096xi1>
      %jit3A_396 = arith.constant 0x7F800000 : f32
      %broadcast_in_dim3A_397 = vector.broadcast %jit3A_396 : f32 to vector<64x4096xf32>
      %select_n3A_398 = arith.select %and3A_395, %broadcast_in_dim3A_397, %select_n3A_358 : vector<64x4096xi1>, vector<64x4096xf32>
      %eq3A_399 = vector.broadcast %min3A_373 : vector<64x1xf32> to vector<64x16xf32>
      %eq3A_400 = arith.cmpf oeq, %select_n3A_366, %eq3A_399 : vector<64x16xf32>
      %eq3A_401 = vector.broadcast %min3A_390 : vector<64x1xi32> to vector<64x16xi32>
      %eq3A_402 = arith.cmpi eq, %get3A_129, %eq3A_401 : vector<64x16xi32>
      %and3A_403 = arith.andi %eq3A_400, %eq3A_402 : vector<64x16xi1>
      %jit3A_404 = arith.constant 0x7F800000 : f32
      %broadcast_in_dim3A_405 = vector.broadcast %jit3A_404 : f32 to vector<64x16xf32>
      %select_n3A_406 = arith.select %and3A_403, %broadcast_in_dim3A_405, %select_n3A_366 : vector<64x16xi1>, vector<64x16xf32>
      %reduce_min3A_407 = arith.constant dense<0x7F800000> : vector<64xf32>
      %reduce_min3A_408 = vector.multi_reduction <minimumf>, %select_n3A_398, %reduce_min3A_407 [1] : vector<64x4096xf32> to vector<64xf32>
      %broadcast_in_dim3A_409 = vector.shape_cast %reduce_min3A_408 : vector<64xf32> to vector<64x1xf32>
      %reduce_min3A_410 = arith.constant dense<0x7F800000> : vector<64xf32>
      %reduce_min3A_411 = vector.multi_reduction <minimumf>, %select_n3A_406, %reduce_min3A_410 [1] : vector<64x16xf32> to vector<64xf32>
      %broadcast_in_dim3A_412 = vector.shape_cast %reduce_min3A_411 : vector<64xf32> to vector<64x1xf32>
      %min3A_413 = arith.minimumf %broadcast_in_dim3A_409, %broadcast_in_dim3A_412 : vector<64x1xf32>
      %eq3A_414 = vector.broadcast %min3A_413 : vector<64x1xf32> to vector<64x4096xf32>
      %eq3A_415 = arith.cmpf oeq, %select_n3A_398, %eq3A_414 : vector<64x4096xf32>
      %jit3A_416 = arith.constant 2147483647 : i32
      %broadcast_in_dim3A_417 = vector.broadcast %jit3A_416 : i32 to vector<64x4096xi32>
      %select_n3A_418 = arith.select %eq3A_415, %add3A_116, %broadcast_in_dim3A_417 : vector<64x4096xi1>, vector<64x4096xi32>
      %reduce_min3A_419 = arith.constant dense<2147483647> : vector<64xi32>
      %reduce_min3A_420 = vector.multi_reduction <minsi>, %select_n3A_418, %reduce_min3A_419 [1] : vector<64x4096xi32> to vector<64xi32>
      %broadcast_in_dim3A_421 = vector.shape_cast %reduce_min3A_420 : vector<64xi32> to vector<64x1xi32>
      %eq3A_422 = vector.broadcast %min3A_413 : vector<64x1xf32> to vector<64x16xf32>
      %eq3A_423 = arith.cmpf oeq, %select_n3A_406, %eq3A_422 : vector<64x16xf32>
      %jit3A_424 = arith.constant 2147483647 : i32
      %broadcast_in_dim3A_425 = vector.broadcast %jit3A_424 : i32 to vector<64x16xi32>
      %select_n3A_426 = arith.select %eq3A_423, %get3A_129, %broadcast_in_dim3A_425 : vector<64x16xi1>, vector<64x16xi32>
      %reduce_min3A_427 = arith.constant dense<2147483647> : vector<64xi32>
      %reduce_min3A_428 = vector.multi_reduction <minsi>, %select_n3A_426, %reduce_min3A_427 [1] : vector<64x16xi32> to vector<64xi32>
      %broadcast_in_dim3A_429 = vector.shape_cast %reduce_min3A_428 : vector<64xi32> to vector<64x1xi32>
      %min3A_430 = arith.minsi %broadcast_in_dim3A_421, %broadcast_in_dim3A_429 : vector<64x1xi32>
      %eq3A_431 = vector.broadcast %min3A_413 : vector<64x1xf32> to vector<64x4096xf32>
      %eq3A_432 = arith.cmpf oeq, %select_n3A_398, %eq3A_431 : vector<64x4096xf32>
      %eq3A_433 = vector.broadcast %min3A_430 : vector<64x1xi32> to vector<64x4096xi32>
      %eq3A_434 = arith.cmpi eq, %add3A_116, %eq3A_433 : vector<64x4096xi32>
      %and3A_435 = arith.andi %eq3A_432, %eq3A_434 : vector<64x4096xi1>
      %jit3A_436 = arith.constant 0x7F800000 : f32
      %broadcast_in_dim3A_437 = vector.broadcast %jit3A_436 : f32 to vector<64x4096xf32>
      %select_n3A_438 = arith.select %and3A_435, %broadcast_in_dim3A_437, %select_n3A_398 : vector<64x4096xi1>, vector<64x4096xf32>
      %eq3A_439 = vector.broadcast %min3A_413 : vector<64x1xf32> to vector<64x16xf32>
      %eq3A_440 = arith.cmpf oeq, %select_n3A_406, %eq3A_439 : vector<64x16xf32>
      %eq3A_441 = vector.broadcast %min3A_430 : vector<64x1xi32> to vector<64x16xi32>
      %eq3A_442 = arith.cmpi eq, %get3A_129, %eq3A_441 : vector<64x16xi32>
      %and3A_443 = arith.andi %eq3A_440, %eq3A_442 : vector<64x16xi1>
      %jit3A_444 = arith.constant 0x7F800000 : f32
      %broadcast_in_dim3A_445 = vector.broadcast %jit3A_444 : f32 to vector<64x16xf32>
      %select_n3A_446 = arith.select %and3A_443, %broadcast_in_dim3A_445, %select_n3A_406 : vector<64x16xi1>, vector<64x16xf32>
      %reduce_min3A_447 = arith.constant dense<0x7F800000> : vector<64xf32>
      %reduce_min3A_448 = vector.multi_reduction <minimumf>, %select_n3A_438, %reduce_min3A_447 [1] : vector<64x4096xf32> to vector<64xf32>
      %broadcast_in_dim3A_449 = vector.shape_cast %reduce_min3A_448 : vector<64xf32> to vector<64x1xf32>
      %reduce_min3A_450 = arith.constant dense<0x7F800000> : vector<64xf32>
      %reduce_min3A_451 = vector.multi_reduction <minimumf>, %select_n3A_446, %reduce_min3A_450 [1] : vector<64x16xf32> to vector<64xf32>
      %broadcast_in_dim3A_452 = vector.shape_cast %reduce_min3A_451 : vector<64xf32> to vector<64x1xf32>
      %min3A_453 = arith.minimumf %broadcast_in_dim3A_449, %broadcast_in_dim3A_452 : vector<64x1xf32>
      %eq3A_454 = vector.broadcast %min3A_453 : vector<64x1xf32> to vector<64x4096xf32>
      %eq3A_455 = arith.cmpf oeq, %select_n3A_438, %eq3A_454 : vector<64x4096xf32>
      %jit3A_456 = arith.constant 2147483647 : i32
      %broadcast_in_dim3A_457 = vector.broadcast %jit3A_456 : i32 to vector<64x4096xi32>
      %select_n3A_458 = arith.select %eq3A_455, %add3A_116, %broadcast_in_dim3A_457 : vector<64x4096xi1>, vector<64x4096xi32>
      %reduce_min3A_459 = arith.constant dense<2147483647> : vector<64xi32>
      %reduce_min3A_460 = vector.multi_reduction <minsi>, %select_n3A_458, %reduce_min3A_459 [1] : vector<64x4096xi32> to vector<64xi32>
      %broadcast_in_dim3A_461 = vector.shape_cast %reduce_min3A_460 : vector<64xi32> to vector<64x1xi32>
      %eq3A_462 = vector.broadcast %min3A_453 : vector<64x1xf32> to vector<64x16xf32>
      %eq3A_463 = arith.cmpf oeq, %select_n3A_446, %eq3A_462 : vector<64x16xf32>
      %jit3A_464 = arith.constant 2147483647 : i32
      %broadcast_in_dim3A_465 = vector.broadcast %jit3A_464 : i32 to vector<64x16xi32>
      %select_n3A_466 = arith.select %eq3A_463, %get3A_129, %broadcast_in_dim3A_465 : vector<64x16xi1>, vector<64x16xi32>
      %reduce_min3A_467 = arith.constant dense<2147483647> : vector<64xi32>
      %reduce_min3A_468 = vector.multi_reduction <minsi>, %select_n3A_466, %reduce_min3A_467 [1] : vector<64x16xi32> to vector<64xi32>
      %broadcast_in_dim3A_469 = vector.shape_cast %reduce_min3A_468 : vector<64xi32> to vector<64x1xi32>
      %min3A_470 = arith.minsi %broadcast_in_dim3A_461, %broadcast_in_dim3A_469 : vector<64x1xi32>
      %eq3A_471 = vector.broadcast %min3A_453 : vector<64x1xf32> to vector<64x4096xf32>
      %eq3A_472 = arith.cmpf oeq, %select_n3A_438, %eq3A_471 : vector<64x4096xf32>
      %eq3A_473 = vector.broadcast %min3A_470 : vector<64x1xi32> to vector<64x4096xi32>
      %eq3A_474 = arith.cmpi eq, %add3A_116, %eq3A_473 : vector<64x4096xi32>
      %and3A_475 = arith.andi %eq3A_472, %eq3A_474 : vector<64x4096xi1>
      %jit3A_476 = arith.constant 0x7F800000 : f32
      %broadcast_in_dim3A_477 = vector.broadcast %jit3A_476 : f32 to vector<64x4096xf32>
      %select_n3A_478 = arith.select %and3A_475, %broadcast_in_dim3A_477, %select_n3A_438 : vector<64x4096xi1>, vector<64x4096xf32>
      %eq3A_479 = vector.broadcast %min3A_453 : vector<64x1xf32> to vector<64x16xf32>
      %eq3A_480 = arith.cmpf oeq, %select_n3A_446, %eq3A_479 : vector<64x16xf32>
      %eq3A_481 = vector.broadcast %min3A_470 : vector<64x1xi32> to vector<64x16xi32>
      %eq3A_482 = arith.cmpi eq, %get3A_129, %eq3A_481 : vector<64x16xi32>
      %and3A_483 = arith.andi %eq3A_480, %eq3A_482 : vector<64x16xi1>
      %jit3A_484 = arith.constant 0x7F800000 : f32
      %broadcast_in_dim3A_485 = vector.broadcast %jit3A_484 : f32 to vector<64x16xf32>
      %select_n3A_486 = arith.select %and3A_483, %broadcast_in_dim3A_485, %select_n3A_446 : vector<64x16xi1>, vector<64x16xf32>
      %reduce_min3A_487 = arith.constant dense<0x7F800000> : vector<64xf32>
      %reduce_min3A_488 = vector.multi_reduction <minimumf>, %select_n3A_478, %reduce_min3A_487 [1] : vector<64x4096xf32> to vector<64xf32>
      %broadcast_in_dim3A_489 = vector.shape_cast %reduce_min3A_488 : vector<64xf32> to vector<64x1xf32>
      %reduce_min3A_490 = arith.constant dense<0x7F800000> : vector<64xf32>
      %reduce_min3A_491 = vector.multi_reduction <minimumf>, %select_n3A_486, %reduce_min3A_490 [1] : vector<64x16xf32> to vector<64xf32>
      %broadcast_in_dim3A_492 = vector.shape_cast %reduce_min3A_491 : vector<64xf32> to vector<64x1xf32>
      %min3A_493 = arith.minimumf %broadcast_in_dim3A_489, %broadcast_in_dim3A_492 : vector<64x1xf32>
      %eq3A_494 = vector.broadcast %min3A_493 : vector<64x1xf32> to vector<64x4096xf32>
      %eq3A_495 = arith.cmpf oeq, %select_n3A_478, %eq3A_494 : vector<64x4096xf32>
      %jit3A_496 = arith.constant 2147483647 : i32
      %broadcast_in_dim3A_497 = vector.broadcast %jit3A_496 : i32 to vector<64x4096xi32>
      %select_n3A_498 = arith.select %eq3A_495, %add3A_116, %broadcast_in_dim3A_497 : vector<64x4096xi1>, vector<64x4096xi32>
      %reduce_min3A_499 = arith.constant dense<2147483647> : vector<64xi32>
      %reduce_min3A_500 = vector.multi_reduction <minsi>, %select_n3A_498, %reduce_min3A_499 [1] : vector<64x4096xi32> to vector<64xi32>
      %broadcast_in_dim3A_501 = vector.shape_cast %reduce_min3A_500 : vector<64xi32> to vector<64x1xi32>
      %eq3A_502 = vector.broadcast %min3A_493 : vector<64x1xf32> to vector<64x16xf32>
      %eq3A_503 = arith.cmpf oeq, %select_n3A_486, %eq3A_502 : vector<64x16xf32>
      %jit3A_504 = arith.constant 2147483647 : i32
      %broadcast_in_dim3A_505 = vector.broadcast %jit3A_504 : i32 to vector<64x16xi32>
      %select_n3A_506 = arith.select %eq3A_503, %get3A_129, %broadcast_in_dim3A_505 : vector<64x16xi1>, vector<64x16xi32>
      %reduce_min3A_507 = arith.constant dense<2147483647> : vector<64xi32>
      %reduce_min3A_508 = vector.multi_reduction <minsi>, %select_n3A_506, %reduce_min3A_507 [1] : vector<64x16xi32> to vector<64xi32>
      %broadcast_in_dim3A_509 = vector.shape_cast %reduce_min3A_508 : vector<64xi32> to vector<64x1xi32>
      %min3A_510 = arith.minsi %broadcast_in_dim3A_501, %broadcast_in_dim3A_509 : vector<64x1xi32>
      %eq3A_511 = vector.broadcast %min3A_493 : vector<64x1xf32> to vector<64x4096xf32>
      %eq3A_512 = arith.cmpf oeq, %select_n3A_478, %eq3A_511 : vector<64x4096xf32>
      %eq3A_513 = vector.broadcast %min3A_510 : vector<64x1xi32> to vector<64x4096xi32>
      %eq3A_514 = arith.cmpi eq, %add3A_116, %eq3A_513 : vector<64x4096xi32>
      %and3A_515 = arith.andi %eq3A_512, %eq3A_514 : vector<64x4096xi1>
      %jit3A_516 = arith.constant 0x7F800000 : f32
      %broadcast_in_dim3A_517 = vector.broadcast %jit3A_516 : f32 to vector<64x4096xf32>
      %select_n3A_518 = arith.select %and3A_515, %broadcast_in_dim3A_517, %select_n3A_478 : vector<64x4096xi1>, vector<64x4096xf32>
      %eq3A_519 = vector.broadcast %min3A_493 : vector<64x1xf32> to vector<64x16xf32>
      %eq3A_520 = arith.cmpf oeq, %select_n3A_486, %eq3A_519 : vector<64x16xf32>
      %eq3A_521 = vector.broadcast %min3A_510 : vector<64x1xi32> to vector<64x16xi32>
      %eq3A_522 = arith.cmpi eq, %get3A_129, %eq3A_521 : vector<64x16xi32>
      %and3A_523 = arith.andi %eq3A_520, %eq3A_522 : vector<64x16xi1>
      %jit3A_524 = arith.constant 0x7F800000 : f32
      %broadcast_in_dim3A_525 = vector.broadcast %jit3A_524 : f32 to vector<64x16xf32>
      %select_n3A_526 = arith.select %and3A_523, %broadcast_in_dim3A_525, %select_n3A_486 : vector<64x16xi1>, vector<64x16xf32>
      %reduce_min3A_527 = arith.constant dense<0x7F800000> : vector<64xf32>
      %reduce_min3A_528 = vector.multi_reduction <minimumf>, %select_n3A_518, %reduce_min3A_527 [1] : vector<64x4096xf32> to vector<64xf32>
      %broadcast_in_dim3A_529 = vector.shape_cast %reduce_min3A_528 : vector<64xf32> to vector<64x1xf32>
      %reduce_min3A_530 = arith.constant dense<0x7F800000> : vector<64xf32>
      %reduce_min3A_531 = vector.multi_reduction <minimumf>, %select_n3A_526, %reduce_min3A_530 [1] : vector<64x16xf32> to vector<64xf32>
      %broadcast_in_dim3A_532 = vector.shape_cast %reduce_min3A_531 : vector<64xf32> to vector<64x1xf32>
      %min3A_533 = arith.minimumf %broadcast_in_dim3A_529, %broadcast_in_dim3A_532 : vector<64x1xf32>
      %eq3A_534 = vector.broadcast %min3A_533 : vector<64x1xf32> to vector<64x4096xf32>
      %eq3A_535 = arith.cmpf oeq, %select_n3A_518, %eq3A_534 : vector<64x4096xf32>
      %jit3A_536 = arith.constant 2147483647 : i32
      %broadcast_in_dim3A_537 = vector.broadcast %jit3A_536 : i32 to vector<64x4096xi32>
      %select_n3A_538 = arith.select %eq3A_535, %add3A_116, %broadcast_in_dim3A_537 : vector<64x4096xi1>, vector<64x4096xi32>
      %reduce_min3A_539 = arith.constant dense<2147483647> : vector<64xi32>
      %reduce_min3A_540 = vector.multi_reduction <minsi>, %select_n3A_538, %reduce_min3A_539 [1] : vector<64x4096xi32> to vector<64xi32>
      %broadcast_in_dim3A_541 = vector.shape_cast %reduce_min3A_540 : vector<64xi32> to vector<64x1xi32>
      %eq3A_542 = vector.broadcast %min3A_533 : vector<64x1xf32> to vector<64x16xf32>
      %eq3A_543 = arith.cmpf oeq, %select_n3A_526, %eq3A_542 : vector<64x16xf32>
      %jit3A_544 = arith.constant 2147483647 : i32
      %broadcast_in_dim3A_545 = vector.broadcast %jit3A_544 : i32 to vector<64x16xi32>
      %select_n3A_546 = arith.select %eq3A_543, %get3A_129, %broadcast_in_dim3A_545 : vector<64x16xi1>, vector<64x16xi32>
      %reduce_min3A_547 = arith.constant dense<2147483647> : vector<64xi32>
      %reduce_min3A_548 = vector.multi_reduction <minsi>, %select_n3A_546, %reduce_min3A_547 [1] : vector<64x16xi32> to vector<64xi32>
      %broadcast_in_dim3A_549 = vector.shape_cast %reduce_min3A_548 : vector<64xi32> to vector<64x1xi32>
      %min3A_550 = arith.minsi %broadcast_in_dim3A_541, %broadcast_in_dim3A_549 : vector<64x1xi32>
      %eq3A_551 = vector.broadcast %min3A_533 : vector<64x1xf32> to vector<64x4096xf32>
      %eq3A_552 = arith.cmpf oeq, %select_n3A_518, %eq3A_551 : vector<64x4096xf32>
      %eq3A_553 = vector.broadcast %min3A_550 : vector<64x1xi32> to vector<64x4096xi32>
      %eq3A_554 = arith.cmpi eq, %add3A_116, %eq3A_553 : vector<64x4096xi32>
      %and3A_555 = arith.andi %eq3A_552, %eq3A_554 : vector<64x4096xi1>
      %jit3A_556 = arith.constant 0x7F800000 : f32
      %broadcast_in_dim3A_557 = vector.broadcast %jit3A_556 : f32 to vector<64x4096xf32>
      %select_n3A_558 = arith.select %and3A_555, %broadcast_in_dim3A_557, %select_n3A_518 : vector<64x4096xi1>, vector<64x4096xf32>
      %eq3A_559 = vector.broadcast %min3A_533 : vector<64x1xf32> to vector<64x16xf32>
      %eq3A_560 = arith.cmpf oeq, %select_n3A_526, %eq3A_559 : vector<64x16xf32>
      %eq3A_561 = vector.broadcast %min3A_550 : vector<64x1xi32> to vector<64x16xi32>
      %eq3A_562 = arith.cmpi eq, %get3A_129, %eq3A_561 : vector<64x16xi32>
      %and3A_563 = arith.andi %eq3A_560, %eq3A_562 : vector<64x16xi1>
      %jit3A_564 = arith.constant 0x7F800000 : f32
      %broadcast_in_dim3A_565 = vector.broadcast %jit3A_564 : f32 to vector<64x16xf32>
      %select_n3A_566 = arith.select %and3A_563, %broadcast_in_dim3A_565, %select_n3A_526 : vector<64x16xi1>, vector<64x16xf32>
      %reduce_min3A_567 = arith.constant dense<0x7F800000> : vector<64xf32>
      %reduce_min3A_568 = vector.multi_reduction <minimumf>, %select_n3A_558, %reduce_min3A_567 [1] : vector<64x4096xf32> to vector<64xf32>
      %broadcast_in_dim3A_569 = vector.shape_cast %reduce_min3A_568 : vector<64xf32> to vector<64x1xf32>
      %reduce_min3A_570 = arith.constant dense<0x7F800000> : vector<64xf32>
      %reduce_min3A_571 = vector.multi_reduction <minimumf>, %select_n3A_566, %reduce_min3A_570 [1] : vector<64x16xf32> to vector<64xf32>
      %broadcast_in_dim3A_572 = vector.shape_cast %reduce_min3A_571 : vector<64xf32> to vector<64x1xf32>
      %min3A_573 = arith.minimumf %broadcast_in_dim3A_569, %broadcast_in_dim3A_572 : vector<64x1xf32>
      %eq3A_574 = vector.broadcast %min3A_573 : vector<64x1xf32> to vector<64x4096xf32>
      %eq3A_575 = arith.cmpf oeq, %select_n3A_558, %eq3A_574 : vector<64x4096xf32>
      %jit3A_576 = arith.constant 2147483647 : i32
      %broadcast_in_dim3A_577 = vector.broadcast %jit3A_576 : i32 to vector<64x4096xi32>
      %select_n3A_578 = arith.select %eq3A_575, %add3A_116, %broadcast_in_dim3A_577 : vector<64x4096xi1>, vector<64x4096xi32>
      %reduce_min3A_579 = arith.constant dense<2147483647> : vector<64xi32>
      %reduce_min3A_580 = vector.multi_reduction <minsi>, %select_n3A_578, %reduce_min3A_579 [1] : vector<64x4096xi32> to vector<64xi32>
      %broadcast_in_dim3A_581 = vector.shape_cast %reduce_min3A_580 : vector<64xi32> to vector<64x1xi32>
      %eq3A_582 = vector.broadcast %min3A_573 : vector<64x1xf32> to vector<64x16xf32>
      %eq3A_583 = arith.cmpf oeq, %select_n3A_566, %eq3A_582 : vector<64x16xf32>
      %jit3A_584 = arith.constant 2147483647 : i32
      %broadcast_in_dim3A_585 = vector.broadcast %jit3A_584 : i32 to vector<64x16xi32>
      %select_n3A_586 = arith.select %eq3A_583, %get3A_129, %broadcast_in_dim3A_585 : vector<64x16xi1>, vector<64x16xi32>
      %reduce_min3A_587 = arith.constant dense<2147483647> : vector<64xi32>
      %reduce_min3A_588 = vector.multi_reduction <minsi>, %select_n3A_586, %reduce_min3A_587 [1] : vector<64x16xi32> to vector<64xi32>
      %broadcast_in_dim3A_589 = vector.shape_cast %reduce_min3A_588 : vector<64xi32> to vector<64x1xi32>
      %min3A_590 = arith.minsi %broadcast_in_dim3A_581, %broadcast_in_dim3A_589 : vector<64x1xi32>
      %eq3A_591 = vector.broadcast %min3A_573 : vector<64x1xf32> to vector<64x4096xf32>
      %eq3A_592 = arith.cmpf oeq, %select_n3A_558, %eq3A_591 : vector<64x4096xf32>
      %eq3A_593 = vector.broadcast %min3A_590 : vector<64x1xi32> to vector<64x4096xi32>
      %eq3A_594 = arith.cmpi eq, %add3A_116, %eq3A_593 : vector<64x4096xi32>
      %and3A_595 = arith.andi %eq3A_592, %eq3A_594 : vector<64x4096xi1>
      %jit3A_596 = arith.constant 0x7F800000 : f32
      %broadcast_in_dim3A_597 = vector.broadcast %jit3A_596 : f32 to vector<64x4096xf32>
      %select_n3A_598 = arith.select %and3A_595, %broadcast_in_dim3A_597, %select_n3A_558 : vector<64x4096xi1>, vector<64x4096xf32>
      %eq3A_599 = vector.broadcast %min3A_573 : vector<64x1xf32> to vector<64x16xf32>
      %eq3A_600 = arith.cmpf oeq, %select_n3A_566, %eq3A_599 : vector<64x16xf32>
      %eq3A_601 = vector.broadcast %min3A_590 : vector<64x1xi32> to vector<64x16xi32>
      %eq3A_602 = arith.cmpi eq, %get3A_129, %eq3A_601 : vector<64x16xi32>
      %and3A_603 = arith.andi %eq3A_600, %eq3A_602 : vector<64x16xi1>
      %jit3A_604 = arith.constant 0x7F800000 : f32
      %broadcast_in_dim3A_605 = vector.broadcast %jit3A_604 : f32 to vector<64x16xf32>
      %select_n3A_606 = arith.select %and3A_603, %broadcast_in_dim3A_605, %select_n3A_566 : vector<64x16xi1>, vector<64x16xf32>
      %reduce_min3A_607 = arith.constant dense<0x7F800000> : vector<64xf32>
      %reduce_min3A_608 = vector.multi_reduction <minimumf>, %select_n3A_598, %reduce_min3A_607 [1] : vector<64x4096xf32> to vector<64xf32>
      %broadcast_in_dim3A_609 = vector.shape_cast %reduce_min3A_608 : vector<64xf32> to vector<64x1xf32>
      %reduce_min3A_610 = arith.constant dense<0x7F800000> : vector<64xf32>
      %reduce_min3A_611 = vector.multi_reduction <minimumf>, %select_n3A_606, %reduce_min3A_610 [1] : vector<64x16xf32> to vector<64xf32>
      %broadcast_in_dim3A_612 = vector.shape_cast %reduce_min3A_611 : vector<64xf32> to vector<64x1xf32>
      %min3A_613 = arith.minimumf %broadcast_in_dim3A_609, %broadcast_in_dim3A_612 : vector<64x1xf32>
      %eq3A_614 = vector.broadcast %min3A_613 : vector<64x1xf32> to vector<64x4096xf32>
      %eq3A_615 = arith.cmpf oeq, %select_n3A_598, %eq3A_614 : vector<64x4096xf32>
      %jit3A_616 = arith.constant 2147483647 : i32
      %broadcast_in_dim3A_617 = vector.broadcast %jit3A_616 : i32 to vector<64x4096xi32>
      %select_n3A_618 = arith.select %eq3A_615, %add3A_116, %broadcast_in_dim3A_617 : vector<64x4096xi1>, vector<64x4096xi32>
      %reduce_min3A_619 = arith.constant dense<2147483647> : vector<64xi32>
      %reduce_min3A_620 = vector.multi_reduction <minsi>, %select_n3A_618, %reduce_min3A_619 [1] : vector<64x4096xi32> to vector<64xi32>
      %broadcast_in_dim3A_621 = vector.shape_cast %reduce_min3A_620 : vector<64xi32> to vector<64x1xi32>
      %eq3A_622 = vector.broadcast %min3A_613 : vector<64x1xf32> to vector<64x16xf32>
      %eq3A_623 = arith.cmpf oeq, %select_n3A_606, %eq3A_622 : vector<64x16xf32>
      %jit3A_624 = arith.constant 2147483647 : i32
      %broadcast_in_dim3A_625 = vector.broadcast %jit3A_624 : i32 to vector<64x16xi32>
      %select_n3A_626 = arith.select %eq3A_623, %get3A_129, %broadcast_in_dim3A_625 : vector<64x16xi1>, vector<64x16xi32>
      %reduce_min3A_627 = arith.constant dense<2147483647> : vector<64xi32>
      %reduce_min3A_628 = vector.multi_reduction <minsi>, %select_n3A_626, %reduce_min3A_627 [1] : vector<64x16xi32> to vector<64xi32>
      %broadcast_in_dim3A_629 = vector.shape_cast %reduce_min3A_628 : vector<64xi32> to vector<64x1xi32>
      %min3A_630 = arith.minsi %broadcast_in_dim3A_621, %broadcast_in_dim3A_629 : vector<64x1xi32>
      %eq3A_631 = vector.broadcast %min3A_613 : vector<64x1xf32> to vector<64x4096xf32>
      %eq3A_632 = arith.cmpf oeq, %select_n3A_598, %eq3A_631 : vector<64x4096xf32>
      %eq3A_633 = vector.broadcast %min3A_630 : vector<64x1xi32> to vector<64x4096xi32>
      %eq3A_634 = arith.cmpi eq, %add3A_116, %eq3A_633 : vector<64x4096xi32>
      %and3A_635 = arith.andi %eq3A_632, %eq3A_634 : vector<64x4096xi1>
      %jit3A_636 = arith.constant 0x7F800000 : f32
      %broadcast_in_dim3A_637 = vector.broadcast %jit3A_636 : f32 to vector<64x4096xf32>
      %select_n3A_638 = arith.select %and3A_635, %broadcast_in_dim3A_637, %select_n3A_598 : vector<64x4096xi1>, vector<64x4096xf32>
      %eq3A_639 = vector.broadcast %min3A_613 : vector<64x1xf32> to vector<64x16xf32>
      %eq3A_640 = arith.cmpf oeq, %select_n3A_606, %eq3A_639 : vector<64x16xf32>
      %eq3A_641 = vector.broadcast %min3A_630 : vector<64x1xi32> to vector<64x16xi32>
      %eq3A_642 = arith.cmpi eq, %get3A_129, %eq3A_641 : vector<64x16xi32>
      %and3A_643 = arith.andi %eq3A_640, %eq3A_642 : vector<64x16xi1>
      %jit3A_644 = arith.constant 0x7F800000 : f32
      %broadcast_in_dim3A_645 = vector.broadcast %jit3A_644 : f32 to vector<64x16xf32>
      %select_n3A_646 = arith.select %and3A_643, %broadcast_in_dim3A_645, %select_n3A_606 : vector<64x16xi1>, vector<64x16xf32>
      %reduce_min3A_647 = arith.constant dense<0x7F800000> : vector<64xf32>
      %reduce_min3A_648 = vector.multi_reduction <minimumf>, %select_n3A_638, %reduce_min3A_647 [1] : vector<64x4096xf32> to vector<64xf32>
      %broadcast_in_dim3A_649 = vector.shape_cast %reduce_min3A_648 : vector<64xf32> to vector<64x1xf32>
      %reduce_min3A_650 = arith.constant dense<0x7F800000> : vector<64xf32>
      %reduce_min3A_651 = vector.multi_reduction <minimumf>, %select_n3A_646, %reduce_min3A_650 [1] : vector<64x16xf32> to vector<64xf32>
      %broadcast_in_dim3A_652 = vector.shape_cast %reduce_min3A_651 : vector<64xf32> to vector<64x1xf32>
      %min3A_653 = arith.minimumf %broadcast_in_dim3A_649, %broadcast_in_dim3A_652 : vector<64x1xf32>
      %eq3A_654 = vector.broadcast %min3A_653 : vector<64x1xf32> to vector<64x4096xf32>
      %eq3A_655 = arith.cmpf oeq, %select_n3A_638, %eq3A_654 : vector<64x4096xf32>
      %jit3A_656 = arith.constant 2147483647 : i32
      %broadcast_in_dim3A_657 = vector.broadcast %jit3A_656 : i32 to vector<64x4096xi32>
      %select_n3A_658 = arith.select %eq3A_655, %add3A_116, %broadcast_in_dim3A_657 : vector<64x4096xi1>, vector<64x4096xi32>
      %reduce_min3A_659 = arith.constant dense<2147483647> : vector<64xi32>
      %reduce_min3A_660 = vector.multi_reduction <minsi>, %select_n3A_658, %reduce_min3A_659 [1] : vector<64x4096xi32> to vector<64xi32>
      %broadcast_in_dim3A_661 = vector.shape_cast %reduce_min3A_660 : vector<64xi32> to vector<64x1xi32>
      %eq3A_662 = vector.broadcast %min3A_653 : vector<64x1xf32> to vector<64x16xf32>
      %eq3A_663 = arith.cmpf oeq, %select_n3A_646, %eq3A_662 : vector<64x16xf32>
      %jit3A_664 = arith.constant 2147483647 : i32
      %broadcast_in_dim3A_665 = vector.broadcast %jit3A_664 : i32 to vector<64x16xi32>
      %select_n3A_666 = arith.select %eq3A_663, %get3A_129, %broadcast_in_dim3A_665 : vector<64x16xi1>, vector<64x16xi32>
      %reduce_min3A_667 = arith.constant dense<2147483647> : vector<64xi32>
      %reduce_min3A_668 = vector.multi_reduction <minsi>, %select_n3A_666, %reduce_min3A_667 [1] : vector<64x16xi32> to vector<64xi32>
      %broadcast_in_dim3A_669 = vector.shape_cast %reduce_min3A_668 : vector<64xi32> to vector<64x1xi32>
      %min3A_670 = arith.minsi %broadcast_in_dim3A_661, %broadcast_in_dim3A_669 : vector<64x1xi32>
      %eq3A_671 = vector.broadcast %min3A_653 : vector<64x1xf32> to vector<64x4096xf32>
      %eq3A_672 = arith.cmpf oeq, %select_n3A_638, %eq3A_671 : vector<64x4096xf32>
      %eq3A_673 = vector.broadcast %min3A_670 : vector<64x1xi32> to vector<64x4096xi32>
      %eq3A_674 = arith.cmpi eq, %add3A_116, %eq3A_673 : vector<64x4096xi32>
      %and3A_675 = arith.andi %eq3A_672, %eq3A_674 : vector<64x4096xi1>
      %jit3A_676 = arith.constant 0x7F800000 : f32
      %broadcast_in_dim3A_677 = vector.broadcast %jit3A_676 : f32 to vector<64x4096xf32>
      %select_n3A_678 = arith.select %and3A_675, %broadcast_in_dim3A_677, %select_n3A_638 : vector<64x4096xi1>, vector<64x4096xf32>
      %eq3A_679 = vector.broadcast %min3A_653 : vector<64x1xf32> to vector<64x16xf32>
      %eq3A_680 = arith.cmpf oeq, %select_n3A_646, %eq3A_679 : vector<64x16xf32>
      %eq3A_681 = vector.broadcast %min3A_670 : vector<64x1xi32> to vector<64x16xi32>
      %eq3A_682 = arith.cmpi eq, %get3A_129, %eq3A_681 : vector<64x16xi32>
      %and3A_683 = arith.andi %eq3A_680, %eq3A_682 : vector<64x16xi1>
      %jit3A_684 = arith.constant 0x7F800000 : f32
      %broadcast_in_dim3A_685 = vector.broadcast %jit3A_684 : f32 to vector<64x16xf32>
      %select_n3A_686 = arith.select %and3A_683, %broadcast_in_dim3A_685, %select_n3A_646 : vector<64x16xi1>, vector<64x16xf32>
      %reduce_min3A_687 = arith.constant dense<0x7F800000> : vector<64xf32>
      %reduce_min3A_688 = vector.multi_reduction <minimumf>, %select_n3A_678, %reduce_min3A_687 [1] : vector<64x4096xf32> to vector<64xf32>
      %broadcast_in_dim3A_689 = vector.shape_cast %reduce_min3A_688 : vector<64xf32> to vector<64x1xf32>
      %reduce_min3A_690 = arith.constant dense<0x7F800000> : vector<64xf32>
      %reduce_min3A_691 = vector.multi_reduction <minimumf>, %select_n3A_686, %reduce_min3A_690 [1] : vector<64x16xf32> to vector<64xf32>
      %broadcast_in_dim3A_692 = vector.shape_cast %reduce_min3A_691 : vector<64xf32> to vector<64x1xf32>
      %min3A_693 = arith.minimumf %broadcast_in_dim3A_689, %broadcast_in_dim3A_692 : vector<64x1xf32>
      %eq3A_694 = vector.broadcast %min3A_693 : vector<64x1xf32> to vector<64x4096xf32>
      %eq3A_695 = arith.cmpf oeq, %select_n3A_678, %eq3A_694 : vector<64x4096xf32>
      %jit3A_696 = arith.constant 2147483647 : i32
      %broadcast_in_dim3A_697 = vector.broadcast %jit3A_696 : i32 to vector<64x4096xi32>
      %select_n3A_698 = arith.select %eq3A_695, %add3A_116, %broadcast_in_dim3A_697 : vector<64x4096xi1>, vector<64x4096xi32>
      %reduce_min3A_699 = arith.constant dense<2147483647> : vector<64xi32>
      %reduce_min3A_700 = vector.multi_reduction <minsi>, %select_n3A_698, %reduce_min3A_699 [1] : vector<64x4096xi32> to vector<64xi32>
      %broadcast_in_dim3A_701 = vector.shape_cast %reduce_min3A_700 : vector<64xi32> to vector<64x1xi32>
      %eq3A_702 = vector.broadcast %min3A_693 : vector<64x1xf32> to vector<64x16xf32>
      %eq3A_703 = arith.cmpf oeq, %select_n3A_686, %eq3A_702 : vector<64x16xf32>
      %jit3A_704 = arith.constant 2147483647 : i32
      %broadcast_in_dim3A_705 = vector.broadcast %jit3A_704 : i32 to vector<64x16xi32>
      %select_n3A_706 = arith.select %eq3A_703, %get3A_129, %broadcast_in_dim3A_705 : vector<64x16xi1>, vector<64x16xi32>
      %reduce_min3A_707 = arith.constant dense<2147483647> : vector<64xi32>
      %reduce_min3A_708 = vector.multi_reduction <minsi>, %select_n3A_706, %reduce_min3A_707 [1] : vector<64x16xi32> to vector<64xi32>
      %broadcast_in_dim3A_709 = vector.shape_cast %reduce_min3A_708 : vector<64xi32> to vector<64x1xi32>
      %min3A_710 = arith.minsi %broadcast_in_dim3A_701, %broadcast_in_dim3A_709 : vector<64x1xi32>
      %eq3A_711 = vector.broadcast %min3A_693 : vector<64x1xf32> to vector<64x4096xf32>
      %eq3A_712 = arith.cmpf oeq, %select_n3A_678, %eq3A_711 : vector<64x4096xf32>
      %eq3A_713 = vector.broadcast %min3A_710 : vector<64x1xi32> to vector<64x4096xi32>
      %eq3A_714 = arith.cmpi eq, %add3A_116, %eq3A_713 : vector<64x4096xi32>
      %and3A_715 = arith.andi %eq3A_712, %eq3A_714 : vector<64x4096xi1>
      %jit3A_716 = arith.constant 0x7F800000 : f32
      %broadcast_in_dim3A_717 = vector.broadcast %jit3A_716 : f32 to vector<64x4096xf32>
      %select_n3A_718 = arith.select %and3A_715, %broadcast_in_dim3A_717, %select_n3A_678 : vector<64x4096xi1>, vector<64x4096xf32>
      %eq3A_719 = vector.broadcast %min3A_693 : vector<64x1xf32> to vector<64x16xf32>
      %eq3A_720 = arith.cmpf oeq, %select_n3A_686, %eq3A_719 : vector<64x16xf32>
      %eq3A_721 = vector.broadcast %min3A_710 : vector<64x1xi32> to vector<64x16xi32>
      %eq3A_722 = arith.cmpi eq, %get3A_129, %eq3A_721 : vector<64x16xi32>
      %and3A_723 = arith.andi %eq3A_720, %eq3A_722 : vector<64x16xi1>
      %jit3A_724 = arith.constant 0x7F800000 : f32
      %broadcast_in_dim3A_725 = vector.broadcast %jit3A_724 : f32 to vector<64x16xf32>
      %select_n3A_726 = arith.select %and3A_723, %broadcast_in_dim3A_725, %select_n3A_686 : vector<64x16xi1>, vector<64x16xf32>
      %reduce_min3A_727 = arith.constant dense<0x7F800000> : vector<64xf32>
      %reduce_min3A_728 = vector.multi_reduction <minimumf>, %select_n3A_718, %reduce_min3A_727 [1] : vector<64x4096xf32> to vector<64xf32>
      %broadcast_in_dim3A_729 = vector.shape_cast %reduce_min3A_728 : vector<64xf32> to vector<64x1xf32>
      %reduce_min3A_730 = arith.constant dense<0x7F800000> : vector<64xf32>
      %reduce_min3A_731 = vector.multi_reduction <minimumf>, %select_n3A_726, %reduce_min3A_730 [1] : vector<64x16xf32> to vector<64xf32>
      %broadcast_in_dim3A_732 = vector.shape_cast %reduce_min3A_731 : vector<64xf32> to vector<64x1xf32>
      %min3A_733 = arith.minimumf %broadcast_in_dim3A_729, %broadcast_in_dim3A_732 : vector<64x1xf32>
      %eq3A_734 = vector.broadcast %min3A_733 : vector<64x1xf32> to vector<64x4096xf32>
      %eq3A_735 = arith.cmpf oeq, %select_n3A_718, %eq3A_734 : vector<64x4096xf32>
      %jit3A_736 = arith.constant 2147483647 : i32
      %broadcast_in_dim3A_737 = vector.broadcast %jit3A_736 : i32 to vector<64x4096xi32>
      %select_n3A_738 = arith.select %eq3A_735, %add3A_116, %broadcast_in_dim3A_737 : vector<64x4096xi1>, vector<64x4096xi32>
      %reduce_min3A_739 = arith.constant dense<2147483647> : vector<64xi32>
      %reduce_min3A_740 = vector.multi_reduction <minsi>, %select_n3A_738, %reduce_min3A_739 [1] : vector<64x4096xi32> to vector<64xi32>
      %broadcast_in_dim3A_741 = vector.shape_cast %reduce_min3A_740 : vector<64xi32> to vector<64x1xi32>
      %eq3A_742 = vector.broadcast %min3A_733 : vector<64x1xf32> to vector<64x16xf32>
      %eq3A_743 = arith.cmpf oeq, %select_n3A_726, %eq3A_742 : vector<64x16xf32>
      %jit3A_744 = arith.constant 2147483647 : i32
      %broadcast_in_dim3A_745 = vector.broadcast %jit3A_744 : i32 to vector<64x16xi32>
      %select_n3A_746 = arith.select %eq3A_743, %get3A_129, %broadcast_in_dim3A_745 : vector<64x16xi1>, vector<64x16xi32>
      %reduce_min3A_747 = arith.constant dense<2147483647> : vector<64xi32>
      %reduce_min3A_748 = vector.multi_reduction <minsi>, %select_n3A_746, %reduce_min3A_747 [1] : vector<64x16xi32> to vector<64xi32>
      %broadcast_in_dim3A_749 = vector.shape_cast %reduce_min3A_748 : vector<64xi32> to vector<64x1xi32>
      %min3A_750 = arith.minsi %broadcast_in_dim3A_741, %broadcast_in_dim3A_749 : vector<64x1xi32>
      %eq3A_751 = vector.broadcast %min3A_733 : vector<64x1xf32> to vector<64x4096xf32>
      %eq3A_752 = arith.cmpf oeq, %select_n3A_718, %eq3A_751 : vector<64x4096xf32>
      %eq3A_753 = vector.broadcast %min3A_750 : vector<64x1xi32> to vector<64x4096xi32>
      %eq3A_754 = arith.cmpi eq, %add3A_116, %eq3A_753 : vector<64x4096xi32>
      %and3A_755 = arith.andi %eq3A_752, %eq3A_754 : vector<64x4096xi1>
      %jit3A_756 = arith.constant 0x7F800000 : f32
      %broadcast_in_dim3A_757 = vector.broadcast %jit3A_756 : f32 to vector<64x4096xf32>
      %select_n3A_758 = arith.select %and3A_755, %broadcast_in_dim3A_757, %select_n3A_718 : vector<64x4096xi1>, vector<64x4096xf32>
      %eq3A_759 = vector.broadcast %min3A_733 : vector<64x1xf32> to vector<64x16xf32>
      %eq3A_760 = arith.cmpf oeq, %select_n3A_726, %eq3A_759 : vector<64x16xf32>
      %eq3A_761 = vector.broadcast %min3A_750 : vector<64x1xi32> to vector<64x16xi32>
      %eq3A_762 = arith.cmpi eq, %get3A_129, %eq3A_761 : vector<64x16xi32>
      %and3A_763 = arith.andi %eq3A_760, %eq3A_762 : vector<64x16xi1>
      %jit3A_764 = arith.constant 0x7F800000 : f32
      %broadcast_in_dim3A_765 = vector.broadcast %jit3A_764 : f32 to vector<64x16xf32>
      %select_n3A_766 = arith.select %and3A_763, %broadcast_in_dim3A_765, %select_n3A_726 : vector<64x16xi1>, vector<64x16xf32>
      %concatenate3A = tpu.concatenate %min3A, %min3A_173, %min3A_213, %min3A_253, %min3A_293, %min3A_333, %min3A_373, %min3A_413, %min3A_453, %min3A_493, %min3A_533, %min3A_573, %min3A_613, %min3A_653, %min3A_693, %min3A_733 in 1 : vector<64x1xf32>, vector<64x1xf32>, vector<64x1xf32>, vector<64x1xf32>, vector<64x1xf32>, vector<64x1xf32>, vector<64x1xf32>, vector<64x1xf32>, vector<64x1xf32>, vector<64x1xf32>, vector<64x1xf32>, vector<64x1xf32>, vector<64x1xf32>, vector<64x1xf32>, vector<64x1xf32>, vector<64x1xf32> -> vector<64x16xf32>
      %swap3A_767 = arith.constant 0 : index
      %swap3A_768 = arith.constant 0 : index
      %swap3A_769 = vector.load %arg7[%swap3A_767, %swap3A_768] : memref<64x16xf32, #tpu.memory_space<vmem>>, vector<64x16xf32>
      tpu.vector_store %arg7[%swap3A_767, %swap3A_768], %concatenate3A {strides = array<i32>} : memref<64x16xf32, #tpu.memory_space<vmem>>, vector<64x16xf32>,
      %concatenate3A_770 = tpu.concatenate %min3A_150, %min3A_190, %min3A_230, %min3A_270, %min3A_310, %min3A_350, %min3A_390, %min3A_430, %min3A_470, %min3A_510, %min3A_550, %min3A_590, %min3A_630, %min3A_670, %min3A_710, %min3A_750 in 1 : vector<64x1xi32>, vector<64x1xi32>, vector<64x1xi32>, vector<64x1xi32>, vector<64x1xi32>, vector<64x1xi32>, vector<64x1xi32>, vector<64x1xi32>, vector<64x1xi32>, vector<64x1xi32>, vector<64x1xi32>, vector<64x1xi32>, vector<64x1xi32>, vector<64x1xi32>, vector<64x1xi32>, vector<64x1xi32> -> vector<64x16xi32>
      %swap3A_771 = arith.constant 0 : index
      %swap3A_772 = arith.constant 0 : index
      %swap3A_773 = vector.load %arg8[%swap3A_771, %swap3A_772] : memref<64x16xi32, #tpu.memory_space<vmem>>, vector<64x16xi32>
      tpu.vector_store %arg8[%swap3A_771, %swap3A_772], %concatenate3A_770 {strides = array<i32>} : memref<64x16xi32, #tpu.memory_space<vmem>>, vector<64x16xi32>,
      %while3A_774 = arith.constant 0 : i32
      scf.yield %while3A_774 : i32
    }
    %get3A_77 = arith.constant 0 : index
    %get3A_78 = arith.constant 0 : index
    %get3A_79 = vector.load %arg8[%get3A_77, %get3A_78] : memref<64x16xi32, #tpu.memory_space<vmem>>, vector<64x16xi32>
    %swap3A_80 = arith.constant 0 : index
    %swap3A_81 = arith.constant 0 : index
    %swap3A_82 = arith.constant 0 : index
    %swap3A_83 = vector.load %arg5[%swap3A_80, %swap3A_81, %swap3A_82] : memref<1x64x16xi32, #tpu.memory_space<vmem>>, vector<1x64x16xi32>
    %swap3A_84 = vector.shape_cast %swap3A_83 : vector<1x64x16xi32> to vector<64x16xi32>
    %swap3A_85 = vector.shape_cast %get3A_79 : vector<64x16xi32> to vector<1x64x16xi32>
    tpu.vector_store %arg5[%swap3A_80, %swap3A_81, %swap3A_82], %swap3A_85 {strides = array<i32>} : memref<1x64x16xi32, #tpu.memory_space<vmem>>, vector<1x64x16xi32>,
    %get3A_86 = arith.constant 0 : index
    %get3A_87 = arith.constant 0 : index
    %get3A_88 = vector.load %arg7[%get3A_86, %get3A_87] : memref<64x16xf32, #tpu.memory_space<vmem>>, vector<64x16xf32>
    %swap3A_89 = arith.constant 0 : index
    %swap3A_90 = arith.constant 0 : index
    %swap3A_91 = arith.constant 0 : index
    %swap3A_92 = vector.load %arg6[%swap3A_89, %swap3A_90, %swap3A_91] : memref<1x64x16xf32, #tpu.memory_space<vmem>>, vector<1x64x16xf32>
    %swap3A_93 = vector.shape_cast %swap3A_92 : vector<1x64x16xf32> to vector<64x16xf32>
    %swap3A_94 = vector.shape_cast %get3A_88 : vector<64x16xf32> to vector<1x64x16xf32>
    tpu.vector_store %arg6[%swap3A_89, %swap3A_90, %swap3A_91], %swap3A_94 {strides = array<i32>} : memref<1x64x16xf32, #tpu.memory_space<vmem>>, vector<1x64x16xf32>,
    return
  }
  func.func @transform_0(%arg0: i32) -> (i32, i32, i32) {
    %c0_i32 = arith.constant 0 : i32
    %c0_i32_0 = arith.constant 0 : i32
    %c0_i32_1 = arith.constant 0 : i32
    return %arg0, %c0_i32, %c0_i32_0 : i32, i32, i32
  }
  func.func @transform_1(%arg0: i32) -> (i32, i32) {
    %c0_i32 = arith.constant 0 : i32
    %c0_i32_0 = arith.constant 0 : i32
    %c0_i32_1 = arith.constant 0 : i32
    return %c0_i32, %c0_i32_0 : i32, i32
  }
  func.func @transform_2(%arg0: i32) -> i32 {
    %c0_i32 = arith.constant 0 : i32
    %c0_i32_0 = arith.constant 0 : i32
    return %c0_i32 : i32
  }
  func.func @transform_3(%arg0: i32) -> i32 {
    %c0_i32 = arith.constant 0 : i32
    %c0_i32_0 = arith.constant 0 : i32
    return %c0_i32 : i32
  }
  func.func @transform_4(%arg0: i32) -> (i32, i32, i32) {
    %c0_i32 = arith.constant 0 : i32
    %c0_i32_0 = arith.constant 0 : i32
    %c0_i32_1 = arith.constant 0 : i32
    return %arg0, %c0_i32, %c0_i32_0 : i32, i32, i32
  }
  func.func @transform_5(%arg0: i32) -> (i32, i32, i32) {
    %c0_i32 = arith.constant 0 : i32
    %c0_i32_0 = arith.constant 0 : i32
    %c0_i32_1 = arith.constant 0 : i32
    return %arg0, %c0_i32, %c0_i32_0 : i32, i32, i32
  }
}

module attributes {stable_mosaic.version = 14 : i64} {
  func.func @_fps_kernel(%arg0: memref<512x128xi32, #tpu.memory_space<vmem>>, %arg1: memref<4x512x128xf32, #tpu.memory_space<vmem>>, %arg2: memref<64x8xi32, #tpu.memory_space<smem>>, %arg3: memref<64x8xi32, #tpu.memory_space<smem>>, %arg4: memref<8xi32, #tpu.memory_space<smem>>, %arg5: memref<512x128xf32, #tpu.memory_space<vmem>>) attributes {dimension_semantics = [], scalar_prefetch = 0 : i64, scratch_operands = 1 : i64, tpu.core_type = #tpu.core_type<tc>} {
    %get3A = arith.constant 0 : index
    %get3A_0 = arith.constant 0 : index
    %get3A_1 = vector.load %arg0[%get3A, %get3A_0] : memref<512x128xi32, #tpu.memory_space<vmem>>, vector<512x128xi32>
    %eq3A = arith.constant 0 : i32
    %eq3A_2 = vector.broadcast %eq3A : i32 to vector<512x128xi32>
    %eq3A_3 = arith.cmpi eq, %get3A_1, %eq3A_2 : vector<512x128xi32>
    %convert_element_type3A = arith.extui %eq3A_3 : vector<512x128xi1> to vector<512x128xi32>
    %convert_element_type3A_4 = arith.sitofp %convert_element_type3A : vector<512x128xi32> to vector<512x128xf32>
    %reduce_sum3A = vector.shape_cast %convert_element_type3A_4 : vector<512x128xf32> to vector<1x512x128xf32>
    %reduce_sum3A_5 = arith.constant dense<0.000000e+00> : vector<1xf32>
    %reduce_sum3A_6 = vector.multi_reduction <add>, %reduce_sum3A, %reduce_sum3A_5 [1, 2] : vector<1x512x128xf32> to vector<1xf32>
    %reduce_sum3A_7 = vector.shape_cast %reduce_sum3A_6 : vector<1xf32> to vector<1x1x1xf32>
    %reduce_sum3A_8 = vector.extract %reduce_sum3A_7[0, 0, 0] : f32 from vector<1x1x1xf32>
    %convert_element_type3A_9 = arith.fptosi %reduce_sum3A_8 : f32 to i32
    %swap3A = arith.constant 0 : index
    %swap3A_10 = memref.load %arg4[%swap3A] : memref<8xi32, #tpu.memory_space<smem>>
    memref.store %convert_element_type3A_9, %arg4[%swap3A] : memref<8xi32, #tpu.memory_space<smem>>
    %max3A = arith.constant 1.000000e+00 : f32
    %max3A_11 = arith.maximumf %reduce_sum3A_8, %max3A : f32
    %get3A_12 = arith.constant 0 : index
    %get3A_13 = arith.constant 0 : index
    %get3A_14 = arith.constant 0 : index
    %get3A_15 = vector.load %arg1[%get3A_12, %get3A_13, %get3A_14] : memref<4x512x128xf32, #tpu.memory_space<vmem>>, vector<1x512x128xf32>
    %get3A_16 = vector.shape_cast %get3A_15 : vector<1x512x128xf32> to vector<512x128xf32>
    %jit3A = arith.constant 0.000000e+00 : f32
    %broadcast_in_dim3A = vector.broadcast %jit3A : f32 to vector<512x128xf32>
    %select_n3A = arith.select %eq3A_3, %get3A_16, %broadcast_in_dim3A : vector<512x128xi1>, vector<512x128xf32>
    %reduce_sum3A_17 = vector.shape_cast %select_n3A : vector<512x128xf32> to vector<1x512x128xf32>
    %reduce_sum3A_18 = arith.constant dense<0.000000e+00> : vector<1xf32>
    %reduce_sum3A_19 = vector.multi_reduction <add>, %reduce_sum3A_17, %reduce_sum3A_18 [1, 2] : vector<1x512x128xf32> to vector<1xf32>
    %reduce_sum3A_20 = vector.shape_cast %reduce_sum3A_19 : vector<1xf32> to vector<1x1x1xf32>
    %reduce_sum3A_21 = vector.extract %reduce_sum3A_20[0, 0, 0] : f32 from vector<1x1x1xf32>
    %div3A = arith.divf %reduce_sum3A_21, %max3A_11 : f32
    %get3A_22 = arith.constant 1 : index
    %get3A_23 = arith.constant 0 : index
    %get3A_24 = arith.constant 0 : index
    %get3A_25 = vector.load %arg1[%get3A_22, %get3A_23, %get3A_24] : memref<4x512x128xf32, #tpu.memory_space<vmem>>, vector<1x512x128xf32>
    %get3A_26 = vector.shape_cast %get3A_25 : vector<1x512x128xf32> to vector<512x128xf32>
    %jit3A_27 = arith.constant 0.000000e+00 : f32
    %broadcast_in_dim3A_28 = vector.broadcast %jit3A_27 : f32 to vector<512x128xf32>
    %select_n3A_29 = arith.select %eq3A_3, %get3A_26, %broadcast_in_dim3A_28 : vector<512x128xi1>, vector<512x128xf32>
    %reduce_sum3A_30 = vector.shape_cast %select_n3A_29 : vector<512x128xf32> to vector<1x512x128xf32>
    %reduce_sum3A_31 = arith.constant dense<0.000000e+00> : vector<1xf32>
    %reduce_sum3A_32 = vector.multi_reduction <add>, %reduce_sum3A_30, %reduce_sum3A_31 [1, 2] : vector<1x512x128xf32> to vector<1xf32>
    %reduce_sum3A_33 = vector.shape_cast %reduce_sum3A_32 : vector<1xf32> to vector<1x1x1xf32>
    %reduce_sum3A_34 = vector.extract %reduce_sum3A_33[0, 0, 0] : f32 from vector<1x1x1xf32>
    %div3A_35 = arith.divf %reduce_sum3A_34, %max3A_11 : f32
    %get3A_36 = arith.constant 2 : index
    %get3A_37 = arith.constant 0 : index
    %get3A_38 = arith.constant 0 : index
    %get3A_39 = vector.load %arg1[%get3A_36, %get3A_37, %get3A_38] : memref<4x512x128xf32, #tpu.memory_space<vmem>>, vector<1x512x128xf32>
    %get3A_40 = vector.shape_cast %get3A_39 : vector<1x512x128xf32> to vector<512x128xf32>
    %jit3A_41 = arith.constant 0.000000e+00 : f32
    %broadcast_in_dim3A_42 = vector.broadcast %jit3A_41 : f32 to vector<512x128xf32>
    %select_n3A_43 = arith.select %eq3A_3, %get3A_40, %broadcast_in_dim3A_42 : vector<512x128xi1>, vector<512x128xf32>
    %reduce_sum3A_44 = vector.shape_cast %select_n3A_43 : vector<512x128xf32> to vector<1x512x128xf32>
    %reduce_sum3A_45 = arith.constant dense<0.000000e+00> : vector<1xf32>
    %reduce_sum3A_46 = vector.multi_reduction <add>, %reduce_sum3A_44, %reduce_sum3A_45 [1, 2] : vector<1x512x128xf32> to vector<1xf32>
    %reduce_sum3A_47 = vector.shape_cast %reduce_sum3A_46 : vector<1xf32> to vector<1x1x1xf32>
    %reduce_sum3A_48 = vector.extract %reduce_sum3A_47[0, 0, 0] : f32 from vector<1x1x1xf32>
    %div3A_49 = arith.divf %reduce_sum3A_48, %max3A_11 : f32
    %get3A_50 = arith.constant 3 : index
    %get3A_51 = arith.constant 0 : index
    %get3A_52 = arith.constant 0 : index
    %get3A_53 = vector.load %arg1[%get3A_50, %get3A_51, %get3A_52] : memref<4x512x128xf32, #tpu.memory_space<vmem>>, vector<1x512x128xf32>
    %get3A_54 = vector.shape_cast %get3A_53 : vector<1x512x128xf32> to vector<512x128xf32>
    %jit3A_55 = arith.constant 0.000000e+00 : f32
    %broadcast_in_dim3A_56 = vector.broadcast %jit3A_55 : f32 to vector<512x128xf32>
    %select_n3A_57 = arith.select %eq3A_3, %get3A_54, %broadcast_in_dim3A_56 : vector<512x128xi1>, vector<512x128xf32>
    %reduce_sum3A_58 = vector.shape_cast %select_n3A_57 : vector<512x128xf32> to vector<1x512x128xf32>
    %reduce_sum3A_59 = arith.constant dense<0.000000e+00> : vector<1xf32>
    %reduce_sum3A_60 = vector.multi_reduction <add>, %reduce_sum3A_58, %reduce_sum3A_59 [1, 2] : vector<1x512x128xf32> to vector<1xf32>
    %reduce_sum3A_61 = vector.shape_cast %reduce_sum3A_60 : vector<1xf32> to vector<1x1x1xf32>
    %reduce_sum3A_62 = vector.extract %reduce_sum3A_61[0, 0, 0] : f32 from vector<1x1x1xf32>
    %div3A_63 = arith.divf %reduce_sum3A_62, %max3A_11 : f32
    %eq3A_64 = arith.constant 1 : i32
    %eq3A_65 = vector.broadcast %eq3A_64 : i32 to vector<512x128xi32>
    %eq3A_66 = arith.cmpi eq, %get3A_1, %eq3A_65 : vector<512x128xi32>
    %convert_element_type3A_67 = arith.extui %eq3A_66 : vector<512x128xi1> to vector<512x128xi32>
    %convert_element_type3A_68 = arith.sitofp %convert_element_type3A_67 : vector<512x128xi32> to vector<512x128xf32>
    %reduce_sum3A_69 = vector.shape_cast %convert_element_type3A_68 : vector<512x128xf32> to vector<1x512x128xf32>
    %reduce_sum3A_70 = arith.constant dense<0.000000e+00> : vector<1xf32>
    %reduce_sum3A_71 = vector.multi_reduction <add>, %reduce_sum3A_69, %reduce_sum3A_70 [1, 2] : vector<1x512x128xf32> to vector<1xf32>
    %reduce_sum3A_72 = vector.shape_cast %reduce_sum3A_71 : vector<1xf32> to vector<1x1x1xf32>
    %reduce_sum3A_73 = vector.extract %reduce_sum3A_72[0, 0, 0] : f32 from vector<1x1x1xf32>
    %convert_element_type3A_74 = arith.fptosi %reduce_sum3A_73 : f32 to i32
    %swap3A_75 = arith.constant 1 : index
    %swap3A_76 = memref.load %arg4[%swap3A_75] : memref<8xi32, #tpu.memory_space<smem>>
    memref.store %convert_element_type3A_74, %arg4[%swap3A_75] : memref<8xi32, #tpu.memory_space<smem>>
    %max3A_77 = arith.constant 1.000000e+00 : f32
    %max3A_78 = arith.maximumf %reduce_sum3A_73, %max3A_77 : f32
    %get3A_79 = arith.constant 0 : index
    %get3A_80 = arith.constant 0 : index
    %get3A_81 = arith.constant 0 : index
    %get3A_82 = vector.load %arg1[%get3A_79, %get3A_80, %get3A_81] : memref<4x512x128xf32, #tpu.memory_space<vmem>>, vector<1x512x128xf32>
    %get3A_83 = vector.shape_cast %get3A_82 : vector<1x512x128xf32> to vector<512x128xf32>
    %jit3A_84 = arith.constant 0.000000e+00 : f32
    %broadcast_in_dim3A_85 = vector.broadcast %jit3A_84 : f32 to vector<512x128xf32>
    %select_n3A_86 = arith.select %eq3A_66, %get3A_83, %broadcast_in_dim3A_85 : vector<512x128xi1>, vector<512x128xf32>
    %reduce_sum3A_87 = vector.shape_cast %select_n3A_86 : vector<512x128xf32> to vector<1x512x128xf32>
    %reduce_sum3A_88 = arith.constant dense<0.000000e+00> : vector<1xf32>
    %reduce_sum3A_89 = vector.multi_reduction <add>, %reduce_sum3A_87, %reduce_sum3A_88 [1, 2] : vector<1x512x128xf32> to vector<1xf32>
    %reduce_sum3A_90 = vector.shape_cast %reduce_sum3A_89 : vector<1xf32> to vector<1x1x1xf32>
    %reduce_sum3A_91 = vector.extract %reduce_sum3A_90[0, 0, 0] : f32 from vector<1x1x1xf32>
    %div3A_92 = arith.divf %reduce_sum3A_91, %max3A_78 : f32
    %get3A_93 = arith.constant 1 : index
    %get3A_94 = arith.constant 0 : index
    %get3A_95 = arith.constant 0 : index
    %get3A_96 = vector.load %arg1[%get3A_93, %get3A_94, %get3A_95] : memref<4x512x128xf32, #tpu.memory_space<vmem>>, vector<1x512x128xf32>
    %get3A_97 = vector.shape_cast %get3A_96 : vector<1x512x128xf32> to vector<512x128xf32>
    %jit3A_98 = arith.constant 0.000000e+00 : f32
    %broadcast_in_dim3A_99 = vector.broadcast %jit3A_98 : f32 to vector<512x128xf32>
    %select_n3A_100 = arith.select %eq3A_66, %get3A_97, %broadcast_in_dim3A_99 : vector<512x128xi1>, vector<512x128xf32>
    %reduce_sum3A_101 = vector.shape_cast %select_n3A_100 : vector<512x128xf32> to vector<1x512x128xf32>
    %reduce_sum3A_102 = arith.constant dense<0.000000e+00> : vector<1xf32>
    %reduce_sum3A_103 = vector.multi_reduction <add>, %reduce_sum3A_101, %reduce_sum3A_102 [1, 2] : vector<1x512x128xf32> to vector<1xf32>
    %reduce_sum3A_104 = vector.shape_cast %reduce_sum3A_103 : vector<1xf32> to vector<1x1x1xf32>
    %reduce_sum3A_105 = vector.extract %reduce_sum3A_104[0, 0, 0] : f32 from vector<1x1x1xf32>
    %div3A_106 = arith.divf %reduce_sum3A_105, %max3A_78 : f32
    %get3A_107 = arith.constant 2 : index
    %get3A_108 = arith.constant 0 : index
    %get3A_109 = arith.constant 0 : index
    %get3A_110 = vector.load %arg1[%get3A_107, %get3A_108, %get3A_109] : memref<4x512x128xf32, #tpu.memory_space<vmem>>, vector<1x512x128xf32>
    %get3A_111 = vector.shape_cast %get3A_110 : vector<1x512x128xf32> to vector<512x128xf32>
    %jit3A_112 = arith.constant 0.000000e+00 : f32
    %broadcast_in_dim3A_113 = vector.broadcast %jit3A_112 : f32 to vector<512x128xf32>
    %select_n3A_114 = arith.select %eq3A_66, %get3A_111, %broadcast_in_dim3A_113 : vector<512x128xi1>, vector<512x128xf32>
    %reduce_sum3A_115 = vector.shape_cast %select_n3A_114 : vector<512x128xf32> to vector<1x512x128xf32>
    %reduce_sum3A_116 = arith.constant dense<0.000000e+00> : vector<1xf32>
    %reduce_sum3A_117 = vector.multi_reduction <add>, %reduce_sum3A_115, %reduce_sum3A_116 [1, 2] : vector<1x512x128xf32> to vector<1xf32>
    %reduce_sum3A_118 = vector.shape_cast %reduce_sum3A_117 : vector<1xf32> to vector<1x1x1xf32>
    %reduce_sum3A_119 = vector.extract %reduce_sum3A_118[0, 0, 0] : f32 from vector<1x1x1xf32>
    %div3A_120 = arith.divf %reduce_sum3A_119, %max3A_78 : f32
    %get3A_121 = arith.constant 3 : index
    %get3A_122 = arith.constant 0 : index
    %get3A_123 = arith.constant 0 : index
    %get3A_124 = vector.load %arg1[%get3A_121, %get3A_122, %get3A_123] : memref<4x512x128xf32, #tpu.memory_space<vmem>>, vector<1x512x128xf32>
    %get3A_125 = vector.shape_cast %get3A_124 : vector<1x512x128xf32> to vector<512x128xf32>
    %jit3A_126 = arith.constant 0.000000e+00 : f32
    %broadcast_in_dim3A_127 = vector.broadcast %jit3A_126 : f32 to vector<512x128xf32>
    %select_n3A_128 = arith.select %eq3A_66, %get3A_125, %broadcast_in_dim3A_127 : vector<512x128xi1>, vector<512x128xf32>
    %reduce_sum3A_129 = vector.shape_cast %select_n3A_128 : vector<512x128xf32> to vector<1x512x128xf32>
    %reduce_sum3A_130 = arith.constant dense<0.000000e+00> : vector<1xf32>
    %reduce_sum3A_131 = vector.multi_reduction <add>, %reduce_sum3A_129, %reduce_sum3A_130 [1, 2] : vector<1x512x128xf32> to vector<1xf32>
    %reduce_sum3A_132 = vector.shape_cast %reduce_sum3A_131 : vector<1xf32> to vector<1x1x1xf32>
    %reduce_sum3A_133 = vector.extract %reduce_sum3A_132[0, 0, 0] : f32 from vector<1x1x1xf32>
    %div3A_134 = arith.divf %reduce_sum3A_133, %max3A_78 : f32
    %eq3A_135 = arith.constant 2 : i32
    %eq3A_136 = vector.broadcast %eq3A_135 : i32 to vector<512x128xi32>
    %eq3A_137 = arith.cmpi eq, %get3A_1, %eq3A_136 : vector<512x128xi32>
    %convert_element_type3A_138 = arith.extui %eq3A_137 : vector<512x128xi1> to vector<512x128xi32>
    %convert_element_type3A_139 = arith.sitofp %convert_element_type3A_138 : vector<512x128xi32> to vector<512x128xf32>
    %reduce_sum3A_140 = vector.shape_cast %convert_element_type3A_139 : vector<512x128xf32> to vector<1x512x128xf32>
    %reduce_sum3A_141 = arith.constant dense<0.000000e+00> : vector<1xf32>
    %reduce_sum3A_142 = vector.multi_reduction <add>, %reduce_sum3A_140, %reduce_sum3A_141 [1, 2] : vector<1x512x128xf32> to vector<1xf32>
    %reduce_sum3A_143 = vector.shape_cast %reduce_sum3A_142 : vector<1xf32> to vector<1x1x1xf32>
    %reduce_sum3A_144 = vector.extract %reduce_sum3A_143[0, 0, 0] : f32 from vector<1x1x1xf32>
    %convert_element_type3A_145 = arith.fptosi %reduce_sum3A_144 : f32 to i32
    %swap3A_146 = arith.constant 2 : index
    %swap3A_147 = memref.load %arg4[%swap3A_146] : memref<8xi32, #tpu.memory_space<smem>>
    memref.store %convert_element_type3A_145, %arg4[%swap3A_146] : memref<8xi32, #tpu.memory_space<smem>>
    %max3A_148 = arith.constant 1.000000e+00 : f32
    %max3A_149 = arith.maximumf %reduce_sum3A_144, %max3A_148 : f32
    %get3A_150 = arith.constant 0 : index
    %get3A_151 = arith.constant 0 : index
    %get3A_152 = arith.constant 0 : index
    %get3A_153 = vector.load %arg1[%get3A_150, %get3A_151, %get3A_152] : memref<4x512x128xf32, #tpu.memory_space<vmem>>, vector<1x512x128xf32>
    %get3A_154 = vector.shape_cast %get3A_153 : vector<1x512x128xf32> to vector<512x128xf32>
    %jit3A_155 = arith.constant 0.000000e+00 : f32
    %broadcast_in_dim3A_156 = vector.broadcast %jit3A_155 : f32 to vector<512x128xf32>
    %select_n3A_157 = arith.select %eq3A_137, %get3A_154, %broadcast_in_dim3A_156 : vector<512x128xi1>, vector<512x128xf32>
    %reduce_sum3A_158 = vector.shape_cast %select_n3A_157 : vector<512x128xf32> to vector<1x512x128xf32>
    %reduce_sum3A_159 = arith.constant dense<0.000000e+00> : vector<1xf32>
    %reduce_sum3A_160 = vector.multi_reduction <add>, %reduce_sum3A_158, %reduce_sum3A_159 [1, 2] : vector<1x512x128xf32> to vector<1xf32>
    %reduce_sum3A_161 = vector.shape_cast %reduce_sum3A_160 : vector<1xf32> to vector<1x1x1xf32>
    %reduce_sum3A_162 = vector.extract %reduce_sum3A_161[0, 0, 0] : f32 from vector<1x1x1xf32>
    %div3A_163 = arith.divf %reduce_sum3A_162, %max3A_149 : f32
    %get3A_164 = arith.constant 1 : index
    %get3A_165 = arith.constant 0 : index
    %get3A_166 = arith.constant 0 : index
    %get3A_167 = vector.load %arg1[%get3A_164, %get3A_165, %get3A_166] : memref<4x512x128xf32, #tpu.memory_space<vmem>>, vector<1x512x128xf32>
    %get3A_168 = vector.shape_cast %get3A_167 : vector<1x512x128xf32> to vector<512x128xf32>
    %jit3A_169 = arith.constant 0.000000e+00 : f32
    %broadcast_in_dim3A_170 = vector.broadcast %jit3A_169 : f32 to vector<512x128xf32>
    %select_n3A_171 = arith.select %eq3A_137, %get3A_168, %broadcast_in_dim3A_170 : vector<512x128xi1>, vector<512x128xf32>
    %reduce_sum3A_172 = vector.shape_cast %select_n3A_171 : vector<512x128xf32> to vector<1x512x128xf32>
    %reduce_sum3A_173 = arith.constant dense<0.000000e+00> : vector<1xf32>
    %reduce_sum3A_174 = vector.multi_reduction <add>, %reduce_sum3A_172, %reduce_sum3A_173 [1, 2] : vector<1x512x128xf32> to vector<1xf32>
    %reduce_sum3A_175 = vector.shape_cast %reduce_sum3A_174 : vector<1xf32> to vector<1x1x1xf32>
    %reduce_sum3A_176 = vector.extract %reduce_sum3A_175[0, 0, 0] : f32 from vector<1x1x1xf32>
    %div3A_177 = arith.divf %reduce_sum3A_176, %max3A_149 : f32
    %get3A_178 = arith.constant 2 : index
    %get3A_179 = arith.constant 0 : index
    %get3A_180 = arith.constant 0 : index
    %get3A_181 = vector.load %arg1[%get3A_178, %get3A_179, %get3A_180] : memref<4x512x128xf32, #tpu.memory_space<vmem>>, vector<1x512x128xf32>
    %get3A_182 = vector.shape_cast %get3A_181 : vector<1x512x128xf32> to vector<512x128xf32>
    %jit3A_183 = arith.constant 0.000000e+00 : f32
    %broadcast_in_dim3A_184 = vector.broadcast %jit3A_183 : f32 to vector<512x128xf32>
    %select_n3A_185 = arith.select %eq3A_137, %get3A_182, %broadcast_in_dim3A_184 : vector<512x128xi1>, vector<512x128xf32>
    %reduce_sum3A_186 = vector.shape_cast %select_n3A_185 : vector<512x128xf32> to vector<1x512x128xf32>
    %reduce_sum3A_187 = arith.constant dense<0.000000e+00> : vector<1xf32>
    %reduce_sum3A_188 = vector.multi_reduction <add>, %reduce_sum3A_186, %reduce_sum3A_187 [1, 2] : vector<1x512x128xf32> to vector<1xf32>
    %reduce_sum3A_189 = vector.shape_cast %reduce_sum3A_188 : vector<1xf32> to vector<1x1x1xf32>
    %reduce_sum3A_190 = vector.extract %reduce_sum3A_189[0, 0, 0] : f32 from vector<1x1x1xf32>
    %div3A_191 = arith.divf %reduce_sum3A_190, %max3A_149 : f32
    %get3A_192 = arith.constant 3 : index
    %get3A_193 = arith.constant 0 : index
    %get3A_194 = arith.constant 0 : index
    %get3A_195 = vector.load %arg1[%get3A_192, %get3A_193, %get3A_194] : memref<4x512x128xf32, #tpu.memory_space<vmem>>, vector<1x512x128xf32>
    %get3A_196 = vector.shape_cast %get3A_195 : vector<1x512x128xf32> to vector<512x128xf32>
    %jit3A_197 = arith.constant 0.000000e+00 : f32
    %broadcast_in_dim3A_198 = vector.broadcast %jit3A_197 : f32 to vector<512x128xf32>
    %select_n3A_199 = arith.select %eq3A_137, %get3A_196, %broadcast_in_dim3A_198 : vector<512x128xi1>, vector<512x128xf32>
    %reduce_sum3A_200 = vector.shape_cast %select_n3A_199 : vector<512x128xf32> to vector<1x512x128xf32>
    %reduce_sum3A_201 = arith.constant dense<0.000000e+00> : vector<1xf32>
    %reduce_sum3A_202 = vector.multi_reduction <add>, %reduce_sum3A_200, %reduce_sum3A_201 [1, 2] : vector<1x512x128xf32> to vector<1xf32>
    %reduce_sum3A_203 = vector.shape_cast %reduce_sum3A_202 : vector<1xf32> to vector<1x1x1xf32>
    %reduce_sum3A_204 = vector.extract %reduce_sum3A_203[0, 0, 0] : f32 from vector<1x1x1xf32>
    %div3A_205 = arith.divf %reduce_sum3A_204, %max3A_149 : f32
    %eq3A_206 = arith.constant 3 : i32
    %eq3A_207 = vector.broadcast %eq3A_206 : i32 to vector<512x128xi32>
    %eq3A_208 = arith.cmpi eq, %get3A_1, %eq3A_207 : vector<512x128xi32>
    %convert_element_type3A_209 = arith.extui %eq3A_208 : vector<512x128xi1> to vector<512x128xi32>
    %convert_element_type3A_210 = arith.sitofp %convert_element_type3A_209 : vector<512x128xi32> to vector<512x128xf32>
    %reduce_sum3A_211 = vector.shape_cast %convert_element_type3A_210 : vector<512x128xf32> to vector<1x512x128xf32>
    %reduce_sum3A_212 = arith.constant dense<0.000000e+00> : vector<1xf32>
    %reduce_sum3A_213 = vector.multi_reduction <add>, %reduce_sum3A_211, %reduce_sum3A_212 [1, 2] : vector<1x512x128xf32> to vector<1xf32>
    %reduce_sum3A_214 = vector.shape_cast %reduce_sum3A_213 : vector<1xf32> to vector<1x1x1xf32>
    %reduce_sum3A_215 = vector.extract %reduce_sum3A_214[0, 0, 0] : f32 from vector<1x1x1xf32>
    %convert_element_type3A_216 = arith.fptosi %reduce_sum3A_215 : f32 to i32
    %swap3A_217 = arith.constant 3 : index
    %swap3A_218 = memref.load %arg4[%swap3A_217] : memref<8xi32, #tpu.memory_space<smem>>
    memref.store %convert_element_type3A_216, %arg4[%swap3A_217] : memref<8xi32, #tpu.memory_space<smem>>
    %max3A_219 = arith.constant 1.000000e+00 : f32
    %max3A_220 = arith.maximumf %reduce_sum3A_215, %max3A_219 : f32
    %get3A_221 = arith.constant 0 : index
    %get3A_222 = arith.constant 0 : index
    %get3A_223 = arith.constant 0 : index
    %get3A_224 = vector.load %arg1[%get3A_221, %get3A_222, %get3A_223] : memref<4x512x128xf32, #tpu.memory_space<vmem>>, vector<1x512x128xf32>
    %get3A_225 = vector.shape_cast %get3A_224 : vector<1x512x128xf32> to vector<512x128xf32>
    %jit3A_226 = arith.constant 0.000000e+00 : f32
    %broadcast_in_dim3A_227 = vector.broadcast %jit3A_226 : f32 to vector<512x128xf32>
    %select_n3A_228 = arith.select %eq3A_208, %get3A_225, %broadcast_in_dim3A_227 : vector<512x128xi1>, vector<512x128xf32>
    %reduce_sum3A_229 = vector.shape_cast %select_n3A_228 : vector<512x128xf32> to vector<1x512x128xf32>
    %reduce_sum3A_230 = arith.constant dense<0.000000e+00> : vector<1xf32>
    %reduce_sum3A_231 = vector.multi_reduction <add>, %reduce_sum3A_229, %reduce_sum3A_230 [1, 2] : vector<1x512x128xf32> to vector<1xf32>
    %reduce_sum3A_232 = vector.shape_cast %reduce_sum3A_231 : vector<1xf32> to vector<1x1x1xf32>
    %reduce_sum3A_233 = vector.extract %reduce_sum3A_232[0, 0, 0] : f32 from vector<1x1x1xf32>
    %div3A_234 = arith.divf %reduce_sum3A_233, %max3A_220 : f32
    %get3A_235 = arith.constant 1 : index
    %get3A_236 = arith.constant 0 : index
    %get3A_237 = arith.constant 0 : index
    %get3A_238 = vector.load %arg1[%get3A_235, %get3A_236, %get3A_237] : memref<4x512x128xf32, #tpu.memory_space<vmem>>, vector<1x512x128xf32>
    %get3A_239 = vector.shape_cast %get3A_238 : vector<1x512x128xf32> to vector<512x128xf32>
    %jit3A_240 = arith.constant 0.000000e+00 : f32
    %broadcast_in_dim3A_241 = vector.broadcast %jit3A_240 : f32 to vector<512x128xf32>
    %select_n3A_242 = arith.select %eq3A_208, %get3A_239, %broadcast_in_dim3A_241 : vector<512x128xi1>, vector<512x128xf32>
    %reduce_sum3A_243 = vector.shape_cast %select_n3A_242 : vector<512x128xf32> to vector<1x512x128xf32>
    %reduce_sum3A_244 = arith.constant dense<0.000000e+00> : vector<1xf32>
    %reduce_sum3A_245 = vector.multi_reduction <add>, %reduce_sum3A_243, %reduce_sum3A_244 [1, 2] : vector<1x512x128xf32> to vector<1xf32>
    %reduce_sum3A_246 = vector.shape_cast %reduce_sum3A_245 : vector<1xf32> to vector<1x1x1xf32>
    %reduce_sum3A_247 = vector.extract %reduce_sum3A_246[0, 0, 0] : f32 from vector<1x1x1xf32>
    %div3A_248 = arith.divf %reduce_sum3A_247, %max3A_220 : f32
    %get3A_249 = arith.constant 2 : index
    %get3A_250 = arith.constant 0 : index
    %get3A_251 = arith.constant 0 : index
    %get3A_252 = vector.load %arg1[%get3A_249, %get3A_250, %get3A_251] : memref<4x512x128xf32, #tpu.memory_space<vmem>>, vector<1x512x128xf32>
    %get3A_253 = vector.shape_cast %get3A_252 : vector<1x512x128xf32> to vector<512x128xf32>
    %jit3A_254 = arith.constant 0.000000e+00 : f32
    %broadcast_in_dim3A_255 = vector.broadcast %jit3A_254 : f32 to vector<512x128xf32>
    %select_n3A_256 = arith.select %eq3A_208, %get3A_253, %broadcast_in_dim3A_255 : vector<512x128xi1>, vector<512x128xf32>
    %reduce_sum3A_257 = vector.shape_cast %select_n3A_256 : vector<512x128xf32> to vector<1x512x128xf32>
    %reduce_sum3A_258 = arith.constant dense<0.000000e+00> : vector<1xf32>
    %reduce_sum3A_259 = vector.multi_reduction <add>, %reduce_sum3A_257, %reduce_sum3A_258 [1, 2] : vector<1x512x128xf32> to vector<1xf32>
    %reduce_sum3A_260 = vector.shape_cast %reduce_sum3A_259 : vector<1xf32> to vector<1x1x1xf32>
    %reduce_sum3A_261 = vector.extract %reduce_sum3A_260[0, 0, 0] : f32 from vector<1x1x1xf32>
    %div3A_262 = arith.divf %reduce_sum3A_261, %max3A_220 : f32
    %get3A_263 = arith.constant 3 : index
    %get3A_264 = arith.constant 0 : index
    %get3A_265 = arith.constant 0 : index
    %get3A_266 = vector.load %arg1[%get3A_263, %get3A_264, %get3A_265] : memref<4x512x128xf32, #tpu.memory_space<vmem>>, vector<1x512x128xf32>
    %get3A_267 = vector.shape_cast %get3A_266 : vector<1x512x128xf32> to vector<512x128xf32>
    %jit3A_268 = arith.constant 0.000000e+00 : f32
    %broadcast_in_dim3A_269 = vector.broadcast %jit3A_268 : f32 to vector<512x128xf32>
    %select_n3A_270 = arith.select %eq3A_208, %get3A_267, %broadcast_in_dim3A_269 : vector<512x128xi1>, vector<512x128xf32>
    %reduce_sum3A_271 = vector.shape_cast %select_n3A_270 : vector<512x128xf32> to vector<1x512x128xf32>
    %reduce_sum3A_272 = arith.constant dense<0.000000e+00> : vector<1xf32>
    %reduce_sum3A_273 = vector.multi_reduction <add>, %reduce_sum3A_271, %reduce_sum3A_272 [1, 2] : vector<1x512x128xf32> to vector<1xf32>
    %reduce_sum3A_274 = vector.shape_cast %reduce_sum3A_273 : vector<1xf32> to vector<1x1x1xf32>
    %reduce_sum3A_275 = vector.extract %reduce_sum3A_274[0, 0, 0] : f32 from vector<1x1x1xf32>
    %div3A_276 = arith.divf %reduce_sum3A_275, %max3A_220 : f32
    %eq3A_277 = arith.constant 4 : i32
    %eq3A_278 = vector.broadcast %eq3A_277 : i32 to vector<512x128xi32>
    %eq3A_279 = arith.cmpi eq, %get3A_1, %eq3A_278 : vector<512x128xi32>
    %convert_element_type3A_280 = arith.extui %eq3A_279 : vector<512x128xi1> to vector<512x128xi32>
    %convert_element_type3A_281 = arith.sitofp %convert_element_type3A_280 : vector<512x128xi32> to vector<512x128xf32>
    %reduce_sum3A_282 = vector.shape_cast %convert_element_type3A_281 : vector<512x128xf32> to vector<1x512x128xf32>
    %reduce_sum3A_283 = arith.constant dense<0.000000e+00> : vector<1xf32>
    %reduce_sum3A_284 = vector.multi_reduction <add>, %reduce_sum3A_282, %reduce_sum3A_283 [1, 2] : vector<1x512x128xf32> to vector<1xf32>
    %reduce_sum3A_285 = vector.shape_cast %reduce_sum3A_284 : vector<1xf32> to vector<1x1x1xf32>
    %reduce_sum3A_286 = vector.extract %reduce_sum3A_285[0, 0, 0] : f32 from vector<1x1x1xf32>
    %convert_element_type3A_287 = arith.fptosi %reduce_sum3A_286 : f32 to i32
    %swap3A_288 = arith.constant 4 : index
    %swap3A_289 = memref.load %arg4[%swap3A_288] : memref<8xi32, #tpu.memory_space<smem>>
    memref.store %convert_element_type3A_287, %arg4[%swap3A_288] : memref<8xi32, #tpu.memory_space<smem>>
    %max3A_290 = arith.constant 1.000000e+00 : f32
    %max3A_291 = arith.maximumf %reduce_sum3A_286, %max3A_290 : f32
    %get3A_292 = arith.constant 0 : index
    %get3A_293 = arith.constant 0 : index
    %get3A_294 = arith.constant 0 : index
    %get3A_295 = vector.load %arg1[%get3A_292, %get3A_293, %get3A_294] : memref<4x512x128xf32, #tpu.memory_space<vmem>>, vector<1x512x128xf32>
    %get3A_296 = vector.shape_cast %get3A_295 : vector<1x512x128xf32> to vector<512x128xf32>
    %jit3A_297 = arith.constant 0.000000e+00 : f32
    %broadcast_in_dim3A_298 = vector.broadcast %jit3A_297 : f32 to vector<512x128xf32>
    %select_n3A_299 = arith.select %eq3A_279, %get3A_296, %broadcast_in_dim3A_298 : vector<512x128xi1>, vector<512x128xf32>
    %reduce_sum3A_300 = vector.shape_cast %select_n3A_299 : vector<512x128xf32> to vector<1x512x128xf32>
    %reduce_sum3A_301 = arith.constant dense<0.000000e+00> : vector<1xf32>
    %reduce_sum3A_302 = vector.multi_reduction <add>, %reduce_sum3A_300, %reduce_sum3A_301 [1, 2] : vector<1x512x128xf32> to vector<1xf32>
    %reduce_sum3A_303 = vector.shape_cast %reduce_sum3A_302 : vector<1xf32> to vector<1x1x1xf32>
    %reduce_sum3A_304 = vector.extract %reduce_sum3A_303[0, 0, 0] : f32 from vector<1x1x1xf32>
    %div3A_305 = arith.divf %reduce_sum3A_304, %max3A_291 : f32
    %get3A_306 = arith.constant 1 : index
    %get3A_307 = arith.constant 0 : index
    %get3A_308 = arith.constant 0 : index
    %get3A_309 = vector.load %arg1[%get3A_306, %get3A_307, %get3A_308] : memref<4x512x128xf32, #tpu.memory_space<vmem>>, vector<1x512x128xf32>
    %get3A_310 = vector.shape_cast %get3A_309 : vector<1x512x128xf32> to vector<512x128xf32>
    %jit3A_311 = arith.constant 0.000000e+00 : f32
    %broadcast_in_dim3A_312 = vector.broadcast %jit3A_311 : f32 to vector<512x128xf32>
    %select_n3A_313 = arith.select %eq3A_279, %get3A_310, %broadcast_in_dim3A_312 : vector<512x128xi1>, vector<512x128xf32>
    %reduce_sum3A_314 = vector.shape_cast %select_n3A_313 : vector<512x128xf32> to vector<1x512x128xf32>
    %reduce_sum3A_315 = arith.constant dense<0.000000e+00> : vector<1xf32>
    %reduce_sum3A_316 = vector.multi_reduction <add>, %reduce_sum3A_314, %reduce_sum3A_315 [1, 2] : vector<1x512x128xf32> to vector<1xf32>
    %reduce_sum3A_317 = vector.shape_cast %reduce_sum3A_316 : vector<1xf32> to vector<1x1x1xf32>
    %reduce_sum3A_318 = vector.extract %reduce_sum3A_317[0, 0, 0] : f32 from vector<1x1x1xf32>
    %div3A_319 = arith.divf %reduce_sum3A_318, %max3A_291 : f32
    %get3A_320 = arith.constant 2 : index
    %get3A_321 = arith.constant 0 : index
    %get3A_322 = arith.constant 0 : index
    %get3A_323 = vector.load %arg1[%get3A_320, %get3A_321, %get3A_322] : memref<4x512x128xf32, #tpu.memory_space<vmem>>, vector<1x512x128xf32>
    %get3A_324 = vector.shape_cast %get3A_323 : vector<1x512x128xf32> to vector<512x128xf32>
    %jit3A_325 = arith.constant 0.000000e+00 : f32
    %broadcast_in_dim3A_326 = vector.broadcast %jit3A_325 : f32 to vector<512x128xf32>
    %select_n3A_327 = arith.select %eq3A_279, %get3A_324, %broadcast_in_dim3A_326 : vector<512x128xi1>, vector<512x128xf32>
    %reduce_sum3A_328 = vector.shape_cast %select_n3A_327 : vector<512x128xf32> to vector<1x512x128xf32>
    %reduce_sum3A_329 = arith.constant dense<0.000000e+00> : vector<1xf32>
    %reduce_sum3A_330 = vector.multi_reduction <add>, %reduce_sum3A_328, %reduce_sum3A_329 [1, 2] : vector<1x512x128xf32> to vector<1xf32>
    %reduce_sum3A_331 = vector.shape_cast %reduce_sum3A_330 : vector<1xf32> to vector<1x1x1xf32>
    %reduce_sum3A_332 = vector.extract %reduce_sum3A_331[0, 0, 0] : f32 from vector<1x1x1xf32>
    %div3A_333 = arith.divf %reduce_sum3A_332, %max3A_291 : f32
    %get3A_334 = arith.constant 3 : index
    %get3A_335 = arith.constant 0 : index
    %get3A_336 = arith.constant 0 : index
    %get3A_337 = vector.load %arg1[%get3A_334, %get3A_335, %get3A_336] : memref<4x512x128xf32, #tpu.memory_space<vmem>>, vector<1x512x128xf32>
    %get3A_338 = vector.shape_cast %get3A_337 : vector<1x512x128xf32> to vector<512x128xf32>
    %jit3A_339 = arith.constant 0.000000e+00 : f32
    %broadcast_in_dim3A_340 = vector.broadcast %jit3A_339 : f32 to vector<512x128xf32>
    %select_n3A_341 = arith.select %eq3A_279, %get3A_338, %broadcast_in_dim3A_340 : vector<512x128xi1>, vector<512x128xf32>
    %reduce_sum3A_342 = vector.shape_cast %select_n3A_341 : vector<512x128xf32> to vector<1x512x128xf32>
    %reduce_sum3A_343 = arith.constant dense<0.000000e+00> : vector<1xf32>
    %reduce_sum3A_344 = vector.multi_reduction <add>, %reduce_sum3A_342, %reduce_sum3A_343 [1, 2] : vector<1x512x128xf32> to vector<1xf32>
    %reduce_sum3A_345 = vector.shape_cast %reduce_sum3A_344 : vector<1xf32> to vector<1x1x1xf32>
    %reduce_sum3A_346 = vector.extract %reduce_sum3A_345[0, 0, 0] : f32 from vector<1x1x1xf32>
    %div3A_347 = arith.divf %reduce_sum3A_346, %max3A_291 : f32
    %eq3A_348 = arith.constant 5 : i32
    %eq3A_349 = vector.broadcast %eq3A_348 : i32 to vector<512x128xi32>
    %eq3A_350 = arith.cmpi eq, %get3A_1, %eq3A_349 : vector<512x128xi32>
    %convert_element_type3A_351 = arith.extui %eq3A_350 : vector<512x128xi1> to vector<512x128xi32>
    %convert_element_type3A_352 = arith.sitofp %convert_element_type3A_351 : vector<512x128xi32> to vector<512x128xf32>
    %reduce_sum3A_353 = vector.shape_cast %convert_element_type3A_352 : vector<512x128xf32> to vector<1x512x128xf32>
    %reduce_sum3A_354 = arith.constant dense<0.000000e+00> : vector<1xf32>
    %reduce_sum3A_355 = vector.multi_reduction <add>, %reduce_sum3A_353, %reduce_sum3A_354 [1, 2] : vector<1x512x128xf32> to vector<1xf32>
    %reduce_sum3A_356 = vector.shape_cast %reduce_sum3A_355 : vector<1xf32> to vector<1x1x1xf32>
    %reduce_sum3A_357 = vector.extract %reduce_sum3A_356[0, 0, 0] : f32 from vector<1x1x1xf32>
    %convert_element_type3A_358 = arith.fptosi %reduce_sum3A_357 : f32 to i32
    %swap3A_359 = arith.constant 5 : index
    %swap3A_360 = memref.load %arg4[%swap3A_359] : memref<8xi32, #tpu.memory_space<smem>>
    memref.store %convert_element_type3A_358, %arg4[%swap3A_359] : memref<8xi32, #tpu.memory_space<smem>>
    %max3A_361 = arith.constant 1.000000e+00 : f32
    %max3A_362 = arith.maximumf %reduce_sum3A_357, %max3A_361 : f32
    %get3A_363 = arith.constant 0 : index
    %get3A_364 = arith.constant 0 : index
    %get3A_365 = arith.constant 0 : index
    %get3A_366 = vector.load %arg1[%get3A_363, %get3A_364, %get3A_365] : memref<4x512x128xf32, #tpu.memory_space<vmem>>, vector<1x512x128xf32>
    %get3A_367 = vector.shape_cast %get3A_366 : vector<1x512x128xf32> to vector<512x128xf32>
    %jit3A_368 = arith.constant 0.000000e+00 : f32
    %broadcast_in_dim3A_369 = vector.broadcast %jit3A_368 : f32 to vector<512x128xf32>
    %select_n3A_370 = arith.select %eq3A_350, %get3A_367, %broadcast_in_dim3A_369 : vector<512x128xi1>, vector<512x128xf32>
    %reduce_sum3A_371 = vector.shape_cast %select_n3A_370 : vector<512x128xf32> to vector<1x512x128xf32>
    %reduce_sum3A_372 = arith.constant dense<0.000000e+00> : vector<1xf32>
    %reduce_sum3A_373 = vector.multi_reduction <add>, %reduce_sum3A_371, %reduce_sum3A_372 [1, 2] : vector<1x512x128xf32> to vector<1xf32>
    %reduce_sum3A_374 = vector.shape_cast %reduce_sum3A_373 : vector<1xf32> to vector<1x1x1xf32>
    %reduce_sum3A_375 = vector.extract %reduce_sum3A_374[0, 0, 0] : f32 from vector<1x1x1xf32>
    %div3A_376 = arith.divf %reduce_sum3A_375, %max3A_362 : f32
    %get3A_377 = arith.constant 1 : index
    %get3A_378 = arith.constant 0 : index
    %get3A_379 = arith.constant 0 : index
    %get3A_380 = vector.load %arg1[%get3A_377, %get3A_378, %get3A_379] : memref<4x512x128xf32, #tpu.memory_space<vmem>>, vector<1x512x128xf32>
    %get3A_381 = vector.shape_cast %get3A_380 : vector<1x512x128xf32> to vector<512x128xf32>
    %jit3A_382 = arith.constant 0.000000e+00 : f32
    %broadcast_in_dim3A_383 = vector.broadcast %jit3A_382 : f32 to vector<512x128xf32>
    %select_n3A_384 = arith.select %eq3A_350, %get3A_381, %broadcast_in_dim3A_383 : vector<512x128xi1>, vector<512x128xf32>
    %reduce_sum3A_385 = vector.shape_cast %select_n3A_384 : vector<512x128xf32> to vector<1x512x128xf32>
    %reduce_sum3A_386 = arith.constant dense<0.000000e+00> : vector<1xf32>
    %reduce_sum3A_387 = vector.multi_reduction <add>, %reduce_sum3A_385, %reduce_sum3A_386 [1, 2] : vector<1x512x128xf32> to vector<1xf32>
    %reduce_sum3A_388 = vector.shape_cast %reduce_sum3A_387 : vector<1xf32> to vector<1x1x1xf32>
    %reduce_sum3A_389 = vector.extract %reduce_sum3A_388[0, 0, 0] : f32 from vector<1x1x1xf32>
    %div3A_390 = arith.divf %reduce_sum3A_389, %max3A_362 : f32
    %get3A_391 = arith.constant 2 : index
    %get3A_392 = arith.constant 0 : index
    %get3A_393 = arith.constant 0 : index
    %get3A_394 = vector.load %arg1[%get3A_391, %get3A_392, %get3A_393] : memref<4x512x128xf32, #tpu.memory_space<vmem>>, vector<1x512x128xf32>
    %get3A_395 = vector.shape_cast %get3A_394 : vector<1x512x128xf32> to vector<512x128xf32>
    %jit3A_396 = arith.constant 0.000000e+00 : f32
    %broadcast_in_dim3A_397 = vector.broadcast %jit3A_396 : f32 to vector<512x128xf32>
    %select_n3A_398 = arith.select %eq3A_350, %get3A_395, %broadcast_in_dim3A_397 : vector<512x128xi1>, vector<512x128xf32>
    %reduce_sum3A_399 = vector.shape_cast %select_n3A_398 : vector<512x128xf32> to vector<1x512x128xf32>
    %reduce_sum3A_400 = arith.constant dense<0.000000e+00> : vector<1xf32>
    %reduce_sum3A_401 = vector.multi_reduction <add>, %reduce_sum3A_399, %reduce_sum3A_400 [1, 2] : vector<1x512x128xf32> to vector<1xf32>
    %reduce_sum3A_402 = vector.shape_cast %reduce_sum3A_401 : vector<1xf32> to vector<1x1x1xf32>
    %reduce_sum3A_403 = vector.extract %reduce_sum3A_402[0, 0, 0] : f32 from vector<1x1x1xf32>
    %div3A_404 = arith.divf %reduce_sum3A_403, %max3A_362 : f32
    %get3A_405 = arith.constant 3 : index
    %get3A_406 = arith.constant 0 : index
    %get3A_407 = arith.constant 0 : index
    %get3A_408 = vector.load %arg1[%get3A_405, %get3A_406, %get3A_407] : memref<4x512x128xf32, #tpu.memory_space<vmem>>, vector<1x512x128xf32>
    %get3A_409 = vector.shape_cast %get3A_408 : vector<1x512x128xf32> to vector<512x128xf32>
    %jit3A_410 = arith.constant 0.000000e+00 : f32
    %broadcast_in_dim3A_411 = vector.broadcast %jit3A_410 : f32 to vector<512x128xf32>
    %select_n3A_412 = arith.select %eq3A_350, %get3A_409, %broadcast_in_dim3A_411 : vector<512x128xi1>, vector<512x128xf32>
    %reduce_sum3A_413 = vector.shape_cast %select_n3A_412 : vector<512x128xf32> to vector<1x512x128xf32>
    %reduce_sum3A_414 = arith.constant dense<0.000000e+00> : vector<1xf32>
    %reduce_sum3A_415 = vector.multi_reduction <add>, %reduce_sum3A_413, %reduce_sum3A_414 [1, 2] : vector<1x512x128xf32> to vector<1xf32>
    %reduce_sum3A_416 = vector.shape_cast %reduce_sum3A_415 : vector<1xf32> to vector<1x1x1xf32>
    %reduce_sum3A_417 = vector.extract %reduce_sum3A_416[0, 0, 0] : f32 from vector<1x1x1xf32>
    %div3A_418 = arith.divf %reduce_sum3A_417, %max3A_362 : f32
    %eq3A_419 = arith.constant 6 : i32
    %eq3A_420 = vector.broadcast %eq3A_419 : i32 to vector<512x128xi32>
    %eq3A_421 = arith.cmpi eq, %get3A_1, %eq3A_420 : vector<512x128xi32>
    %convert_element_type3A_422 = arith.extui %eq3A_421 : vector<512x128xi1> to vector<512x128xi32>
    %convert_element_type3A_423 = arith.sitofp %convert_element_type3A_422 : vector<512x128xi32> to vector<512x128xf32>
    %reduce_sum3A_424 = vector.shape_cast %convert_element_type3A_423 : vector<512x128xf32> to vector<1x512x128xf32>
    %reduce_sum3A_425 = arith.constant dense<0.000000e+00> : vector<1xf32>
    %reduce_sum3A_426 = vector.multi_reduction <add>, %reduce_sum3A_424, %reduce_sum3A_425 [1, 2] : vector<1x512x128xf32> to vector<1xf32>
    %reduce_sum3A_427 = vector.shape_cast %reduce_sum3A_426 : vector<1xf32> to vector<1x1x1xf32>
    %reduce_sum3A_428 = vector.extract %reduce_sum3A_427[0, 0, 0] : f32 from vector<1x1x1xf32>
    %convert_element_type3A_429 = arith.fptosi %reduce_sum3A_428 : f32 to i32
    %swap3A_430 = arith.constant 6 : index
    %swap3A_431 = memref.load %arg4[%swap3A_430] : memref<8xi32, #tpu.memory_space<smem>>
    memref.store %convert_element_type3A_429, %arg4[%swap3A_430] : memref<8xi32, #tpu.memory_space<smem>>
    %max3A_432 = arith.constant 1.000000e+00 : f32
    %max3A_433 = arith.maximumf %reduce_sum3A_428, %max3A_432 : f32
    %get3A_434 = arith.constant 0 : index
    %get3A_435 = arith.constant 0 : index
    %get3A_436 = arith.constant 0 : index
    %get3A_437 = vector.load %arg1[%get3A_434, %get3A_435, %get3A_436] : memref<4x512x128xf32, #tpu.memory_space<vmem>>, vector<1x512x128xf32>
    %get3A_438 = vector.shape_cast %get3A_437 : vector<1x512x128xf32> to vector<512x128xf32>
    %jit3A_439 = arith.constant 0.000000e+00 : f32
    %broadcast_in_dim3A_440 = vector.broadcast %jit3A_439 : f32 to vector<512x128xf32>
    %select_n3A_441 = arith.select %eq3A_421, %get3A_438, %broadcast_in_dim3A_440 : vector<512x128xi1>, vector<512x128xf32>
    %reduce_sum3A_442 = vector.shape_cast %select_n3A_441 : vector<512x128xf32> to vector<1x512x128xf32>
    %reduce_sum3A_443 = arith.constant dense<0.000000e+00> : vector<1xf32>
    %reduce_sum3A_444 = vector.multi_reduction <add>, %reduce_sum3A_442, %reduce_sum3A_443 [1, 2] : vector<1x512x128xf32> to vector<1xf32>
    %reduce_sum3A_445 = vector.shape_cast %reduce_sum3A_444 : vector<1xf32> to vector<1x1x1xf32>
    %reduce_sum3A_446 = vector.extract %reduce_sum3A_445[0, 0, 0] : f32 from vector<1x1x1xf32>
    %div3A_447 = arith.divf %reduce_sum3A_446, %max3A_433 : f32
    %get3A_448 = arith.constant 1 : index
    %get3A_449 = arith.constant 0 : index
    %get3A_450 = arith.constant 0 : index
    %get3A_451 = vector.load %arg1[%get3A_448, %get3A_449, %get3A_450] : memref<4x512x128xf32, #tpu.memory_space<vmem>>, vector<1x512x128xf32>
    %get3A_452 = vector.shape_cast %get3A_451 : vector<1x512x128xf32> to vector<512x128xf32>
    %jit3A_453 = arith.constant 0.000000e+00 : f32
    %broadcast_in_dim3A_454 = vector.broadcast %jit3A_453 : f32 to vector<512x128xf32>
    %select_n3A_455 = arith.select %eq3A_421, %get3A_452, %broadcast_in_dim3A_454 : vector<512x128xi1>, vector<512x128xf32>
    %reduce_sum3A_456 = vector.shape_cast %select_n3A_455 : vector<512x128xf32> to vector<1x512x128xf32>
    %reduce_sum3A_457 = arith.constant dense<0.000000e+00> : vector<1xf32>
    %reduce_sum3A_458 = vector.multi_reduction <add>, %reduce_sum3A_456, %reduce_sum3A_457 [1, 2] : vector<1x512x128xf32> to vector<1xf32>
    %reduce_sum3A_459 = vector.shape_cast %reduce_sum3A_458 : vector<1xf32> to vector<1x1x1xf32>
    %reduce_sum3A_460 = vector.extract %reduce_sum3A_459[0, 0, 0] : f32 from vector<1x1x1xf32>
    %div3A_461 = arith.divf %reduce_sum3A_460, %max3A_433 : f32
    %get3A_462 = arith.constant 2 : index
    %get3A_463 = arith.constant 0 : index
    %get3A_464 = arith.constant 0 : index
    %get3A_465 = vector.load %arg1[%get3A_462, %get3A_463, %get3A_464] : memref<4x512x128xf32, #tpu.memory_space<vmem>>, vector<1x512x128xf32>
    %get3A_466 = vector.shape_cast %get3A_465 : vector<1x512x128xf32> to vector<512x128xf32>
    %jit3A_467 = arith.constant 0.000000e+00 : f32
    %broadcast_in_dim3A_468 = vector.broadcast %jit3A_467 : f32 to vector<512x128xf32>
    %select_n3A_469 = arith.select %eq3A_421, %get3A_466, %broadcast_in_dim3A_468 : vector<512x128xi1>, vector<512x128xf32>
    %reduce_sum3A_470 = vector.shape_cast %select_n3A_469 : vector<512x128xf32> to vector<1x512x128xf32>
    %reduce_sum3A_471 = arith.constant dense<0.000000e+00> : vector<1xf32>
    %reduce_sum3A_472 = vector.multi_reduction <add>, %reduce_sum3A_470, %reduce_sum3A_471 [1, 2] : vector<1x512x128xf32> to vector<1xf32>
    %reduce_sum3A_473 = vector.shape_cast %reduce_sum3A_472 : vector<1xf32> to vector<1x1x1xf32>
    %reduce_sum3A_474 = vector.extract %reduce_sum3A_473[0, 0, 0] : f32 from vector<1x1x1xf32>
    %div3A_475 = arith.divf %reduce_sum3A_474, %max3A_433 : f32
    %get3A_476 = arith.constant 3 : index
    %get3A_477 = arith.constant 0 : index
    %get3A_478 = arith.constant 0 : index
    %get3A_479 = vector.load %arg1[%get3A_476, %get3A_477, %get3A_478] : memref<4x512x128xf32, #tpu.memory_space<vmem>>, vector<1x512x128xf32>
    %get3A_480 = vector.shape_cast %get3A_479 : vector<1x512x128xf32> to vector<512x128xf32>
    %jit3A_481 = arith.constant 0.000000e+00 : f32
    %broadcast_in_dim3A_482 = vector.broadcast %jit3A_481 : f32 to vector<512x128xf32>
    %select_n3A_483 = arith.select %eq3A_421, %get3A_480, %broadcast_in_dim3A_482 : vector<512x128xi1>, vector<512x128xf32>
    %reduce_sum3A_484 = vector.shape_cast %select_n3A_483 : vector<512x128xf32> to vector<1x512x128xf32>
    %reduce_sum3A_485 = arith.constant dense<0.000000e+00> : vector<1xf32>
    %reduce_sum3A_486 = vector.multi_reduction <add>, %reduce_sum3A_484, %reduce_sum3A_485 [1, 2] : vector<1x512x128xf32> to vector<1xf32>
    %reduce_sum3A_487 = vector.shape_cast %reduce_sum3A_486 : vector<1xf32> to vector<1x1x1xf32>
    %reduce_sum3A_488 = vector.extract %reduce_sum3A_487[0, 0, 0] : f32 from vector<1x1x1xf32>
    %div3A_489 = arith.divf %reduce_sum3A_488, %max3A_433 : f32
    %eq3A_490 = arith.constant 7 : i32
    %eq3A_491 = vector.broadcast %eq3A_490 : i32 to vector<512x128xi32>
    %eq3A_492 = arith.cmpi eq, %get3A_1, %eq3A_491 : vector<512x128xi32>
    %convert_element_type3A_493 = arith.extui %eq3A_492 : vector<512x128xi1> to vector<512x128xi32>
    %convert_element_type3A_494 = arith.sitofp %convert_element_type3A_493 : vector<512x128xi32> to vector<512x128xf32>
    %reduce_sum3A_495 = vector.shape_cast %convert_element_type3A_494 : vector<512x128xf32> to vector<1x512x128xf32>
    %reduce_sum3A_496 = arith.constant dense<0.000000e+00> : vector<1xf32>
    %reduce_sum3A_497 = vector.multi_reduction <add>, %reduce_sum3A_495, %reduce_sum3A_496 [1, 2] : vector<1x512x128xf32> to vector<1xf32>
    %reduce_sum3A_498 = vector.shape_cast %reduce_sum3A_497 : vector<1xf32> to vector<1x1x1xf32>
    %reduce_sum3A_499 = vector.extract %reduce_sum3A_498[0, 0, 0] : f32 from vector<1x1x1xf32>
    %convert_element_type3A_500 = arith.fptosi %reduce_sum3A_499 : f32 to i32
    %swap3A_501 = arith.constant 7 : index
    %swap3A_502 = memref.load %arg4[%swap3A_501] : memref<8xi32, #tpu.memory_space<smem>>
    memref.store %convert_element_type3A_500, %arg4[%swap3A_501] : memref<8xi32, #tpu.memory_space<smem>>
    %max3A_503 = arith.constant 1.000000e+00 : f32
    %max3A_504 = arith.maximumf %reduce_sum3A_499, %max3A_503 : f32
    %get3A_505 = arith.constant 0 : index
    %get3A_506 = arith.constant 0 : index
    %get3A_507 = arith.constant 0 : index
    %get3A_508 = vector.load %arg1[%get3A_505, %get3A_506, %get3A_507] : memref<4x512x128xf32, #tpu.memory_space<vmem>>, vector<1x512x128xf32>
    %get3A_509 = vector.shape_cast %get3A_508 : vector<1x512x128xf32> to vector<512x128xf32>
    %jit3A_510 = arith.constant 0.000000e+00 : f32
    %broadcast_in_dim3A_511 = vector.broadcast %jit3A_510 : f32 to vector<512x128xf32>
    %select_n3A_512 = arith.select %eq3A_492, %get3A_509, %broadcast_in_dim3A_511 : vector<512x128xi1>, vector<512x128xf32>
    %reduce_sum3A_513 = vector.shape_cast %select_n3A_512 : vector<512x128xf32> to vector<1x512x128xf32>
    %reduce_sum3A_514 = arith.constant dense<0.000000e+00> : vector<1xf32>
    %reduce_sum3A_515 = vector.multi_reduction <add>, %reduce_sum3A_513, %reduce_sum3A_514 [1, 2] : vector<1x512x128xf32> to vector<1xf32>
    %reduce_sum3A_516 = vector.shape_cast %reduce_sum3A_515 : vector<1xf32> to vector<1x1x1xf32>
    %reduce_sum3A_517 = vector.extract %reduce_sum3A_516[0, 0, 0] : f32 from vector<1x1x1xf32>
    %div3A_518 = arith.divf %reduce_sum3A_517, %max3A_504 : f32
    %get3A_519 = arith.constant 1 : index
    %get3A_520 = arith.constant 0 : index
    %get3A_521 = arith.constant 0 : index
    %get3A_522 = vector.load %arg1[%get3A_519, %get3A_520, %get3A_521] : memref<4x512x128xf32, #tpu.memory_space<vmem>>, vector<1x512x128xf32>
    %get3A_523 = vector.shape_cast %get3A_522 : vector<1x512x128xf32> to vector<512x128xf32>
    %jit3A_524 = arith.constant 0.000000e+00 : f32
    %broadcast_in_dim3A_525 = vector.broadcast %jit3A_524 : f32 to vector<512x128xf32>
    %select_n3A_526 = arith.select %eq3A_492, %get3A_523, %broadcast_in_dim3A_525 : vector<512x128xi1>, vector<512x128xf32>
    %reduce_sum3A_527 = vector.shape_cast %select_n3A_526 : vector<512x128xf32> to vector<1x512x128xf32>
    %reduce_sum3A_528 = arith.constant dense<0.000000e+00> : vector<1xf32>
    %reduce_sum3A_529 = vector.multi_reduction <add>, %reduce_sum3A_527, %reduce_sum3A_528 [1, 2] : vector<1x512x128xf32> to vector<1xf32>
    %reduce_sum3A_530 = vector.shape_cast %reduce_sum3A_529 : vector<1xf32> to vector<1x1x1xf32>
    %reduce_sum3A_531 = vector.extract %reduce_sum3A_530[0, 0, 0] : f32 from vector<1x1x1xf32>
    %div3A_532 = arith.divf %reduce_sum3A_531, %max3A_504 : f32
    %get3A_533 = arith.constant 2 : index
    %get3A_534 = arith.constant 0 : index
    %get3A_535 = arith.constant 0 : index
    %get3A_536 = vector.load %arg1[%get3A_533, %get3A_534, %get3A_535] : memref<4x512x128xf32, #tpu.memory_space<vmem>>, vector<1x512x128xf32>
    %get3A_537 = vector.shape_cast %get3A_536 : vector<1x512x128xf32> to vector<512x128xf32>
    %jit3A_538 = arith.constant 0.000000e+00 : f32
    %broadcast_in_dim3A_539 = vector.broadcast %jit3A_538 : f32 to vector<512x128xf32>
    %select_n3A_540 = arith.select %eq3A_492, %get3A_537, %broadcast_in_dim3A_539 : vector<512x128xi1>, vector<512x128xf32>
    %reduce_sum3A_541 = vector.shape_cast %select_n3A_540 : vector<512x128xf32> to vector<1x512x128xf32>
    %reduce_sum3A_542 = arith.constant dense<0.000000e+00> : vector<1xf32>
    %reduce_sum3A_543 = vector.multi_reduction <add>, %reduce_sum3A_541, %reduce_sum3A_542 [1, 2] : vector<1x512x128xf32> to vector<1xf32>
    %reduce_sum3A_544 = vector.shape_cast %reduce_sum3A_543 : vector<1xf32> to vector<1x1x1xf32>
    %reduce_sum3A_545 = vector.extract %reduce_sum3A_544[0, 0, 0] : f32 from vector<1x1x1xf32>
    %div3A_546 = arith.divf %reduce_sum3A_545, %max3A_504 : f32
    %get3A_547 = arith.constant 3 : index
    %get3A_548 = arith.constant 0 : index
    %get3A_549 = arith.constant 0 : index
    %get3A_550 = vector.load %arg1[%get3A_547, %get3A_548, %get3A_549] : memref<4x512x128xf32, #tpu.memory_space<vmem>>, vector<1x512x128xf32>
    %get3A_551 = vector.shape_cast %get3A_550 : vector<1x512x128xf32> to vector<512x128xf32>
    %jit3A_552 = arith.constant 0.000000e+00 : f32
    %broadcast_in_dim3A_553 = vector.broadcast %jit3A_552 : f32 to vector<512x128xf32>
    %select_n3A_554 = arith.select %eq3A_492, %get3A_551, %broadcast_in_dim3A_553 : vector<512x128xi1>, vector<512x128xf32>
    %reduce_sum3A_555 = vector.shape_cast %select_n3A_554 : vector<512x128xf32> to vector<1x512x128xf32>
    %reduce_sum3A_556 = arith.constant dense<0.000000e+00> : vector<1xf32>
    %reduce_sum3A_557 = vector.multi_reduction <add>, %reduce_sum3A_555, %reduce_sum3A_556 [1, 2] : vector<1x512x128xf32> to vector<1xf32>
    %reduce_sum3A_558 = vector.shape_cast %reduce_sum3A_557 : vector<1xf32> to vector<1x1x1xf32>
    %reduce_sum3A_559 = vector.extract %reduce_sum3A_558[0, 0, 0] : f32 from vector<1x1x1xf32>
    %div3A_560 = arith.divf %reduce_sum3A_559, %max3A_504 : f32
    %gt3A = arith.constant 0 : i32
    %gt3A_561 = arith.cmpi sgt, %convert_element_type3A_9, %gt3A : i32
    %gt3A_562 = arith.constant 0 : i32
    %gt3A_563 = arith.cmpi sgt, %convert_element_type3A_74, %gt3A_562 : i32
    %gt3A_564 = arith.constant 0 : i32
    %gt3A_565 = arith.cmpi sgt, %convert_element_type3A_145, %gt3A_564 : i32
    %gt3A_566 = arith.constant 0 : i32
    %gt3A_567 = arith.cmpi sgt, %convert_element_type3A_216, %gt3A_566 : i32
    %gt3A_568 = arith.constant 0 : i32
    %gt3A_569 = arith.cmpi sgt, %convert_element_type3A_287, %gt3A_568 : i32
    %gt3A_570 = arith.constant 0 : i32
    %gt3A_571 = arith.cmpi sgt, %convert_element_type3A_358, %gt3A_570 : i32
    %gt3A_572 = arith.constant 0 : i32
    %gt3A_573 = arith.cmpi sgt, %convert_element_type3A_429, %gt3A_572 : i32
    %gt3A_574 = arith.constant 0 : i32
    %gt3A_575 = arith.cmpi sgt, %convert_element_type3A_500, %gt3A_574 : i32
    %add3A = arith.constant 0 : i32
    %add3A_576 = arith.addi %add3A, %convert_element_type3A_9 : i32
    %add3A_577 = arith.addi %add3A_576, %convert_element_type3A_74 : i32
    %add3A_578 = arith.addi %add3A_577, %convert_element_type3A_145 : i32
    %add3A_579 = arith.addi %add3A_578, %convert_element_type3A_216 : i32
    %add3A_580 = arith.addi %add3A_579, %convert_element_type3A_287 : i32
    %add3A_581 = arith.addi %add3A_580, %convert_element_type3A_358 : i32
    %add3A_582 = arith.addi %add3A_581, %convert_element_type3A_429 : i32
    %broadcast_in_dim3A_583 = arith.constant 0.000000e+00 : f32
    %broadcast_in_dim3A_584 = vector.broadcast %broadcast_in_dim3A_583 : f32 to vector<512x128xf32>
    %eq3A_585 = arith.constant 0 : i32
    %eq3A_586 = vector.broadcast %eq3A_585 : i32 to vector<512x128xi32>
    %eq3A_587 = arith.cmpi eq, %get3A_1, %eq3A_586 : vector<512x128xi32>
    %broadcast_in_dim3A_588 = vector.broadcast %div3A : f32 to vector<512x128xf32>
    %select_n3A_589 = arith.select %eq3A_587, %broadcast_in_dim3A_588, %broadcast_in_dim3A_584 : vector<512x128xi1>, vector<512x128xf32>
    %eq3A_590 = arith.constant 1 : i32
    %eq3A_591 = vector.broadcast %eq3A_590 : i32 to vector<512x128xi32>
    %eq3A_592 = arith.cmpi eq, %get3A_1, %eq3A_591 : vector<512x128xi32>
    %broadcast_in_dim3A_593 = vector.broadcast %div3A_92 : f32 to vector<512x128xf32>
    %select_n3A_594 = arith.select %eq3A_592, %broadcast_in_dim3A_593, %select_n3A_589 : vector<512x128xi1>, vector<512x128xf32>
    %eq3A_595 = arith.constant 2 : i32
    %eq3A_596 = vector.broadcast %eq3A_595 : i32 to vector<512x128xi32>
    %eq3A_597 = arith.cmpi eq, %get3A_1, %eq3A_596 : vector<512x128xi32>
    %broadcast_in_dim3A_598 = vector.broadcast %div3A_163 : f32 to vector<512x128xf32>
    %select_n3A_599 = arith.select %eq3A_597, %broadcast_in_dim3A_598, %select_n3A_594 : vector<512x128xi1>, vector<512x128xf32>
    %eq3A_600 = arith.constant 3 : i32
    %eq3A_601 = vector.broadcast %eq3A_600 : i32 to vector<512x128xi32>
    %eq3A_602 = arith.cmpi eq, %get3A_1, %eq3A_601 : vector<512x128xi32>
    %broadcast_in_dim3A_603 = vector.broadcast %div3A_234 : f32 to vector<512x128xf32>
    %select_n3A_604 = arith.select %eq3A_602, %broadcast_in_dim3A_603, %select_n3A_599 : vector<512x128xi1>, vector<512x128xf32>
    %eq3A_605 = arith.constant 4 : i32
    %eq3A_606 = vector.broadcast %eq3A_605 : i32 to vector<512x128xi32>
    %eq3A_607 = arith.cmpi eq, %get3A_1, %eq3A_606 : vector<512x128xi32>
    %broadcast_in_dim3A_608 = vector.broadcast %div3A_305 : f32 to vector<512x128xf32>
    %select_n3A_609 = arith.select %eq3A_607, %broadcast_in_dim3A_608, %select_n3A_604 : vector<512x128xi1>, vector<512x128xf32>
    %eq3A_610 = arith.constant 5 : i32
    %eq3A_611 = vector.broadcast %eq3A_610 : i32 to vector<512x128xi32>
    %eq3A_612 = arith.cmpi eq, %get3A_1, %eq3A_611 : vector<512x128xi32>
    %broadcast_in_dim3A_613 = vector.broadcast %div3A_376 : f32 to vector<512x128xf32>
    %select_n3A_614 = arith.select %eq3A_612, %broadcast_in_dim3A_613, %select_n3A_609 : vector<512x128xi1>, vector<512x128xf32>
    %eq3A_615 = arith.constant 6 : i32
    %eq3A_616 = vector.broadcast %eq3A_615 : i32 to vector<512x128xi32>
    %eq3A_617 = arith.cmpi eq, %get3A_1, %eq3A_616 : vector<512x128xi32>
    %broadcast_in_dim3A_618 = vector.broadcast %div3A_447 : f32 to vector<512x128xf32>
    %select_n3A_619 = arith.select %eq3A_617, %broadcast_in_dim3A_618, %select_n3A_614 : vector<512x128xi1>, vector<512x128xf32>
    %eq3A_620 = arith.constant 7 : i32
    %eq3A_621 = vector.broadcast %eq3A_620 : i32 to vector<512x128xi32>
    %eq3A_622 = arith.cmpi eq, %get3A_1, %eq3A_621 : vector<512x128xi32>
    %broadcast_in_dim3A_623 = vector.broadcast %div3A_518 : f32 to vector<512x128xf32>
    %select_n3A_624 = arith.select %eq3A_622, %broadcast_in_dim3A_623, %select_n3A_619 : vector<512x128xi1>, vector<512x128xf32>
    %broadcast_in_dim3A_625 = arith.constant 0.000000e+00 : f32
    %broadcast_in_dim3A_626 = vector.broadcast %broadcast_in_dim3A_625 : f32 to vector<512x128xf32>
    %eq3A_627 = arith.constant 0 : i32
    %eq3A_628 = vector.broadcast %eq3A_627 : i32 to vector<512x128xi32>
    %eq3A_629 = arith.cmpi eq, %get3A_1, %eq3A_628 : vector<512x128xi32>
    %broadcast_in_dim3A_630 = vector.broadcast %div3A_35 : f32 to vector<512x128xf32>
    %select_n3A_631 = arith.select %eq3A_629, %broadcast_in_dim3A_630, %broadcast_in_dim3A_626 : vector<512x128xi1>, vector<512x128xf32>
    %eq3A_632 = arith.constant 1 : i32
    %eq3A_633 = vector.broadcast %eq3A_632 : i32 to vector<512x128xi32>
    %eq3A_634 = arith.cmpi eq, %get3A_1, %eq3A_633 : vector<512x128xi32>
    %broadcast_in_dim3A_635 = vector.broadcast %div3A_106 : f32 to vector<512x128xf32>
    %select_n3A_636 = arith.select %eq3A_634, %broadcast_in_dim3A_635, %select_n3A_631 : vector<512x128xi1>, vector<512x128xf32>
    %eq3A_637 = arith.constant 2 : i32
    %eq3A_638 = vector.broadcast %eq3A_637 : i32 to vector<512x128xi32>
    %eq3A_639 = arith.cmpi eq, %get3A_1, %eq3A_638 : vector<512x128xi32>
    %broadcast_in_dim3A_640 = vector.broadcast %div3A_177 : f32 to vector<512x128xf32>
    %select_n3A_641 = arith.select %eq3A_639, %broadcast_in_dim3A_640, %select_n3A_636 : vector<512x128xi1>, vector<512x128xf32>
    %eq3A_642 = arith.constant 3 : i32
    %eq3A_643 = vector.broadcast %eq3A_642 : i32 to vector<512x128xi32>
    %eq3A_644 = arith.cmpi eq, %get3A_1, %eq3A_643 : vector<512x128xi32>
    %broadcast_in_dim3A_645 = vector.broadcast %div3A_248 : f32 to vector<512x128xf32>
    %select_n3A_646 = arith.select %eq3A_644, %broadcast_in_dim3A_645, %select_n3A_641 : vector<512x128xi1>, vector<512x128xf32>
    %eq3A_647 = arith.constant 4 : i32
    %eq3A_648 = vector.broadcast %eq3A_647 : i32 to vector<512x128xi32>
    %eq3A_649 = arith.cmpi eq, %get3A_1, %eq3A_648 : vector<512x128xi32>
    %broadcast_in_dim3A_650 = vector.broadcast %div3A_319 : f32 to vector<512x128xf32>
    %select_n3A_651 = arith.select %eq3A_649, %broadcast_in_dim3A_650, %select_n3A_646 : vector<512x128xi1>, vector<512x128xf32>
    %eq3A_652 = arith.constant 5 : i32
    %eq3A_653 = vector.broadcast %eq3A_652 : i32 to vector<512x128xi32>
    %eq3A_654 = arith.cmpi eq, %get3A_1, %eq3A_653 : vector<512x128xi32>
    %broadcast_in_dim3A_655 = vector.broadcast %div3A_390 : f32 to vector<512x128xf32>
    %select_n3A_656 = arith.select %eq3A_654, %broadcast_in_dim3A_655, %select_n3A_651 : vector<512x128xi1>, vector<512x128xf32>
    %eq3A_657 = arith.constant 6 : i32
    %eq3A_658 = vector.broadcast %eq3A_657 : i32 to vector<512x128xi32>
    %eq3A_659 = arith.cmpi eq, %get3A_1, %eq3A_658 : vector<512x128xi32>
    %broadcast_in_dim3A_660 = vector.broadcast %div3A_461 : f32 to vector<512x128xf32>
    %select_n3A_661 = arith.select %eq3A_659, %broadcast_in_dim3A_660, %select_n3A_656 : vector<512x128xi1>, vector<512x128xf32>
    %eq3A_662 = arith.constant 7 : i32
    %eq3A_663 = vector.broadcast %eq3A_662 : i32 to vector<512x128xi32>
    %eq3A_664 = arith.cmpi eq, %get3A_1, %eq3A_663 : vector<512x128xi32>
    %broadcast_in_dim3A_665 = vector.broadcast %div3A_532 : f32 to vector<512x128xf32>
    %select_n3A_666 = arith.select %eq3A_664, %broadcast_in_dim3A_665, %select_n3A_661 : vector<512x128xi1>, vector<512x128xf32>
    %broadcast_in_dim3A_667 = arith.constant 0.000000e+00 : f32
    %broadcast_in_dim3A_668 = vector.broadcast %broadcast_in_dim3A_667 : f32 to vector<512x128xf32>
    %eq3A_669 = arith.constant 0 : i32
    %eq3A_670 = vector.broadcast %eq3A_669 : i32 to vector<512x128xi32>
    %eq3A_671 = arith.cmpi eq, %get3A_1, %eq3A_670 : vector<512x128xi32>
    %broadcast_in_dim3A_672 = vector.broadcast %div3A_49 : f32 to vector<512x128xf32>
    %select_n3A_673 = arith.select %eq3A_671, %broadcast_in_dim3A_672, %broadcast_in_dim3A_668 : vector<512x128xi1>, vector<512x128xf32>
    %eq3A_674 = arith.constant 1 : i32
    %eq3A_675 = vector.broadcast %eq3A_674 : i32 to vector<512x128xi32>
    %eq3A_676 = arith.cmpi eq, %get3A_1, %eq3A_675 : vector<512x128xi32>
    %broadcast_in_dim3A_677 = vector.broadcast %div3A_120 : f32 to vector<512x128xf32>
    %select_n3A_678 = arith.select %eq3A_676, %broadcast_in_dim3A_677, %select_n3A_673 : vector<512x128xi1>, vector<512x128xf32>
    %eq3A_679 = arith.constant 2 : i32
    %eq3A_680 = vector.broadcast %eq3A_679 : i32 to vector<512x128xi32>
    %eq3A_681 = arith.cmpi eq, %get3A_1, %eq3A_680 : vector<512x128xi32>
    %broadcast_in_dim3A_682 = vector.broadcast %div3A_191 : f32 to vector<512x128xf32>
    %select_n3A_683 = arith.select %eq3A_681, %broadcast_in_dim3A_682, %select_n3A_678 : vector<512x128xi1>, vector<512x128xf32>
    %eq3A_684 = arith.constant 3 : i32
    %eq3A_685 = vector.broadcast %eq3A_684 : i32 to vector<512x128xi32>
    %eq3A_686 = arith.cmpi eq, %get3A_1, %eq3A_685 : vector<512x128xi32>
    %broadcast_in_dim3A_687 = vector.broadcast %div3A_262 : f32 to vector<512x128xf32>
    %select_n3A_688 = arith.select %eq3A_686, %broadcast_in_dim3A_687, %select_n3A_683 : vector<512x128xi1>, vector<512x128xf32>
    %eq3A_689 = arith.constant 4 : i32
    %eq3A_690 = vector.broadcast %eq3A_689 : i32 to vector<512x128xi32>
    %eq3A_691 = arith.cmpi eq, %get3A_1, %eq3A_690 : vector<512x128xi32>
    %broadcast_in_dim3A_692 = vector.broadcast %div3A_333 : f32 to vector<512x128xf32>
    %select_n3A_693 = arith.select %eq3A_691, %broadcast_in_dim3A_692, %select_n3A_688 : vector<512x128xi1>, vector<512x128xf32>
    %eq3A_694 = arith.constant 5 : i32
    %eq3A_695 = vector.broadcast %eq3A_694 : i32 to vector<512x128xi32>
    %eq3A_696 = arith.cmpi eq, %get3A_1, %eq3A_695 : vector<512x128xi32>
    %broadcast_in_dim3A_697 = vector.broadcast %div3A_404 : f32 to vector<512x128xf32>
    %select_n3A_698 = arith.select %eq3A_696, %broadcast_in_dim3A_697, %select_n3A_693 : vector<512x128xi1>, vector<512x128xf32>
    %eq3A_699 = arith.constant 6 : i32
    %eq3A_700 = vector.broadcast %eq3A_699 : i32 to vector<512x128xi32>
    %eq3A_701 = arith.cmpi eq, %get3A_1, %eq3A_700 : vector<512x128xi32>
    %broadcast_in_dim3A_702 = vector.broadcast %div3A_475 : f32 to vector<512x128xf32>
    %select_n3A_703 = arith.select %eq3A_701, %broadcast_in_dim3A_702, %select_n3A_698 : vector<512x128xi1>, vector<512x128xf32>
    %eq3A_704 = arith.constant 7 : i32
    %eq3A_705 = vector.broadcast %eq3A_704 : i32 to vector<512x128xi32>
    %eq3A_706 = arith.cmpi eq, %get3A_1, %eq3A_705 : vector<512x128xi32>
    %broadcast_in_dim3A_707 = vector.broadcast %div3A_546 : f32 to vector<512x128xf32>
    %select_n3A_708 = arith.select %eq3A_706, %broadcast_in_dim3A_707, %select_n3A_703 : vector<512x128xi1>, vector<512x128xf32>
    %broadcast_in_dim3A_709 = arith.constant 0.000000e+00 : f32
    %broadcast_in_dim3A_710 = vector.broadcast %broadcast_in_dim3A_709 : f32 to vector<512x128xf32>
    %eq3A_711 = arith.constant 0 : i32
    %eq3A_712 = vector.broadcast %eq3A_711 : i32 to vector<512x128xi32>
    %eq3A_713 = arith.cmpi eq, %get3A_1, %eq3A_712 : vector<512x128xi32>
    %broadcast_in_dim3A_714 = vector.broadcast %div3A_63 : f32 to vector<512x128xf32>
    %select_n3A_715 = arith.select %eq3A_713, %broadcast_in_dim3A_714, %broadcast_in_dim3A_710 : vector<512x128xi1>, vector<512x128xf32>
    %eq3A_716 = arith.constant 1 : i32
    %eq3A_717 = vector.broadcast %eq3A_716 : i32 to vector<512x128xi32>
    %eq3A_718 = arith.cmpi eq, %get3A_1, %eq3A_717 : vector<512x128xi32>
    %broadcast_in_dim3A_719 = vector.broadcast %div3A_134 : f32 to vector<512x128xf32>
    %select_n3A_720 = arith.select %eq3A_718, %broadcast_in_dim3A_719, %select_n3A_715 : vector<512x128xi1>, vector<512x128xf32>
    %eq3A_721 = arith.constant 2 : i32
    %eq3A_722 = vector.broadcast %eq3A_721 : i32 to vector<512x128xi32>
    %eq3A_723 = arith.cmpi eq, %get3A_1, %eq3A_722 : vector<512x128xi32>
    %broadcast_in_dim3A_724 = vector.broadcast %div3A_205 : f32 to vector<512x128xf32>
    %select_n3A_725 = arith.select %eq3A_723, %broadcast_in_dim3A_724, %select_n3A_720 : vector<512x128xi1>, vector<512x128xf32>
    %eq3A_726 = arith.constant 3 : i32
    %eq3A_727 = vector.broadcast %eq3A_726 : i32 to vector<512x128xi32>
    %eq3A_728 = arith.cmpi eq, %get3A_1, %eq3A_727 : vector<512x128xi32>
    %broadcast_in_dim3A_729 = vector.broadcast %div3A_276 : f32 to vector<512x128xf32>
    %select_n3A_730 = arith.select %eq3A_728, %broadcast_in_dim3A_729, %select_n3A_725 : vector<512x128xi1>, vector<512x128xf32>
    %eq3A_731 = arith.constant 4 : i32
    %eq3A_732 = vector.broadcast %eq3A_731 : i32 to vector<512x128xi32>
    %eq3A_733 = arith.cmpi eq, %get3A_1, %eq3A_732 : vector<512x128xi32>
    %broadcast_in_dim3A_734 = vector.broadcast %div3A_347 : f32 to vector<512x128xf32>
    %select_n3A_735 = arith.select %eq3A_733, %broadcast_in_dim3A_734, %select_n3A_730 : vector<512x128xi1>, vector<512x128xf32>
    %eq3A_736 = arith.constant 5 : i32
    %eq3A_737 = vector.broadcast %eq3A_736 : i32 to vector<512x128xi32>
    %eq3A_738 = arith.cmpi eq, %get3A_1, %eq3A_737 : vector<512x128xi32>
    %broadcast_in_dim3A_739 = vector.broadcast %div3A_418 : f32 to vector<512x128xf32>
    %select_n3A_740 = arith.select %eq3A_738, %broadcast_in_dim3A_739, %select_n3A_735 : vector<512x128xi1>, vector<512x128xf32>
    %eq3A_741 = arith.constant 6 : i32
    %eq3A_742 = vector.broadcast %eq3A_741 : i32 to vector<512x128xi32>
    %eq3A_743 = arith.cmpi eq, %get3A_1, %eq3A_742 : vector<512x128xi32>
    %broadcast_in_dim3A_744 = vector.broadcast %div3A_489 : f32 to vector<512x128xf32>
    %select_n3A_745 = arith.select %eq3A_743, %broadcast_in_dim3A_744, %select_n3A_740 : vector<512x128xi1>, vector<512x128xf32>
    %eq3A_746 = arith.constant 7 : i32
    %eq3A_747 = vector.broadcast %eq3A_746 : i32 to vector<512x128xi32>
    %eq3A_748 = arith.cmpi eq, %get3A_1, %eq3A_747 : vector<512x128xi32>
    %broadcast_in_dim3A_749 = vector.broadcast %div3A_560 : f32 to vector<512x128xf32>
    %select_n3A_750 = arith.select %eq3A_748, %broadcast_in_dim3A_749, %select_n3A_745 : vector<512x128xi1>, vector<512x128xf32>
    %get3A_751 = arith.constant 0 : index
    %get3A_752 = arith.constant 0 : index
    %get3A_753 = arith.constant 0 : index
    %get3A_754 = vector.load %arg1[%get3A_751, %get3A_752, %get3A_753] : memref<4x512x128xf32, #tpu.memory_space<vmem>>, vector<1x512x128xf32>
    %get3A_755 = vector.shape_cast %get3A_754 : vector<1x512x128xf32> to vector<512x128xf32>
    %sub3A = arith.subf %get3A_755, %select_n3A_624 : vector<512x128xf32>
    %integer_pow3A = arith.mulf %sub3A, %sub3A : vector<512x128xf32>
    %get3A_756 = arith.constant 1 : index
    %get3A_757 = arith.constant 0 : index
    %get3A_758 = arith.constant 0 : index
    %get3A_759 = vector.load %arg1[%get3A_756, %get3A_757, %get3A_758] : memref<4x512x128xf32, #tpu.memory_space<vmem>>, vector<1x512x128xf32>
    %get3A_760 = vector.shape_cast %get3A_759 : vector<1x512x128xf32> to vector<512x128xf32>
    %sub3A_761 = arith.subf %get3A_760, %select_n3A_666 : vector<512x128xf32>
    %integer_pow3A_762 = arith.mulf %sub3A_761, %sub3A_761 : vector<512x128xf32>
    %add3A_763 = arith.addf %integer_pow3A, %integer_pow3A_762 : vector<512x128xf32>
    %get3A_764 = arith.constant 2 : index
    %get3A_765 = arith.constant 0 : index
    %get3A_766 = arith.constant 0 : index
    %get3A_767 = vector.load %arg1[%get3A_764, %get3A_765, %get3A_766] : memref<4x512x128xf32, #tpu.memory_space<vmem>>, vector<1x512x128xf32>
    %get3A_768 = vector.shape_cast %get3A_767 : vector<1x512x128xf32> to vector<512x128xf32>
    %sub3A_769 = arith.subf %get3A_768, %select_n3A_708 : vector<512x128xf32>
    %integer_pow3A_770 = arith.mulf %sub3A_769, %sub3A_769 : vector<512x128xf32>
    %add3A_771 = arith.addf %add3A_763, %integer_pow3A_770 : vector<512x128xf32>
    %get3A_772 = arith.constant 3 : index
    %get3A_773 = arith.constant 0 : index
    %get3A_774 = arith.constant 0 : index
    %get3A_775 = vector.load %arg1[%get3A_772, %get3A_773, %get3A_774] : memref<4x512x128xf32, #tpu.memory_space<vmem>>, vector<1x512x128xf32>
    %get3A_776 = vector.shape_cast %get3A_775 : vector<1x512x128xf32> to vector<512x128xf32>
    %sub3A_777 = arith.subf %get3A_776, %select_n3A_750 : vector<512x128xf32>
    %integer_pow3A_778 = arith.mulf %sub3A_777, %sub3A_777 : vector<512x128xf32>
    %add3A_779 = arith.addf %add3A_771, %integer_pow3A_778 : vector<512x128xf32>
    %broadcast_in_dim3A_780 = arith.constant 0.000000e+00 : f32
    %broadcast_in_dim3A_781 = vector.broadcast %broadcast_in_dim3A_780 : f32 to vector<512x128xf32>
    %eq3A_782 = arith.constant 0 : i32
    %eq3A_783 = vector.broadcast %eq3A_782 : i32 to vector<512x128xi32>
    %eq3A_784 = arith.cmpi eq, %get3A_1, %eq3A_783 : vector<512x128xi32>
    %and3A = vector.broadcast %gt3A_561 : i1 to vector<512x128xi1>
    %and3A_785 = arith.andi %eq3A_784, %and3A : vector<512x128xi1>
    %jit3A_786 = arith.constant 1.000000e+00 : f32
    %broadcast_in_dim3A_787 = vector.broadcast %jit3A_786 : f32 to vector<512x128xf32>
    %select_n3A_788 = arith.select %and3A_785, %broadcast_in_dim3A_787, %broadcast_in_dim3A_781 : vector<512x128xi1>, vector<512x128xf32>
    %eq3A_789 = arith.constant 1 : i32
    %eq3A_790 = vector.broadcast %eq3A_789 : i32 to vector<512x128xi32>
    %eq3A_791 = arith.cmpi eq, %get3A_1, %eq3A_790 : vector<512x128xi32>
    %and3A_792 = vector.broadcast %gt3A_563 : i1 to vector<512x128xi1>
    %and3A_793 = arith.andi %eq3A_791, %and3A_792 : vector<512x128xi1>
    %jit3A_794 = arith.constant 1.000000e+00 : f32
    %broadcast_in_dim3A_795 = vector.broadcast %jit3A_794 : f32 to vector<512x128xf32>
    %select_n3A_796 = arith.select %and3A_793, %broadcast_in_dim3A_795, %select_n3A_788 : vector<512x128xi1>, vector<512x128xf32>
    %eq3A_797 = arith.constant 2 : i32
    %eq3A_798 = vector.broadcast %eq3A_797 : i32 to vector<512x128xi32>
    %eq3A_799 = arith.cmpi eq, %get3A_1, %eq3A_798 : vector<512x128xi32>
    %and3A_800 = vector.broadcast %gt3A_565 : i1 to vector<512x128xi1>
    %and3A_801 = arith.andi %eq3A_799, %and3A_800 : vector<512x128xi1>
    %jit3A_802 = arith.constant 1.000000e+00 : f32
    %broadcast_in_dim3A_803 = vector.broadcast %jit3A_802 : f32 to vector<512x128xf32>
    %select_n3A_804 = arith.select %and3A_801, %broadcast_in_dim3A_803, %select_n3A_796 : vector<512x128xi1>, vector<512x128xf32>
    %eq3A_805 = arith.constant 3 : i32
    %eq3A_806 = vector.broadcast %eq3A_805 : i32 to vector<512x128xi32>
    %eq3A_807 = arith.cmpi eq, %get3A_1, %eq3A_806 : vector<512x128xi32>
    %and3A_808 = vector.broadcast %gt3A_567 : i1 to vector<512x128xi1>
    %and3A_809 = arith.andi %eq3A_807, %and3A_808 : vector<512x128xi1>
    %jit3A_810 = arith.constant 1.000000e+00 : f32
    %broadcast_in_dim3A_811 = vector.broadcast %jit3A_810 : f32 to vector<512x128xf32>
    %select_n3A_812 = arith.select %and3A_809, %broadcast_in_dim3A_811, %select_n3A_804 : vector<512x128xi1>, vector<512x128xf32>
    %eq3A_813 = arith.constant 4 : i32
    %eq3A_814 = vector.broadcast %eq3A_813 : i32 to vector<512x128xi32>
    %eq3A_815 = arith.cmpi eq, %get3A_1, %eq3A_814 : vector<512x128xi32>
    %and3A_816 = vector.broadcast %gt3A_569 : i1 to vector<512x128xi1>
    %and3A_817 = arith.andi %eq3A_815, %and3A_816 : vector<512x128xi1>
    %jit3A_818 = arith.constant 1.000000e+00 : f32
    %broadcast_in_dim3A_819 = vector.broadcast %jit3A_818 : f32 to vector<512x128xf32>
    %select_n3A_820 = arith.select %and3A_817, %broadcast_in_dim3A_819, %select_n3A_812 : vector<512x128xi1>, vector<512x128xf32>
    %eq3A_821 = arith.constant 5 : i32
    %eq3A_822 = vector.broadcast %eq3A_821 : i32 to vector<512x128xi32>
    %eq3A_823 = arith.cmpi eq, %get3A_1, %eq3A_822 : vector<512x128xi32>
    %and3A_824 = vector.broadcast %gt3A_571 : i1 to vector<512x128xi1>
    %and3A_825 = arith.andi %eq3A_823, %and3A_824 : vector<512x128xi1>
    %jit3A_826 = arith.constant 1.000000e+00 : f32
    %broadcast_in_dim3A_827 = vector.broadcast %jit3A_826 : f32 to vector<512x128xf32>
    %select_n3A_828 = arith.select %and3A_825, %broadcast_in_dim3A_827, %select_n3A_820 : vector<512x128xi1>, vector<512x128xf32>
    %eq3A_829 = arith.constant 6 : i32
    %eq3A_830 = vector.broadcast %eq3A_829 : i32 to vector<512x128xi32>
    %eq3A_831 = arith.cmpi eq, %get3A_1, %eq3A_830 : vector<512x128xi32>
    %and3A_832 = vector.broadcast %gt3A_573 : i1 to vector<512x128xi1>
    %and3A_833 = arith.andi %eq3A_831, %and3A_832 : vector<512x128xi1>
    %jit3A_834 = arith.constant 1.000000e+00 : f32
    %broadcast_in_dim3A_835 = vector.broadcast %jit3A_834 : f32 to vector<512x128xf32>
    %select_n3A_836 = arith.select %and3A_833, %broadcast_in_dim3A_835, %select_n3A_828 : vector<512x128xi1>, vector<512x128xf32>
    %eq3A_837 = arith.constant 7 : i32
    %eq3A_838 = vector.broadcast %eq3A_837 : i32 to vector<512x128xi32>
    %eq3A_839 = arith.cmpi eq, %get3A_1, %eq3A_838 : vector<512x128xi32>
    %and3A_840 = vector.broadcast %gt3A_575 : i1 to vector<512x128xi1>
    %and3A_841 = arith.andi %eq3A_839, %and3A_840 : vector<512x128xi1>
    %jit3A_842 = arith.constant 1.000000e+00 : f32
    %broadcast_in_dim3A_843 = vector.broadcast %jit3A_842 : f32 to vector<512x128xf32>
    %select_n3A_844 = arith.select %and3A_841, %broadcast_in_dim3A_843, %select_n3A_836 : vector<512x128xi1>, vector<512x128xf32>
    %gt3A_845 = arith.constant 0.000000e+00 : f32
    %gt3A_846 = vector.broadcast %gt3A_845 : f32 to vector<512x128xf32>
    %gt3A_847 = arith.cmpf ogt, %select_n3A_844, %gt3A_846 : vector<512x128xf32>
    %jit3A_848 = arith.constant -3.40282347E+38 : f32
    %broadcast_in_dim3A_849 = vector.broadcast %jit3A_848 : f32 to vector<512x128xf32>
    %select_n3A_850 = arith.select %gt3A_847, %add3A_779, %broadcast_in_dim3A_849 : vector<512x128xi1>, vector<512x128xf32>
    %swap3A_851 = arith.constant 0 : index
    %swap3A_852 = arith.constant 0 : index
    %swap3A_853 = vector.load %arg5[%swap3A_851, %swap3A_852] : memref<512x128xf32, #tpu.memory_space<vmem>>, vector<512x128xf32>
    tpu.vector_store %arg5[%swap3A_851, %swap3A_852], %select_n3A_850 {strides = array<i32>} : memref<512x128xf32, #tpu.memory_space<vmem>>, vector<512x128xf32>,
    %iota3A = tpu.iota {dimensions = array<i32: 1>} : vector<1x128xi32>
    %iota3A_854 = tpu.iota {dimensions = array<i32: 0>} : vector<512x128xi32>
    %mul3A = arith.constant 128 : i32
    %mul3A_855 = vector.broadcast %mul3A : i32 to vector<512x128xi32>
    %mul3A_856 = arith.muli %iota3A_854, %mul3A_855 : vector<512x128xi32>
    %iota3A_857 = tpu.iota {dimensions = array<i32: 1>} : vector<512x128xi32>
    %add3A_858 = arith.addi %mul3A_856, %iota3A_857 : vector<512x128xi32>
    %iota3A_859 = tpu.iota {dimensions = array<i32: 0>} : vector<512x1xi32>
    %add3A_860 = arith.constant 0 : i32
    %add3A_861 = arith.addi %add3A_860, %convert_element_type3A_9 : i32
    %mul3A_862 = arith.constant 128 : i32
    %mul3A_863 = vector.broadcast %mul3A_862 : i32 to vector<512x1xi32>
    %mul3A_864 = arith.muli %iota3A_859, %mul3A_863 : vector<512x1xi32>
    %ge3A = arith.constant 0 : i32
    %ge3A_865 = vector.broadcast %ge3A : i32 to vector<512x1xi32>
    %ge3A_866 = arith.cmpi sge, %mul3A_864, %ge3A_865 : vector<512x1xi32>
    %add3A_867 = arith.constant 1 : i32
    %add3A_868 = vector.broadcast %add3A_867 : i32 to vector<512x1xi32>
    %add3A_869 = arith.addi %iota3A_859, %add3A_868 : vector<512x1xi32>
    %mul3A_870 = arith.constant 128 : i32
    %mul3A_871 = vector.broadcast %mul3A_870 : i32 to vector<512x1xi32>
    %mul3A_872 = arith.muli %add3A_869, %mul3A_871 : vector<512x1xi32>
    %le3A = vector.broadcast %add3A_861 : i32 to vector<512x1xi32>
    %le3A_873 = arith.cmpi sle, %mul3A_872, %le3A : vector<512x1xi32>
    %and3A_874 = arith.andi %ge3A_866, %le3A_873 : vector<512x1xi1>
    %jit3A_875 = arith.constant 0 : i32
    %jit3A_876 = arith.constant 128 : i32
    %div3A_877 = arith.divsi %jit3A_875, %jit3A_876 : i32
    %sign3A = arith.constant 0 : i32
    %sign3A_878 = arith.cmpi sgt, %jit3A_875, %sign3A : i32
    %sign3A_879 = arith.extui %sign3A_878 : i1 to i32
    %sign3A_880 = arith.constant 0 : i32
    %sign3A_881 = arith.cmpi slt, %jit3A_875, %sign3A_880 : i32
    %sign3A_882 = arith.extui %sign3A_881 : i1 to i32
    %sign3A_883 = arith.subi %sign3A_879, %sign3A_882 : i32
    %sign3A_884 = arith.constant 0 : i32
    %sign3A_885 = arith.cmpi sgt, %jit3A_876, %sign3A_884 : i32
    %sign3A_886 = arith.extui %sign3A_885 : i1 to i32
    %sign3A_887 = arith.constant 0 : i32
    %sign3A_888 = arith.cmpi slt, %jit3A_876, %sign3A_887 : i32
    %sign3A_889 = arith.extui %sign3A_888 : i1 to i32
    %sign3A_890 = arith.subi %sign3A_886, %sign3A_889 : i32
    %ne3A = arith.cmpi ne, %sign3A_883, %sign3A_890 : i32
    %rem3A = arith.remsi %jit3A_875, %jit3A_876 : i32
    %ne3A_891 = arith.constant 0 : i32
    %ne3A_892 = arith.cmpi ne, %rem3A, %ne3A_891 : i32
    %and3A_893 = arith.andi %ne3A, %ne3A_892 : i1
    %sub3A_894 = arith.constant 1 : i32
    %sub3A_895 = arith.subi %div3A_877, %sub3A_894 : i32
    %select_n3A_896 = arith.select %and3A_893, %sub3A_895, %div3A_877 : i32
    %jit3A_897 = arith.constant 128 : i32
    %div3A_898 = arith.divsi %add3A_861, %jit3A_897 : i32
    %sign3A_899 = arith.constant 0 : i32
    %sign3A_900 = arith.cmpi sgt, %add3A_861, %sign3A_899 : i32
    %sign3A_901 = arith.extui %sign3A_900 : i1 to i32
    %sign3A_902 = arith.constant 0 : i32
    %sign3A_903 = arith.cmpi slt, %add3A_861, %sign3A_902 : i32
    %sign3A_904 = arith.extui %sign3A_903 : i1 to i32
    %sign3A_905 = arith.subi %sign3A_901, %sign3A_904 : i32
    %sign3A_906 = arith.constant 0 : i32
    %sign3A_907 = arith.cmpi sgt, %jit3A_897, %sign3A_906 : i32
    %sign3A_908 = arith.extui %sign3A_907 : i1 to i32
    %sign3A_909 = arith.constant 0 : i32
    %sign3A_910 = arith.cmpi slt, %jit3A_897, %sign3A_909 : i32
    %sign3A_911 = arith.extui %sign3A_910 : i1 to i32
    %sign3A_912 = arith.subi %sign3A_908, %sign3A_911 : i32
    %ne3A_913 = arith.cmpi ne, %sign3A_905, %sign3A_912 : i32
    %rem3A_914 = arith.remsi %add3A_861, %jit3A_897 : i32
    %ne3A_915 = arith.constant 0 : i32
    %ne3A_916 = arith.cmpi ne, %rem3A_914, %ne3A_915 : i32
    %and3A_917 = arith.andi %ne3A_913, %ne3A_916 : i1
    %sub3A_918 = arith.constant 1 : i32
    %sub3A_919 = arith.subi %div3A_898, %sub3A_918 : i32
    %select_n3A_920 = arith.select %and3A_917, %sub3A_919, %div3A_898 : i32
    %min3A = arith.constant 511 : i32
    %min3A_921 = arith.minsi %select_n3A_920, %min3A : i32
    %mul3A_922 = arith.constant 128 : i32
    %mul3A_923 = arith.muli %select_n3A_896, %mul3A_922 : i32
    %add3A_924 = vector.broadcast %mul3A_923 : i32 to vector<1x128xi32>
    %add3A_925 = arith.addi %add3A_924, %iota3A : vector<1x128xi32>
    %ge3A_926 = arith.constant 0 : i32
    %ge3A_927 = vector.broadcast %ge3A_926 : i32 to vector<1x128xi32>
    %ge3A_928 = arith.cmpi sge, %add3A_925, %ge3A_927 : vector<1x128xi32>
    %lt3A = vector.broadcast %add3A_861 : i32 to vector<1x128xi32>
    %lt3A_929 = arith.cmpi slt, %add3A_925, %lt3A : vector<1x128xi32>
    %and3A_930 = arith.andi %ge3A_928, %lt3A_929 : vector<1x128xi1>
    %mul3A_931 = arith.constant 128 : i32
    %mul3A_932 = arith.muli %min3A_921, %mul3A_931 : i32
    %add3A_933 = vector.broadcast %mul3A_932 : i32 to vector<1x128xi32>
    %add3A_934 = arith.addi %add3A_933, %iota3A : vector<1x128xi32>
    %ge3A_935 = arith.constant 0 : i32
    %ge3A_936 = vector.broadcast %ge3A_935 : i32 to vector<1x128xi32>
    %ge3A_937 = arith.cmpi sge, %add3A_934, %ge3A_936 : vector<1x128xi32>
    %lt3A_938 = vector.broadcast %add3A_861 : i32 to vector<1x128xi32>
    %lt3A_939 = arith.cmpi slt, %add3A_934, %lt3A_938 : vector<1x128xi32>
    %and3A_940 = arith.andi %ge3A_937, %lt3A_939 : vector<1x128xi1>
    %add3A_941 = arith.addi %add3A_576, %convert_element_type3A_74 : i32
    %mul3A_942 = arith.constant 128 : i32
    %mul3A_943 = vector.broadcast %mul3A_942 : i32 to vector<512x1xi32>
    %mul3A_944 = arith.muli %iota3A_859, %mul3A_943 : vector<512x1xi32>
    %ge3A_945 = vector.broadcast %add3A_576 : i32 to vector<512x1xi32>
    %ge3A_946 = arith.cmpi sge, %mul3A_944, %ge3A_945 : vector<512x1xi32>
    %add3A_947 = arith.constant 1 : i32
    %add3A_948 = vector.broadcast %add3A_947 : i32 to vector<512x1xi32>
    %add3A_949 = arith.addi %iota3A_859, %add3A_948 : vector<512x1xi32>
    %mul3A_950 = arith.constant 128 : i32
    %mul3A_951 = vector.broadcast %mul3A_950 : i32 to vector<512x1xi32>
    %mul3A_952 = arith.muli %add3A_949, %mul3A_951 : vector<512x1xi32>
    %le3A_953 = vector.broadcast %add3A_941 : i32 to vector<512x1xi32>
    %le3A_954 = arith.cmpi sle, %mul3A_952, %le3A_953 : vector<512x1xi32>
    %and3A_955 = arith.andi %ge3A_946, %le3A_954 : vector<512x1xi1>
    %jit3A_956 = arith.constant 128 : i32
    %div3A_957 = arith.divsi %add3A_576, %jit3A_956 : i32
    %sign3A_958 = arith.constant 0 : i32
    %sign3A_959 = arith.cmpi sgt, %add3A_576, %sign3A_958 : i32
    %sign3A_960 = arith.extui %sign3A_959 : i1 to i32
    %sign3A_961 = arith.constant 0 : i32
    %sign3A_962 = arith.cmpi slt, %add3A_576, %sign3A_961 : i32
    %sign3A_963 = arith.extui %sign3A_962 : i1 to i32
    %sign3A_964 = arith.subi %sign3A_960, %sign3A_963 : i32
    %sign3A_965 = arith.constant 0 : i32
    %sign3A_966 = arith.cmpi sgt, %jit3A_956, %sign3A_965 : i32
    %sign3A_967 = arith.extui %sign3A_966 : i1 to i32
    %sign3A_968 = arith.constant 0 : i32
    %sign3A_969 = arith.cmpi slt, %jit3A_956, %sign3A_968 : i32
    %sign3A_970 = arith.extui %sign3A_969 : i1 to i32
    %sign3A_971 = arith.subi %sign3A_967, %sign3A_970 : i32
    %ne3A_972 = arith.cmpi ne, %sign3A_964, %sign3A_971 : i32
    %rem3A_973 = arith.remsi %add3A_576, %jit3A_956 : i32
    %ne3A_974 = arith.constant 0 : i32
    %ne3A_975 = arith.cmpi ne, %rem3A_973, %ne3A_974 : i32
    %and3A_976 = arith.andi %ne3A_972, %ne3A_975 : i1
    %sub3A_977 = arith.constant 1 : i32
    %sub3A_978 = arith.subi %div3A_957, %sub3A_977 : i32
    %select_n3A_979 = arith.select %and3A_976, %sub3A_978, %div3A_957 : i32
    %jit3A_980 = arith.constant 128 : i32
    %div3A_981 = arith.divsi %add3A_941, %jit3A_980 : i32
    %sign3A_982 = arith.constant 0 : i32
    %sign3A_983 = arith.cmpi sgt, %add3A_941, %sign3A_982 : i32
    %sign3A_984 = arith.extui %sign3A_983 : i1 to i32
    %sign3A_985 = arith.constant 0 : i32
    %sign3A_986 = arith.cmpi slt, %add3A_941, %sign3A_985 : i32
    %sign3A_987 = arith.extui %sign3A_986 : i1 to i32
    %sign3A_988 = arith.subi %sign3A_984, %sign3A_987 : i32
    %sign3A_989 = arith.constant 0 : i32
    %sign3A_990 = arith.cmpi sgt, %jit3A_980, %sign3A_989 : i32
    %sign3A_991 = arith.extui %sign3A_990 : i1 to i32
    %sign3A_992 = arith.constant 0 : i32
    %sign3A_993 = arith.cmpi slt, %jit3A_980, %sign3A_992 : i32
    %sign3A_994 = arith.extui %sign3A_993 : i1 to i32
    %sign3A_995 = arith.subi %sign3A_991, %sign3A_994 : i32
    %ne3A_996 = arith.cmpi ne, %sign3A_988, %sign3A_995 : i32
    %rem3A_997 = arith.remsi %add3A_941, %jit3A_980 : i32
    %ne3A_998 = arith.constant 0 : i32
    %ne3A_999 = arith.cmpi ne, %rem3A_997, %ne3A_998 : i32
    %and3A_1000 = arith.andi %ne3A_996, %ne3A_999 : i1
    %sub3A_1001 = arith.constant 1 : i32
    %sub3A_1002 = arith.subi %div3A_981, %sub3A_1001 : i32
    %select_n3A_1003 = arith.select %and3A_1000, %sub3A_1002, %div3A_981 : i32
    %min3A_1004 = arith.constant 511 : i32
    %min3A_1005 = arith.minsi %select_n3A_1003, %min3A_1004 : i32
    %mul3A_1006 = arith.constant 128 : i32
    %mul3A_1007 = arith.muli %select_n3A_979, %mul3A_1006 : i32
    %add3A_1008 = vector.broadcast %mul3A_1007 : i32 to vector<1x128xi32>
    %add3A_1009 = arith.addi %add3A_1008, %iota3A : vector<1x128xi32>
    %ge3A_1010 = vector.broadcast %add3A_576 : i32 to vector<1x128xi32>
    %ge3A_1011 = arith.cmpi sge, %add3A_1009, %ge3A_1010 : vector<1x128xi32>
    %lt3A_1012 = vector.broadcast %add3A_941 : i32 to vector<1x128xi32>
    %lt3A_1013 = arith.cmpi slt, %add3A_1009, %lt3A_1012 : vector<1x128xi32>
    %and3A_1014 = arith.andi %ge3A_1011, %lt3A_1013 : vector<1x128xi1>
    %mul3A_1015 = arith.constant 128 : i32
    %mul3A_1016 = arith.muli %min3A_1005, %mul3A_1015 : i32
    %add3A_1017 = vector.broadcast %mul3A_1016 : i32 to vector<1x128xi32>
    %add3A_1018 = arith.addi %add3A_1017, %iota3A : vector<1x128xi32>
    %ge3A_1019 = vector.broadcast %add3A_576 : i32 to vector<1x128xi32>
    %ge3A_1020 = arith.cmpi sge, %add3A_1018, %ge3A_1019 : vector<1x128xi32>
    %lt3A_1021 = vector.broadcast %add3A_941 : i32 to vector<1x128xi32>
    %lt3A_1022 = arith.cmpi slt, %add3A_1018, %lt3A_1021 : vector<1x128xi32>
    %and3A_1023 = arith.andi %ge3A_1020, %lt3A_1022 : vector<1x128xi1>
    %add3A_1024 = arith.addi %add3A_577, %convert_element_type3A_145 : i32
    %mul3A_1025 = arith.constant 128 : i32
    %mul3A_1026 = vector.broadcast %mul3A_1025 : i32 to vector<512x1xi32>
    %mul3A_1027 = arith.muli %iota3A_859, %mul3A_1026 : vector<512x1xi32>
    %ge3A_1028 = vector.broadcast %add3A_577 : i32 to vector<512x1xi32>
    %ge3A_1029 = arith.cmpi sge, %mul3A_1027, %ge3A_1028 : vector<512x1xi32>
    %add3A_1030 = arith.constant 1 : i32
    %add3A_1031 = vector.broadcast %add3A_1030 : i32 to vector<512x1xi32>
    %add3A_1032 = arith.addi %iota3A_859, %add3A_1031 : vector<512x1xi32>
    %mul3A_1033 = arith.constant 128 : i32
    %mul3A_1034 = vector.broadcast %mul3A_1033 : i32 to vector<512x1xi32>
    %mul3A_1035 = arith.muli %add3A_1032, %mul3A_1034 : vector<512x1xi32>
    %le3A_1036 = vector.broadcast %add3A_1024 : i32 to vector<512x1xi32>
    %le3A_1037 = arith.cmpi sle, %mul3A_1035, %le3A_1036 : vector<512x1xi32>
    %and3A_1038 = arith.andi %ge3A_1029, %le3A_1037 : vector<512x1xi1>
    %jit3A_1039 = arith.constant 128 : i32
    %div3A_1040 = arith.divsi %add3A_577, %jit3A_1039 : i32
    %sign3A_1041 = arith.constant 0 : i32
    %sign3A_1042 = arith.cmpi sgt, %add3A_577, %sign3A_1041 : i32
    %sign3A_1043 = arith.extui %sign3A_1042 : i1 to i32
    %sign3A_1044 = arith.constant 0 : i32
    %sign3A_1045 = arith.cmpi slt, %add3A_577, %sign3A_1044 : i32
    %sign3A_1046 = arith.extui %sign3A_1045 : i1 to i32
    %sign3A_1047 = arith.subi %sign3A_1043, %sign3A_1046 : i32
    %sign3A_1048 = arith.constant 0 : i32
    %sign3A_1049 = arith.cmpi sgt, %jit3A_1039, %sign3A_1048 : i32
    %sign3A_1050 = arith.extui %sign3A_1049 : i1 to i32
    %sign3A_1051 = arith.constant 0 : i32
    %sign3A_1052 = arith.cmpi slt, %jit3A_1039, %sign3A_1051 : i32
    %sign3A_1053 = arith.extui %sign3A_1052 : i1 to i32
    %sign3A_1054 = arith.subi %sign3A_1050, %sign3A_1053 : i32
    %ne3A_1055 = arith.cmpi ne, %sign3A_1047, %sign3A_1054 : i32
    %rem3A_1056 = arith.remsi %add3A_577, %jit3A_1039 : i32
    %ne3A_1057 = arith.constant 0 : i32
    %ne3A_1058 = arith.cmpi ne, %rem3A_1056, %ne3A_1057 : i32
    %and3A_1059 = arith.andi %ne3A_1055, %ne3A_1058 : i1
    %sub3A_1060 = arith.constant 1 : i32
    %sub3A_1061 = arith.subi %div3A_1040, %sub3A_1060 : i32
    %select_n3A_1062 = arith.select %and3A_1059, %sub3A_1061, %div3A_1040 : i32
    %jit3A_1063 = arith.constant 128 : i32
    %div3A_1064 = arith.divsi %add3A_1024, %jit3A_1063 : i32
    %sign3A_1065 = arith.constant 0 : i32
    %sign3A_1066 = arith.cmpi sgt, %add3A_1024, %sign3A_1065 : i32
    %sign3A_1067 = arith.extui %sign3A_1066 : i1 to i32
    %sign3A_1068 = arith.constant 0 : i32
    %sign3A_1069 = arith.cmpi slt, %add3A_1024, %sign3A_1068 : i32
    %sign3A_1070 = arith.extui %sign3A_1069 : i1 to i32
    %sign3A_1071 = arith.subi %sign3A_1067, %sign3A_1070 : i32
    %sign3A_1072 = arith.constant 0 : i32
    %sign3A_1073 = arith.cmpi sgt, %jit3A_1063, %sign3A_1072 : i32
    %sign3A_1074 = arith.extui %sign3A_1073 : i1 to i32
    %sign3A_1075 = arith.constant 0 : i32
    %sign3A_1076 = arith.cmpi slt, %jit3A_1063, %sign3A_1075 : i32
    %sign3A_1077 = arith.extui %sign3A_1076 : i1 to i32
    %sign3A_1078 = arith.subi %sign3A_1074, %sign3A_1077 : i32
    %ne3A_1079 = arith.cmpi ne, %sign3A_1071, %sign3A_1078 : i32
    %rem3A_1080 = arith.remsi %add3A_1024, %jit3A_1063 : i32
    %ne3A_1081 = arith.constant 0 : i32
    %ne3A_1082 = arith.cmpi ne, %rem3A_1080, %ne3A_1081 : i32
    %and3A_1083 = arith.andi %ne3A_1079, %ne3A_1082 : i1
    %sub3A_1084 = arith.constant 1 : i32
    %sub3A_1085 = arith.subi %div3A_1064, %sub3A_1084 : i32
    %select_n3A_1086 = arith.select %and3A_1083, %sub3A_1085, %div3A_1064 : i32
    %min3A_1087 = arith.constant 511 : i32
    %min3A_1088 = arith.minsi %select_n3A_1086, %min3A_1087 : i32
    %mul3A_1089 = arith.constant 128 : i32
    %mul3A_1090 = arith.muli %select_n3A_1062, %mul3A_1089 : i32
    %add3A_1091 = vector.broadcast %mul3A_1090 : i32 to vector<1x128xi32>
    %add3A_1092 = arith.addi %add3A_1091, %iota3A : vector<1x128xi32>
    %ge3A_1093 = vector.broadcast %add3A_577 : i32 to vector<1x128xi32>
    %ge3A_1094 = arith.cmpi sge, %add3A_1092, %ge3A_1093 : vector<1x128xi32>
    %lt3A_1095 = vector.broadcast %add3A_1024 : i32 to vector<1x128xi32>
    %lt3A_1096 = arith.cmpi slt, %add3A_1092, %lt3A_1095 : vector<1x128xi32>
    %and3A_1097 = arith.andi %ge3A_1094, %lt3A_1096 : vector<1x128xi1>
    %mul3A_1098 = arith.constant 128 : i32
    %mul3A_1099 = arith.muli %min3A_1088, %mul3A_1098 : i32
    %add3A_1100 = vector.broadcast %mul3A_1099 : i32 to vector<1x128xi32>
    %add3A_1101 = arith.addi %add3A_1100, %iota3A : vector<1x128xi32>
    %ge3A_1102 = vector.broadcast %add3A_577 : i32 to vector<1x128xi32>
    %ge3A_1103 = arith.cmpi sge, %add3A_1101, %ge3A_1102 : vector<1x128xi32>
    %lt3A_1104 = vector.broadcast %add3A_1024 : i32 to vector<1x128xi32>
    %lt3A_1105 = arith.cmpi slt, %add3A_1101, %lt3A_1104 : vector<1x128xi32>
    %and3A_1106 = arith.andi %ge3A_1103, %lt3A_1105 : vector<1x128xi1>
    %add3A_1107 = arith.addi %add3A_578, %convert_element_type3A_216 : i32
    %mul3A_1108 = arith.constant 128 : i32
    %mul3A_1109 = vector.broadcast %mul3A_1108 : i32 to vector<512x1xi32>
    %mul3A_1110 = arith.muli %iota3A_859, %mul3A_1109 : vector<512x1xi32>
    %ge3A_1111 = vector.broadcast %add3A_578 : i32 to vector<512x1xi32>
    %ge3A_1112 = arith.cmpi sge, %mul3A_1110, %ge3A_1111 : vector<512x1xi32>
    %add3A_1113 = arith.constant 1 : i32
    %add3A_1114 = vector.broadcast %add3A_1113 : i32 to vector<512x1xi32>
    %add3A_1115 = arith.addi %iota3A_859, %add3A_1114 : vector<512x1xi32>
    %mul3A_1116 = arith.constant 128 : i32
    %mul3A_1117 = vector.broadcast %mul3A_1116 : i32 to vector<512x1xi32>
    %mul3A_1118 = arith.muli %add3A_1115, %mul3A_1117 : vector<512x1xi32>
    %le3A_1119 = vector.broadcast %add3A_1107 : i32 to vector<512x1xi32>
    %le3A_1120 = arith.cmpi sle, %mul3A_1118, %le3A_1119 : vector<512x1xi32>
    %and3A_1121 = arith.andi %ge3A_1112, %le3A_1120 : vector<512x1xi1>
    %jit3A_1122 = arith.constant 128 : i32
    %div3A_1123 = arith.divsi %add3A_578, %jit3A_1122 : i32
    %sign3A_1124 = arith.constant 0 : i32
    %sign3A_1125 = arith.cmpi sgt, %add3A_578, %sign3A_1124 : i32
    %sign3A_1126 = arith.extui %sign3A_1125 : i1 to i32
    %sign3A_1127 = arith.constant 0 : i32
    %sign3A_1128 = arith.cmpi slt, %add3A_578, %sign3A_1127 : i32
    %sign3A_1129 = arith.extui %sign3A_1128 : i1 to i32
    %sign3A_1130 = arith.subi %sign3A_1126, %sign3A_1129 : i32
    %sign3A_1131 = arith.constant 0 : i32
    %sign3A_1132 = arith.cmpi sgt, %jit3A_1122, %sign3A_1131 : i32
    %sign3A_1133 = arith.extui %sign3A_1132 : i1 to i32
    %sign3A_1134 = arith.constant 0 : i32
    %sign3A_1135 = arith.cmpi slt, %jit3A_1122, %sign3A_1134 : i32
    %sign3A_1136 = arith.extui %sign3A_1135 : i1 to i32
    %sign3A_1137 = arith.subi %sign3A_1133, %sign3A_1136 : i32
    %ne3A_1138 = arith.cmpi ne, %sign3A_1130, %sign3A_1137 : i32
    %rem3A_1139 = arith.remsi %add3A_578, %jit3A_1122 : i32
    %ne3A_1140 = arith.constant 0 : i32
    %ne3A_1141 = arith.cmpi ne, %rem3A_1139, %ne3A_1140 : i32
    %and3A_1142 = arith.andi %ne3A_1138, %ne3A_1141 : i1
    %sub3A_1143 = arith.constant 1 : i32
    %sub3A_1144 = arith.subi %div3A_1123, %sub3A_1143 : i32
    %select_n3A_1145 = arith.select %and3A_1142, %sub3A_1144, %div3A_1123 : i32
    %jit3A_1146 = arith.constant 128 : i32
    %div3A_1147 = arith.divsi %add3A_1107, %jit3A_1146 : i32
    %sign3A_1148 = arith.constant 0 : i32
    %sign3A_1149 = arith.cmpi sgt, %add3A_1107, %sign3A_1148 : i32
    %sign3A_1150 = arith.extui %sign3A_1149 : i1 to i32
    %sign3A_1151 = arith.constant 0 : i32
    %sign3A_1152 = arith.cmpi slt, %add3A_1107, %sign3A_1151 : i32
    %sign3A_1153 = arith.extui %sign3A_1152 : i1 to i32
    %sign3A_1154 = arith.subi %sign3A_1150, %sign3A_1153 : i32
    %sign3A_1155 = arith.constant 0 : i32
    %sign3A_1156 = arith.cmpi sgt, %jit3A_1146, %sign3A_1155 : i32
    %sign3A_1157 = arith.extui %sign3A_1156 : i1 to i32
    %sign3A_1158 = arith.constant 0 : i32
    %sign3A_1159 = arith.cmpi slt, %jit3A_1146, %sign3A_1158 : i32
    %sign3A_1160 = arith.extui %sign3A_1159 : i1 to i32
    %sign3A_1161 = arith.subi %sign3A_1157, %sign3A_1160 : i32
    %ne3A_1162 = arith.cmpi ne, %sign3A_1154, %sign3A_1161 : i32
    %rem3A_1163 = arith.remsi %add3A_1107, %jit3A_1146 : i32
    %ne3A_1164 = arith.constant 0 : i32
    %ne3A_1165 = arith.cmpi ne, %rem3A_1163, %ne3A_1164 : i32
    %and3A_1166 = arith.andi %ne3A_1162, %ne3A_1165 : i1
    %sub3A_1167 = arith.constant 1 : i32
    %sub3A_1168 = arith.subi %div3A_1147, %sub3A_1167 : i32
    %select_n3A_1169 = arith.select %and3A_1166, %sub3A_1168, %div3A_1147 : i32
    %min3A_1170 = arith.constant 511 : i32
    %min3A_1171 = arith.minsi %select_n3A_1169, %min3A_1170 : i32
    %mul3A_1172 = arith.constant 128 : i32
    %mul3A_1173 = arith.muli %select_n3A_1145, %mul3A_1172 : i32
    %add3A_1174 = vector.broadcast %mul3A_1173 : i32 to vector<1x128xi32>
    %add3A_1175 = arith.addi %add3A_1174, %iota3A : vector<1x128xi32>
    %ge3A_1176 = vector.broadcast %add3A_578 : i32 to vector<1x128xi32>
    %ge3A_1177 = arith.cmpi sge, %add3A_1175, %ge3A_1176 : vector<1x128xi32>
    %lt3A_1178 = vector.broadcast %add3A_1107 : i32 to vector<1x128xi32>
    %lt3A_1179 = arith.cmpi slt, %add3A_1175, %lt3A_1178 : vector<1x128xi32>
    %and3A_1180 = arith.andi %ge3A_1177, %lt3A_1179 : vector<1x128xi1>
    %mul3A_1181 = arith.constant 128 : i32
    %mul3A_1182 = arith.muli %min3A_1171, %mul3A_1181 : i32
    %add3A_1183 = vector.broadcast %mul3A_1182 : i32 to vector<1x128xi32>
    %add3A_1184 = arith.addi %add3A_1183, %iota3A : vector<1x128xi32>
    %ge3A_1185 = vector.broadcast %add3A_578 : i32 to vector<1x128xi32>
    %ge3A_1186 = arith.cmpi sge, %add3A_1184, %ge3A_1185 : vector<1x128xi32>
    %lt3A_1187 = vector.broadcast %add3A_1107 : i32 to vector<1x128xi32>
    %lt3A_1188 = arith.cmpi slt, %add3A_1184, %lt3A_1187 : vector<1x128xi32>
    %and3A_1189 = arith.andi %ge3A_1186, %lt3A_1188 : vector<1x128xi1>
    %add3A_1190 = arith.addi %add3A_579, %convert_element_type3A_287 : i32
    %mul3A_1191 = arith.constant 128 : i32
    %mul3A_1192 = vector.broadcast %mul3A_1191 : i32 to vector<512x1xi32>
    %mul3A_1193 = arith.muli %iota3A_859, %mul3A_1192 : vector<512x1xi32>
    %ge3A_1194 = vector.broadcast %add3A_579 : i32 to vector<512x1xi32>
    %ge3A_1195 = arith.cmpi sge, %mul3A_1193, %ge3A_1194 : vector<512x1xi32>
    %add3A_1196 = arith.constant 1 : i32
    %add3A_1197 = vector.broadcast %add3A_1196 : i32 to vector<512x1xi32>
    %add3A_1198 = arith.addi %iota3A_859, %add3A_1197 : vector<512x1xi32>
    %mul3A_1199 = arith.constant 128 : i32
    %mul3A_1200 = vector.broadcast %mul3A_1199 : i32 to vector<512x1xi32>
    %mul3A_1201 = arith.muli %add3A_1198, %mul3A_1200 : vector<512x1xi32>
    %le3A_1202 = vector.broadcast %add3A_1190 : i32 to vector<512x1xi32>
    %le3A_1203 = arith.cmpi sle, %mul3A_1201, %le3A_1202 : vector<512x1xi32>
    %and3A_1204 = arith.andi %ge3A_1195, %le3A_1203 : vector<512x1xi1>
    %jit3A_1205 = arith.constant 128 : i32
    %div3A_1206 = arith.divsi %add3A_579, %jit3A_1205 : i32
    %sign3A_1207 = arith.constant 0 : i32
    %sign3A_1208 = arith.cmpi sgt, %add3A_579, %sign3A_1207 : i32
    %sign3A_1209 = arith.extui %sign3A_1208 : i1 to i32
    %sign3A_1210 = arith.constant 0 : i32
    %sign3A_1211 = arith.cmpi slt, %add3A_579, %sign3A_1210 : i32
    %sign3A_1212 = arith.extui %sign3A_1211 : i1 to i32
    %sign3A_1213 = arith.subi %sign3A_1209, %sign3A_1212 : i32
    %sign3A_1214 = arith.constant 0 : i32
    %sign3A_1215 = arith.cmpi sgt, %jit3A_1205, %sign3A_1214 : i32
    %sign3A_1216 = arith.extui %sign3A_1215 : i1 to i32
    %sign3A_1217 = arith.constant 0 : i32
    %sign3A_1218 = arith.cmpi slt, %jit3A_1205, %sign3A_1217 : i32
    %sign3A_1219 = arith.extui %sign3A_1218 : i1 to i32
    %sign3A_1220 = arith.subi %sign3A_1216, %sign3A_1219 : i32
    %ne3A_1221 = arith.cmpi ne, %sign3A_1213, %sign3A_1220 : i32
    %rem3A_1222 = arith.remsi %add3A_579, %jit3A_1205 : i32
    %ne3A_1223 = arith.constant 0 : i32
    %ne3A_1224 = arith.cmpi ne, %rem3A_1222, %ne3A_1223 : i32
    %and3A_1225 = arith.andi %ne3A_1221, %ne3A_1224 : i1
    %sub3A_1226 = arith.constant 1 : i32
    %sub3A_1227 = arith.subi %div3A_1206, %sub3A_1226 : i32
    %select_n3A_1228 = arith.select %and3A_1225, %sub3A_1227, %div3A_1206 : i32
    %jit3A_1229 = arith.constant 128 : i32
    %div3A_1230 = arith.divsi %add3A_1190, %jit3A_1229 : i32
    %sign3A_1231 = arith.constant 0 : i32
    %sign3A_1232 = arith.cmpi sgt, %add3A_1190, %sign3A_1231 : i32
    %sign3A_1233 = arith.extui %sign3A_1232 : i1 to i32
    %sign3A_1234 = arith.constant 0 : i32
    %sign3A_1235 = arith.cmpi slt, %add3A_1190, %sign3A_1234 : i32
    %sign3A_1236 = arith.extui %sign3A_1235 : i1 to i32
    %sign3A_1237 = arith.subi %sign3A_1233, %sign3A_1236 : i32
    %sign3A_1238 = arith.constant 0 : i32
    %sign3A_1239 = arith.cmpi sgt, %jit3A_1229, %sign3A_1238 : i32
    %sign3A_1240 = arith.extui %sign3A_1239 : i1 to i32
    %sign3A_1241 = arith.constant 0 : i32
    %sign3A_1242 = arith.cmpi slt, %jit3A_1229, %sign3A_1241 : i32
    %sign3A_1243 = arith.extui %sign3A_1242 : i1 to i32
    %sign3A_1244 = arith.subi %sign3A_1240, %sign3A_1243 : i32
    %ne3A_1245 = arith.cmpi ne, %sign3A_1237, %sign3A_1244 : i32
    %rem3A_1246 = arith.remsi %add3A_1190, %jit3A_1229 : i32
    %ne3A_1247 = arith.constant 0 : i32
    %ne3A_1248 = arith.cmpi ne, %rem3A_1246, %ne3A_1247 : i32
    %and3A_1249 = arith.andi %ne3A_1245, %ne3A_1248 : i1
    %sub3A_1250 = arith.constant 1 : i32
    %sub3A_1251 = arith.subi %div3A_1230, %sub3A_1250 : i32
    %select_n3A_1252 = arith.select %and3A_1249, %sub3A_1251, %div3A_1230 : i32
    %min3A_1253 = arith.constant 511 : i32
    %min3A_1254 = arith.minsi %select_n3A_1252, %min3A_1253 : i32
    %mul3A_1255 = arith.constant 128 : i32
    %mul3A_1256 = arith.muli %select_n3A_1228, %mul3A_1255 : i32
    %add3A_1257 = vector.broadcast %mul3A_1256 : i32 to vector<1x128xi32>
    %add3A_1258 = arith.addi %add3A_1257, %iota3A : vector<1x128xi32>
    %ge3A_1259 = vector.broadcast %add3A_579 : i32 to vector<1x128xi32>
    %ge3A_1260 = arith.cmpi sge, %add3A_1258, %ge3A_1259 : vector<1x128xi32>
    %lt3A_1261 = vector.broadcast %add3A_1190 : i32 to vector<1x128xi32>
    %lt3A_1262 = arith.cmpi slt, %add3A_1258, %lt3A_1261 : vector<1x128xi32>
    %and3A_1263 = arith.andi %ge3A_1260, %lt3A_1262 : vector<1x128xi1>
    %mul3A_1264 = arith.constant 128 : i32
    %mul3A_1265 = arith.muli %min3A_1254, %mul3A_1264 : i32
    %add3A_1266 = vector.broadcast %mul3A_1265 : i32 to vector<1x128xi32>
    %add3A_1267 = arith.addi %add3A_1266, %iota3A : vector<1x128xi32>
    %ge3A_1268 = vector.broadcast %add3A_579 : i32 to vector<1x128xi32>
    %ge3A_1269 = arith.cmpi sge, %add3A_1267, %ge3A_1268 : vector<1x128xi32>
    %lt3A_1270 = vector.broadcast %add3A_1190 : i32 to vector<1x128xi32>
    %lt3A_1271 = arith.cmpi slt, %add3A_1267, %lt3A_1270 : vector<1x128xi32>
    %and3A_1272 = arith.andi %ge3A_1269, %lt3A_1271 : vector<1x128xi1>
    %add3A_1273 = arith.addi %add3A_580, %convert_element_type3A_358 : i32
    %mul3A_1274 = arith.constant 128 : i32
    %mul3A_1275 = vector.broadcast %mul3A_1274 : i32 to vector<512x1xi32>
    %mul3A_1276 = arith.muli %iota3A_859, %mul3A_1275 : vector<512x1xi32>
    %ge3A_1277 = vector.broadcast %add3A_580 : i32 to vector<512x1xi32>
    %ge3A_1278 = arith.cmpi sge, %mul3A_1276, %ge3A_1277 : vector<512x1xi32>
    %add3A_1279 = arith.constant 1 : i32
    %add3A_1280 = vector.broadcast %add3A_1279 : i32 to vector<512x1xi32>
    %add3A_1281 = arith.addi %iota3A_859, %add3A_1280 : vector<512x1xi32>
    %mul3A_1282 = arith.constant 128 : i32
    %mul3A_1283 = vector.broadcast %mul3A_1282 : i32 to vector<512x1xi32>
    %mul3A_1284 = arith.muli %add3A_1281, %mul3A_1283 : vector<512x1xi32>
    %le3A_1285 = vector.broadcast %add3A_1273 : i32 to vector<512x1xi32>
    %le3A_1286 = arith.cmpi sle, %mul3A_1284, %le3A_1285 : vector<512x1xi32>
    %and3A_1287 = arith.andi %ge3A_1278, %le3A_1286 : vector<512x1xi1>
    %jit3A_1288 = arith.constant 128 : i32
    %div3A_1289 = arith.divsi %add3A_580, %jit3A_1288 : i32
    %sign3A_1290 = arith.constant 0 : i32
    %sign3A_1291 = arith.cmpi sgt, %add3A_580, %sign3A_1290 : i32
    %sign3A_1292 = arith.extui %sign3A_1291 : i1 to i32
    %sign3A_1293 = arith.constant 0 : i32
    %sign3A_1294 = arith.cmpi slt, %add3A_580, %sign3A_1293 : i32
    %sign3A_1295 = arith.extui %sign3A_1294 : i1 to i32
    %sign3A_1296 = arith.subi %sign3A_1292, %sign3A_1295 : i32
    %sign3A_1297 = arith.constant 0 : i32
    %sign3A_1298 = arith.cmpi sgt, %jit3A_1288, %sign3A_1297 : i32
    %sign3A_1299 = arith.extui %sign3A_1298 : i1 to i32
    %sign3A_1300 = arith.constant 0 : i32
    %sign3A_1301 = arith.cmpi slt, %jit3A_1288, %sign3A_1300 : i32
    %sign3A_1302 = arith.extui %sign3A_1301 : i1 to i32
    %sign3A_1303 = arith.subi %sign3A_1299, %sign3A_1302 : i32
    %ne3A_1304 = arith.cmpi ne, %sign3A_1296, %sign3A_1303 : i32
    %rem3A_1305 = arith.remsi %add3A_580, %jit3A_1288 : i32
    %ne3A_1306 = arith.constant 0 : i32
    %ne3A_1307 = arith.cmpi ne, %rem3A_1305, %ne3A_1306 : i32
    %and3A_1308 = arith.andi %ne3A_1304, %ne3A_1307 : i1
    %sub3A_1309 = arith.constant 1 : i32
    %sub3A_1310 = arith.subi %div3A_1289, %sub3A_1309 : i32
    %select_n3A_1311 = arith.select %and3A_1308, %sub3A_1310, %div3A_1289 : i32
    %jit3A_1312 = arith.constant 128 : i32
    %div3A_1313 = arith.divsi %add3A_1273, %jit3A_1312 : i32
    %sign3A_1314 = arith.constant 0 : i32
    %sign3A_1315 = arith.cmpi sgt, %add3A_1273, %sign3A_1314 : i32
    %sign3A_1316 = arith.extui %sign3A_1315 : i1 to i32
    %sign3A_1317 = arith.constant 0 : i32
    %sign3A_1318 = arith.cmpi slt, %add3A_1273, %sign3A_1317 : i32
    %sign3A_1319 = arith.extui %sign3A_1318 : i1 to i32
    %sign3A_1320 = arith.subi %sign3A_1316, %sign3A_1319 : i32
    %sign3A_1321 = arith.constant 0 : i32
    %sign3A_1322 = arith.cmpi sgt, %jit3A_1312, %sign3A_1321 : i32
    %sign3A_1323 = arith.extui %sign3A_1322 : i1 to i32
    %sign3A_1324 = arith.constant 0 : i32
    %sign3A_1325 = arith.cmpi slt, %jit3A_1312, %sign3A_1324 : i32
    %sign3A_1326 = arith.extui %sign3A_1325 : i1 to i32
    %sign3A_1327 = arith.subi %sign3A_1323, %sign3A_1326 : i32
    %ne3A_1328 = arith.cmpi ne, %sign3A_1320, %sign3A_1327 : i32
    %rem3A_1329 = arith.remsi %add3A_1273, %jit3A_1312 : i32
    %ne3A_1330 = arith.constant 0 : i32
    %ne3A_1331 = arith.cmpi ne, %rem3A_1329, %ne3A_1330 : i32
    %and3A_1332 = arith.andi %ne3A_1328, %ne3A_1331 : i1
    %sub3A_1333 = arith.constant 1 : i32
    %sub3A_1334 = arith.subi %div3A_1313, %sub3A_1333 : i32
    %select_n3A_1335 = arith.select %and3A_1332, %sub3A_1334, %div3A_1313 : i32
    %min3A_1336 = arith.constant 511 : i32
    %min3A_1337 = arith.minsi %select_n3A_1335, %min3A_1336 : i32
    %mul3A_1338 = arith.constant 128 : i32
    %mul3A_1339 = arith.muli %select_n3A_1311, %mul3A_1338 : i32
    %add3A_1340 = vector.broadcast %mul3A_1339 : i32 to vector<1x128xi32>
    %add3A_1341 = arith.addi %add3A_1340, %iota3A : vector<1x128xi32>
    %ge3A_1342 = vector.broadcast %add3A_580 : i32 to vector<1x128xi32>
    %ge3A_1343 = arith.cmpi sge, %add3A_1341, %ge3A_1342 : vector<1x128xi32>
    %lt3A_1344 = vector.broadcast %add3A_1273 : i32 to vector<1x128xi32>
    %lt3A_1345 = arith.cmpi slt, %add3A_1341, %lt3A_1344 : vector<1x128xi32>
    %and3A_1346 = arith.andi %ge3A_1343, %lt3A_1345 : vector<1x128xi1>
    %mul3A_1347 = arith.constant 128 : i32
    %mul3A_1348 = arith.muli %min3A_1337, %mul3A_1347 : i32
    %add3A_1349 = vector.broadcast %mul3A_1348 : i32 to vector<1x128xi32>
    %add3A_1350 = arith.addi %add3A_1349, %iota3A : vector<1x128xi32>
    %ge3A_1351 = vector.broadcast %add3A_580 : i32 to vector<1x128xi32>
    %ge3A_1352 = arith.cmpi sge, %add3A_1350, %ge3A_1351 : vector<1x128xi32>
    %lt3A_1353 = vector.broadcast %add3A_1273 : i32 to vector<1x128xi32>
    %lt3A_1354 = arith.cmpi slt, %add3A_1350, %lt3A_1353 : vector<1x128xi32>
    %and3A_1355 = arith.andi %ge3A_1352, %lt3A_1354 : vector<1x128xi1>
    %add3A_1356 = arith.addi %add3A_581, %convert_element_type3A_429 : i32
    %mul3A_1357 = arith.constant 128 : i32
    %mul3A_1358 = vector.broadcast %mul3A_1357 : i32 to vector<512x1xi32>
    %mul3A_1359 = arith.muli %iota3A_859, %mul3A_1358 : vector<512x1xi32>
    %ge3A_1360 = vector.broadcast %add3A_581 : i32 to vector<512x1xi32>
    %ge3A_1361 = arith.cmpi sge, %mul3A_1359, %ge3A_1360 : vector<512x1xi32>
    %add3A_1362 = arith.constant 1 : i32
    %add3A_1363 = vector.broadcast %add3A_1362 : i32 to vector<512x1xi32>
    %add3A_1364 = arith.addi %iota3A_859, %add3A_1363 : vector<512x1xi32>
    %mul3A_1365 = arith.constant 128 : i32
    %mul3A_1366 = vector.broadcast %mul3A_1365 : i32 to vector<512x1xi32>
    %mul3A_1367 = arith.muli %add3A_1364, %mul3A_1366 : vector<512x1xi32>
    %le3A_1368 = vector.broadcast %add3A_1356 : i32 to vector<512x1xi32>
    %le3A_1369 = arith.cmpi sle, %mul3A_1367, %le3A_1368 : vector<512x1xi32>
    %and3A_1370 = arith.andi %ge3A_1361, %le3A_1369 : vector<512x1xi1>
    %jit3A_1371 = arith.constant 128 : i32
    %div3A_1372 = arith.divsi %add3A_581, %jit3A_1371 : i32
    %sign3A_1373 = arith.constant 0 : i32
    %sign3A_1374 = arith.cmpi sgt, %add3A_581, %sign3A_1373 : i32
    %sign3A_1375 = arith.extui %sign3A_1374 : i1 to i32
    %sign3A_1376 = arith.constant 0 : i32
    %sign3A_1377 = arith.cmpi slt, %add3A_581, %sign3A_1376 : i32
    %sign3A_1378 = arith.extui %sign3A_1377 : i1 to i32
    %sign3A_1379 = arith.subi %sign3A_1375, %sign3A_1378 : i32
    %sign3A_1380 = arith.constant 0 : i32
    %sign3A_1381 = arith.cmpi sgt, %jit3A_1371, %sign3A_1380 : i32
    %sign3A_1382 = arith.extui %sign3A_1381 : i1 to i32
    %sign3A_1383 = arith.constant 0 : i32
    %sign3A_1384 = arith.cmpi slt, %jit3A_1371, %sign3A_1383 : i32
    %sign3A_1385 = arith.extui %sign3A_1384 : i1 to i32
    %sign3A_1386 = arith.subi %sign3A_1382, %sign3A_1385 : i32
    %ne3A_1387 = arith.cmpi ne, %sign3A_1379, %sign3A_1386 : i32
    %rem3A_1388 = arith.remsi %add3A_581, %jit3A_1371 : i32
    %ne3A_1389 = arith.constant 0 : i32
    %ne3A_1390 = arith.cmpi ne, %rem3A_1388, %ne3A_1389 : i32
    %and3A_1391 = arith.andi %ne3A_1387, %ne3A_1390 : i1
    %sub3A_1392 = arith.constant 1 : i32
    %sub3A_1393 = arith.subi %div3A_1372, %sub3A_1392 : i32
    %select_n3A_1394 = arith.select %and3A_1391, %sub3A_1393, %div3A_1372 : i32
    %jit3A_1395 = arith.constant 128 : i32
    %div3A_1396 = arith.divsi %add3A_1356, %jit3A_1395 : i32
    %sign3A_1397 = arith.constant 0 : i32
    %sign3A_1398 = arith.cmpi sgt, %add3A_1356, %sign3A_1397 : i32
    %sign3A_1399 = arith.extui %sign3A_1398 : i1 to i32
    %sign3A_1400 = arith.constant 0 : i32
    %sign3A_1401 = arith.cmpi slt, %add3A_1356, %sign3A_1400 : i32
    %sign3A_1402 = arith.extui %sign3A_1401 : i1 to i32
    %sign3A_1403 = arith.subi %sign3A_1399, %sign3A_1402 : i32
    %sign3A_1404 = arith.constant 0 : i32
    %sign3A_1405 = arith.cmpi sgt, %jit3A_1395, %sign3A_1404 : i32
    %sign3A_1406 = arith.extui %sign3A_1405 : i1 to i32
    %sign3A_1407 = arith.constant 0 : i32
    %sign3A_1408 = arith.cmpi slt, %jit3A_1395, %sign3A_1407 : i32
    %sign3A_1409 = arith.extui %sign3A_1408 : i1 to i32
    %sign3A_1410 = arith.subi %sign3A_1406, %sign3A_1409 : i32
    %ne3A_1411 = arith.cmpi ne, %sign3A_1403, %sign3A_1410 : i32
    %rem3A_1412 = arith.remsi %add3A_1356, %jit3A_1395 : i32
    %ne3A_1413 = arith.constant 0 : i32
    %ne3A_1414 = arith.cmpi ne, %rem3A_1412, %ne3A_1413 : i32
    %and3A_1415 = arith.andi %ne3A_1411, %ne3A_1414 : i1
    %sub3A_1416 = arith.constant 1 : i32
    %sub3A_1417 = arith.subi %div3A_1396, %sub3A_1416 : i32
    %select_n3A_1418 = arith.select %and3A_1415, %sub3A_1417, %div3A_1396 : i32
    %min3A_1419 = arith.constant 511 : i32
    %min3A_1420 = arith.minsi %select_n3A_1418, %min3A_1419 : i32
    %mul3A_1421 = arith.constant 128 : i32
    %mul3A_1422 = arith.muli %select_n3A_1394, %mul3A_1421 : i32
    %add3A_1423 = vector.broadcast %mul3A_1422 : i32 to vector<1x128xi32>
    %add3A_1424 = arith.addi %add3A_1423, %iota3A : vector<1x128xi32>
    %ge3A_1425 = vector.broadcast %add3A_581 : i32 to vector<1x128xi32>
    %ge3A_1426 = arith.cmpi sge, %add3A_1424, %ge3A_1425 : vector<1x128xi32>
    %lt3A_1427 = vector.broadcast %add3A_1356 : i32 to vector<1x128xi32>
    %lt3A_1428 = arith.cmpi slt, %add3A_1424, %lt3A_1427 : vector<1x128xi32>
    %and3A_1429 = arith.andi %ge3A_1426, %lt3A_1428 : vector<1x128xi1>
    %mul3A_1430 = arith.constant 128 : i32
    %mul3A_1431 = arith.muli %min3A_1420, %mul3A_1430 : i32
    %add3A_1432 = vector.broadcast %mul3A_1431 : i32 to vector<1x128xi32>
    %add3A_1433 = arith.addi %add3A_1432, %iota3A : vector<1x128xi32>
    %ge3A_1434 = vector.broadcast %add3A_581 : i32 to vector<1x128xi32>
    %ge3A_1435 = arith.cmpi sge, %add3A_1433, %ge3A_1434 : vector<1x128xi32>
    %lt3A_1436 = vector.broadcast %add3A_1356 : i32 to vector<1x128xi32>
    %lt3A_1437 = arith.cmpi slt, %add3A_1433, %lt3A_1436 : vector<1x128xi32>
    %and3A_1438 = arith.andi %ge3A_1435, %lt3A_1437 : vector<1x128xi1>
    %add3A_1439 = arith.addi %add3A_582, %convert_element_type3A_500 : i32
    %mul3A_1440 = arith.constant 128 : i32
    %mul3A_1441 = vector.broadcast %mul3A_1440 : i32 to vector<512x1xi32>
    %mul3A_1442 = arith.muli %iota3A_859, %mul3A_1441 : vector<512x1xi32>
    %ge3A_1443 = vector.broadcast %add3A_582 : i32 to vector<512x1xi32>
    %ge3A_1444 = arith.cmpi sge, %mul3A_1442, %ge3A_1443 : vector<512x1xi32>
    %add3A_1445 = arith.constant 1 : i32
    %add3A_1446 = vector.broadcast %add3A_1445 : i32 to vector<512x1xi32>
    %add3A_1447 = arith.addi %iota3A_859, %add3A_1446 : vector<512x1xi32>
    %mul3A_1448 = arith.constant 128 : i32
    %mul3A_1449 = vector.broadcast %mul3A_1448 : i32 to vector<512x1xi32>
    %mul3A_1450 = arith.muli %add3A_1447, %mul3A_1449 : vector<512x1xi32>
    %le3A_1451 = vector.broadcast %add3A_1439 : i32 to vector<512x1xi32>
    %le3A_1452 = arith.cmpi sle, %mul3A_1450, %le3A_1451 : vector<512x1xi32>
    %and3A_1453 = arith.andi %ge3A_1444, %le3A_1452 : vector<512x1xi1>
    %jit3A_1454 = arith.constant 128 : i32
    %div3A_1455 = arith.divsi %add3A_582, %jit3A_1454 : i32
    %sign3A_1456 = arith.constant 0 : i32
    %sign3A_1457 = arith.cmpi sgt, %add3A_582, %sign3A_1456 : i32
    %sign3A_1458 = arith.extui %sign3A_1457 : i1 to i32
    %sign3A_1459 = arith.constant 0 : i32
    %sign3A_1460 = arith.cmpi slt, %add3A_582, %sign3A_1459 : i32
    %sign3A_1461 = arith.extui %sign3A_1460 : i1 to i32
    %sign3A_1462 = arith.subi %sign3A_1458, %sign3A_1461 : i32
    %sign3A_1463 = arith.constant 0 : i32
    %sign3A_1464 = arith.cmpi sgt, %jit3A_1454, %sign3A_1463 : i32
    %sign3A_1465 = arith.extui %sign3A_1464 : i1 to i32
    %sign3A_1466 = arith.constant 0 : i32
    %sign3A_1467 = arith.cmpi slt, %jit3A_1454, %sign3A_1466 : i32
    %sign3A_1468 = arith.extui %sign3A_1467 : i1 to i32
    %sign3A_1469 = arith.subi %sign3A_1465, %sign3A_1468 : i32
    %ne3A_1470 = arith.cmpi ne, %sign3A_1462, %sign3A_1469 : i32
    %rem3A_1471 = arith.remsi %add3A_582, %jit3A_1454 : i32
    %ne3A_1472 = arith.constant 0 : i32
    %ne3A_1473 = arith.cmpi ne, %rem3A_1471, %ne3A_1472 : i32
    %and3A_1474 = arith.andi %ne3A_1470, %ne3A_1473 : i1
    %sub3A_1475 = arith.constant 1 : i32
    %sub3A_1476 = arith.subi %div3A_1455, %sub3A_1475 : i32
    %select_n3A_1477 = arith.select %and3A_1474, %sub3A_1476, %div3A_1455 : i32
    %jit3A_1478 = arith.constant 128 : i32
    %div3A_1479 = arith.divsi %add3A_1439, %jit3A_1478 : i32
    %sign3A_1480 = arith.constant 0 : i32
    %sign3A_1481 = arith.cmpi sgt, %add3A_1439, %sign3A_1480 : i32
    %sign3A_1482 = arith.extui %sign3A_1481 : i1 to i32
    %sign3A_1483 = arith.constant 0 : i32
    %sign3A_1484 = arith.cmpi slt, %add3A_1439, %sign3A_1483 : i32
    %sign3A_1485 = arith.extui %sign3A_1484 : i1 to i32
    %sign3A_1486 = arith.subi %sign3A_1482, %sign3A_1485 : i32
    %sign3A_1487 = arith.constant 0 : i32
    %sign3A_1488 = arith.cmpi sgt, %jit3A_1478, %sign3A_1487 : i32
    %sign3A_1489 = arith.extui %sign3A_1488 : i1 to i32
    %sign3A_1490 = arith.constant 0 : i32
    %sign3A_1491 = arith.cmpi slt, %jit3A_1478, %sign3A_1490 : i32
    %sign3A_1492 = arith.extui %sign3A_1491 : i1 to i32
    %sign3A_1493 = arith.subi %sign3A_1489, %sign3A_1492 : i32
    %ne3A_1494 = arith.cmpi ne, %sign3A_1486, %sign3A_1493 : i32
    %rem3A_1495 = arith.remsi %add3A_1439, %jit3A_1478 : i32
    %ne3A_1496 = arith.constant 0 : i32
    %ne3A_1497 = arith.cmpi ne, %rem3A_1495, %ne3A_1496 : i32
    %and3A_1498 = arith.andi %ne3A_1494, %ne3A_1497 : i1
    %sub3A_1499 = arith.constant 1 : i32
    %sub3A_1500 = arith.subi %div3A_1479, %sub3A_1499 : i32
    %select_n3A_1501 = arith.select %and3A_1498, %sub3A_1500, %div3A_1479 : i32
    %min3A_1502 = arith.constant 511 : i32
    %min3A_1503 = arith.minsi %select_n3A_1501, %min3A_1502 : i32
    %mul3A_1504 = arith.constant 128 : i32
    %mul3A_1505 = arith.muli %select_n3A_1477, %mul3A_1504 : i32
    %add3A_1506 = vector.broadcast %mul3A_1505 : i32 to vector<1x128xi32>
    %add3A_1507 = arith.addi %add3A_1506, %iota3A : vector<1x128xi32>
    %ge3A_1508 = vector.broadcast %add3A_582 : i32 to vector<1x128xi32>
    %ge3A_1509 = arith.cmpi sge, %add3A_1507, %ge3A_1508 : vector<1x128xi32>
    %lt3A_1510 = vector.broadcast %add3A_1439 : i32 to vector<1x128xi32>
    %lt3A_1511 = arith.cmpi slt, %add3A_1507, %lt3A_1510 : vector<1x128xi32>
    %and3A_1512 = arith.andi %ge3A_1509, %lt3A_1511 : vector<1x128xi1>
    %mul3A_1513 = arith.constant 128 : i32
    %mul3A_1514 = arith.muli %min3A_1503, %mul3A_1513 : i32
    %add3A_1515 = vector.broadcast %mul3A_1514 : i32 to vector<1x128xi32>
    %add3A_1516 = arith.addi %add3A_1515, %iota3A : vector<1x128xi32>
    %ge3A_1517 = vector.broadcast %add3A_582 : i32 to vector<1x128xi32>
    %ge3A_1518 = arith.cmpi sge, %add3A_1516, %ge3A_1517 : vector<1x128xi32>
    %lt3A_1519 = vector.broadcast %add3A_1439 : i32 to vector<1x128xi32>
    %lt3A_1520 = arith.cmpi slt, %add3A_1516, %lt3A_1519 : vector<1x128xi32>
    %and3A_1521 = arith.andi %ge3A_1518, %lt3A_1520 : vector<1x128xi1>
    %scan3A = arith.constant 0 : i32
    %scan3A_1522 = arith.constant 64 : i32
    %scan3A_1523 = arith.addi %scan3A, %scan3A_1522 : i32
    %scan3A_1524 = arith.constant 1 : i32
    %scan3A_1525:8 = scf.for %scan3A_1527 = %scan3A to %scan3A_1523 step %scan3A_1524 iter_args(%scan3A_1528 = %gt3A_561, %scan3A_1529 = %gt3A_563, %scan3A_1530 = %gt3A_565, %scan3A_1531 = %gt3A_567, %scan3A_1532 = %gt3A_569, %scan3A_1533 = %gt3A_571, %scan3A_1534 = %gt3A_573, %scan3A_1535 = %gt3A_575) -> (i1, i1, i1, i1, i1, i1, i1, i1)  : i32 {
      %get3A_1536 = arith.constant 0 : index
      %get3A_1537 = arith.constant 0 : index
      %get3A_1538 = vector.load %arg5[%get3A_1536, %get3A_1537] : memref<512x128xf32, #tpu.memory_space<vmem>>, vector<512x128xf32>
      %reduce_max3A = arith.constant dense<0xFF800000> : vector<512xf32>
      %reduce_max3A_1539 = vector.multi_reduction <maximumf>, %get3A_1538, %reduce_max3A [1] : vector<512x128xf32> to vector<512xf32>
      %broadcast_in_dim3A_1540 = vector.shape_cast %reduce_max3A_1539 : vector<512xf32> to vector<512x1xf32>
      %eq3A_1541 = vector.broadcast %broadcast_in_dim3A_1540 : vector<512x1xf32> to vector<512x128xf32>
      %eq3A_1542 = arith.cmpf oeq, %get3A_1538, %eq3A_1541 : vector<512x128xf32>
      %jit3A_1543 = arith.constant 2147483647 : i32
      %broadcast_in_dim3A_1544 = vector.broadcast %jit3A_1543 : i32 to vector<512x128xi32>
      %select_n3A_1545 = arith.select %eq3A_1542, %add3A_858, %broadcast_in_dim3A_1544 : vector<512x128xi1>, vector<512x128xi32>
      %reduce_min3A = arith.constant dense<2147483647> : vector<512xi32>
      %reduce_min3A_1546 = vector.multi_reduction <minsi>, %select_n3A_1545, %reduce_min3A [1] : vector<512x128xi32> to vector<512xi32>
      %broadcast_in_dim3A_1547 = vector.shape_cast %reduce_min3A_1546 : vector<512xi32> to vector<512x1xi32>
      %jit3A_1548 = arith.constant -3.40282347E+38 : f32
      %broadcast_in_dim3A_1549 = vector.broadcast %jit3A_1548 : f32 to vector<512x1xf32>
      %select_n3A_1550 = arith.select %and3A_874, %broadcast_in_dim3A_1540, %broadcast_in_dim3A_1549 : vector<512x1xi1>, vector<512x1xf32>
      %reduce_max3A_1551 = vector.shape_cast %select_n3A_1550 : vector<512x1xf32> to vector<1x512x1xf32>
      %reduce_max3A_1552 = arith.constant dense<0xFF800000> : vector<1xf32>
      %reduce_max3A_1553 = vector.multi_reduction <maximumf>, %reduce_max3A_1551, %reduce_max3A_1552 [1, 2] : vector<1x512x1xf32> to vector<1xf32>
      %reduce_max3A_1554 = vector.shape_cast %reduce_max3A_1553 : vector<1xf32> to vector<1x1x1xf32>
      %reduce_max3A_1555 = vector.extract %reduce_max3A_1554[0, 0, 0] : f32 from vector<1x1x1xf32>
      %eq3A_1556 = vector.broadcast %reduce_max3A_1555 : f32 to vector<512x1xf32>
      %eq3A_1557 = arith.cmpf oeq, %broadcast_in_dim3A_1540, %eq3A_1556 : vector<512x1xf32>
      %and3A_1558 = arith.andi %and3A_874, %eq3A_1557 : vector<512x1xi1>
      %jit3A_1559 = arith.constant 2147483647 : i32
      %broadcast_in_dim3A_1560 = vector.broadcast %jit3A_1559 : i32 to vector<512x1xi32>
      %select_n3A_1561 = arith.select %and3A_1558, %broadcast_in_dim3A_1547, %broadcast_in_dim3A_1560 : vector<512x1xi1>, vector<512x1xi32>
      %reduce_min3A_1562 = vector.shape_cast %select_n3A_1561 : vector<512x1xi32> to vector<1x512x1xi32>
      %reduce_min3A_1563 = arith.constant dense<2147483647> : vector<1xi32>
      %reduce_min3A_1564 = vector.multi_reduction <minsi>, %reduce_min3A_1562, %reduce_min3A_1563 [1, 2] : vector<1x512x1xi32> to vector<1xi32>
      %reduce_min3A_1565 = vector.shape_cast %reduce_min3A_1564 : vector<1xi32> to vector<1x1x1xi32>
      %reduce_min3A_1566 = vector.extract %reduce_min3A_1565[0, 0, 0] : i32 from vector<1x1x1xi32>
      %get3A_1567 = arith.index_cast %select_n3A_896 : i32 to index
      %get3A_1568 = arith.constant 0 : index
      %get3A_1569 = vector.load %arg5[%get3A_1567, %get3A_1568] : memref<512x128xf32, #tpu.memory_space<vmem>>, vector<1x128xf32>
      %jit3A_1570 = arith.constant -3.40282347E+38 : f32
      %broadcast_in_dim3A_1571 = vector.broadcast %jit3A_1570 : f32 to vector<1x128xf32>
      %select_n3A_1572 = arith.select %and3A_930, %get3A_1569, %broadcast_in_dim3A_1571 : vector<1x128xi1>, vector<1x128xf32>
      %reduce_max3A_1573 = vector.shape_cast %select_n3A_1572 : vector<1x128xf32> to vector<1x1x128xf32>
      %reduce_max3A_1574 = arith.constant dense<0xFF800000> : vector<1xf32>
      %reduce_max3A_1575 = vector.multi_reduction <maximumf>, %reduce_max3A_1573, %reduce_max3A_1574 [1, 2] : vector<1x1x128xf32> to vector<1xf32>
      %reduce_max3A_1576 = vector.shape_cast %reduce_max3A_1575 : vector<1xf32> to vector<1x1x1xf32>
      %reduce_max3A_1577 = vector.extract %reduce_max3A_1576[0, 0, 0] : f32 from vector<1x1x1xf32>
      %eq3A_1578 = vector.broadcast %reduce_max3A_1577 : f32 to vector<1x128xf32>
      %eq3A_1579 = arith.cmpf oeq, %select_n3A_1572, %eq3A_1578 : vector<1x128xf32>
      %jit3A_1580 = arith.constant 2147483647 : i32
      %broadcast_in_dim3A_1581 = vector.broadcast %jit3A_1580 : i32 to vector<1x128xi32>
      %select_n3A_1582 = arith.select %eq3A_1579, %add3A_925, %broadcast_in_dim3A_1581 : vector<1x128xi1>, vector<1x128xi32>
      %reduce_min3A_1583 = vector.shape_cast %select_n3A_1582 : vector<1x128xi32> to vector<1x1x128xi32>
      %reduce_min3A_1584 = arith.constant dense<2147483647> : vector<1xi32>
      %reduce_min3A_1585 = vector.multi_reduction <minsi>, %reduce_min3A_1583, %reduce_min3A_1584 [1, 2] : vector<1x1x128xi32> to vector<1xi32>
      %reduce_min3A_1586 = vector.shape_cast %reduce_min3A_1585 : vector<1xi32> to vector<1x1x1xi32>
      %reduce_min3A_1587 = vector.extract %reduce_min3A_1586[0, 0, 0] : i32 from vector<1x1x1xi32>
      %gt3A_1588 = arith.cmpf ogt, %reduce_max3A_1577, %reduce_max3A_1555 : f32
      %eq3A_1589 = arith.cmpf oeq, %reduce_max3A_1577, %reduce_max3A_1555 : f32
      %min3A_1590 = arith.minsi %reduce_min3A_1587, %reduce_min3A_1566 : i32
      %select_n3A_1591 = arith.select %eq3A_1589, %min3A_1590, %reduce_min3A_1566 : i32
      %select_n3A_1592 = arith.select %gt3A_1588, %reduce_min3A_1587, %select_n3A_1591 : i32
      %max3A_1593 = arith.maximumf %reduce_max3A_1555, %reduce_max3A_1577 : f32
      %get3A_1594 = arith.index_cast %min3A_921 : i32 to index
      %get3A_1595 = arith.constant 0 : index
      %get3A_1596 = vector.load %arg5[%get3A_1594, %get3A_1595] : memref<512x128xf32, #tpu.memory_space<vmem>>, vector<1x128xf32>
      %jit3A_1597 = arith.constant -3.40282347E+38 : f32
      %broadcast_in_dim3A_1598 = vector.broadcast %jit3A_1597 : f32 to vector<1x128xf32>
      %select_n3A_1599 = arith.select %and3A_940, %get3A_1596, %broadcast_in_dim3A_1598 : vector<1x128xi1>, vector<1x128xf32>
      %reduce_max3A_1600 = vector.shape_cast %select_n3A_1599 : vector<1x128xf32> to vector<1x1x128xf32>
      %reduce_max3A_1601 = arith.constant dense<0xFF800000> : vector<1xf32>
      %reduce_max3A_1602 = vector.multi_reduction <maximumf>, %reduce_max3A_1600, %reduce_max3A_1601 [1, 2] : vector<1x1x128xf32> to vector<1xf32>
      %reduce_max3A_1603 = vector.shape_cast %reduce_max3A_1602 : vector<1xf32> to vector<1x1x1xf32>
      %reduce_max3A_1604 = vector.extract %reduce_max3A_1603[0, 0, 0] : f32 from vector<1x1x1xf32>
      %eq3A_1605 = vector.broadcast %reduce_max3A_1604 : f32 to vector<1x128xf32>
      %eq3A_1606 = arith.cmpf oeq, %select_n3A_1599, %eq3A_1605 : vector<1x128xf32>
      %jit3A_1607 = arith.constant 2147483647 : i32
      %broadcast_in_dim3A_1608 = vector.broadcast %jit3A_1607 : i32 to vector<1x128xi32>
      %select_n3A_1609 = arith.select %eq3A_1606, %add3A_934, %broadcast_in_dim3A_1608 : vector<1x128xi1>, vector<1x128xi32>
      %reduce_min3A_1610 = vector.shape_cast %select_n3A_1609 : vector<1x128xi32> to vector<1x1x128xi32>
      %reduce_min3A_1611 = arith.constant dense<2147483647> : vector<1xi32>
      %reduce_min3A_1612 = vector.multi_reduction <minsi>, %reduce_min3A_1610, %reduce_min3A_1611 [1, 2] : vector<1x1x128xi32> to vector<1xi32>
      %reduce_min3A_1613 = vector.shape_cast %reduce_min3A_1612 : vector<1xi32> to vector<1x1x1xi32>
      %reduce_min3A_1614 = vector.extract %reduce_min3A_1613[0, 0, 0] : i32 from vector<1x1x1xi32>
      %gt3A_1615 = arith.cmpf ogt, %reduce_max3A_1604, %max3A_1593 : f32
      %eq3A_1616 = arith.cmpf oeq, %reduce_max3A_1604, %max3A_1593 : f32
      %min3A_1617 = arith.minsi %reduce_min3A_1614, %select_n3A_1592 : i32
      %select_n3A_1618 = arith.select %eq3A_1616, %min3A_1617, %select_n3A_1592 : i32
      %select_n3A_1619 = arith.select %gt3A_1615, %reduce_min3A_1614, %select_n3A_1618 : i32
      %jit3A_1620 = arith.constant -3.40282347E+38 : f32
      %broadcast_in_dim3A_1621 = vector.broadcast %jit3A_1620 : f32 to vector<512x1xf32>
      %select_n3A_1622 = arith.select %and3A_955, %broadcast_in_dim3A_1540, %broadcast_in_dim3A_1621 : vector<512x1xi1>, vector<512x1xf32>
      %reduce_max3A_1623 = vector.shape_cast %select_n3A_1622 : vector<512x1xf32> to vector<1x512x1xf32>
      %reduce_max3A_1624 = arith.constant dense<0xFF800000> : vector<1xf32>
      %reduce_max3A_1625 = vector.multi_reduction <maximumf>, %reduce_max3A_1623, %reduce_max3A_1624 [1, 2] : vector<1x512x1xf32> to vector<1xf32>
      %reduce_max3A_1626 = vector.shape_cast %reduce_max3A_1625 : vector<1xf32> to vector<1x1x1xf32>
      %reduce_max3A_1627 = vector.extract %reduce_max3A_1626[0, 0, 0] : f32 from vector<1x1x1xf32>
      %eq3A_1628 = vector.broadcast %reduce_max3A_1627 : f32 to vector<512x1xf32>
      %eq3A_1629 = arith.cmpf oeq, %broadcast_in_dim3A_1540, %eq3A_1628 : vector<512x1xf32>
      %and3A_1630 = arith.andi %and3A_955, %eq3A_1629 : vector<512x1xi1>
      %jit3A_1631 = arith.constant 2147483647 : i32
      %broadcast_in_dim3A_1632 = vector.broadcast %jit3A_1631 : i32 to vector<512x1xi32>
      %select_n3A_1633 = arith.select %and3A_1630, %broadcast_in_dim3A_1547, %broadcast_in_dim3A_1632 : vector<512x1xi1>, vector<512x1xi32>
      %reduce_min3A_1634 = vector.shape_cast %select_n3A_1633 : vector<512x1xi32> to vector<1x512x1xi32>
      %reduce_min3A_1635 = arith.constant dense<2147483647> : vector<1xi32>
      %reduce_min3A_1636 = vector.multi_reduction <minsi>, %reduce_min3A_1634, %reduce_min3A_1635 [1, 2] : vector<1x512x1xi32> to vector<1xi32>
      %reduce_min3A_1637 = vector.shape_cast %reduce_min3A_1636 : vector<1xi32> to vector<1x1x1xi32>
      %reduce_min3A_1638 = vector.extract %reduce_min3A_1637[0, 0, 0] : i32 from vector<1x1x1xi32>
      %get3A_1639 = arith.index_cast %select_n3A_979 : i32 to index
      %get3A_1640 = arith.constant 0 : index
      %get3A_1641 = vector.load %arg5[%get3A_1639, %get3A_1640] : memref<512x128xf32, #tpu.memory_space<vmem>>, vector<1x128xf32>
      %jit3A_1642 = arith.constant -3.40282347E+38 : f32
      %broadcast_in_dim3A_1643 = vector.broadcast %jit3A_1642 : f32 to vector<1x128xf32>
      %select_n3A_1644 = arith.select %and3A_1014, %get3A_1641, %broadcast_in_dim3A_1643 : vector<1x128xi1>, vector<1x128xf32>
      %reduce_max3A_1645 = vector.shape_cast %select_n3A_1644 : vector<1x128xf32> to vector<1x1x128xf32>
      %reduce_max3A_1646 = arith.constant dense<0xFF800000> : vector<1xf32>
      %reduce_max3A_1647 = vector.multi_reduction <maximumf>, %reduce_max3A_1645, %reduce_max3A_1646 [1, 2] : vector<1x1x128xf32> to vector<1xf32>
      %reduce_max3A_1648 = vector.shape_cast %reduce_max3A_1647 : vector<1xf32> to vector<1x1x1xf32>
      %reduce_max3A_1649 = vector.extract %reduce_max3A_1648[0, 0, 0] : f32 from vector<1x1x1xf32>
      %eq3A_1650 = vector.broadcast %reduce_max3A_1649 : f32 to vector<1x128xf32>
      %eq3A_1651 = arith.cmpf oeq, %select_n3A_1644, %eq3A_1650 : vector<1x128xf32>
      %jit3A_1652 = arith.constant 2147483647 : i32
      %broadcast_in_dim3A_1653 = vector.broadcast %jit3A_1652 : i32 to vector<1x128xi32>
      %select_n3A_1654 = arith.select %eq3A_1651, %add3A_1009, %broadcast_in_dim3A_1653 : vector<1x128xi1>, vector<1x128xi32>
      %reduce_min3A_1655 = vector.shape_cast %select_n3A_1654 : vector<1x128xi32> to vector<1x1x128xi32>
      %reduce_min3A_1656 = arith.constant dense<2147483647> : vector<1xi32>
      %reduce_min3A_1657 = vector.multi_reduction <minsi>, %reduce_min3A_1655, %reduce_min3A_1656 [1, 2] : vector<1x1x128xi32> to vector<1xi32>
      %reduce_min3A_1658 = vector.shape_cast %reduce_min3A_1657 : vector<1xi32> to vector<1x1x1xi32>
      %reduce_min3A_1659 = vector.extract %reduce_min3A_1658[0, 0, 0] : i32 from vector<1x1x1xi32>
      %gt3A_1660 = arith.cmpf ogt, %reduce_max3A_1649, %reduce_max3A_1627 : f32
      %eq3A_1661 = arith.cmpf oeq, %reduce_max3A_1649, %reduce_max3A_1627 : f32
      %min3A_1662 = arith.minsi %reduce_min3A_1659, %reduce_min3A_1638 : i32
      %select_n3A_1663 = arith.select %eq3A_1661, %min3A_1662, %reduce_min3A_1638 : i32
      %select_n3A_1664 = arith.select %gt3A_1660, %reduce_min3A_1659, %select_n3A_1663 : i32
      %max3A_1665 = arith.maximumf %reduce_max3A_1627, %reduce_max3A_1649 : f32
      %get3A_1666 = arith.index_cast %min3A_1005 : i32 to index
      %get3A_1667 = arith.constant 0 : index
      %get3A_1668 = vector.load %arg5[%get3A_1666, %get3A_1667] : memref<512x128xf32, #tpu.memory_space<vmem>>, vector<1x128xf32>
      %jit3A_1669 = arith.constant -3.40282347E+38 : f32
      %broadcast_in_dim3A_1670 = vector.broadcast %jit3A_1669 : f32 to vector<1x128xf32>
      %select_n3A_1671 = arith.select %and3A_1023, %get3A_1668, %broadcast_in_dim3A_1670 : vector<1x128xi1>, vector<1x128xf32>
      %reduce_max3A_1672 = vector.shape_cast %select_n3A_1671 : vector<1x128xf32> to vector<1x1x128xf32>
      %reduce_max3A_1673 = arith.constant dense<0xFF800000> : vector<1xf32>
      %reduce_max3A_1674 = vector.multi_reduction <maximumf>, %reduce_max3A_1672, %reduce_max3A_1673 [1, 2] : vector<1x1x128xf32> to vector<1xf32>
      %reduce_max3A_1675 = vector.shape_cast %reduce_max3A_1674 : vector<1xf32> to vector<1x1x1xf32>
      %reduce_max3A_1676 = vector.extract %reduce_max3A_1675[0, 0, 0] : f32 from vector<1x1x1xf32>
      %eq3A_1677 = vector.broadcast %reduce_max3A_1676 : f32 to vector<1x128xf32>
      %eq3A_1678 = arith.cmpf oeq, %select_n3A_1671, %eq3A_1677 : vector<1x128xf32>
      %jit3A_1679 = arith.constant 2147483647 : i32
      %broadcast_in_dim3A_1680 = vector.broadcast %jit3A_1679 : i32 to vector<1x128xi32>
      %select_n3A_1681 = arith.select %eq3A_1678, %add3A_1018, %broadcast_in_dim3A_1680 : vector<1x128xi1>, vector<1x128xi32>
      %reduce_min3A_1682 = vector.shape_cast %select_n3A_1681 : vector<1x128xi32> to vector<1x1x128xi32>
      %reduce_min3A_1683 = arith.constant dense<2147483647> : vector<1xi32>
      %reduce_min3A_1684 = vector.multi_reduction <minsi>, %reduce_min3A_1682, %reduce_min3A_1683 [1, 2] : vector<1x1x128xi32> to vector<1xi32>
      %reduce_min3A_1685 = vector.shape_cast %reduce_min3A_1684 : vector<1xi32> to vector<1x1x1xi32>
      %reduce_min3A_1686 = vector.extract %reduce_min3A_1685[0, 0, 0] : i32 from vector<1x1x1xi32>
      %gt3A_1687 = arith.cmpf ogt, %reduce_max3A_1676, %max3A_1665 : f32
      %eq3A_1688 = arith.cmpf oeq, %reduce_max3A_1676, %max3A_1665 : f32
      %min3A_1689 = arith.minsi %reduce_min3A_1686, %select_n3A_1664 : i32
      %select_n3A_1690 = arith.select %eq3A_1688, %min3A_1689, %select_n3A_1664 : i32
      %select_n3A_1691 = arith.select %gt3A_1687, %reduce_min3A_1686, %select_n3A_1690 : i32
      %jit3A_1692 = arith.constant -3.40282347E+38 : f32
      %broadcast_in_dim3A_1693 = vector.broadcast %jit3A_1692 : f32 to vector<512x1xf32>
      %select_n3A_1694 = arith.select %and3A_1038, %broadcast_in_dim3A_1540, %broadcast_in_dim3A_1693 : vector<512x1xi1>, vector<512x1xf32>
      %reduce_max3A_1695 = vector.shape_cast %select_n3A_1694 : vector<512x1xf32> to vector<1x512x1xf32>
      %reduce_max3A_1696 = arith.constant dense<0xFF800000> : vector<1xf32>
      %reduce_max3A_1697 = vector.multi_reduction <maximumf>, %reduce_max3A_1695, %reduce_max3A_1696 [1, 2] : vector<1x512x1xf32> to vector<1xf32>
      %reduce_max3A_1698 = vector.shape_cast %reduce_max3A_1697 : vector<1xf32> to vector<1x1x1xf32>
      %reduce_max3A_1699 = vector.extract %reduce_max3A_1698[0, 0, 0] : f32 from vector<1x1x1xf32>
      %eq3A_1700 = vector.broadcast %reduce_max3A_1699 : f32 to vector<512x1xf32>
      %eq3A_1701 = arith.cmpf oeq, %broadcast_in_dim3A_1540, %eq3A_1700 : vector<512x1xf32>
      %and3A_1702 = arith.andi %and3A_1038, %eq3A_1701 : vector<512x1xi1>
      %jit3A_1703 = arith.constant 2147483647 : i32
      %broadcast_in_dim3A_1704 = vector.broadcast %jit3A_1703 : i32 to vector<512x1xi32>
      %select_n3A_1705 = arith.select %and3A_1702, %broadcast_in_dim3A_1547, %broadcast_in_dim3A_1704 : vector<512x1xi1>, vector<512x1xi32>
      %reduce_min3A_1706 = vector.shape_cast %select_n3A_1705 : vector<512x1xi32> to vector<1x512x1xi32>
      %reduce_min3A_1707 = arith.constant dense<2147483647> : vector<1xi32>
      %reduce_min3A_1708 = vector.multi_reduction <minsi>, %reduce_min3A_1706, %reduce_min3A_1707 [1, 2] : vector<1x512x1xi32> to vector<1xi32>
      %reduce_min3A_1709 = vector.shape_cast %reduce_min3A_1708 : vector<1xi32> to vector<1x1x1xi32>
      %reduce_min3A_1710 = vector.extract %reduce_min3A_1709[0, 0, 0] : i32 from vector<1x1x1xi32>
      %get3A_1711 = arith.index_cast %select_n3A_1062 : i32 to index
      %get3A_1712 = arith.constant 0 : index
      %get3A_1713 = vector.load %arg5[%get3A_1711, %get3A_1712] : memref<512x128xf32, #tpu.memory_space<vmem>>, vector<1x128xf32>
      %jit3A_1714 = arith.constant -3.40282347E+38 : f32
      %broadcast_in_dim3A_1715 = vector.broadcast %jit3A_1714 : f32 to vector<1x128xf32>
      %select_n3A_1716 = arith.select %and3A_1097, %get3A_1713, %broadcast_in_dim3A_1715 : vector<1x128xi1>, vector<1x128xf32>
      %reduce_max3A_1717 = vector.shape_cast %select_n3A_1716 : vector<1x128xf32> to vector<1x1x128xf32>
      %reduce_max3A_1718 = arith.constant dense<0xFF800000> : vector<1xf32>
      %reduce_max3A_1719 = vector.multi_reduction <maximumf>, %reduce_max3A_1717, %reduce_max3A_1718 [1, 2] : vector<1x1x128xf32> to vector<1xf32>
      %reduce_max3A_1720 = vector.shape_cast %reduce_max3A_1719 : vector<1xf32> to vector<1x1x1xf32>
      %reduce_max3A_1721 = vector.extract %reduce_max3A_1720[0, 0, 0] : f32 from vector<1x1x1xf32>
      %eq3A_1722 = vector.broadcast %reduce_max3A_1721 : f32 to vector<1x128xf32>
      %eq3A_1723 = arith.cmpf oeq, %select_n3A_1716, %eq3A_1722 : vector<1x128xf32>
      %jit3A_1724 = arith.constant 2147483647 : i32
      %broadcast_in_dim3A_1725 = vector.broadcast %jit3A_1724 : i32 to vector<1x128xi32>
      %select_n3A_1726 = arith.select %eq3A_1723, %add3A_1092, %broadcast_in_dim3A_1725 : vector<1x128xi1>, vector<1x128xi32>
      %reduce_min3A_1727 = vector.shape_cast %select_n3A_1726 : vector<1x128xi32> to vector<1x1x128xi32>
      %reduce_min3A_1728 = arith.constant dense<2147483647> : vector<1xi32>
      %reduce_min3A_1729 = vector.multi_reduction <minsi>, %reduce_min3A_1727, %reduce_min3A_1728 [1, 2] : vector<1x1x128xi32> to vector<1xi32>
      %reduce_min3A_1730 = vector.shape_cast %reduce_min3A_1729 : vector<1xi32> to vector<1x1x1xi32>
      %reduce_min3A_1731 = vector.extract %reduce_min3A_1730[0, 0, 0] : i32 from vector<1x1x1xi32>
      %gt3A_1732 = arith.cmpf ogt, %reduce_max3A_1721, %reduce_max3A_1699 : f32
      %eq3A_1733 = arith.cmpf oeq, %reduce_max3A_1721, %reduce_max3A_1699 : f32
      %min3A_1734 = arith.minsi %reduce_min3A_1731, %reduce_min3A_1710 : i32
      %select_n3A_1735 = arith.select %eq3A_1733, %min3A_1734, %reduce_min3A_1710 : i32
      %select_n3A_1736 = arith.select %gt3A_1732, %reduce_min3A_1731, %select_n3A_1735 : i32
      %max3A_1737 = arith.maximumf %reduce_max3A_1699, %reduce_max3A_1721 : f32
      %get3A_1738 = arith.index_cast %min3A_1088 : i32 to index
      %get3A_1739 = arith.constant 0 : index
      %get3A_1740 = vector.load %arg5[%get3A_1738, %get3A_1739] : memref<512x128xf32, #tpu.memory_space<vmem>>, vector<1x128xf32>
      %jit3A_1741 = arith.constant -3.40282347E+38 : f32
      %broadcast_in_dim3A_1742 = vector.broadcast %jit3A_1741 : f32 to vector<1x128xf32>
      %select_n3A_1743 = arith.select %and3A_1106, %get3A_1740, %broadcast_in_dim3A_1742 : vector<1x128xi1>, vector<1x128xf32>
      %reduce_max3A_1744 = vector.shape_cast %select_n3A_1743 : vector<1x128xf32> to vector<1x1x128xf32>
      %reduce_max3A_1745 = arith.constant dense<0xFF800000> : vector<1xf32>
      %reduce_max3A_1746 = vector.multi_reduction <maximumf>, %reduce_max3A_1744, %reduce_max3A_1745 [1, 2] : vector<1x1x128xf32> to vector<1xf32>
      %reduce_max3A_1747 = vector.shape_cast %reduce_max3A_1746 : vector<1xf32> to vector<1x1x1xf32>
      %reduce_max3A_1748 = vector.extract %reduce_max3A_1747[0, 0, 0] : f32 from vector<1x1x1xf32>
      %eq3A_1749 = vector.broadcast %reduce_max3A_1748 : f32 to vector<1x128xf32>
      %eq3A_1750 = arith.cmpf oeq, %select_n3A_1743, %eq3A_1749 : vector<1x128xf32>
      %jit3A_1751 = arith.constant 2147483647 : i32
      %broadcast_in_dim3A_1752 = vector.broadcast %jit3A_1751 : i32 to vector<1x128xi32>
      %select_n3A_1753 = arith.select %eq3A_1750, %add3A_1101, %broadcast_in_dim3A_1752 : vector<1x128xi1>, vector<1x128xi32>
      %reduce_min3A_1754 = vector.shape_cast %select_n3A_1753 : vector<1x128xi32> to vector<1x1x128xi32>
      %reduce_min3A_1755 = arith.constant dense<2147483647> : vector<1xi32>
      %reduce_min3A_1756 = vector.multi_reduction <minsi>, %reduce_min3A_1754, %reduce_min3A_1755 [1, 2] : vector<1x1x128xi32> to vector<1xi32>
      %reduce_min3A_1757 = vector.shape_cast %reduce_min3A_1756 : vector<1xi32> to vector<1x1x1xi32>
      %reduce_min3A_1758 = vector.extract %reduce_min3A_1757[0, 0, 0] : i32 from vector<1x1x1xi32>
      %gt3A_1759 = arith.cmpf ogt, %reduce_max3A_1748, %max3A_1737 : f32
      %eq3A_1760 = arith.cmpf oeq, %reduce_max3A_1748, %max3A_1737 : f32
      %min3A_1761 = arith.minsi %reduce_min3A_1758, %select_n3A_1736 : i32
      %select_n3A_1762 = arith.select %eq3A_1760, %min3A_1761, %select_n3A_1736 : i32
      %select_n3A_1763 = arith.select %gt3A_1759, %reduce_min3A_1758, %select_n3A_1762 : i32
      %jit3A_1764 = arith.constant -3.40282347E+38 : f32
      %broadcast_in_dim3A_1765 = vector.broadcast %jit3A_1764 : f32 to vector<512x1xf32>
      %select_n3A_1766 = arith.select %and3A_1121, %broadcast_in_dim3A_1540, %broadcast_in_dim3A_1765 : vector<512x1xi1>, vector<512x1xf32>
      %reduce_max3A_1767 = vector.shape_cast %select_n3A_1766 : vector<512x1xf32> to vector<1x512x1xf32>
      %reduce_max3A_1768 = arith.constant dense<0xFF800000> : vector<1xf32>
      %reduce_max3A_1769 = vector.multi_reduction <maximumf>, %reduce_max3A_1767, %reduce_max3A_1768 [1, 2] : vector<1x512x1xf32> to vector<1xf32>
      %reduce_max3A_1770 = vector.shape_cast %reduce_max3A_1769 : vector<1xf32> to vector<1x1x1xf32>
      %reduce_max3A_1771 = vector.extract %reduce_max3A_1770[0, 0, 0] : f32 from vector<1x1x1xf32>
      %eq3A_1772 = vector.broadcast %reduce_max3A_1771 : f32 to vector<512x1xf32>
      %eq3A_1773 = arith.cmpf oeq, %broadcast_in_dim3A_1540, %eq3A_1772 : vector<512x1xf32>
      %and3A_1774 = arith.andi %and3A_1121, %eq3A_1773 : vector<512x1xi1>
      %jit3A_1775 = arith.constant 2147483647 : i32
      %broadcast_in_dim3A_1776 = vector.broadcast %jit3A_1775 : i32 to vector<512x1xi32>
      %select_n3A_1777 = arith.select %and3A_1774, %broadcast_in_dim3A_1547, %broadcast_in_dim3A_1776 : vector<512x1xi1>, vector<512x1xi32>
      %reduce_min3A_1778 = vector.shape_cast %select_n3A_1777 : vector<512x1xi32> to vector<1x512x1xi32>
      %reduce_min3A_1779 = arith.constant dense<2147483647> : vector<1xi32>
      %reduce_min3A_1780 = vector.multi_reduction <minsi>, %reduce_min3A_1778, %reduce_min3A_1779 [1, 2] : vector<1x512x1xi32> to vector<1xi32>
      %reduce_min3A_1781 = vector.shape_cast %reduce_min3A_1780 : vector<1xi32> to vector<1x1x1xi32>
      %reduce_min3A_1782 = vector.extract %reduce_min3A_1781[0, 0, 0] : i32 from vector<1x1x1xi32>
      %get3A_1783 = arith.index_cast %select_n3A_1145 : i32 to index
      %get3A_1784 = arith.constant 0 : index
      %get3A_1785 = vector.load %arg5[%get3A_1783, %get3A_1784] : memref<512x128xf32, #tpu.memory_space<vmem>>, vector<1x128xf32>
      %jit3A_1786 = arith.constant -3.40282347E+38 : f32
      %broadcast_in_dim3A_1787 = vector.broadcast %jit3A_1786 : f32 to vector<1x128xf32>
      %select_n3A_1788 = arith.select %and3A_1180, %get3A_1785, %broadcast_in_dim3A_1787 : vector<1x128xi1>, vector<1x128xf32>
      %reduce_max3A_1789 = vector.shape_cast %select_n3A_1788 : vector<1x128xf32> to vector<1x1x128xf32>
      %reduce_max3A_1790 = arith.constant dense<0xFF800000> : vector<1xf32>
      %reduce_max3A_1791 = vector.multi_reduction <maximumf>, %reduce_max3A_1789, %reduce_max3A_1790 [1, 2] : vector<1x1x128xf32> to vector<1xf32>
      %reduce_max3A_1792 = vector.shape_cast %reduce_max3A_1791 : vector<1xf32> to vector<1x1x1xf32>
      %reduce_max3A_1793 = vector.extract %reduce_max3A_1792[0, 0, 0] : f32 from vector<1x1x1xf32>
      %eq3A_1794 = vector.broadcast %reduce_max3A_1793 : f32 to vector<1x128xf32>
      %eq3A_1795 = arith.cmpf oeq, %select_n3A_1788, %eq3A_1794 : vector<1x128xf32>
      %jit3A_1796 = arith.constant 2147483647 : i32
      %broadcast_in_dim3A_1797 = vector.broadcast %jit3A_1796 : i32 to vector<1x128xi32>
      %select_n3A_1798 = arith.select %eq3A_1795, %add3A_1175, %broadcast_in_dim3A_1797 : vector<1x128xi1>, vector<1x128xi32>
      %reduce_min3A_1799 = vector.shape_cast %select_n3A_1798 : vector<1x128xi32> to vector<1x1x128xi32>
      %reduce_min3A_1800 = arith.constant dense<2147483647> : vector<1xi32>
      %reduce_min3A_1801 = vector.multi_reduction <minsi>, %reduce_min3A_1799, %reduce_min3A_1800 [1, 2] : vector<1x1x128xi32> to vector<1xi32>
      %reduce_min3A_1802 = vector.shape_cast %reduce_min3A_1801 : vector<1xi32> to vector<1x1x1xi32>
      %reduce_min3A_1803 = vector.extract %reduce_min3A_1802[0, 0, 0] : i32 from vector<1x1x1xi32>
      %gt3A_1804 = arith.cmpf ogt, %reduce_max3A_1793, %reduce_max3A_1771 : f32
      %eq3A_1805 = arith.cmpf oeq, %reduce_max3A_1793, %reduce_max3A_1771 : f32
      %min3A_1806 = arith.minsi %reduce_min3A_1803, %reduce_min3A_1782 : i32
      %select_n3A_1807 = arith.select %eq3A_1805, %min3A_1806, %reduce_min3A_1782 : i32
      %select_n3A_1808 = arith.select %gt3A_1804, %reduce_min3A_1803, %select_n3A_1807 : i32
      %max3A_1809 = arith.maximumf %reduce_max3A_1771, %reduce_max3A_1793 : f32
      %get3A_1810 = arith.index_cast %min3A_1171 : i32 to index
      %get3A_1811 = arith.constant 0 : index
      %get3A_1812 = vector.load %arg5[%get3A_1810, %get3A_1811] : memref<512x128xf32, #tpu.memory_space<vmem>>, vector<1x128xf32>
      %jit3A_1813 = arith.constant -3.40282347E+38 : f32
      %broadcast_in_dim3A_1814 = vector.broadcast %jit3A_1813 : f32 to vector<1x128xf32>
      %select_n3A_1815 = arith.select %and3A_1189, %get3A_1812, %broadcast_in_dim3A_1814 : vector<1x128xi1>, vector<1x128xf32>
      %reduce_max3A_1816 = vector.shape_cast %select_n3A_1815 : vector<1x128xf32> to vector<1x1x128xf32>
      %reduce_max3A_1817 = arith.constant dense<0xFF800000> : vector<1xf32>
      %reduce_max3A_1818 = vector.multi_reduction <maximumf>, %reduce_max3A_1816, %reduce_max3A_1817 [1, 2] : vector<1x1x128xf32> to vector<1xf32>
      %reduce_max3A_1819 = vector.shape_cast %reduce_max3A_1818 : vector<1xf32> to vector<1x1x1xf32>
      %reduce_max3A_1820 = vector.extract %reduce_max3A_1819[0, 0, 0] : f32 from vector<1x1x1xf32>
      %eq3A_1821 = vector.broadcast %reduce_max3A_1820 : f32 to vector<1x128xf32>
      %eq3A_1822 = arith.cmpf oeq, %select_n3A_1815, %eq3A_1821 : vector<1x128xf32>
      %jit3A_1823 = arith.constant 2147483647 : i32
      %broadcast_in_dim3A_1824 = vector.broadcast %jit3A_1823 : i32 to vector<1x128xi32>
      %select_n3A_1825 = arith.select %eq3A_1822, %add3A_1184, %broadcast_in_dim3A_1824 : vector<1x128xi1>, vector<1x128xi32>
      %reduce_min3A_1826 = vector.shape_cast %select_n3A_1825 : vector<1x128xi32> to vector<1x1x128xi32>
      %reduce_min3A_1827 = arith.constant dense<2147483647> : vector<1xi32>
      %reduce_min3A_1828 = vector.multi_reduction <minsi>, %reduce_min3A_1826, %reduce_min3A_1827 [1, 2] : vector<1x1x128xi32> to vector<1xi32>
      %reduce_min3A_1829 = vector.shape_cast %reduce_min3A_1828 : vector<1xi32> to vector<1x1x1xi32>
      %reduce_min3A_1830 = vector.extract %reduce_min3A_1829[0, 0, 0] : i32 from vector<1x1x1xi32>
      %gt3A_1831 = arith.cmpf ogt, %reduce_max3A_1820, %max3A_1809 : f32
      %eq3A_1832 = arith.cmpf oeq, %reduce_max3A_1820, %max3A_1809 : f32
      %min3A_1833 = arith.minsi %reduce_min3A_1830, %select_n3A_1808 : i32
      %select_n3A_1834 = arith.select %eq3A_1832, %min3A_1833, %select_n3A_1808 : i32
      %select_n3A_1835 = arith.select %gt3A_1831, %reduce_min3A_1830, %select_n3A_1834 : i32
      %jit3A_1836 = arith.constant -3.40282347E+38 : f32
      %broadcast_in_dim3A_1837 = vector.broadcast %jit3A_1836 : f32 to vector<512x1xf32>
      %select_n3A_1838 = arith.select %and3A_1204, %broadcast_in_dim3A_1540, %broadcast_in_dim3A_1837 : vector<512x1xi1>, vector<512x1xf32>
      %reduce_max3A_1839 = vector.shape_cast %select_n3A_1838 : vector<512x1xf32> to vector<1x512x1xf32>
      %reduce_max3A_1840 = arith.constant dense<0xFF800000> : vector<1xf32>
      %reduce_max3A_1841 = vector.multi_reduction <maximumf>, %reduce_max3A_1839, %reduce_max3A_1840 [1, 2] : vector<1x512x1xf32> to vector<1xf32>
      %reduce_max3A_1842 = vector.shape_cast %reduce_max3A_1841 : vector<1xf32> to vector<1x1x1xf32>
      %reduce_max3A_1843 = vector.extract %reduce_max3A_1842[0, 0, 0] : f32 from vector<1x1x1xf32>
      %eq3A_1844 = vector.broadcast %reduce_max3A_1843 : f32 to vector<512x1xf32>
      %eq3A_1845 = arith.cmpf oeq, %broadcast_in_dim3A_1540, %eq3A_1844 : vector<512x1xf32>
      %and3A_1846 = arith.andi %and3A_1204, %eq3A_1845 : vector<512x1xi1>
      %jit3A_1847 = arith.constant 2147483647 : i32
      %broadcast_in_dim3A_1848 = vector.broadcast %jit3A_1847 : i32 to vector<512x1xi32>
      %select_n3A_1849 = arith.select %and3A_1846, %broadcast_in_dim3A_1547, %broadcast_in_dim3A_1848 : vector<512x1xi1>, vector<512x1xi32>
      %reduce_min3A_1850 = vector.shape_cast %select_n3A_1849 : vector<512x1xi32> to vector<1x512x1xi32>
      %reduce_min3A_1851 = arith.constant dense<2147483647> : vector<1xi32>
      %reduce_min3A_1852 = vector.multi_reduction <minsi>, %reduce_min3A_1850, %reduce_min3A_1851 [1, 2] : vector<1x512x1xi32> to vector<1xi32>
      %reduce_min3A_1853 = vector.shape_cast %reduce_min3A_1852 : vector<1xi32> to vector<1x1x1xi32>
      %reduce_min3A_1854 = vector.extract %reduce_min3A_1853[0, 0, 0] : i32 from vector<1x1x1xi32>
      %get3A_1855 = arith.index_cast %select_n3A_1228 : i32 to index
      %get3A_1856 = arith.constant 0 : index
      %get3A_1857 = vector.load %arg5[%get3A_1855, %get3A_1856] : memref<512x128xf32, #tpu.memory_space<vmem>>, vector<1x128xf32>
      %jit3A_1858 = arith.constant -3.40282347E+38 : f32
      %broadcast_in_dim3A_1859 = vector.broadcast %jit3A_1858 : f32 to vector<1x128xf32>
      %select_n3A_1860 = arith.select %and3A_1263, %get3A_1857, %broadcast_in_dim3A_1859 : vector<1x128xi1>, vector<1x128xf32>
      %reduce_max3A_1861 = vector.shape_cast %select_n3A_1860 : vector<1x128xf32> to vector<1x1x128xf32>
      %reduce_max3A_1862 = arith.constant dense<0xFF800000> : vector<1xf32>
      %reduce_max3A_1863 = vector.multi_reduction <maximumf>, %reduce_max3A_1861, %reduce_max3A_1862 [1, 2] : vector<1x1x128xf32> to vector<1xf32>
      %reduce_max3A_1864 = vector.shape_cast %reduce_max3A_1863 : vector<1xf32> to vector<1x1x1xf32>
      %reduce_max3A_1865 = vector.extract %reduce_max3A_1864[0, 0, 0] : f32 from vector<1x1x1xf32>
      %eq3A_1866 = vector.broadcast %reduce_max3A_1865 : f32 to vector<1x128xf32>
      %eq3A_1867 = arith.cmpf oeq, %select_n3A_1860, %eq3A_1866 : vector<1x128xf32>
      %jit3A_1868 = arith.constant 2147483647 : i32
      %broadcast_in_dim3A_1869 = vector.broadcast %jit3A_1868 : i32 to vector<1x128xi32>
      %select_n3A_1870 = arith.select %eq3A_1867, %add3A_1258, %broadcast_in_dim3A_1869 : vector<1x128xi1>, vector<1x128xi32>
      %reduce_min3A_1871 = vector.shape_cast %select_n3A_1870 : vector<1x128xi32> to vector<1x1x128xi32>
      %reduce_min3A_1872 = arith.constant dense<2147483647> : vector<1xi32>
      %reduce_min3A_1873 = vector.multi_reduction <minsi>, %reduce_min3A_1871, %reduce_min3A_1872 [1, 2] : vector<1x1x128xi32> to vector<1xi32>
      %reduce_min3A_1874 = vector.shape_cast %reduce_min3A_1873 : vector<1xi32> to vector<1x1x1xi32>
      %reduce_min3A_1875 = vector.extract %reduce_min3A_1874[0, 0, 0] : i32 from vector<1x1x1xi32>
      %gt3A_1876 = arith.cmpf ogt, %reduce_max3A_1865, %reduce_max3A_1843 : f32
      %eq3A_1877 = arith.cmpf oeq, %reduce_max3A_1865, %reduce_max3A_1843 : f32
      %min3A_1878 = arith.minsi %reduce_min3A_1875, %reduce_min3A_1854 : i32
      %select_n3A_1879 = arith.select %eq3A_1877, %min3A_1878, %reduce_min3A_1854 : i32
      %select_n3A_1880 = arith.select %gt3A_1876, %reduce_min3A_1875, %select_n3A_1879 : i32
      %max3A_1881 = arith.maximumf %reduce_max3A_1843, %reduce_max3A_1865 : f32
      %get3A_1882 = arith.index_cast %min3A_1254 : i32 to index
      %get3A_1883 = arith.constant 0 : index
      %get3A_1884 = vector.load %arg5[%get3A_1882, %get3A_1883] : memref<512x128xf32, #tpu.memory_space<vmem>>, vector<1x128xf32>
      %jit3A_1885 = arith.constant -3.40282347E+38 : f32
      %broadcast_in_dim3A_1886 = vector.broadcast %jit3A_1885 : f32 to vector<1x128xf32>
      %select_n3A_1887 = arith.select %and3A_1272, %get3A_1884, %broadcast_in_dim3A_1886 : vector<1x128xi1>, vector<1x128xf32>
      %reduce_max3A_1888 = vector.shape_cast %select_n3A_1887 : vector<1x128xf32> to vector<1x1x128xf32>
      %reduce_max3A_1889 = arith.constant dense<0xFF800000> : vector<1xf32>
      %reduce_max3A_1890 = vector.multi_reduction <maximumf>, %reduce_max3A_1888, %reduce_max3A_1889 [1, 2] : vector<1x1x128xf32> to vector<1xf32>
      %reduce_max3A_1891 = vector.shape_cast %reduce_max3A_1890 : vector<1xf32> to vector<1x1x1xf32>
      %reduce_max3A_1892 = vector.extract %reduce_max3A_1891[0, 0, 0] : f32 from vector<1x1x1xf32>
      %eq3A_1893 = vector.broadcast %reduce_max3A_1892 : f32 to vector<1x128xf32>
      %eq3A_1894 = arith.cmpf oeq, %select_n3A_1887, %eq3A_1893 : vector<1x128xf32>
      %jit3A_1895 = arith.constant 2147483647 : i32
      %broadcast_in_dim3A_1896 = vector.broadcast %jit3A_1895 : i32 to vector<1x128xi32>
      %select_n3A_1897 = arith.select %eq3A_1894, %add3A_1267, %broadcast_in_dim3A_1896 : vector<1x128xi1>, vector<1x128xi32>
      %reduce_min3A_1898 = vector.shape_cast %select_n3A_1897 : vector<1x128xi32> to vector<1x1x128xi32>
      %reduce_min3A_1899 = arith.constant dense<2147483647> : vector<1xi32>
      %reduce_min3A_1900 = vector.multi_reduction <minsi>, %reduce_min3A_1898, %reduce_min3A_1899 [1, 2] : vector<1x1x128xi32> to vector<1xi32>
      %reduce_min3A_1901 = vector.shape_cast %reduce_min3A_1900 : vector<1xi32> to vector<1x1x1xi32>
      %reduce_min3A_1902 = vector.extract %reduce_min3A_1901[0, 0, 0] : i32 from vector<1x1x1xi32>
      %gt3A_1903 = arith.cmpf ogt, %reduce_max3A_1892, %max3A_1881 : f32
      %eq3A_1904 = arith.cmpf oeq, %reduce_max3A_1892, %max3A_1881 : f32
      %min3A_1905 = arith.minsi %reduce_min3A_1902, %select_n3A_1880 : i32
      %select_n3A_1906 = arith.select %eq3A_1904, %min3A_1905, %select_n3A_1880 : i32
      %select_n3A_1907 = arith.select %gt3A_1903, %reduce_min3A_1902, %select_n3A_1906 : i32
      %jit3A_1908 = arith.constant -3.40282347E+38 : f32
      %broadcast_in_dim3A_1909 = vector.broadcast %jit3A_1908 : f32 to vector<512x1xf32>
      %select_n3A_1910 = arith.select %and3A_1287, %broadcast_in_dim3A_1540, %broadcast_in_dim3A_1909 : vector<512x1xi1>, vector<512x1xf32>
      %reduce_max3A_1911 = vector.shape_cast %select_n3A_1910 : vector<512x1xf32> to vector<1x512x1xf32>
      %reduce_max3A_1912 = arith.constant dense<0xFF800000> : vector<1xf32>
      %reduce_max3A_1913 = vector.multi_reduction <maximumf>, %reduce_max3A_1911, %reduce_max3A_1912 [1, 2] : vector<1x512x1xf32> to vector<1xf32>
      %reduce_max3A_1914 = vector.shape_cast %reduce_max3A_1913 : vector<1xf32> to vector<1x1x1xf32>
      %reduce_max3A_1915 = vector.extract %reduce_max3A_1914[0, 0, 0] : f32 from vector<1x1x1xf32>
      %eq3A_1916 = vector.broadcast %reduce_max3A_1915 : f32 to vector<512x1xf32>
      %eq3A_1917 = arith.cmpf oeq, %broadcast_in_dim3A_1540, %eq3A_1916 : vector<512x1xf32>
      %and3A_1918 = arith.andi %and3A_1287, %eq3A_1917 : vector<512x1xi1>
      %jit3A_1919 = arith.constant 2147483647 : i32
      %broadcast_in_dim3A_1920 = vector.broadcast %jit3A_1919 : i32 to vector<512x1xi32>
      %select_n3A_1921 = arith.select %and3A_1918, %broadcast_in_dim3A_1547, %broadcast_in_dim3A_1920 : vector<512x1xi1>, vector<512x1xi32>
      %reduce_min3A_1922 = vector.shape_cast %select_n3A_1921 : vector<512x1xi32> to vector<1x512x1xi32>
      %reduce_min3A_1923 = arith.constant dense<2147483647> : vector<1xi32>
      %reduce_min3A_1924 = vector.multi_reduction <minsi>, %reduce_min3A_1922, %reduce_min3A_1923 [1, 2] : vector<1x512x1xi32> to vector<1xi32>
      %reduce_min3A_1925 = vector.shape_cast %reduce_min3A_1924 : vector<1xi32> to vector<1x1x1xi32>
      %reduce_min3A_1926 = vector.extract %reduce_min3A_1925[0, 0, 0] : i32 from vector<1x1x1xi32>
      %get3A_1927 = arith.index_cast %select_n3A_1311 : i32 to index
      %get3A_1928 = arith.constant 0 : index
      %get3A_1929 = vector.load %arg5[%get3A_1927, %get3A_1928] : memref<512x128xf32, #tpu.memory_space<vmem>>, vector<1x128xf32>
      %jit3A_1930 = arith.constant -3.40282347E+38 : f32
      %broadcast_in_dim3A_1931 = vector.broadcast %jit3A_1930 : f32 to vector<1x128xf32>
      %select_n3A_1932 = arith.select %and3A_1346, %get3A_1929, %broadcast_in_dim3A_1931 : vector<1x128xi1>, vector<1x128xf32>
      %reduce_max3A_1933 = vector.shape_cast %select_n3A_1932 : vector<1x128xf32> to vector<1x1x128xf32>
      %reduce_max3A_1934 = arith.constant dense<0xFF800000> : vector<1xf32>
      %reduce_max3A_1935 = vector.multi_reduction <maximumf>, %reduce_max3A_1933, %reduce_max3A_1934 [1, 2] : vector<1x1x128xf32> to vector<1xf32>
      %reduce_max3A_1936 = vector.shape_cast %reduce_max3A_1935 : vector<1xf32> to vector<1x1x1xf32>
      %reduce_max3A_1937 = vector.extract %reduce_max3A_1936[0, 0, 0] : f32 from vector<1x1x1xf32>
      %eq3A_1938 = vector.broadcast %reduce_max3A_1937 : f32 to vector<1x128xf32>
      %eq3A_1939 = arith.cmpf oeq, %select_n3A_1932, %eq3A_1938 : vector<1x128xf32>
      %jit3A_1940 = arith.constant 2147483647 : i32
      %broadcast_in_dim3A_1941 = vector.broadcast %jit3A_1940 : i32 to vector<1x128xi32>
      %select_n3A_1942 = arith.select %eq3A_1939, %add3A_1341, %broadcast_in_dim3A_1941 : vector<1x128xi1>, vector<1x128xi32>
      %reduce_min3A_1943 = vector.shape_cast %select_n3A_1942 : vector<1x128xi32> to vector<1x1x128xi32>
      %reduce_min3A_1944 = arith.constant dense<2147483647> : vector<1xi32>
      %reduce_min3A_1945 = vector.multi_reduction <minsi>, %reduce_min3A_1943, %reduce_min3A_1944 [1, 2] : vector<1x1x128xi32> to vector<1xi32>
      %reduce_min3A_1946 = vector.shape_cast %reduce_min3A_1945 : vector<1xi32> to vector<1x1x1xi32>
      %reduce_min3A_1947 = vector.extract %reduce_min3A_1946[0, 0, 0] : i32 from vector<1x1x1xi32>
      %gt3A_1948 = arith.cmpf ogt, %reduce_max3A_1937, %reduce_max3A_1915 : f32
      %eq3A_1949 = arith.cmpf oeq, %reduce_max3A_1937, %reduce_max3A_1915 : f32
      %min3A_1950 = arith.minsi %reduce_min3A_1947, %reduce_min3A_1926 : i32
      %select_n3A_1951 = arith.select %eq3A_1949, %min3A_1950, %reduce_min3A_1926 : i32
      %select_n3A_1952 = arith.select %gt3A_1948, %reduce_min3A_1947, %select_n3A_1951 : i32
      %max3A_1953 = arith.maximumf %reduce_max3A_1915, %reduce_max3A_1937 : f32
      %get3A_1954 = arith.index_cast %min3A_1337 : i32 to index
      %get3A_1955 = arith.constant 0 : index
      %get3A_1956 = vector.load %arg5[%get3A_1954, %get3A_1955] : memref<512x128xf32, #tpu.memory_space<vmem>>, vector<1x128xf32>
      %jit3A_1957 = arith.constant -3.40282347E+38 : f32
      %broadcast_in_dim3A_1958 = vector.broadcast %jit3A_1957 : f32 to vector<1x128xf32>
      %select_n3A_1959 = arith.select %and3A_1355, %get3A_1956, %broadcast_in_dim3A_1958 : vector<1x128xi1>, vector<1x128xf32>
      %reduce_max3A_1960 = vector.shape_cast %select_n3A_1959 : vector<1x128xf32> to vector<1x1x128xf32>
      %reduce_max3A_1961 = arith.constant dense<0xFF800000> : vector<1xf32>
      %reduce_max3A_1962 = vector.multi_reduction <maximumf>, %reduce_max3A_1960, %reduce_max3A_1961 [1, 2] : vector<1x1x128xf32> to vector<1xf32>
      %reduce_max3A_1963 = vector.shape_cast %reduce_max3A_1962 : vector<1xf32> to vector<1x1x1xf32>
      %reduce_max3A_1964 = vector.extract %reduce_max3A_1963[0, 0, 0] : f32 from vector<1x1x1xf32>
      %eq3A_1965 = vector.broadcast %reduce_max3A_1964 : f32 to vector<1x128xf32>
      %eq3A_1966 = arith.cmpf oeq, %select_n3A_1959, %eq3A_1965 : vector<1x128xf32>
      %jit3A_1967 = arith.constant 2147483647 : i32
      %broadcast_in_dim3A_1968 = vector.broadcast %jit3A_1967 : i32 to vector<1x128xi32>
      %select_n3A_1969 = arith.select %eq3A_1966, %add3A_1350, %broadcast_in_dim3A_1968 : vector<1x128xi1>, vector<1x128xi32>
      %reduce_min3A_1970 = vector.shape_cast %select_n3A_1969 : vector<1x128xi32> to vector<1x1x128xi32>
      %reduce_min3A_1971 = arith.constant dense<2147483647> : vector<1xi32>
      %reduce_min3A_1972 = vector.multi_reduction <minsi>, %reduce_min3A_1970, %reduce_min3A_1971 [1, 2] : vector<1x1x128xi32> to vector<1xi32>
      %reduce_min3A_1973 = vector.shape_cast %reduce_min3A_1972 : vector<1xi32> to vector<1x1x1xi32>
      %reduce_min3A_1974 = vector.extract %reduce_min3A_1973[0, 0, 0] : i32 from vector<1x1x1xi32>
      %gt3A_1975 = arith.cmpf ogt, %reduce_max3A_1964, %max3A_1953 : f32
      %eq3A_1976 = arith.cmpf oeq, %reduce_max3A_1964, %max3A_1953 : f32
      %min3A_1977 = arith.minsi %reduce_min3A_1974, %select_n3A_1952 : i32
      %select_n3A_1978 = arith.select %eq3A_1976, %min3A_1977, %select_n3A_1952 : i32
      %select_n3A_1979 = arith.select %gt3A_1975, %reduce_min3A_1974, %select_n3A_1978 : i32
      %jit3A_1980 = arith.constant -3.40282347E+38 : f32
      %broadcast_in_dim3A_1981 = vector.broadcast %jit3A_1980 : f32 to vector<512x1xf32>
      %select_n3A_1982 = arith.select %and3A_1370, %broadcast_in_dim3A_1540, %broadcast_in_dim3A_1981 : vector<512x1xi1>, vector<512x1xf32>
      %reduce_max3A_1983 = vector.shape_cast %select_n3A_1982 : vector<512x1xf32> to vector<1x512x1xf32>
      %reduce_max3A_1984 = arith.constant dense<0xFF800000> : vector<1xf32>
      %reduce_max3A_1985 = vector.multi_reduction <maximumf>, %reduce_max3A_1983, %reduce_max3A_1984 [1, 2] : vector<1x512x1xf32> to vector<1xf32>
      %reduce_max3A_1986 = vector.shape_cast %reduce_max3A_1985 : vector<1xf32> to vector<1x1x1xf32>
      %reduce_max3A_1987 = vector.extract %reduce_max3A_1986[0, 0, 0] : f32 from vector<1x1x1xf32>
      %eq3A_1988 = vector.broadcast %reduce_max3A_1987 : f32 to vector<512x1xf32>
      %eq3A_1989 = arith.cmpf oeq, %broadcast_in_dim3A_1540, %eq3A_1988 : vector<512x1xf32>
      %and3A_1990 = arith.andi %and3A_1370, %eq3A_1989 : vector<512x1xi1>
      %jit3A_1991 = arith.constant 2147483647 : i32
      %broadcast_in_dim3A_1992 = vector.broadcast %jit3A_1991 : i32 to vector<512x1xi32>
      %select_n3A_1993 = arith.select %and3A_1990, %broadcast_in_dim3A_1547, %broadcast_in_dim3A_1992 : vector<512x1xi1>, vector<512x1xi32>
      %reduce_min3A_1994 = vector.shape_cast %select_n3A_1993 : vector<512x1xi32> to vector<1x512x1xi32>
      %reduce_min3A_1995 = arith.constant dense<2147483647> : vector<1xi32>
      %reduce_min3A_1996 = vector.multi_reduction <minsi>, %reduce_min3A_1994, %reduce_min3A_1995 [1, 2] : vector<1x512x1xi32> to vector<1xi32>
      %reduce_min3A_1997 = vector.shape_cast %reduce_min3A_1996 : vector<1xi32> to vector<1x1x1xi32>
      %reduce_min3A_1998 = vector.extract %reduce_min3A_1997[0, 0, 0] : i32 from vector<1x1x1xi32>
      %get3A_1999 = arith.index_cast %select_n3A_1394 : i32 to index
      %get3A_2000 = arith.constant 0 : index
      %get3A_2001 = vector.load %arg5[%get3A_1999, %get3A_2000] : memref<512x128xf32, #tpu.memory_space<vmem>>, vector<1x128xf32>
      %jit3A_2002 = arith.constant -3.40282347E+38 : f32
      %broadcast_in_dim3A_2003 = vector.broadcast %jit3A_2002 : f32 to vector<1x128xf32>
      %select_n3A_2004 = arith.select %and3A_1429, %get3A_2001, %broadcast_in_dim3A_2003 : vector<1x128xi1>, vector<1x128xf32>
      %reduce_max3A_2005 = vector.shape_cast %select_n3A_2004 : vector<1x128xf32> to vector<1x1x128xf32>
      %reduce_max3A_2006 = arith.constant dense<0xFF800000> : vector<1xf32>
      %reduce_max3A_2007 = vector.multi_reduction <maximumf>, %reduce_max3A_2005, %reduce_max3A_2006 [1, 2] : vector<1x1x128xf32> to vector<1xf32>
      %reduce_max3A_2008 = vector.shape_cast %reduce_max3A_2007 : vector<1xf32> to vector<1x1x1xf32>
      %reduce_max3A_2009 = vector.extract %reduce_max3A_2008[0, 0, 0] : f32 from vector<1x1x1xf32>
      %eq3A_2010 = vector.broadcast %reduce_max3A_2009 : f32 to vector<1x128xf32>
      %eq3A_2011 = arith.cmpf oeq, %select_n3A_2004, %eq3A_2010 : vector<1x128xf32>
      %jit3A_2012 = arith.constant 2147483647 : i32
      %broadcast_in_dim3A_2013 = vector.broadcast %jit3A_2012 : i32 to vector<1x128xi32>
      %select_n3A_2014 = arith.select %eq3A_2011, %add3A_1424, %broadcast_in_dim3A_2013 : vector<1x128xi1>, vector<1x128xi32>
      %reduce_min3A_2015 = vector.shape_cast %select_n3A_2014 : vector<1x128xi32> to vector<1x1x128xi32>
      %reduce_min3A_2016 = arith.constant dense<2147483647> : vector<1xi32>
      %reduce_min3A_2017 = vector.multi_reduction <minsi>, %reduce_min3A_2015, %reduce_min3A_2016 [1, 2] : vector<1x1x128xi32> to vector<1xi32>
      %reduce_min3A_2018 = vector.shape_cast %reduce_min3A_2017 : vector<1xi32> to vector<1x1x1xi32>
      %reduce_min3A_2019 = vector.extract %reduce_min3A_2018[0, 0, 0] : i32 from vector<1x1x1xi32>
      %gt3A_2020 = arith.cmpf ogt, %reduce_max3A_2009, %reduce_max3A_1987 : f32
      %eq3A_2021 = arith.cmpf oeq, %reduce_max3A_2009, %reduce_max3A_1987 : f32
      %min3A_2022 = arith.minsi %reduce_min3A_2019, %reduce_min3A_1998 : i32
      %select_n3A_2023 = arith.select %eq3A_2021, %min3A_2022, %reduce_min3A_1998 : i32
      %select_n3A_2024 = arith.select %gt3A_2020, %reduce_min3A_2019, %select_n3A_2023 : i32
      %max3A_2025 = arith.maximumf %reduce_max3A_1987, %reduce_max3A_2009 : f32
      %get3A_2026 = arith.index_cast %min3A_1420 : i32 to index
      %get3A_2027 = arith.constant 0 : index
      %get3A_2028 = vector.load %arg5[%get3A_2026, %get3A_2027] : memref<512x128xf32, #tpu.memory_space<vmem>>, vector<1x128xf32>
      %jit3A_2029 = arith.constant -3.40282347E+38 : f32
      %broadcast_in_dim3A_2030 = vector.broadcast %jit3A_2029 : f32 to vector<1x128xf32>
      %select_n3A_2031 = arith.select %and3A_1438, %get3A_2028, %broadcast_in_dim3A_2030 : vector<1x128xi1>, vector<1x128xf32>
      %reduce_max3A_2032 = vector.shape_cast %select_n3A_2031 : vector<1x128xf32> to vector<1x1x128xf32>
      %reduce_max3A_2033 = arith.constant dense<0xFF800000> : vector<1xf32>
      %reduce_max3A_2034 = vector.multi_reduction <maximumf>, %reduce_max3A_2032, %reduce_max3A_2033 [1, 2] : vector<1x1x128xf32> to vector<1xf32>
      %reduce_max3A_2035 = vector.shape_cast %reduce_max3A_2034 : vector<1xf32> to vector<1x1x1xf32>
      %reduce_max3A_2036 = vector.extract %reduce_max3A_2035[0, 0, 0] : f32 from vector<1x1x1xf32>
      %eq3A_2037 = vector.broadcast %reduce_max3A_2036 : f32 to vector<1x128xf32>
      %eq3A_2038 = arith.cmpf oeq, %select_n3A_2031, %eq3A_2037 : vector<1x128xf32>
      %jit3A_2039 = arith.constant 2147483647 : i32
      %broadcast_in_dim3A_2040 = vector.broadcast %jit3A_2039 : i32 to vector<1x128xi32>
      %select_n3A_2041 = arith.select %eq3A_2038, %add3A_1433, %broadcast_in_dim3A_2040 : vector<1x128xi1>, vector<1x128xi32>
      %reduce_min3A_2042 = vector.shape_cast %select_n3A_2041 : vector<1x128xi32> to vector<1x1x128xi32>
      %reduce_min3A_2043 = arith.constant dense<2147483647> : vector<1xi32>
      %reduce_min3A_2044 = vector.multi_reduction <minsi>, %reduce_min3A_2042, %reduce_min3A_2043 [1, 2] : vector<1x1x128xi32> to vector<1xi32>
      %reduce_min3A_2045 = vector.shape_cast %reduce_min3A_2044 : vector<1xi32> to vector<1x1x1xi32>
      %reduce_min3A_2046 = vector.extract %reduce_min3A_2045[0, 0, 0] : i32 from vector<1x1x1xi32>
      %gt3A_2047 = arith.cmpf ogt, %reduce_max3A_2036, %max3A_2025 : f32
      %eq3A_2048 = arith.cmpf oeq, %reduce_max3A_2036, %max3A_2025 : f32
      %min3A_2049 = arith.minsi %reduce_min3A_2046, %select_n3A_2024 : i32
      %select_n3A_2050 = arith.select %eq3A_2048, %min3A_2049, %select_n3A_2024 : i32
      %select_n3A_2051 = arith.select %gt3A_2047, %reduce_min3A_2046, %select_n3A_2050 : i32
      %jit3A_2052 = arith.constant -3.40282347E+38 : f32
      %broadcast_in_dim3A_2053 = vector.broadcast %jit3A_2052 : f32 to vector<512x1xf32>
      %select_n3A_2054 = arith.select %and3A_1453, %broadcast_in_dim3A_1540, %broadcast_in_dim3A_2053 : vector<512x1xi1>, vector<512x1xf32>
      %reduce_max3A_2055 = vector.shape_cast %select_n3A_2054 : vector<512x1xf32> to vector<1x512x1xf32>
      %reduce_max3A_2056 = arith.constant dense<0xFF800000> : vector<1xf32>
      %reduce_max3A_2057 = vector.multi_reduction <maximumf>, %reduce_max3A_2055, %reduce_max3A_2056 [1, 2] : vector<1x512x1xf32> to vector<1xf32>
      %reduce_max3A_2058 = vector.shape_cast %reduce_max3A_2057 : vector<1xf32> to vector<1x1x1xf32>
      %reduce_max3A_2059 = vector.extract %reduce_max3A_2058[0, 0, 0] : f32 from vector<1x1x1xf32>
      %eq3A_2060 = vector.broadcast %reduce_max3A_2059 : f32 to vector<512x1xf32>
      %eq3A_2061 = arith.cmpf oeq, %broadcast_in_dim3A_1540, %eq3A_2060 : vector<512x1xf32>
      %and3A_2062 = arith.andi %and3A_1453, %eq3A_2061 : vector<512x1xi1>
      %jit3A_2063 = arith.constant 2147483647 : i32
      %broadcast_in_dim3A_2064 = vector.broadcast %jit3A_2063 : i32 to vector<512x1xi32>
      %select_n3A_2065 = arith.select %and3A_2062, %broadcast_in_dim3A_1547, %broadcast_in_dim3A_2064 : vector<512x1xi1>, vector<512x1xi32>
      %reduce_min3A_2066 = vector.shape_cast %select_n3A_2065 : vector<512x1xi32> to vector<1x512x1xi32>
      %reduce_min3A_2067 = arith.constant dense<2147483647> : vector<1xi32>
      %reduce_min3A_2068 = vector.multi_reduction <minsi>, %reduce_min3A_2066, %reduce_min3A_2067 [1, 2] : vector<1x512x1xi32> to vector<1xi32>
      %reduce_min3A_2069 = vector.shape_cast %reduce_min3A_2068 : vector<1xi32> to vector<1x1x1xi32>
      %reduce_min3A_2070 = vector.extract %reduce_min3A_2069[0, 0, 0] : i32 from vector<1x1x1xi32>
      %get3A_2071 = arith.index_cast %select_n3A_1477 : i32 to index
      %get3A_2072 = arith.constant 0 : index
      %get3A_2073 = vector.load %arg5[%get3A_2071, %get3A_2072] : memref<512x128xf32, #tpu.memory_space<vmem>>, vector<1x128xf32>
      %jit3A_2074 = arith.constant -3.40282347E+38 : f32
      %broadcast_in_dim3A_2075 = vector.broadcast %jit3A_2074 : f32 to vector<1x128xf32>
      %select_n3A_2076 = arith.select %and3A_1512, %get3A_2073, %broadcast_in_dim3A_2075 : vector<1x128xi1>, vector<1x128xf32>
      %reduce_max3A_2077 = vector.shape_cast %select_n3A_2076 : vector<1x128xf32> to vector<1x1x128xf32>
      %reduce_max3A_2078 = arith.constant dense<0xFF800000> : vector<1xf32>
      %reduce_max3A_2079 = vector.multi_reduction <maximumf>, %reduce_max3A_2077, %reduce_max3A_2078 [1, 2] : vector<1x1x128xf32> to vector<1xf32>
      %reduce_max3A_2080 = vector.shape_cast %reduce_max3A_2079 : vector<1xf32> to vector<1x1x1xf32>
      %reduce_max3A_2081 = vector.extract %reduce_max3A_2080[0, 0, 0] : f32 from vector<1x1x1xf32>
      %eq3A_2082 = vector.broadcast %reduce_max3A_2081 : f32 to vector<1x128xf32>
      %eq3A_2083 = arith.cmpf oeq, %select_n3A_2076, %eq3A_2082 : vector<1x128xf32>
      %jit3A_2084 = arith.constant 2147483647 : i32
      %broadcast_in_dim3A_2085 = vector.broadcast %jit3A_2084 : i32 to vector<1x128xi32>
      %select_n3A_2086 = arith.select %eq3A_2083, %add3A_1507, %broadcast_in_dim3A_2085 : vector<1x128xi1>, vector<1x128xi32>
      %reduce_min3A_2087 = vector.shape_cast %select_n3A_2086 : vector<1x128xi32> to vector<1x1x128xi32>
      %reduce_min3A_2088 = arith.constant dense<2147483647> : vector<1xi32>
      %reduce_min3A_2089 = vector.multi_reduction <minsi>, %reduce_min3A_2087, %reduce_min3A_2088 [1, 2] : vector<1x1x128xi32> to vector<1xi32>
      %reduce_min3A_2090 = vector.shape_cast %reduce_min3A_2089 : vector<1xi32> to vector<1x1x1xi32>
      %reduce_min3A_2091 = vector.extract %reduce_min3A_2090[0, 0, 0] : i32 from vector<1x1x1xi32>
      %gt3A_2092 = arith.cmpf ogt, %reduce_max3A_2081, %reduce_max3A_2059 : f32
      %eq3A_2093 = arith.cmpf oeq, %reduce_max3A_2081, %reduce_max3A_2059 : f32
      %min3A_2094 = arith.minsi %reduce_min3A_2091, %reduce_min3A_2070 : i32
      %select_n3A_2095 = arith.select %eq3A_2093, %min3A_2094, %reduce_min3A_2070 : i32
      %select_n3A_2096 = arith.select %gt3A_2092, %reduce_min3A_2091, %select_n3A_2095 : i32
      %max3A_2097 = arith.maximumf %reduce_max3A_2059, %reduce_max3A_2081 : f32
      %get3A_2098 = arith.index_cast %min3A_1503 : i32 to index
      %get3A_2099 = arith.constant 0 : index
      %get3A_2100 = vector.load %arg5[%get3A_2098, %get3A_2099] : memref<512x128xf32, #tpu.memory_space<vmem>>, vector<1x128xf32>
      %jit3A_2101 = arith.constant -3.40282347E+38 : f32
      %broadcast_in_dim3A_2102 = vector.broadcast %jit3A_2101 : f32 to vector<1x128xf32>
      %select_n3A_2103 = arith.select %and3A_1521, %get3A_2100, %broadcast_in_dim3A_2102 : vector<1x128xi1>, vector<1x128xf32>
      %reduce_max3A_2104 = vector.shape_cast %select_n3A_2103 : vector<1x128xf32> to vector<1x1x128xf32>
      %reduce_max3A_2105 = arith.constant dense<0xFF800000> : vector<1xf32>
      %reduce_max3A_2106 = vector.multi_reduction <maximumf>, %reduce_max3A_2104, %reduce_max3A_2105 [1, 2] : vector<1x1x128xf32> to vector<1xf32>
      %reduce_max3A_2107 = vector.shape_cast %reduce_max3A_2106 : vector<1xf32> to vector<1x1x1xf32>
      %reduce_max3A_2108 = vector.extract %reduce_max3A_2107[0, 0, 0] : f32 from vector<1x1x1xf32>
      %eq3A_2109 = vector.broadcast %reduce_max3A_2108 : f32 to vector<1x128xf32>
      %eq3A_2110 = arith.cmpf oeq, %select_n3A_2103, %eq3A_2109 : vector<1x128xf32>
      %jit3A_2111 = arith.constant 2147483647 : i32
      %broadcast_in_dim3A_2112 = vector.broadcast %jit3A_2111 : i32 to vector<1x128xi32>
      %select_n3A_2113 = arith.select %eq3A_2110, %add3A_1516, %broadcast_in_dim3A_2112 : vector<1x128xi1>, vector<1x128xi32>
      %reduce_min3A_2114 = vector.shape_cast %select_n3A_2113 : vector<1x128xi32> to vector<1x1x128xi32>
      %reduce_min3A_2115 = arith.constant dense<2147483647> : vector<1xi32>
      %reduce_min3A_2116 = vector.multi_reduction <minsi>, %reduce_min3A_2114, %reduce_min3A_2115 [1, 2] : vector<1x1x128xi32> to vector<1xi32>
      %reduce_min3A_2117 = vector.shape_cast %reduce_min3A_2116 : vector<1xi32> to vector<1x1x1xi32>
      %reduce_min3A_2118 = vector.extract %reduce_min3A_2117[0, 0, 0] : i32 from vector<1x1x1xi32>
      %gt3A_2119 = arith.cmpf ogt, %reduce_max3A_2108, %max3A_2097 : f32
      %eq3A_2120 = arith.cmpf oeq, %reduce_max3A_2108, %max3A_2097 : f32
      %min3A_2121 = arith.minsi %reduce_min3A_2118, %select_n3A_2096 : i32
      %select_n3A_2122 = arith.select %eq3A_2120, %min3A_2121, %select_n3A_2096 : i32
      %select_n3A_2123 = arith.select %gt3A_2119, %reduce_min3A_2118, %select_n3A_2122 : i32
      %broadcast_in_dim3A_2124 = arith.constant 0.000000e+00 : f32
      %broadcast_in_dim3A_2125 = vector.broadcast %broadcast_in_dim3A_2124 : f32 to vector<512x1xf32>
      %broadcast_in_dim3A_2126 = arith.constant 0.000000e+00 : f32
      %broadcast_in_dim3A_2127 = vector.broadcast %broadcast_in_dim3A_2126 : f32 to vector<512x1xf32>
      %broadcast_in_dim3A_2128 = arith.constant 0.000000e+00 : f32
      %broadcast_in_dim3A_2129 = vector.broadcast %broadcast_in_dim3A_2128 : f32 to vector<512x1xf32>
      %broadcast_in_dim3A_2130 = arith.constant 0.000000e+00 : f32
      %broadcast_in_dim3A_2131 = vector.broadcast %broadcast_in_dim3A_2130 : f32 to vector<512x1xf32>
      %broadcast_in_dim3A_2132 = arith.constant 0.000000e+00 : f32
      %broadcast_in_dim3A_2133 = vector.broadcast %broadcast_in_dim3A_2132 : f32 to vector<512x1xf32>
      %broadcast_in_dim3A_2134 = arith.constant 1.000000e+00 : f32
      %broadcast_in_dim3A_2135 = vector.broadcast %broadcast_in_dim3A_2134 : f32 to vector<512x1xf32>
      %add3A_2136 = arith.constant 1 : i32
      %add3A_2137 = arith.addi %scan3A_1527, %add3A_2136 : i32
      %lt3A_2138 = arith.cmpi slt, %add3A_2137, %convert_element_type3A_9 : i32
      %and3A_2139 = arith.andi %scan3A_1528, %lt3A_2138 : i1
      %min3A_2140 = arith.constant 65535 : i32
      %min3A_2141 = arith.minsi %select_n3A_1619, %min3A_2140 : i32
      %jit3A_2142 = arith.constant 128 : i32
      %div3A_2143 = arith.divsi %min3A_2141, %jit3A_2142 : i32
      %sign3A_2144 = arith.constant 0 : i32
      %sign3A_2145 = arith.cmpi sgt, %min3A_2141, %sign3A_2144 : i32
      %sign3A_2146 = arith.extui %sign3A_2145 : i1 to i32
      %sign3A_2147 = arith.constant 0 : i32
      %sign3A_2148 = arith.cmpi slt, %min3A_2141, %sign3A_2147 : i32
      %sign3A_2149 = arith.extui %sign3A_2148 : i1 to i32
      %sign3A_2150 = arith.subi %sign3A_2146, %sign3A_2149 : i32
      %sign3A_2151 = arith.constant 0 : i32
      %sign3A_2152 = arith.cmpi sgt, %jit3A_2142, %sign3A_2151 : i32
      %sign3A_2153 = arith.extui %sign3A_2152 : i1 to i32
      %sign3A_2154 = arith.constant 0 : i32
      %sign3A_2155 = arith.cmpi slt, %jit3A_2142, %sign3A_2154 : i32
      %sign3A_2156 = arith.extui %sign3A_2155 : i1 to i32
      %sign3A_2157 = arith.subi %sign3A_2153, %sign3A_2156 : i32
      %ne3A_2158 = arith.cmpi ne, %sign3A_2150, %sign3A_2157 : i32
      %rem3A_2159 = arith.remsi %min3A_2141, %jit3A_2142 : i32
      %ne3A_2160 = arith.constant 0 : i32
      %ne3A_2161 = arith.cmpi ne, %rem3A_2159, %ne3A_2160 : i32
      %and3A_2162 = arith.andi %ne3A_2158, %ne3A_2161 : i1
      %sub3A_2163 = arith.constant 1 : i32
      %sub3A_2164 = arith.subi %div3A_2143, %sub3A_2163 : i32
      %select_n3A_2165 = arith.select %and3A_2162, %sub3A_2164, %div3A_2143 : i32
      %jit3A_2166 = arith.constant 128 : i32
      %eq3A_2167 = arith.constant 0 : i32
      %eq3A_2168 = arith.cmpi eq, %jit3A_2166, %eq3A_2167 : i32
      %jit3A_2169 = arith.constant 1 : i32
      %select_n3A_2170 = arith.select %eq3A_2168, %jit3A_2169, %jit3A_2166 : i32
      %rem3A_2171 = arith.remsi %min3A_2141, %select_n3A_2170 : i32
      %ne3A_2172 = arith.constant 0 : i32
      %ne3A_2173 = arith.cmpi ne, %rem3A_2171, %ne3A_2172 : i32
      %lt3A_2174 = arith.constant 0 : i32
      %lt3A_2175 = arith.cmpi slt, %rem3A_2171, %lt3A_2174 : i32
      %lt3A_2176 = arith.constant 0 : i32
      %lt3A_2177 = arith.cmpi slt, %select_n3A_2170, %lt3A_2176 : i32
      %ne3A_2178 = arith.xori %lt3A_2175, %lt3A_2177 : i1
      %and3A_2179 = arith.andi %ne3A_2178, %ne3A_2173 : i1
      %add3A_2180 = arith.addi %rem3A_2171, %select_n3A_2170 : i32
      %select_n3A_2181 = arith.select %and3A_2179, %add3A_2180, %rem3A_2171 : i32
      %get3A_2182 = arith.constant 0 : index
      %get3A_2183 = arith.index_cast %select_n3A_2165 : i32 to index
      %get3A_2184 = arith.constant 0 : index
      %get3A_2185 = vector.load %arg1[%get3A_2182, %get3A_2183, %get3A_2184] : memref<4x512x128xf32, #tpu.memory_space<vmem>>, vector<1x1x128xf32>
      %get3A_2186 = vector.shape_cast %get3A_2185 : vector<1x1x128xf32> to vector<1x128xf32>
      %eq3A_2187 = vector.broadcast %select_n3A_2181 : i32 to vector<1x128xi32>
      %eq3A_2188 = arith.cmpi eq, %iota3A, %eq3A_2187 : vector<1x128xi32>
      %jit3A_2189 = arith.constant 0.000000e+00 : f32
      %broadcast_in_dim3A_2190 = vector.broadcast %jit3A_2189 : f32 to vector<1x128xf32>
      %select_n3A_2191 = arith.select %eq3A_2188, %get3A_2186, %broadcast_in_dim3A_2190 : vector<1x128xi1>, vector<1x128xf32>
      %reduce_sum3A_2192 = vector.shape_cast %select_n3A_2191 : vector<1x128xf32> to vector<1x1x128xf32>
      %reduce_sum3A_2193 = arith.constant dense<0.000000e+00> : vector<1xf32>
      %reduce_sum3A_2194 = vector.multi_reduction <add>, %reduce_sum3A_2192, %reduce_sum3A_2193 [1, 2] : vector<1x1x128xf32> to vector<1xf32>
      %reduce_sum3A_2195 = vector.shape_cast %reduce_sum3A_2194 : vector<1xf32> to vector<1x1x1xf32>
      %reduce_sum3A_2196 = vector.extract %reduce_sum3A_2195[0, 0, 0] : f32 from vector<1x1x1xf32>
      %get3A_2197 = arith.constant 1 : index
      %get3A_2198 = arith.index_cast %select_n3A_2165 : i32 to index
      %get3A_2199 = arith.constant 0 : index
      %get3A_2200 = vector.load %arg1[%get3A_2197, %get3A_2198, %get3A_2199] : memref<4x512x128xf32, #tpu.memory_space<vmem>>, vector<1x1x128xf32>
      %get3A_2201 = vector.shape_cast %get3A_2200 : vector<1x1x128xf32> to vector<1x128xf32>
      %eq3A_2202 = vector.broadcast %select_n3A_2181 : i32 to vector<1x128xi32>
      %eq3A_2203 = arith.cmpi eq, %iota3A, %eq3A_2202 : vector<1x128xi32>
      %jit3A_2204 = arith.constant 0.000000e+00 : f32
      %broadcast_in_dim3A_2205 = vector.broadcast %jit3A_2204 : f32 to vector<1x128xf32>
      %select_n3A_2206 = arith.select %eq3A_2203, %get3A_2201, %broadcast_in_dim3A_2205 : vector<1x128xi1>, vector<1x128xf32>
      %reduce_sum3A_2207 = vector.shape_cast %select_n3A_2206 : vector<1x128xf32> to vector<1x1x128xf32>
      %reduce_sum3A_2208 = arith.constant dense<0.000000e+00> : vector<1xf32>
      %reduce_sum3A_2209 = vector.multi_reduction <add>, %reduce_sum3A_2207, %reduce_sum3A_2208 [1, 2] : vector<1x1x128xf32> to vector<1xf32>
      %reduce_sum3A_2210 = vector.shape_cast %reduce_sum3A_2209 : vector<1xf32> to vector<1x1x1xf32>
      %reduce_sum3A_2211 = vector.extract %reduce_sum3A_2210[0, 0, 0] : f32 from vector<1x1x1xf32>
      %get3A_2212 = arith.constant 2 : index
      %get3A_2213 = arith.index_cast %select_n3A_2165 : i32 to index
      %get3A_2214 = arith.constant 0 : index
      %get3A_2215 = vector.load %arg1[%get3A_2212, %get3A_2213, %get3A_2214] : memref<4x512x128xf32, #tpu.memory_space<vmem>>, vector<1x1x128xf32>
      %get3A_2216 = vector.shape_cast %get3A_2215 : vector<1x1x128xf32> to vector<1x128xf32>
      %eq3A_2217 = vector.broadcast %select_n3A_2181 : i32 to vector<1x128xi32>
      %eq3A_2218 = arith.cmpi eq, %iota3A, %eq3A_2217 : vector<1x128xi32>
      %jit3A_2219 = arith.constant 0.000000e+00 : f32
      %broadcast_in_dim3A_2220 = vector.broadcast %jit3A_2219 : f32 to vector<1x128xf32>
      %select_n3A_2221 = arith.select %eq3A_2218, %get3A_2216, %broadcast_in_dim3A_2220 : vector<1x128xi1>, vector<1x128xf32>
      %reduce_sum3A_2222 = vector.shape_cast %select_n3A_2221 : vector<1x128xf32> to vector<1x1x128xf32>
      %reduce_sum3A_2223 = arith.constant dense<0.000000e+00> : vector<1xf32>
      %reduce_sum3A_2224 = vector.multi_reduction <add>, %reduce_sum3A_2222, %reduce_sum3A_2223 [1, 2] : vector<1x1x128xf32> to vector<1xf32>
      %reduce_sum3A_2225 = vector.shape_cast %reduce_sum3A_2224 : vector<1xf32> to vector<1x1x1xf32>
      %reduce_sum3A_2226 = vector.extract %reduce_sum3A_2225[0, 0, 0] : f32 from vector<1x1x1xf32>
      %get3A_2227 = arith.constant 3 : index
      %get3A_2228 = arith.index_cast %select_n3A_2165 : i32 to index
      %get3A_2229 = arith.constant 0 : index
      %get3A_2230 = vector.load %arg1[%get3A_2227, %get3A_2228, %get3A_2229] : memref<4x512x128xf32, #tpu.memory_space<vmem>>, vector<1x1x128xf32>
      %get3A_2231 = vector.shape_cast %get3A_2230 : vector<1x1x128xf32> to vector<1x128xf32>
      %eq3A_2232 = vector.broadcast %select_n3A_2181 : i32 to vector<1x128xi32>
      %eq3A_2233 = arith.cmpi eq, %iota3A, %eq3A_2232 : vector<1x128xi32>
      %jit3A_2234 = arith.constant 0.000000e+00 : f32
      %broadcast_in_dim3A_2235 = vector.broadcast %jit3A_2234 : f32 to vector<1x128xf32>
      %select_n3A_2236 = arith.select %eq3A_2233, %get3A_2231, %broadcast_in_dim3A_2235 : vector<1x128xi1>, vector<1x128xf32>
      %reduce_sum3A_2237 = vector.shape_cast %select_n3A_2236 : vector<1x128xf32> to vector<1x1x128xf32>
      %reduce_sum3A_2238 = arith.constant dense<0.000000e+00> : vector<1xf32>
      %reduce_sum3A_2239 = vector.multi_reduction <add>, %reduce_sum3A_2237, %reduce_sum3A_2238 [1, 2] : vector<1x1x128xf32> to vector<1xf32>
      %reduce_sum3A_2240 = vector.shape_cast %reduce_sum3A_2239 : vector<1xf32> to vector<1x1x1xf32>
      %reduce_sum3A_2241 = vector.extract %reduce_sum3A_2240[0, 0, 0] : f32 from vector<1x1x1xf32>
      %broadcast_in_dim3A_2242 = vector.broadcast %reduce_sum3A_2196 : f32 to vector<512x1xf32>
      %select_n3A_2243 = arith.select %and3A_874, %broadcast_in_dim3A_2242, %broadcast_in_dim3A_2125 : vector<512x1xi1>, vector<512x1xf32>
      %broadcast_in_dim3A_2244 = vector.broadcast %reduce_sum3A_2211 : f32 to vector<512x1xf32>
      %select_n3A_2245 = arith.select %and3A_874, %broadcast_in_dim3A_2244, %broadcast_in_dim3A_2127 : vector<512x1xi1>, vector<512x1xf32>
      %broadcast_in_dim3A_2246 = vector.broadcast %reduce_sum3A_2226 : f32 to vector<512x1xf32>
      %select_n3A_2247 = arith.select %and3A_874, %broadcast_in_dim3A_2246, %broadcast_in_dim3A_2129 : vector<512x1xi1>, vector<512x1xf32>
      %broadcast_in_dim3A_2248 = vector.broadcast %reduce_sum3A_2241 : f32 to vector<512x1xf32>
      %select_n3A_2249 = arith.select %and3A_874, %broadcast_in_dim3A_2248, %broadcast_in_dim3A_2131 : vector<512x1xi1>, vector<512x1xf32>
      %and3A_2250 = vector.broadcast %scan3A_1528 : i1 to vector<512x1xi1>
      %and3A_2251 = arith.andi %and3A_874, %and3A_2250 : vector<512x1xi1>
      %jit3A_2252 = arith.constant 1.000000e+00 : f32
      %broadcast_in_dim3A_2253 = vector.broadcast %jit3A_2252 : f32 to vector<512x1xf32>
      %select_n3A_2254 = arith.select %and3A_2251, %broadcast_in_dim3A_2253, %broadcast_in_dim3A_2133 : vector<512x1xi1>, vector<512x1xf32>
      %jit3A_2255 = arith.constant 1.000000e+00 : f32
      %jit3A_2256 = arith.constant 0.000000e+00 : f32
      %select_n3A_2257 = arith.select %and3A_2139, %jit3A_2255, %jit3A_2256 : f32
      %broadcast_in_dim3A_2258 = vector.broadcast %select_n3A_2257 : f32 to vector<512x1xf32>
      %select_n3A_2259 = arith.select %and3A_874, %broadcast_in_dim3A_2258, %broadcast_in_dim3A_2135 : vector<512x1xi1>, vector<512x1xf32>
      %add3A_2260 = arith.constant 1 : i32
      %add3A_2261 = arith.addi %scan3A_1527, %add3A_2260 : i32
      %lt3A_2262 = arith.cmpi slt, %add3A_2261, %convert_element_type3A_74 : i32
      %and3A_2263 = arith.andi %scan3A_1529, %lt3A_2262 : i1
      %min3A_2264 = arith.constant 65535 : i32
      %min3A_2265 = arith.minsi %select_n3A_1691, %min3A_2264 : i32
      %jit3A_2266 = arith.constant 128 : i32
      %div3A_2267 = arith.divsi %min3A_2265, %jit3A_2266 : i32
      %sign3A_2268 = arith.constant 0 : i32
      %sign3A_2269 = arith.cmpi sgt, %min3A_2265, %sign3A_2268 : i32
      %sign3A_2270 = arith.extui %sign3A_2269 : i1 to i32
      %sign3A_2271 = arith.constant 0 : i32
      %sign3A_2272 = arith.cmpi slt, %min3A_2265, %sign3A_2271 : i32
      %sign3A_2273 = arith.extui %sign3A_2272 : i1 to i32
      %sign3A_2274 = arith.subi %sign3A_2270, %sign3A_2273 : i32
      %sign3A_2275 = arith.constant 0 : i32
      %sign3A_2276 = arith.cmpi sgt, %jit3A_2266, %sign3A_2275 : i32
      %sign3A_2277 = arith.extui %sign3A_2276 : i1 to i32
      %sign3A_2278 = arith.constant 0 : i32
      %sign3A_2279 = arith.cmpi slt, %jit3A_2266, %sign3A_2278 : i32
      %sign3A_2280 = arith.extui %sign3A_2279 : i1 to i32
      %sign3A_2281 = arith.subi %sign3A_2277, %sign3A_2280 : i32
      %ne3A_2282 = arith.cmpi ne, %sign3A_2274, %sign3A_2281 : i32
      %rem3A_2283 = arith.remsi %min3A_2265, %jit3A_2266 : i32
      %ne3A_2284 = arith.constant 0 : i32
      %ne3A_2285 = arith.cmpi ne, %rem3A_2283, %ne3A_2284 : i32
      %and3A_2286 = arith.andi %ne3A_2282, %ne3A_2285 : i1
      %sub3A_2287 = arith.constant 1 : i32
      %sub3A_2288 = arith.subi %div3A_2267, %sub3A_2287 : i32
      %select_n3A_2289 = arith.select %and3A_2286, %sub3A_2288, %div3A_2267 : i32
      %jit3A_2290 = arith.constant 128 : i32
      %eq3A_2291 = arith.constant 0 : i32
      %eq3A_2292 = arith.cmpi eq, %jit3A_2290, %eq3A_2291 : i32
      %jit3A_2293 = arith.constant 1 : i32
      %select_n3A_2294 = arith.select %eq3A_2292, %jit3A_2293, %jit3A_2290 : i32
      %rem3A_2295 = arith.remsi %min3A_2265, %select_n3A_2294 : i32
      %ne3A_2296 = arith.constant 0 : i32
      %ne3A_2297 = arith.cmpi ne, %rem3A_2295, %ne3A_2296 : i32
      %lt3A_2298 = arith.constant 0 : i32
      %lt3A_2299 = arith.cmpi slt, %rem3A_2295, %lt3A_2298 : i32
      %lt3A_2300 = arith.constant 0 : i32
      %lt3A_2301 = arith.cmpi slt, %select_n3A_2294, %lt3A_2300 : i32
      %ne3A_2302 = arith.xori %lt3A_2299, %lt3A_2301 : i1
      %and3A_2303 = arith.andi %ne3A_2302, %ne3A_2297 : i1
      %add3A_2304 = arith.addi %rem3A_2295, %select_n3A_2294 : i32
      %select_n3A_2305 = arith.select %and3A_2303, %add3A_2304, %rem3A_2295 : i32
      %get3A_2306 = arith.constant 0 : index
      %get3A_2307 = arith.index_cast %select_n3A_2289 : i32 to index
      %get3A_2308 = arith.constant 0 : index
      %get3A_2309 = vector.load %arg1[%get3A_2306, %get3A_2307, %get3A_2308] : memref<4x512x128xf32, #tpu.memory_space<vmem>>, vector<1x1x128xf32>
      %get3A_2310 = vector.shape_cast %get3A_2309 : vector<1x1x128xf32> to vector<1x128xf32>
      %eq3A_2311 = vector.broadcast %select_n3A_2305 : i32 to vector<1x128xi32>
      %eq3A_2312 = arith.cmpi eq, %iota3A, %eq3A_2311 : vector<1x128xi32>
      %jit3A_2313 = arith.constant 0.000000e+00 : f32
      %broadcast_in_dim3A_2314 = vector.broadcast %jit3A_2313 : f32 to vector<1x128xf32>
      %select_n3A_2315 = arith.select %eq3A_2312, %get3A_2310, %broadcast_in_dim3A_2314 : vector<1x128xi1>, vector<1x128xf32>
      %reduce_sum3A_2316 = vector.shape_cast %select_n3A_2315 : vector<1x128xf32> to vector<1x1x128xf32>
      %reduce_sum3A_2317 = arith.constant dense<0.000000e+00> : vector<1xf32>
      %reduce_sum3A_2318 = vector.multi_reduction <add>, %reduce_sum3A_2316, %reduce_sum3A_2317 [1, 2] : vector<1x1x128xf32> to vector<1xf32>
      %reduce_sum3A_2319 = vector.shape_cast %reduce_sum3A_2318 : vector<1xf32> to vector<1x1x1xf32>
      %reduce_sum3A_2320 = vector.extract %reduce_sum3A_2319[0, 0, 0] : f32 from vector<1x1x1xf32>
      %get3A_2321 = arith.constant 1 : index
      %get3A_2322 = arith.index_cast %select_n3A_2289 : i32 to index
      %get3A_2323 = arith.constant 0 : index
      %get3A_2324 = vector.load %arg1[%get3A_2321, %get3A_2322, %get3A_2323] : memref<4x512x128xf32, #tpu.memory_space<vmem>>, vector<1x1x128xf32>
      %get3A_2325 = vector.shape_cast %get3A_2324 : vector<1x1x128xf32> to vector<1x128xf32>
      %eq3A_2326 = vector.broadcast %select_n3A_2305 : i32 to vector<1x128xi32>
      %eq3A_2327 = arith.cmpi eq, %iota3A, %eq3A_2326 : vector<1x128xi32>
      %jit3A_2328 = arith.constant 0.000000e+00 : f32
      %broadcast_in_dim3A_2329 = vector.broadcast %jit3A_2328 : f32 to vector<1x128xf32>
      %select_n3A_2330 = arith.select %eq3A_2327, %get3A_2325, %broadcast_in_dim3A_2329 : vector<1x128xi1>, vector<1x128xf32>
      %reduce_sum3A_2331 = vector.shape_cast %select_n3A_2330 : vector<1x128xf32> to vector<1x1x128xf32>
      %reduce_sum3A_2332 = arith.constant dense<0.000000e+00> : vector<1xf32>
      %reduce_sum3A_2333 = vector.multi_reduction <add>, %reduce_sum3A_2331, %reduce_sum3A_2332 [1, 2] : vector<1x1x128xf32> to vector<1xf32>
      %reduce_sum3A_2334 = vector.shape_cast %reduce_sum3A_2333 : vector<1xf32> to vector<1x1x1xf32>
      %reduce_sum3A_2335 = vector.extract %reduce_sum3A_2334[0, 0, 0] : f32 from vector<1x1x1xf32>
      %get3A_2336 = arith.constant 2 : index
      %get3A_2337 = arith.index_cast %select_n3A_2289 : i32 to index
      %get3A_2338 = arith.constant 0 : index
      %get3A_2339 = vector.load %arg1[%get3A_2336, %get3A_2337, %get3A_2338] : memref<4x512x128xf32, #tpu.memory_space<vmem>>, vector<1x1x128xf32>
      %get3A_2340 = vector.shape_cast %get3A_2339 : vector<1x1x128xf32> to vector<1x128xf32>
      %eq3A_2341 = vector.broadcast %select_n3A_2305 : i32 to vector<1x128xi32>
      %eq3A_2342 = arith.cmpi eq, %iota3A, %eq3A_2341 : vector<1x128xi32>
      %jit3A_2343 = arith.constant 0.000000e+00 : f32
      %broadcast_in_dim3A_2344 = vector.broadcast %jit3A_2343 : f32 to vector<1x128xf32>
      %select_n3A_2345 = arith.select %eq3A_2342, %get3A_2340, %broadcast_in_dim3A_2344 : vector<1x128xi1>, vector<1x128xf32>
      %reduce_sum3A_2346 = vector.shape_cast %select_n3A_2345 : vector<1x128xf32> to vector<1x1x128xf32>
      %reduce_sum3A_2347 = arith.constant dense<0.000000e+00> : vector<1xf32>
      %reduce_sum3A_2348 = vector.multi_reduction <add>, %reduce_sum3A_2346, %reduce_sum3A_2347 [1, 2] : vector<1x1x128xf32> to vector<1xf32>
      %reduce_sum3A_2349 = vector.shape_cast %reduce_sum3A_2348 : vector<1xf32> to vector<1x1x1xf32>
      %reduce_sum3A_2350 = vector.extract %reduce_sum3A_2349[0, 0, 0] : f32 from vector<1x1x1xf32>
      %get3A_2351 = arith.constant 3 : index
      %get3A_2352 = arith.index_cast %select_n3A_2289 : i32 to index
      %get3A_2353 = arith.constant 0 : index
      %get3A_2354 = vector.load %arg1[%get3A_2351, %get3A_2352, %get3A_2353] : memref<4x512x128xf32, #tpu.memory_space<vmem>>, vector<1x1x128xf32>
      %get3A_2355 = vector.shape_cast %get3A_2354 : vector<1x1x128xf32> to vector<1x128xf32>
      %eq3A_2356 = vector.broadcast %select_n3A_2305 : i32 to vector<1x128xi32>
      %eq3A_2357 = arith.cmpi eq, %iota3A, %eq3A_2356 : vector<1x128xi32>
      %jit3A_2358 = arith.constant 0.000000e+00 : f32
      %broadcast_in_dim3A_2359 = vector.broadcast %jit3A_2358 : f32 to vector<1x128xf32>
      %select_n3A_2360 = arith.select %eq3A_2357, %get3A_2355, %broadcast_in_dim3A_2359 : vector<1x128xi1>, vector<1x128xf32>
      %reduce_sum3A_2361 = vector.shape_cast %select_n3A_2360 : vector<1x128xf32> to vector<1x1x128xf32>
      %reduce_sum3A_2362 = arith.constant dense<0.000000e+00> : vector<1xf32>
      %reduce_sum3A_2363 = vector.multi_reduction <add>, %reduce_sum3A_2361, %reduce_sum3A_2362 [1, 2] : vector<1x1x128xf32> to vector<1xf32>
      %reduce_sum3A_2364 = vector.shape_cast %reduce_sum3A_2363 : vector<1xf32> to vector<1x1x1xf32>
      %reduce_sum3A_2365 = vector.extract %reduce_sum3A_2364[0, 0, 0] : f32 from vector<1x1x1xf32>
      %broadcast_in_dim3A_2366 = vector.broadcast %reduce_sum3A_2320 : f32 to vector<512x1xf32>
      %select_n3A_2367 = arith.select %and3A_955, %broadcast_in_dim3A_2366, %select_n3A_2243 : vector<512x1xi1>, vector<512x1xf32>
      %broadcast_in_dim3A_2368 = vector.broadcast %reduce_sum3A_2335 : f32 to vector<512x1xf32>
      %select_n3A_2369 = arith.select %and3A_955, %broadcast_in_dim3A_2368, %select_n3A_2245 : vector<512x1xi1>, vector<512x1xf32>
      %broadcast_in_dim3A_2370 = vector.broadcast %reduce_sum3A_2350 : f32 to vector<512x1xf32>
      %select_n3A_2371 = arith.select %and3A_955, %broadcast_in_dim3A_2370, %select_n3A_2247 : vector<512x1xi1>, vector<512x1xf32>
      %broadcast_in_dim3A_2372 = vector.broadcast %reduce_sum3A_2365 : f32 to vector<512x1xf32>
      %select_n3A_2373 = arith.select %and3A_955, %broadcast_in_dim3A_2372, %select_n3A_2249 : vector<512x1xi1>, vector<512x1xf32>
      %and3A_2374 = vector.broadcast %scan3A_1529 : i1 to vector<512x1xi1>
      %and3A_2375 = arith.andi %and3A_955, %and3A_2374 : vector<512x1xi1>
      %jit3A_2376 = arith.constant 1.000000e+00 : f32
      %broadcast_in_dim3A_2377 = vector.broadcast %jit3A_2376 : f32 to vector<512x1xf32>
      %select_n3A_2378 = arith.select %and3A_2375, %broadcast_in_dim3A_2377, %select_n3A_2254 : vector<512x1xi1>, vector<512x1xf32>
      %jit3A_2379 = arith.constant 1.000000e+00 : f32
      %jit3A_2380 = arith.constant 0.000000e+00 : f32
      %select_n3A_2381 = arith.select %and3A_2263, %jit3A_2379, %jit3A_2380 : f32
      %broadcast_in_dim3A_2382 = vector.broadcast %select_n3A_2381 : f32 to vector<512x1xf32>
      %select_n3A_2383 = arith.select %and3A_955, %broadcast_in_dim3A_2382, %select_n3A_2259 : vector<512x1xi1>, vector<512x1xf32>
      %add3A_2384 = arith.constant 1 : i32
      %add3A_2385 = arith.addi %scan3A_1527, %add3A_2384 : i32
      %lt3A_2386 = arith.cmpi slt, %add3A_2385, %convert_element_type3A_145 : i32
      %and3A_2387 = arith.andi %scan3A_1530, %lt3A_2386 : i1
      %min3A_2388 = arith.constant 65535 : i32
      %min3A_2389 = arith.minsi %select_n3A_1763, %min3A_2388 : i32
      %jit3A_2390 = arith.constant 128 : i32
      %div3A_2391 = arith.divsi %min3A_2389, %jit3A_2390 : i32
      %sign3A_2392 = arith.constant 0 : i32
      %sign3A_2393 = arith.cmpi sgt, %min3A_2389, %sign3A_2392 : i32
      %sign3A_2394 = arith.extui %sign3A_2393 : i1 to i32
      %sign3A_2395 = arith.constant 0 : i32
      %sign3A_2396 = arith.cmpi slt, %min3A_2389, %sign3A_2395 : i32
      %sign3A_2397 = arith.extui %sign3A_2396 : i1 to i32
      %sign3A_2398 = arith.subi %sign3A_2394, %sign3A_2397 : i32
      %sign3A_2399 = arith.constant 0 : i32
      %sign3A_2400 = arith.cmpi sgt, %jit3A_2390, %sign3A_2399 : i32
      %sign3A_2401 = arith.extui %sign3A_2400 : i1 to i32
      %sign3A_2402 = arith.constant 0 : i32
      %sign3A_2403 = arith.cmpi slt, %jit3A_2390, %sign3A_2402 : i32
      %sign3A_2404 = arith.extui %sign3A_2403 : i1 to i32
      %sign3A_2405 = arith.subi %sign3A_2401, %sign3A_2404 : i32
      %ne3A_2406 = arith.cmpi ne, %sign3A_2398, %sign3A_2405 : i32
      %rem3A_2407 = arith.remsi %min3A_2389, %jit3A_2390 : i32
      %ne3A_2408 = arith.constant 0 : i32
      %ne3A_2409 = arith.cmpi ne, %rem3A_2407, %ne3A_2408 : i32
      %and3A_2410 = arith.andi %ne3A_2406, %ne3A_2409 : i1
      %sub3A_2411 = arith.constant 1 : i32
      %sub3A_2412 = arith.subi %div3A_2391, %sub3A_2411 : i32
      %select_n3A_2413 = arith.select %and3A_2410, %sub3A_2412, %div3A_2391 : i32
      %jit3A_2414 = arith.constant 128 : i32
      %eq3A_2415 = arith.constant 0 : i32
      %eq3A_2416 = arith.cmpi eq, %jit3A_2414, %eq3A_2415 : i32
      %jit3A_2417 = arith.constant 1 : i32
      %select_n3A_2418 = arith.select %eq3A_2416, %jit3A_2417, %jit3A_2414 : i32
      %rem3A_2419 = arith.remsi %min3A_2389, %select_n3A_2418 : i32
      %ne3A_2420 = arith.constant 0 : i32
      %ne3A_2421 = arith.cmpi ne, %rem3A_2419, %ne3A_2420 : i32
      %lt3A_2422 = arith.constant 0 : i32
      %lt3A_2423 = arith.cmpi slt, %rem3A_2419, %lt3A_2422 : i32
      %lt3A_2424 = arith.constant 0 : i32
      %lt3A_2425 = arith.cmpi slt, %select_n3A_2418, %lt3A_2424 : i32
      %ne3A_2426 = arith.xori %lt3A_2423, %lt3A_2425 : i1
      %and3A_2427 = arith.andi %ne3A_2426, %ne3A_2421 : i1
      %add3A_2428 = arith.addi %rem3A_2419, %select_n3A_2418 : i32
      %select_n3A_2429 = arith.select %and3A_2427, %add3A_2428, %rem3A_2419 : i32
      %get3A_2430 = arith.constant 0 : index
      %get3A_2431 = arith.index_cast %select_n3A_2413 : i32 to index
      %get3A_2432 = arith.constant 0 : index
      %get3A_2433 = vector.load %arg1[%get3A_2430, %get3A_2431, %get3A_2432] : memref<4x512x128xf32, #tpu.memory_space<vmem>>, vector<1x1x128xf32>
      %get3A_2434 = vector.shape_cast %get3A_2433 : vector<1x1x128xf32> to vector<1x128xf32>
      %eq3A_2435 = vector.broadcast %select_n3A_2429 : i32 to vector<1x128xi32>
      %eq3A_2436 = arith.cmpi eq, %iota3A, %eq3A_2435 : vector<1x128xi32>
      %jit3A_2437 = arith.constant 0.000000e+00 : f32
      %broadcast_in_dim3A_2438 = vector.broadcast %jit3A_2437 : f32 to vector<1x128xf32>
      %select_n3A_2439 = arith.select %eq3A_2436, %get3A_2434, %broadcast_in_dim3A_2438 : vector<1x128xi1>, vector<1x128xf32>
      %reduce_sum3A_2440 = vector.shape_cast %select_n3A_2439 : vector<1x128xf32> to vector<1x1x128xf32>
      %reduce_sum3A_2441 = arith.constant dense<0.000000e+00> : vector<1xf32>
      %reduce_sum3A_2442 = vector.multi_reduction <add>, %reduce_sum3A_2440, %reduce_sum3A_2441 [1, 2] : vector<1x1x128xf32> to vector<1xf32>
      %reduce_sum3A_2443 = vector.shape_cast %reduce_sum3A_2442 : vector<1xf32> to vector<1x1x1xf32>
      %reduce_sum3A_2444 = vector.extract %reduce_sum3A_2443[0, 0, 0] : f32 from vector<1x1x1xf32>
      %get3A_2445 = arith.constant 1 : index
      %get3A_2446 = arith.index_cast %select_n3A_2413 : i32 to index
      %get3A_2447 = arith.constant 0 : index
      %get3A_2448 = vector.load %arg1[%get3A_2445, %get3A_2446, %get3A_2447] : memref<4x512x128xf32, #tpu.memory_space<vmem>>, vector<1x1x128xf32>
      %get3A_2449 = vector.shape_cast %get3A_2448 : vector<1x1x128xf32> to vector<1x128xf32>
      %eq3A_2450 = vector.broadcast %select_n3A_2429 : i32 to vector<1x128xi32>
      %eq3A_2451 = arith.cmpi eq, %iota3A, %eq3A_2450 : vector<1x128xi32>
      %jit3A_2452 = arith.constant 0.000000e+00 : f32
      %broadcast_in_dim3A_2453 = vector.broadcast %jit3A_2452 : f32 to vector<1x128xf32>
      %select_n3A_2454 = arith.select %eq3A_2451, %get3A_2449, %broadcast_in_dim3A_2453 : vector<1x128xi1>, vector<1x128xf32>
      %reduce_sum3A_2455 = vector.shape_cast %select_n3A_2454 : vector<1x128xf32> to vector<1x1x128xf32>
      %reduce_sum3A_2456 = arith.constant dense<0.000000e+00> : vector<1xf32>
      %reduce_sum3A_2457 = vector.multi_reduction <add>, %reduce_sum3A_2455, %reduce_sum3A_2456 [1, 2] : vector<1x1x128xf32> to vector<1xf32>
      %reduce_sum3A_2458 = vector.shape_cast %reduce_sum3A_2457 : vector<1xf32> to vector<1x1x1xf32>
      %reduce_sum3A_2459 = vector.extract %reduce_sum3A_2458[0, 0, 0] : f32 from vector<1x1x1xf32>
      %get3A_2460 = arith.constant 2 : index
      %get3A_2461 = arith.index_cast %select_n3A_2413 : i32 to index
      %get3A_2462 = arith.constant 0 : index
      %get3A_2463 = vector.load %arg1[%get3A_2460, %get3A_2461, %get3A_2462] : memref<4x512x128xf32, #tpu.memory_space<vmem>>, vector<1x1x128xf32>
      %get3A_2464 = vector.shape_cast %get3A_2463 : vector<1x1x128xf32> to vector<1x128xf32>
      %eq3A_2465 = vector.broadcast %select_n3A_2429 : i32 to vector<1x128xi32>
      %eq3A_2466 = arith.cmpi eq, %iota3A, %eq3A_2465 : vector<1x128xi32>
      %jit3A_2467 = arith.constant 0.000000e+00 : f32
      %broadcast_in_dim3A_2468 = vector.broadcast %jit3A_2467 : f32 to vector<1x128xf32>
      %select_n3A_2469 = arith.select %eq3A_2466, %get3A_2464, %broadcast_in_dim3A_2468 : vector<1x128xi1>, vector<1x128xf32>
      %reduce_sum3A_2470 = vector.shape_cast %select_n3A_2469 : vector<1x128xf32> to vector<1x1x128xf32>
      %reduce_sum3A_2471 = arith.constant dense<0.000000e+00> : vector<1xf32>
      %reduce_sum3A_2472 = vector.multi_reduction <add>, %reduce_sum3A_2470, %reduce_sum3A_2471 [1, 2] : vector<1x1x128xf32> to vector<1xf32>
      %reduce_sum3A_2473 = vector.shape_cast %reduce_sum3A_2472 : vector<1xf32> to vector<1x1x1xf32>
      %reduce_sum3A_2474 = vector.extract %reduce_sum3A_2473[0, 0, 0] : f32 from vector<1x1x1xf32>
      %get3A_2475 = arith.constant 3 : index
      %get3A_2476 = arith.index_cast %select_n3A_2413 : i32 to index
      %get3A_2477 = arith.constant 0 : index
      %get3A_2478 = vector.load %arg1[%get3A_2475, %get3A_2476, %get3A_2477] : memref<4x512x128xf32, #tpu.memory_space<vmem>>, vector<1x1x128xf32>
      %get3A_2479 = vector.shape_cast %get3A_2478 : vector<1x1x128xf32> to vector<1x128xf32>
      %eq3A_2480 = vector.broadcast %select_n3A_2429 : i32 to vector<1x128xi32>
      %eq3A_2481 = arith.cmpi eq, %iota3A, %eq3A_2480 : vector<1x128xi32>
      %jit3A_2482 = arith.constant 0.000000e+00 : f32
      %broadcast_in_dim3A_2483 = vector.broadcast %jit3A_2482 : f32 to vector<1x128xf32>
      %select_n3A_2484 = arith.select %eq3A_2481, %get3A_2479, %broadcast_in_dim3A_2483 : vector<1x128xi1>, vector<1x128xf32>
      %reduce_sum3A_2485 = vector.shape_cast %select_n3A_2484 : vector<1x128xf32> to vector<1x1x128xf32>
      %reduce_sum3A_2486 = arith.constant dense<0.000000e+00> : vector<1xf32>
      %reduce_sum3A_2487 = vector.multi_reduction <add>, %reduce_sum3A_2485, %reduce_sum3A_2486 [1, 2] : vector<1x1x128xf32> to vector<1xf32>
      %reduce_sum3A_2488 = vector.shape_cast %reduce_sum3A_2487 : vector<1xf32> to vector<1x1x1xf32>
      %reduce_sum3A_2489 = vector.extract %reduce_sum3A_2488[0, 0, 0] : f32 from vector<1x1x1xf32>
      %broadcast_in_dim3A_2490 = vector.broadcast %reduce_sum3A_2444 : f32 to vector<512x1xf32>
      %select_n3A_2491 = arith.select %and3A_1038, %broadcast_in_dim3A_2490, %select_n3A_2367 : vector<512x1xi1>, vector<512x1xf32>
      %broadcast_in_dim3A_2492 = vector.broadcast %reduce_sum3A_2459 : f32 to vector<512x1xf32>
      %select_n3A_2493 = arith.select %and3A_1038, %broadcast_in_dim3A_2492, %select_n3A_2369 : vector<512x1xi1>, vector<512x1xf32>
      %broadcast_in_dim3A_2494 = vector.broadcast %reduce_sum3A_2474 : f32 to vector<512x1xf32>
      %select_n3A_2495 = arith.select %and3A_1038, %broadcast_in_dim3A_2494, %select_n3A_2371 : vector<512x1xi1>, vector<512x1xf32>
      %broadcast_in_dim3A_2496 = vector.broadcast %reduce_sum3A_2489 : f32 to vector<512x1xf32>
      %select_n3A_2497 = arith.select %and3A_1038, %broadcast_in_dim3A_2496, %select_n3A_2373 : vector<512x1xi1>, vector<512x1xf32>
      %and3A_2498 = vector.broadcast %scan3A_1530 : i1 to vector<512x1xi1>
      %and3A_2499 = arith.andi %and3A_1038, %and3A_2498 : vector<512x1xi1>
      %jit3A_2500 = arith.constant 1.000000e+00 : f32
      %broadcast_in_dim3A_2501 = vector.broadcast %jit3A_2500 : f32 to vector<512x1xf32>
      %select_n3A_2502 = arith.select %and3A_2499, %broadcast_in_dim3A_2501, %select_n3A_2378 : vector<512x1xi1>, vector<512x1xf32>
      %jit3A_2503 = arith.constant 1.000000e+00 : f32
      %jit3A_2504 = arith.constant 0.000000e+00 : f32
      %select_n3A_2505 = arith.select %and3A_2387, %jit3A_2503, %jit3A_2504 : f32
      %broadcast_in_dim3A_2506 = vector.broadcast %select_n3A_2505 : f32 to vector<512x1xf32>
      %select_n3A_2507 = arith.select %and3A_1038, %broadcast_in_dim3A_2506, %select_n3A_2383 : vector<512x1xi1>, vector<512x1xf32>
      %add3A_2508 = arith.constant 1 : i32
      %add3A_2509 = arith.addi %scan3A_1527, %add3A_2508 : i32
      %lt3A_2510 = arith.cmpi slt, %add3A_2509, %convert_element_type3A_216 : i32
      %and3A_2511 = arith.andi %scan3A_1531, %lt3A_2510 : i1
      %min3A_2512 = arith.constant 65535 : i32
      %min3A_2513 = arith.minsi %select_n3A_1835, %min3A_2512 : i32
      %jit3A_2514 = arith.constant 128 : i32
      %div3A_2515 = arith.divsi %min3A_2513, %jit3A_2514 : i32
      %sign3A_2516 = arith.constant 0 : i32
      %sign3A_2517 = arith.cmpi sgt, %min3A_2513, %sign3A_2516 : i32
      %sign3A_2518 = arith.extui %sign3A_2517 : i1 to i32
      %sign3A_2519 = arith.constant 0 : i32
      %sign3A_2520 = arith.cmpi slt, %min3A_2513, %sign3A_2519 : i32
      %sign3A_2521 = arith.extui %sign3A_2520 : i1 to i32
      %sign3A_2522 = arith.subi %sign3A_2518, %sign3A_2521 : i32
      %sign3A_2523 = arith.constant 0 : i32
      %sign3A_2524 = arith.cmpi sgt, %jit3A_2514, %sign3A_2523 : i32
      %sign3A_2525 = arith.extui %sign3A_2524 : i1 to i32
      %sign3A_2526 = arith.constant 0 : i32
      %sign3A_2527 = arith.cmpi slt, %jit3A_2514, %sign3A_2526 : i32
      %sign3A_2528 = arith.extui %sign3A_2527 : i1 to i32
      %sign3A_2529 = arith.subi %sign3A_2525, %sign3A_2528 : i32
      %ne3A_2530 = arith.cmpi ne, %sign3A_2522, %sign3A_2529 : i32
      %rem3A_2531 = arith.remsi %min3A_2513, %jit3A_2514 : i32
      %ne3A_2532 = arith.constant 0 : i32
      %ne3A_2533 = arith.cmpi ne, %rem3A_2531, %ne3A_2532 : i32
      %and3A_2534 = arith.andi %ne3A_2530, %ne3A_2533 : i1
      %sub3A_2535 = arith.constant 1 : i32
      %sub3A_2536 = arith.subi %div3A_2515, %sub3A_2535 : i32
      %select_n3A_2537 = arith.select %and3A_2534, %sub3A_2536, %div3A_2515 : i32
      %jit3A_2538 = arith.constant 128 : i32
      %eq3A_2539 = arith.constant 0 : i32
      %eq3A_2540 = arith.cmpi eq, %jit3A_2538, %eq3A_2539 : i32
      %jit3A_2541 = arith.constant 1 : i32
      %select_n3A_2542 = arith.select %eq3A_2540, %jit3A_2541, %jit3A_2538 : i32
      %rem3A_2543 = arith.remsi %min3A_2513, %select_n3A_2542 : i32
      %ne3A_2544 = arith.constant 0 : i32
      %ne3A_2545 = arith.cmpi ne, %rem3A_2543, %ne3A_2544 : i32
      %lt3A_2546 = arith.constant 0 : i32
      %lt3A_2547 = arith.cmpi slt, %rem3A_2543, %lt3A_2546 : i32
      %lt3A_2548 = arith.constant 0 : i32
      %lt3A_2549 = arith.cmpi slt, %select_n3A_2542, %lt3A_2548 : i32
      %ne3A_2550 = arith.xori %lt3A_2547, %lt3A_2549 : i1
      %and3A_2551 = arith.andi %ne3A_2550, %ne3A_2545 : i1
      %add3A_2552 = arith.addi %rem3A_2543, %select_n3A_2542 : i32
      %select_n3A_2553 = arith.select %and3A_2551, %add3A_2552, %rem3A_2543 : i32
      %get3A_2554 = arith.constant 0 : index
      %get3A_2555 = arith.index_cast %select_n3A_2537 : i32 to index
      %get3A_2556 = arith.constant 0 : index
      %get3A_2557 = vector.load %arg1[%get3A_2554, %get3A_2555, %get3A_2556] : memref<4x512x128xf32, #tpu.memory_space<vmem>>, vector<1x1x128xf32>
      %get3A_2558 = vector.shape_cast %get3A_2557 : vector<1x1x128xf32> to vector<1x128xf32>
      %eq3A_2559 = vector.broadcast %select_n3A_2553 : i32 to vector<1x128xi32>
      %eq3A_2560 = arith.cmpi eq, %iota3A, %eq3A_2559 : vector<1x128xi32>
      %jit3A_2561 = arith.constant 0.000000e+00 : f32
      %broadcast_in_dim3A_2562 = vector.broadcast %jit3A_2561 : f32 to vector<1x128xf32>
      %select_n3A_2563 = arith.select %eq3A_2560, %get3A_2558, %broadcast_in_dim3A_2562 : vector<1x128xi1>, vector<1x128xf32>
      %reduce_sum3A_2564 = vector.shape_cast %select_n3A_2563 : vector<1x128xf32> to vector<1x1x128xf32>
      %reduce_sum3A_2565 = arith.constant dense<0.000000e+00> : vector<1xf32>
      %reduce_sum3A_2566 = vector.multi_reduction <add>, %reduce_sum3A_2564, %reduce_sum3A_2565 [1, 2] : vector<1x1x128xf32> to vector<1xf32>
      %reduce_sum3A_2567 = vector.shape_cast %reduce_sum3A_2566 : vector<1xf32> to vector<1x1x1xf32>
      %reduce_sum3A_2568 = vector.extract %reduce_sum3A_2567[0, 0, 0] : f32 from vector<1x1x1xf32>
      %get3A_2569 = arith.constant 1 : index
      %get3A_2570 = arith.index_cast %select_n3A_2537 : i32 to index
      %get3A_2571 = arith.constant 0 : index
      %get3A_2572 = vector.load %arg1[%get3A_2569, %get3A_2570, %get3A_2571] : memref<4x512x128xf32, #tpu.memory_space<vmem>>, vector<1x1x128xf32>
      %get3A_2573 = vector.shape_cast %get3A_2572 : vector<1x1x128xf32> to vector<1x128xf32>
      %eq3A_2574 = vector.broadcast %select_n3A_2553 : i32 to vector<1x128xi32>
      %eq3A_2575 = arith.cmpi eq, %iota3A, %eq3A_2574 : vector<1x128xi32>
      %jit3A_2576 = arith.constant 0.000000e+00 : f32
      %broadcast_in_dim3A_2577 = vector.broadcast %jit3A_2576 : f32 to vector<1x128xf32>
      %select_n3A_2578 = arith.select %eq3A_2575, %get3A_2573, %broadcast_in_dim3A_2577 : vector<1x128xi1>, vector<1x128xf32>
      %reduce_sum3A_2579 = vector.shape_cast %select_n3A_2578 : vector<1x128xf32> to vector<1x1x128xf32>
      %reduce_sum3A_2580 = arith.constant dense<0.000000e+00> : vector<1xf32>
      %reduce_sum3A_2581 = vector.multi_reduction <add>, %reduce_sum3A_2579, %reduce_sum3A_2580 [1, 2] : vector<1x1x128xf32> to vector<1xf32>
      %reduce_sum3A_2582 = vector.shape_cast %reduce_sum3A_2581 : vector<1xf32> to vector<1x1x1xf32>
      %reduce_sum3A_2583 = vector.extract %reduce_sum3A_2582[0, 0, 0] : f32 from vector<1x1x1xf32>
      %get3A_2584 = arith.constant 2 : index
      %get3A_2585 = arith.index_cast %select_n3A_2537 : i32 to index
      %get3A_2586 = arith.constant 0 : index
      %get3A_2587 = vector.load %arg1[%get3A_2584, %get3A_2585, %get3A_2586] : memref<4x512x128xf32, #tpu.memory_space<vmem>>, vector<1x1x128xf32>
      %get3A_2588 = vector.shape_cast %get3A_2587 : vector<1x1x128xf32> to vector<1x128xf32>
      %eq3A_2589 = vector.broadcast %select_n3A_2553 : i32 to vector<1x128xi32>
      %eq3A_2590 = arith.cmpi eq, %iota3A, %eq3A_2589 : vector<1x128xi32>
      %jit3A_2591 = arith.constant 0.000000e+00 : f32
      %broadcast_in_dim3A_2592 = vector.broadcast %jit3A_2591 : f32 to vector<1x128xf32>
      %select_n3A_2593 = arith.select %eq3A_2590, %get3A_2588, %broadcast_in_dim3A_2592 : vector<1x128xi1>, vector<1x128xf32>
      %reduce_sum3A_2594 = vector.shape_cast %select_n3A_2593 : vector<1x128xf32> to vector<1x1x128xf32>
      %reduce_sum3A_2595 = arith.constant dense<0.000000e+00> : vector<1xf32>
      %reduce_sum3A_2596 = vector.multi_reduction <add>, %reduce_sum3A_2594, %reduce_sum3A_2595 [1, 2] : vector<1x1x128xf32> to vector<1xf32>
      %reduce_sum3A_2597 = vector.shape_cast %reduce_sum3A_2596 : vector<1xf32> to vector<1x1x1xf32>
      %reduce_sum3A_2598 = vector.extract %reduce_sum3A_2597[0, 0, 0] : f32 from vector<1x1x1xf32>
      %get3A_2599 = arith.constant 3 : index
      %get3A_2600 = arith.index_cast %select_n3A_2537 : i32 to index
      %get3A_2601 = arith.constant 0 : index
      %get3A_2602 = vector.load %arg1[%get3A_2599, %get3A_2600, %get3A_2601] : memref<4x512x128xf32, #tpu.memory_space<vmem>>, vector<1x1x128xf32>
      %get3A_2603 = vector.shape_cast %get3A_2602 : vector<1x1x128xf32> to vector<1x128xf32>
      %eq3A_2604 = vector.broadcast %select_n3A_2553 : i32 to vector<1x128xi32>
      %eq3A_2605 = arith.cmpi eq, %iota3A, %eq3A_2604 : vector<1x128xi32>
      %jit3A_2606 = arith.constant 0.000000e+00 : f32
      %broadcast_in_dim3A_2607 = vector.broadcast %jit3A_2606 : f32 to vector<1x128xf32>
      %select_n3A_2608 = arith.select %eq3A_2605, %get3A_2603, %broadcast_in_dim3A_2607 : vector<1x128xi1>, vector<1x128xf32>
      %reduce_sum3A_2609 = vector.shape_cast %select_n3A_2608 : vector<1x128xf32> to vector<1x1x128xf32>
      %reduce_sum3A_2610 = arith.constant dense<0.000000e+00> : vector<1xf32>
      %reduce_sum3A_2611 = vector.multi_reduction <add>, %reduce_sum3A_2609, %reduce_sum3A_2610 [1, 2] : vector<1x1x128xf32> to vector<1xf32>
      %reduce_sum3A_2612 = vector.shape_cast %reduce_sum3A_2611 : vector<1xf32> to vector<1x1x1xf32>
      %reduce_sum3A_2613 = vector.extract %reduce_sum3A_2612[0, 0, 0] : f32 from vector<1x1x1xf32>
      %broadcast_in_dim3A_2614 = vector.broadcast %reduce_sum3A_2568 : f32 to vector<512x1xf32>
      %select_n3A_2615 = arith.select %and3A_1121, %broadcast_in_dim3A_2614, %select_n3A_2491 : vector<512x1xi1>, vector<512x1xf32>
      %broadcast_in_dim3A_2616 = vector.broadcast %reduce_sum3A_2583 : f32 to vector<512x1xf32>
      %select_n3A_2617 = arith.select %and3A_1121, %broadcast_in_dim3A_2616, %select_n3A_2493 : vector<512x1xi1>, vector<512x1xf32>
      %broadcast_in_dim3A_2618 = vector.broadcast %reduce_sum3A_2598 : f32 to vector<512x1xf32>
      %select_n3A_2619 = arith.select %and3A_1121, %broadcast_in_dim3A_2618, %select_n3A_2495 : vector<512x1xi1>, vector<512x1xf32>
      %broadcast_in_dim3A_2620 = vector.broadcast %reduce_sum3A_2613 : f32 to vector<512x1xf32>
      %select_n3A_2621 = arith.select %and3A_1121, %broadcast_in_dim3A_2620, %select_n3A_2497 : vector<512x1xi1>, vector<512x1xf32>
      %and3A_2622 = vector.broadcast %scan3A_1531 : i1 to vector<512x1xi1>
      %and3A_2623 = arith.andi %and3A_1121, %and3A_2622 : vector<512x1xi1>
      %jit3A_2624 = arith.constant 1.000000e+00 : f32
      %broadcast_in_dim3A_2625 = vector.broadcast %jit3A_2624 : f32 to vector<512x1xf32>
      %select_n3A_2626 = arith.select %and3A_2623, %broadcast_in_dim3A_2625, %select_n3A_2502 : vector<512x1xi1>, vector<512x1xf32>
      %jit3A_2627 = arith.constant 1.000000e+00 : f32
      %jit3A_2628 = arith.constant 0.000000e+00 : f32
      %select_n3A_2629 = arith.select %and3A_2511, %jit3A_2627, %jit3A_2628 : f32
      %broadcast_in_dim3A_2630 = vector.broadcast %select_n3A_2629 : f32 to vector<512x1xf32>
      %select_n3A_2631 = arith.select %and3A_1121, %broadcast_in_dim3A_2630, %select_n3A_2507 : vector<512x1xi1>, vector<512x1xf32>
      %add3A_2632 = arith.constant 1 : i32
      %add3A_2633 = arith.addi %scan3A_1527, %add3A_2632 : i32
      %lt3A_2634 = arith.cmpi slt, %add3A_2633, %convert_element_type3A_287 : i32
      %and3A_2635 = arith.andi %scan3A_1532, %lt3A_2634 : i1
      %min3A_2636 = arith.constant 65535 : i32
      %min3A_2637 = arith.minsi %select_n3A_1907, %min3A_2636 : i32
      %jit3A_2638 = arith.constant 128 : i32
      %div3A_2639 = arith.divsi %min3A_2637, %jit3A_2638 : i32
      %sign3A_2640 = arith.constant 0 : i32
      %sign3A_2641 = arith.cmpi sgt, %min3A_2637, %sign3A_2640 : i32
      %sign3A_2642 = arith.extui %sign3A_2641 : i1 to i32
      %sign3A_2643 = arith.constant 0 : i32
      %sign3A_2644 = arith.cmpi slt, %min3A_2637, %sign3A_2643 : i32
      %sign3A_2645 = arith.extui %sign3A_2644 : i1 to i32
      %sign3A_2646 = arith.subi %sign3A_2642, %sign3A_2645 : i32
      %sign3A_2647 = arith.constant 0 : i32
      %sign3A_2648 = arith.cmpi sgt, %jit3A_2638, %sign3A_2647 : i32
      %sign3A_2649 = arith.extui %sign3A_2648 : i1 to i32
      %sign3A_2650 = arith.constant 0 : i32
      %sign3A_2651 = arith.cmpi slt, %jit3A_2638, %sign3A_2650 : i32
      %sign3A_2652 = arith.extui %sign3A_2651 : i1 to i32
      %sign3A_2653 = arith.subi %sign3A_2649, %sign3A_2652 : i32
      %ne3A_2654 = arith.cmpi ne, %sign3A_2646, %sign3A_2653 : i32
      %rem3A_2655 = arith.remsi %min3A_2637, %jit3A_2638 : i32
      %ne3A_2656 = arith.constant 0 : i32
      %ne3A_2657 = arith.cmpi ne, %rem3A_2655, %ne3A_2656 : i32
      %and3A_2658 = arith.andi %ne3A_2654, %ne3A_2657 : i1
      %sub3A_2659 = arith.constant 1 : i32
      %sub3A_2660 = arith.subi %div3A_2639, %sub3A_2659 : i32
      %select_n3A_2661 = arith.select %and3A_2658, %sub3A_2660, %div3A_2639 : i32
      %jit3A_2662 = arith.constant 128 : i32
      %eq3A_2663 = arith.constant 0 : i32
      %eq3A_2664 = arith.cmpi eq, %jit3A_2662, %eq3A_2663 : i32
      %jit3A_2665 = arith.constant 1 : i32
      %select_n3A_2666 = arith.select %eq3A_2664, %jit3A_2665, %jit3A_2662 : i32
      %rem3A_2667 = arith.remsi %min3A_2637, %select_n3A_2666 : i32
      %ne3A_2668 = arith.constant 0 : i32
      %ne3A_2669 = arith.cmpi ne, %rem3A_2667, %ne3A_2668 : i32
      %lt3A_2670 = arith.constant 0 : i32
      %lt3A_2671 = arith.cmpi slt, %rem3A_2667, %lt3A_2670 : i32
      %lt3A_2672 = arith.constant 0 : i32
      %lt3A_2673 = arith.cmpi slt, %select_n3A_2666, %lt3A_2672 : i32
      %ne3A_2674 = arith.xori %lt3A_2671, %lt3A_2673 : i1
      %and3A_2675 = arith.andi %ne3A_2674, %ne3A_2669 : i1
      %add3A_2676 = arith.addi %rem3A_2667, %select_n3A_2666 : i32
      %select_n3A_2677 = arith.select %and3A_2675, %add3A_2676, %rem3A_2667 : i32
      %get3A_2678 = arith.constant 0 : index
      %get3A_2679 = arith.index_cast %select_n3A_2661 : i32 to index
      %get3A_2680 = arith.constant 0 : index
      %get3A_2681 = vector.load %arg1[%get3A_2678, %get3A_2679, %get3A_2680] : memref<4x512x128xf32, #tpu.memory_space<vmem>>, vector<1x1x128xf32>
      %get3A_2682 = vector.shape_cast %get3A_2681 : vector<1x1x128xf32> to vector<1x128xf32>
      %eq3A_2683 = vector.broadcast %select_n3A_2677 : i32 to vector<1x128xi32>
      %eq3A_2684 = arith.cmpi eq, %iota3A, %eq3A_2683 : vector<1x128xi32>
      %jit3A_2685 = arith.constant 0.000000e+00 : f32
      %broadcast_in_dim3A_2686 = vector.broadcast %jit3A_2685 : f32 to vector<1x128xf32>
      %select_n3A_2687 = arith.select %eq3A_2684, %get3A_2682, %broadcast_in_dim3A_2686 : vector<1x128xi1>, vector<1x128xf32>
      %reduce_sum3A_2688 = vector.shape_cast %select_n3A_2687 : vector<1x128xf32> to vector<1x1x128xf32>
      %reduce_sum3A_2689 = arith.constant dense<0.000000e+00> : vector<1xf32>
      %reduce_sum3A_2690 = vector.multi_reduction <add>, %reduce_sum3A_2688, %reduce_sum3A_2689 [1, 2] : vector<1x1x128xf32> to vector<1xf32>
      %reduce_sum3A_2691 = vector.shape_cast %reduce_sum3A_2690 : vector<1xf32> to vector<1x1x1xf32>
      %reduce_sum3A_2692 = vector.extract %reduce_sum3A_2691[0, 0, 0] : f32 from vector<1x1x1xf32>
      %get3A_2693 = arith.constant 1 : index
      %get3A_2694 = arith.index_cast %select_n3A_2661 : i32 to index
      %get3A_2695 = arith.constant 0 : index
      %get3A_2696 = vector.load %arg1[%get3A_2693, %get3A_2694, %get3A_2695] : memref<4x512x128xf32, #tpu.memory_space<vmem>>, vector<1x1x128xf32>
      %get3A_2697 = vector.shape_cast %get3A_2696 : vector<1x1x128xf32> to vector<1x128xf32>
      %eq3A_2698 = vector.broadcast %select_n3A_2677 : i32 to vector<1x128xi32>
      %eq3A_2699 = arith.cmpi eq, %iota3A, %eq3A_2698 : vector<1x128xi32>
      %jit3A_2700 = arith.constant 0.000000e+00 : f32
      %broadcast_in_dim3A_2701 = vector.broadcast %jit3A_2700 : f32 to vector<1x128xf32>
      %select_n3A_2702 = arith.select %eq3A_2699, %get3A_2697, %broadcast_in_dim3A_2701 : vector<1x128xi1>, vector<1x128xf32>
      %reduce_sum3A_2703 = vector.shape_cast %select_n3A_2702 : vector<1x128xf32> to vector<1x1x128xf32>
      %reduce_sum3A_2704 = arith.constant dense<0.000000e+00> : vector<1xf32>
      %reduce_sum3A_2705 = vector.multi_reduction <add>, %reduce_sum3A_2703, %reduce_sum3A_2704 [1, 2] : vector<1x1x128xf32> to vector<1xf32>
      %reduce_sum3A_2706 = vector.shape_cast %reduce_sum3A_2705 : vector<1xf32> to vector<1x1x1xf32>
      %reduce_sum3A_2707 = vector.extract %reduce_sum3A_2706[0, 0, 0] : f32 from vector<1x1x1xf32>
      %get3A_2708 = arith.constant 2 : index
      %get3A_2709 = arith.index_cast %select_n3A_2661 : i32 to index
      %get3A_2710 = arith.constant 0 : index
      %get3A_2711 = vector.load %arg1[%get3A_2708, %get3A_2709, %get3A_2710] : memref<4x512x128xf32, #tpu.memory_space<vmem>>, vector<1x1x128xf32>
      %get3A_2712 = vector.shape_cast %get3A_2711 : vector<1x1x128xf32> to vector<1x128xf32>
      %eq3A_2713 = vector.broadcast %select_n3A_2677 : i32 to vector<1x128xi32>
      %eq3A_2714 = arith.cmpi eq, %iota3A, %eq3A_2713 : vector<1x128xi32>
      %jit3A_2715 = arith.constant 0.000000e+00 : f32
      %broadcast_in_dim3A_2716 = vector.broadcast %jit3A_2715 : f32 to vector<1x128xf32>
      %select_n3A_2717 = arith.select %eq3A_2714, %get3A_2712, %broadcast_in_dim3A_2716 : vector<1x128xi1>, vector<1x128xf32>
      %reduce_sum3A_2718 = vector.shape_cast %select_n3A_2717 : vector<1x128xf32> to vector<1x1x128xf32>
      %reduce_sum3A_2719 = arith.constant dense<0.000000e+00> : vector<1xf32>
      %reduce_sum3A_2720 = vector.multi_reduction <add>, %reduce_sum3A_2718, %reduce_sum3A_2719 [1, 2] : vector<1x1x128xf32> to vector<1xf32>
      %reduce_sum3A_2721 = vector.shape_cast %reduce_sum3A_2720 : vector<1xf32> to vector<1x1x1xf32>
      %reduce_sum3A_2722 = vector.extract %reduce_sum3A_2721[0, 0, 0] : f32 from vector<1x1x1xf32>
      %get3A_2723 = arith.constant 3 : index
      %get3A_2724 = arith.index_cast %select_n3A_2661 : i32 to index
      %get3A_2725 = arith.constant 0 : index
      %get3A_2726 = vector.load %arg1[%get3A_2723, %get3A_2724, %get3A_2725] : memref<4x512x128xf32, #tpu.memory_space<vmem>>, vector<1x1x128xf32>
      %get3A_2727 = vector.shape_cast %get3A_2726 : vector<1x1x128xf32> to vector<1x128xf32>
      %eq3A_2728 = vector.broadcast %select_n3A_2677 : i32 to vector<1x128xi32>
      %eq3A_2729 = arith.cmpi eq, %iota3A, %eq3A_2728 : vector<1x128xi32>
      %jit3A_2730 = arith.constant 0.000000e+00 : f32
      %broadcast_in_dim3A_2731 = vector.broadcast %jit3A_2730 : f32 to vector<1x128xf32>
      %select_n3A_2732 = arith.select %eq3A_2729, %get3A_2727, %broadcast_in_dim3A_2731 : vector<1x128xi1>, vector<1x128xf32>
      %reduce_sum3A_2733 = vector.shape_cast %select_n3A_2732 : vector<1x128xf32> to vector<1x1x128xf32>
      %reduce_sum3A_2734 = arith.constant dense<0.000000e+00> : vector<1xf32>
      %reduce_sum3A_2735 = vector.multi_reduction <add>, %reduce_sum3A_2733, %reduce_sum3A_2734 [1, 2] : vector<1x1x128xf32> to vector<1xf32>
      %reduce_sum3A_2736 = vector.shape_cast %reduce_sum3A_2735 : vector<1xf32> to vector<1x1x1xf32>
      %reduce_sum3A_2737 = vector.extract %reduce_sum3A_2736[0, 0, 0] : f32 from vector<1x1x1xf32>
      %broadcast_in_dim3A_2738 = vector.broadcast %reduce_sum3A_2692 : f32 to vector<512x1xf32>
      %select_n3A_2739 = arith.select %and3A_1204, %broadcast_in_dim3A_2738, %select_n3A_2615 : vector<512x1xi1>, vector<512x1xf32>
      %broadcast_in_dim3A_2740 = vector.broadcast %reduce_sum3A_2707 : f32 to vector<512x1xf32>
      %select_n3A_2741 = arith.select %and3A_1204, %broadcast_in_dim3A_2740, %select_n3A_2617 : vector<512x1xi1>, vector<512x1xf32>
      %broadcast_in_dim3A_2742 = vector.broadcast %reduce_sum3A_2722 : f32 to vector<512x1xf32>
      %select_n3A_2743 = arith.select %and3A_1204, %broadcast_in_dim3A_2742, %select_n3A_2619 : vector<512x1xi1>, vector<512x1xf32>
      %broadcast_in_dim3A_2744 = vector.broadcast %reduce_sum3A_2737 : f32 to vector<512x1xf32>
      %select_n3A_2745 = arith.select %and3A_1204, %broadcast_in_dim3A_2744, %select_n3A_2621 : vector<512x1xi1>, vector<512x1xf32>
      %and3A_2746 = vector.broadcast %scan3A_1532 : i1 to vector<512x1xi1>
      %and3A_2747 = arith.andi %and3A_1204, %and3A_2746 : vector<512x1xi1>
      %jit3A_2748 = arith.constant 1.000000e+00 : f32
      %broadcast_in_dim3A_2749 = vector.broadcast %jit3A_2748 : f32 to vector<512x1xf32>
      %select_n3A_2750 = arith.select %and3A_2747, %broadcast_in_dim3A_2749, %select_n3A_2626 : vector<512x1xi1>, vector<512x1xf32>
      %jit3A_2751 = arith.constant 1.000000e+00 : f32
      %jit3A_2752 = arith.constant 0.000000e+00 : f32
      %select_n3A_2753 = arith.select %and3A_2635, %jit3A_2751, %jit3A_2752 : f32
      %broadcast_in_dim3A_2754 = vector.broadcast %select_n3A_2753 : f32 to vector<512x1xf32>
      %select_n3A_2755 = arith.select %and3A_1204, %broadcast_in_dim3A_2754, %select_n3A_2631 : vector<512x1xi1>, vector<512x1xf32>
      %add3A_2756 = arith.constant 1 : i32
      %add3A_2757 = arith.addi %scan3A_1527, %add3A_2756 : i32
      %lt3A_2758 = arith.cmpi slt, %add3A_2757, %convert_element_type3A_358 : i32
      %and3A_2759 = arith.andi %scan3A_1533, %lt3A_2758 : i1
      %min3A_2760 = arith.constant 65535 : i32
      %min3A_2761 = arith.minsi %select_n3A_1979, %min3A_2760 : i32
      %jit3A_2762 = arith.constant 128 : i32
      %div3A_2763 = arith.divsi %min3A_2761, %jit3A_2762 : i32
      %sign3A_2764 = arith.constant 0 : i32
      %sign3A_2765 = arith.cmpi sgt, %min3A_2761, %sign3A_2764 : i32
      %sign3A_2766 = arith.extui %sign3A_2765 : i1 to i32
      %sign3A_2767 = arith.constant 0 : i32
      %sign3A_2768 = arith.cmpi slt, %min3A_2761, %sign3A_2767 : i32
      %sign3A_2769 = arith.extui %sign3A_2768 : i1 to i32
      %sign3A_2770 = arith.subi %sign3A_2766, %sign3A_2769 : i32
      %sign3A_2771 = arith.constant 0 : i32
      %sign3A_2772 = arith.cmpi sgt, %jit3A_2762, %sign3A_2771 : i32
      %sign3A_2773 = arith.extui %sign3A_2772 : i1 to i32
      %sign3A_2774 = arith.constant 0 : i32
      %sign3A_2775 = arith.cmpi slt, %jit3A_2762, %sign3A_2774 : i32
      %sign3A_2776 = arith.extui %sign3A_2775 : i1 to i32
      %sign3A_2777 = arith.subi %sign3A_2773, %sign3A_2776 : i32
      %ne3A_2778 = arith.cmpi ne, %sign3A_2770, %sign3A_2777 : i32
      %rem3A_2779 = arith.remsi %min3A_2761, %jit3A_2762 : i32
      %ne3A_2780 = arith.constant 0 : i32
      %ne3A_2781 = arith.cmpi ne, %rem3A_2779, %ne3A_2780 : i32
      %and3A_2782 = arith.andi %ne3A_2778, %ne3A_2781 : i1
      %sub3A_2783 = arith.constant 1 : i32
      %sub3A_2784 = arith.subi %div3A_2763, %sub3A_2783 : i32
      %select_n3A_2785 = arith.select %and3A_2782, %sub3A_2784, %div3A_2763 : i32
      %jit3A_2786 = arith.constant 128 : i32
      %eq3A_2787 = arith.constant 0 : i32
      %eq3A_2788 = arith.cmpi eq, %jit3A_2786, %eq3A_2787 : i32
      %jit3A_2789 = arith.constant 1 : i32
      %select_n3A_2790 = arith.select %eq3A_2788, %jit3A_2789, %jit3A_2786 : i32
      %rem3A_2791 = arith.remsi %min3A_2761, %select_n3A_2790 : i32
      %ne3A_2792 = arith.constant 0 : i32
      %ne3A_2793 = arith.cmpi ne, %rem3A_2791, %ne3A_2792 : i32
      %lt3A_2794 = arith.constant 0 : i32
      %lt3A_2795 = arith.cmpi slt, %rem3A_2791, %lt3A_2794 : i32
      %lt3A_2796 = arith.constant 0 : i32
      %lt3A_2797 = arith.cmpi slt, %select_n3A_2790, %lt3A_2796 : i32
      %ne3A_2798 = arith.xori %lt3A_2795, %lt3A_2797 : i1
      %and3A_2799 = arith.andi %ne3A_2798, %ne3A_2793 : i1
      %add3A_2800 = arith.addi %rem3A_2791, %select_n3A_2790 : i32
      %select_n3A_2801 = arith.select %and3A_2799, %add3A_2800, %rem3A_2791 : i32
      %get3A_2802 = arith.constant 0 : index
      %get3A_2803 = arith.index_cast %select_n3A_2785 : i32 to index
      %get3A_2804 = arith.constant 0 : index
      %get3A_2805 = vector.load %arg1[%get3A_2802, %get3A_2803, %get3A_2804] : memref<4x512x128xf32, #tpu.memory_space<vmem>>, vector<1x1x128xf32>
      %get3A_2806 = vector.shape_cast %get3A_2805 : vector<1x1x128xf32> to vector<1x128xf32>
      %eq3A_2807 = vector.broadcast %select_n3A_2801 : i32 to vector<1x128xi32>
      %eq3A_2808 = arith.cmpi eq, %iota3A, %eq3A_2807 : vector<1x128xi32>
      %jit3A_2809 = arith.constant 0.000000e+00 : f32
      %broadcast_in_dim3A_2810 = vector.broadcast %jit3A_2809 : f32 to vector<1x128xf32>
      %select_n3A_2811 = arith.select %eq3A_2808, %get3A_2806, %broadcast_in_dim3A_2810 : vector<1x128xi1>, vector<1x128xf32>
      %reduce_sum3A_2812 = vector.shape_cast %select_n3A_2811 : vector<1x128xf32> to vector<1x1x128xf32>
      %reduce_sum3A_2813 = arith.constant dense<0.000000e+00> : vector<1xf32>
      %reduce_sum3A_2814 = vector.multi_reduction <add>, %reduce_sum3A_2812, %reduce_sum3A_2813 [1, 2] : vector<1x1x128xf32> to vector<1xf32>
      %reduce_sum3A_2815 = vector.shape_cast %reduce_sum3A_2814 : vector<1xf32> to vector<1x1x1xf32>
      %reduce_sum3A_2816 = vector.extract %reduce_sum3A_2815[0, 0, 0] : f32 from vector<1x1x1xf32>
      %get3A_2817 = arith.constant 1 : index
      %get3A_2818 = arith.index_cast %select_n3A_2785 : i32 to index
      %get3A_2819 = arith.constant 0 : index
      %get3A_2820 = vector.load %arg1[%get3A_2817, %get3A_2818, %get3A_2819] : memref<4x512x128xf32, #tpu.memory_space<vmem>>, vector<1x1x128xf32>
      %get3A_2821 = vector.shape_cast %get3A_2820 : vector<1x1x128xf32> to vector<1x128xf32>
      %eq3A_2822 = vector.broadcast %select_n3A_2801 : i32 to vector<1x128xi32>
      %eq3A_2823 = arith.cmpi eq, %iota3A, %eq3A_2822 : vector<1x128xi32>
      %jit3A_2824 = arith.constant 0.000000e+00 : f32
      %broadcast_in_dim3A_2825 = vector.broadcast %jit3A_2824 : f32 to vector<1x128xf32>
      %select_n3A_2826 = arith.select %eq3A_2823, %get3A_2821, %broadcast_in_dim3A_2825 : vector<1x128xi1>, vector<1x128xf32>
      %reduce_sum3A_2827 = vector.shape_cast %select_n3A_2826 : vector<1x128xf32> to vector<1x1x128xf32>
      %reduce_sum3A_2828 = arith.constant dense<0.000000e+00> : vector<1xf32>
      %reduce_sum3A_2829 = vector.multi_reduction <add>, %reduce_sum3A_2827, %reduce_sum3A_2828 [1, 2] : vector<1x1x128xf32> to vector<1xf32>
      %reduce_sum3A_2830 = vector.shape_cast %reduce_sum3A_2829 : vector<1xf32> to vector<1x1x1xf32>
      %reduce_sum3A_2831 = vector.extract %reduce_sum3A_2830[0, 0, 0] : f32 from vector<1x1x1xf32>
      %get3A_2832 = arith.constant 2 : index
      %get3A_2833 = arith.index_cast %select_n3A_2785 : i32 to index
      %get3A_2834 = arith.constant 0 : index
      %get3A_2835 = vector.load %arg1[%get3A_2832, %get3A_2833, %get3A_2834] : memref<4x512x128xf32, #tpu.memory_space<vmem>>, vector<1x1x128xf32>
      %get3A_2836 = vector.shape_cast %get3A_2835 : vector<1x1x128xf32> to vector<1x128xf32>
      %eq3A_2837 = vector.broadcast %select_n3A_2801 : i32 to vector<1x128xi32>
      %eq3A_2838 = arith.cmpi eq, %iota3A, %eq3A_2837 : vector<1x128xi32>
      %jit3A_2839 = arith.constant 0.000000e+00 : f32
      %broadcast_in_dim3A_2840 = vector.broadcast %jit3A_2839 : f32 to vector<1x128xf32>
      %select_n3A_2841 = arith.select %eq3A_2838, %get3A_2836, %broadcast_in_dim3A_2840 : vector<1x128xi1>, vector<1x128xf32>
      %reduce_sum3A_2842 = vector.shape_cast %select_n3A_2841 : vector<1x128xf32> to vector<1x1x128xf32>
      %reduce_sum3A_2843 = arith.constant dense<0.000000e+00> : vector<1xf32>
      %reduce_sum3A_2844 = vector.multi_reduction <add>, %reduce_sum3A_2842, %reduce_sum3A_2843 [1, 2] : vector<1x1x128xf32> to vector<1xf32>
      %reduce_sum3A_2845 = vector.shape_cast %reduce_sum3A_2844 : vector<1xf32> to vector<1x1x1xf32>
      %reduce_sum3A_2846 = vector.extract %reduce_sum3A_2845[0, 0, 0] : f32 from vector<1x1x1xf32>
      %get3A_2847 = arith.constant 3 : index
      %get3A_2848 = arith.index_cast %select_n3A_2785 : i32 to index
      %get3A_2849 = arith.constant 0 : index
      %get3A_2850 = vector.load %arg1[%get3A_2847, %get3A_2848, %get3A_2849] : memref<4x512x128xf32, #tpu.memory_space<vmem>>, vector<1x1x128xf32>
      %get3A_2851 = vector.shape_cast %get3A_2850 : vector<1x1x128xf32> to vector<1x128xf32>
      %eq3A_2852 = vector.broadcast %select_n3A_2801 : i32 to vector<1x128xi32>
      %eq3A_2853 = arith.cmpi eq, %iota3A, %eq3A_2852 : vector<1x128xi32>
      %jit3A_2854 = arith.constant 0.000000e+00 : f32
      %broadcast_in_dim3A_2855 = vector.broadcast %jit3A_2854 : f32 to vector<1x128xf32>
      %select_n3A_2856 = arith.select %eq3A_2853, %get3A_2851, %broadcast_in_dim3A_2855 : vector<1x128xi1>, vector<1x128xf32>
      %reduce_sum3A_2857 = vector.shape_cast %select_n3A_2856 : vector<1x128xf32> to vector<1x1x128xf32>
      %reduce_sum3A_2858 = arith.constant dense<0.000000e+00> : vector<1xf32>
      %reduce_sum3A_2859 = vector.multi_reduction <add>, %reduce_sum3A_2857, %reduce_sum3A_2858 [1, 2] : vector<1x1x128xf32> to vector<1xf32>
      %reduce_sum3A_2860 = vector.shape_cast %reduce_sum3A_2859 : vector<1xf32> to vector<1x1x1xf32>
      %reduce_sum3A_2861 = vector.extract %reduce_sum3A_2860[0, 0, 0] : f32 from vector<1x1x1xf32>
      %broadcast_in_dim3A_2862 = vector.broadcast %reduce_sum3A_2816 : f32 to vector<512x1xf32>
      %select_n3A_2863 = arith.select %and3A_1287, %broadcast_in_dim3A_2862, %select_n3A_2739 : vector<512x1xi1>, vector<512x1xf32>
      %broadcast_in_dim3A_2864 = vector.broadcast %reduce_sum3A_2831 : f32 to vector<512x1xf32>
      %select_n3A_2865 = arith.select %and3A_1287, %broadcast_in_dim3A_2864, %select_n3A_2741 : vector<512x1xi1>, vector<512x1xf32>
      %broadcast_in_dim3A_2866 = vector.broadcast %reduce_sum3A_2846 : f32 to vector<512x1xf32>
      %select_n3A_2867 = arith.select %and3A_1287, %broadcast_in_dim3A_2866, %select_n3A_2743 : vector<512x1xi1>, vector<512x1xf32>
      %broadcast_in_dim3A_2868 = vector.broadcast %reduce_sum3A_2861 : f32 to vector<512x1xf32>
      %select_n3A_2869 = arith.select %and3A_1287, %broadcast_in_dim3A_2868, %select_n3A_2745 : vector<512x1xi1>, vector<512x1xf32>
      %and3A_2870 = vector.broadcast %scan3A_1533 : i1 to vector<512x1xi1>
      %and3A_2871 = arith.andi %and3A_1287, %and3A_2870 : vector<512x1xi1>
      %jit3A_2872 = arith.constant 1.000000e+00 : f32
      %broadcast_in_dim3A_2873 = vector.broadcast %jit3A_2872 : f32 to vector<512x1xf32>
      %select_n3A_2874 = arith.select %and3A_2871, %broadcast_in_dim3A_2873, %select_n3A_2750 : vector<512x1xi1>, vector<512x1xf32>
      %jit3A_2875 = arith.constant 1.000000e+00 : f32
      %jit3A_2876 = arith.constant 0.000000e+00 : f32
      %select_n3A_2877 = arith.select %and3A_2759, %jit3A_2875, %jit3A_2876 : f32
      %broadcast_in_dim3A_2878 = vector.broadcast %select_n3A_2877 : f32 to vector<512x1xf32>
      %select_n3A_2879 = arith.select %and3A_1287, %broadcast_in_dim3A_2878, %select_n3A_2755 : vector<512x1xi1>, vector<512x1xf32>
      %add3A_2880 = arith.constant 1 : i32
      %add3A_2881 = arith.addi %scan3A_1527, %add3A_2880 : i32
      %lt3A_2882 = arith.cmpi slt, %add3A_2881, %convert_element_type3A_429 : i32
      %and3A_2883 = arith.andi %scan3A_1534, %lt3A_2882 : i1
      %min3A_2884 = arith.constant 65535 : i32
      %min3A_2885 = arith.minsi %select_n3A_2051, %min3A_2884 : i32
      %jit3A_2886 = arith.constant 128 : i32
      %div3A_2887 = arith.divsi %min3A_2885, %jit3A_2886 : i32
      %sign3A_2888 = arith.constant 0 : i32
      %sign3A_2889 = arith.cmpi sgt, %min3A_2885, %sign3A_2888 : i32
      %sign3A_2890 = arith.extui %sign3A_2889 : i1 to i32
      %sign3A_2891 = arith.constant 0 : i32
      %sign3A_2892 = arith.cmpi slt, %min3A_2885, %sign3A_2891 : i32
      %sign3A_2893 = arith.extui %sign3A_2892 : i1 to i32
      %sign3A_2894 = arith.subi %sign3A_2890, %sign3A_2893 : i32
      %sign3A_2895 = arith.constant 0 : i32
      %sign3A_2896 = arith.cmpi sgt, %jit3A_2886, %sign3A_2895 : i32
      %sign3A_2897 = arith.extui %sign3A_2896 : i1 to i32
      %sign3A_2898 = arith.constant 0 : i32
      %sign3A_2899 = arith.cmpi slt, %jit3A_2886, %sign3A_2898 : i32
      %sign3A_2900 = arith.extui %sign3A_2899 : i1 to i32
      %sign3A_2901 = arith.subi %sign3A_2897, %sign3A_2900 : i32
      %ne3A_2902 = arith.cmpi ne, %sign3A_2894, %sign3A_2901 : i32
      %rem3A_2903 = arith.remsi %min3A_2885, %jit3A_2886 : i32
      %ne3A_2904 = arith.constant 0 : i32
      %ne3A_2905 = arith.cmpi ne, %rem3A_2903, %ne3A_2904 : i32
      %and3A_2906 = arith.andi %ne3A_2902, %ne3A_2905 : i1
      %sub3A_2907 = arith.constant 1 : i32
      %sub3A_2908 = arith.subi %div3A_2887, %sub3A_2907 : i32
      %select_n3A_2909 = arith.select %and3A_2906, %sub3A_2908, %div3A_2887 : i32
      %jit3A_2910 = arith.constant 128 : i32
      %eq3A_2911 = arith.constant 0 : i32
      %eq3A_2912 = arith.cmpi eq, %jit3A_2910, %eq3A_2911 : i32
      %jit3A_2913 = arith.constant 1 : i32
      %select_n3A_2914 = arith.select %eq3A_2912, %jit3A_2913, %jit3A_2910 : i32
      %rem3A_2915 = arith.remsi %min3A_2885, %select_n3A_2914 : i32
      %ne3A_2916 = arith.constant 0 : i32
      %ne3A_2917 = arith.cmpi ne, %rem3A_2915, %ne3A_2916 : i32
      %lt3A_2918 = arith.constant 0 : i32
      %lt3A_2919 = arith.cmpi slt, %rem3A_2915, %lt3A_2918 : i32
      %lt3A_2920 = arith.constant 0 : i32
      %lt3A_2921 = arith.cmpi slt, %select_n3A_2914, %lt3A_2920 : i32
      %ne3A_2922 = arith.xori %lt3A_2919, %lt3A_2921 : i1
      %and3A_2923 = arith.andi %ne3A_2922, %ne3A_2917 : i1
      %add3A_2924 = arith.addi %rem3A_2915, %select_n3A_2914 : i32
      %select_n3A_2925 = arith.select %and3A_2923, %add3A_2924, %rem3A_2915 : i32
      %get3A_2926 = arith.constant 0 : index
      %get3A_2927 = arith.index_cast %select_n3A_2909 : i32 to index
      %get3A_2928 = arith.constant 0 : index
      %get3A_2929 = vector.load %arg1[%get3A_2926, %get3A_2927, %get3A_2928] : memref<4x512x128xf32, #tpu.memory_space<vmem>>, vector<1x1x128xf32>
      %get3A_2930 = vector.shape_cast %get3A_2929 : vector<1x1x128xf32> to vector<1x128xf32>
      %eq3A_2931 = vector.broadcast %select_n3A_2925 : i32 to vector<1x128xi32>
      %eq3A_2932 = arith.cmpi eq, %iota3A, %eq3A_2931 : vector<1x128xi32>
      %jit3A_2933 = arith.constant 0.000000e+00 : f32
      %broadcast_in_dim3A_2934 = vector.broadcast %jit3A_2933 : f32 to vector<1x128xf32>
      %select_n3A_2935 = arith.select %eq3A_2932, %get3A_2930, %broadcast_in_dim3A_2934 : vector<1x128xi1>, vector<1x128xf32>
      %reduce_sum3A_2936 = vector.shape_cast %select_n3A_2935 : vector<1x128xf32> to vector<1x1x128xf32>
      %reduce_sum3A_2937 = arith.constant dense<0.000000e+00> : vector<1xf32>
      %reduce_sum3A_2938 = vector.multi_reduction <add>, %reduce_sum3A_2936, %reduce_sum3A_2937 [1, 2] : vector<1x1x128xf32> to vector<1xf32>
      %reduce_sum3A_2939 = vector.shape_cast %reduce_sum3A_2938 : vector<1xf32> to vector<1x1x1xf32>
      %reduce_sum3A_2940 = vector.extract %reduce_sum3A_2939[0, 0, 0] : f32 from vector<1x1x1xf32>
      %get3A_2941 = arith.constant 1 : index
      %get3A_2942 = arith.index_cast %select_n3A_2909 : i32 to index
      %get3A_2943 = arith.constant 0 : index
      %get3A_2944 = vector.load %arg1[%get3A_2941, %get3A_2942, %get3A_2943] : memref<4x512x128xf32, #tpu.memory_space<vmem>>, vector<1x1x128xf32>
      %get3A_2945 = vector.shape_cast %get3A_2944 : vector<1x1x128xf32> to vector<1x128xf32>
      %eq3A_2946 = vector.broadcast %select_n3A_2925 : i32 to vector<1x128xi32>
      %eq3A_2947 = arith.cmpi eq, %iota3A, %eq3A_2946 : vector<1x128xi32>
      %jit3A_2948 = arith.constant 0.000000e+00 : f32
      %broadcast_in_dim3A_2949 = vector.broadcast %jit3A_2948 : f32 to vector<1x128xf32>
      %select_n3A_2950 = arith.select %eq3A_2947, %get3A_2945, %broadcast_in_dim3A_2949 : vector<1x128xi1>, vector<1x128xf32>
      %reduce_sum3A_2951 = vector.shape_cast %select_n3A_2950 : vector<1x128xf32> to vector<1x1x128xf32>
      %reduce_sum3A_2952 = arith.constant dense<0.000000e+00> : vector<1xf32>
      %reduce_sum3A_2953 = vector.multi_reduction <add>, %reduce_sum3A_2951, %reduce_sum3A_2952 [1, 2] : vector<1x1x128xf32> to vector<1xf32>
      %reduce_sum3A_2954 = vector.shape_cast %reduce_sum3A_2953 : vector<1xf32> to vector<1x1x1xf32>
      %reduce_sum3A_2955 = vector.extract %reduce_sum3A_2954[0, 0, 0] : f32 from vector<1x1x1xf32>
      %get3A_2956 = arith.constant 2 : index
      %get3A_2957 = arith.index_cast %select_n3A_2909 : i32 to index
      %get3A_2958 = arith.constant 0 : index
      %get3A_2959 = vector.load %arg1[%get3A_2956, %get3A_2957, %get3A_2958] : memref<4x512x128xf32, #tpu.memory_space<vmem>>, vector<1x1x128xf32>
      %get3A_2960 = vector.shape_cast %get3A_2959 : vector<1x1x128xf32> to vector<1x128xf32>
      %eq3A_2961 = vector.broadcast %select_n3A_2925 : i32 to vector<1x128xi32>
      %eq3A_2962 = arith.cmpi eq, %iota3A, %eq3A_2961 : vector<1x128xi32>
      %jit3A_2963 = arith.constant 0.000000e+00 : f32
      %broadcast_in_dim3A_2964 = vector.broadcast %jit3A_2963 : f32 to vector<1x128xf32>
      %select_n3A_2965 = arith.select %eq3A_2962, %get3A_2960, %broadcast_in_dim3A_2964 : vector<1x128xi1>, vector<1x128xf32>
      %reduce_sum3A_2966 = vector.shape_cast %select_n3A_2965 : vector<1x128xf32> to vector<1x1x128xf32>
      %reduce_sum3A_2967 = arith.constant dense<0.000000e+00> : vector<1xf32>
      %reduce_sum3A_2968 = vector.multi_reduction <add>, %reduce_sum3A_2966, %reduce_sum3A_2967 [1, 2] : vector<1x1x128xf32> to vector<1xf32>
      %reduce_sum3A_2969 = vector.shape_cast %reduce_sum3A_2968 : vector<1xf32> to vector<1x1x1xf32>
      %reduce_sum3A_2970 = vector.extract %reduce_sum3A_2969[0, 0, 0] : f32 from vector<1x1x1xf32>
      %get3A_2971 = arith.constant 3 : index
      %get3A_2972 = arith.index_cast %select_n3A_2909 : i32 to index
      %get3A_2973 = arith.constant 0 : index
      %get3A_2974 = vector.load %arg1[%get3A_2971, %get3A_2972, %get3A_2973] : memref<4x512x128xf32, #tpu.memory_space<vmem>>, vector<1x1x128xf32>
      %get3A_2975 = vector.shape_cast %get3A_2974 : vector<1x1x128xf32> to vector<1x128xf32>
      %eq3A_2976 = vector.broadcast %select_n3A_2925 : i32 to vector<1x128xi32>
      %eq3A_2977 = arith.cmpi eq, %iota3A, %eq3A_2976 : vector<1x128xi32>
      %jit3A_2978 = arith.constant 0.000000e+00 : f32
      %broadcast_in_dim3A_2979 = vector.broadcast %jit3A_2978 : f32 to vector<1x128xf32>
      %select_n3A_2980 = arith.select %eq3A_2977, %get3A_2975, %broadcast_in_dim3A_2979 : vector<1x128xi1>, vector<1x128xf32>
      %reduce_sum3A_2981 = vector.shape_cast %select_n3A_2980 : vector<1x128xf32> to vector<1x1x128xf32>
      %reduce_sum3A_2982 = arith.constant dense<0.000000e+00> : vector<1xf32>
      %reduce_sum3A_2983 = vector.multi_reduction <add>, %reduce_sum3A_2981, %reduce_sum3A_2982 [1, 2] : vector<1x1x128xf32> to vector<1xf32>
      %reduce_sum3A_2984 = vector.shape_cast %reduce_sum3A_2983 : vector<1xf32> to vector<1x1x1xf32>
      %reduce_sum3A_2985 = vector.extract %reduce_sum3A_2984[0, 0, 0] : f32 from vector<1x1x1xf32>
      %broadcast_in_dim3A_2986 = vector.broadcast %reduce_sum3A_2940 : f32 to vector<512x1xf32>
      %select_n3A_2987 = arith.select %and3A_1370, %broadcast_in_dim3A_2986, %select_n3A_2863 : vector<512x1xi1>, vector<512x1xf32>
      %broadcast_in_dim3A_2988 = vector.broadcast %reduce_sum3A_2955 : f32 to vector<512x1xf32>
      %select_n3A_2989 = arith.select %and3A_1370, %broadcast_in_dim3A_2988, %select_n3A_2865 : vector<512x1xi1>, vector<512x1xf32>
      %broadcast_in_dim3A_2990 = vector.broadcast %reduce_sum3A_2970 : f32 to vector<512x1xf32>
      %select_n3A_2991 = arith.select %and3A_1370, %broadcast_in_dim3A_2990, %select_n3A_2867 : vector<512x1xi1>, vector<512x1xf32>
      %broadcast_in_dim3A_2992 = vector.broadcast %reduce_sum3A_2985 : f32 to vector<512x1xf32>
      %select_n3A_2993 = arith.select %and3A_1370, %broadcast_in_dim3A_2992, %select_n3A_2869 : vector<512x1xi1>, vector<512x1xf32>
      %and3A_2994 = vector.broadcast %scan3A_1534 : i1 to vector<512x1xi1>
      %and3A_2995 = arith.andi %and3A_1370, %and3A_2994 : vector<512x1xi1>
      %jit3A_2996 = arith.constant 1.000000e+00 : f32
      %broadcast_in_dim3A_2997 = vector.broadcast %jit3A_2996 : f32 to vector<512x1xf32>
      %select_n3A_2998 = arith.select %and3A_2995, %broadcast_in_dim3A_2997, %select_n3A_2874 : vector<512x1xi1>, vector<512x1xf32>
      %jit3A_2999 = arith.constant 1.000000e+00 : f32
      %jit3A_3000 = arith.constant 0.000000e+00 : f32
      %select_n3A_3001 = arith.select %and3A_2883, %jit3A_2999, %jit3A_3000 : f32
      %broadcast_in_dim3A_3002 = vector.broadcast %select_n3A_3001 : f32 to vector<512x1xf32>
      %select_n3A_3003 = arith.select %and3A_1370, %broadcast_in_dim3A_3002, %select_n3A_2879 : vector<512x1xi1>, vector<512x1xf32>
      %add3A_3004 = arith.constant 1 : i32
      %add3A_3005 = arith.addi %scan3A_1527, %add3A_3004 : i32
      %lt3A_3006 = arith.cmpi slt, %add3A_3005, %convert_element_type3A_500 : i32
      %and3A_3007 = arith.andi %scan3A_1535, %lt3A_3006 : i1
      %min3A_3008 = arith.constant 65535 : i32
      %min3A_3009 = arith.minsi %select_n3A_2123, %min3A_3008 : i32
      %jit3A_3010 = arith.constant 128 : i32
      %div3A_3011 = arith.divsi %min3A_3009, %jit3A_3010 : i32
      %sign3A_3012 = arith.constant 0 : i32
      %sign3A_3013 = arith.cmpi sgt, %min3A_3009, %sign3A_3012 : i32
      %sign3A_3014 = arith.extui %sign3A_3013 : i1 to i32
      %sign3A_3015 = arith.constant 0 : i32
      %sign3A_3016 = arith.cmpi slt, %min3A_3009, %sign3A_3015 : i32
      %sign3A_3017 = arith.extui %sign3A_3016 : i1 to i32
      %sign3A_3018 = arith.subi %sign3A_3014, %sign3A_3017 : i32
      %sign3A_3019 = arith.constant 0 : i32
      %sign3A_3020 = arith.cmpi sgt, %jit3A_3010, %sign3A_3019 : i32
      %sign3A_3021 = arith.extui %sign3A_3020 : i1 to i32
      %sign3A_3022 = arith.constant 0 : i32
      %sign3A_3023 = arith.cmpi slt, %jit3A_3010, %sign3A_3022 : i32
      %sign3A_3024 = arith.extui %sign3A_3023 : i1 to i32
      %sign3A_3025 = arith.subi %sign3A_3021, %sign3A_3024 : i32
      %ne3A_3026 = arith.cmpi ne, %sign3A_3018, %sign3A_3025 : i32
      %rem3A_3027 = arith.remsi %min3A_3009, %jit3A_3010 : i32
      %ne3A_3028 = arith.constant 0 : i32
      %ne3A_3029 = arith.cmpi ne, %rem3A_3027, %ne3A_3028 : i32
      %and3A_3030 = arith.andi %ne3A_3026, %ne3A_3029 : i1
      %sub3A_3031 = arith.constant 1 : i32
      %sub3A_3032 = arith.subi %div3A_3011, %sub3A_3031 : i32
      %select_n3A_3033 = arith.select %and3A_3030, %sub3A_3032, %div3A_3011 : i32
      %jit3A_3034 = arith.constant 128 : i32
      %eq3A_3035 = arith.constant 0 : i32
      %eq3A_3036 = arith.cmpi eq, %jit3A_3034, %eq3A_3035 : i32
      %jit3A_3037 = arith.constant 1 : i32
      %select_n3A_3038 = arith.select %eq3A_3036, %jit3A_3037, %jit3A_3034 : i32
      %rem3A_3039 = arith.remsi %min3A_3009, %select_n3A_3038 : i32
      %ne3A_3040 = arith.constant 0 : i32
      %ne3A_3041 = arith.cmpi ne, %rem3A_3039, %ne3A_3040 : i32
      %lt3A_3042 = arith.constant 0 : i32
      %lt3A_3043 = arith.cmpi slt, %rem3A_3039, %lt3A_3042 : i32
      %lt3A_3044 = arith.constant 0 : i32
      %lt3A_3045 = arith.cmpi slt, %select_n3A_3038, %lt3A_3044 : i32
      %ne3A_3046 = arith.xori %lt3A_3043, %lt3A_3045 : i1
      %and3A_3047 = arith.andi %ne3A_3046, %ne3A_3041 : i1
      %add3A_3048 = arith.addi %rem3A_3039, %select_n3A_3038 : i32
      %select_n3A_3049 = arith.select %and3A_3047, %add3A_3048, %rem3A_3039 : i32
      %get3A_3050 = arith.constant 0 : index
      %get3A_3051 = arith.index_cast %select_n3A_3033 : i32 to index
      %get3A_3052 = arith.constant 0 : index
      %get3A_3053 = vector.load %arg1[%get3A_3050, %get3A_3051, %get3A_3052] : memref<4x512x128xf32, #tpu.memory_space<vmem>>, vector<1x1x128xf32>
      %get3A_3054 = vector.shape_cast %get3A_3053 : vector<1x1x128xf32> to vector<1x128xf32>
      %eq3A_3055 = vector.broadcast %select_n3A_3049 : i32 to vector<1x128xi32>
      %eq3A_3056 = arith.cmpi eq, %iota3A, %eq3A_3055 : vector<1x128xi32>
      %jit3A_3057 = arith.constant 0.000000e+00 : f32
      %broadcast_in_dim3A_3058 = vector.broadcast %jit3A_3057 : f32 to vector<1x128xf32>
      %select_n3A_3059 = arith.select %eq3A_3056, %get3A_3054, %broadcast_in_dim3A_3058 : vector<1x128xi1>, vector<1x128xf32>
      %reduce_sum3A_3060 = vector.shape_cast %select_n3A_3059 : vector<1x128xf32> to vector<1x1x128xf32>
      %reduce_sum3A_3061 = arith.constant dense<0.000000e+00> : vector<1xf32>
      %reduce_sum3A_3062 = vector.multi_reduction <add>, %reduce_sum3A_3060, %reduce_sum3A_3061 [1, 2] : vector<1x1x128xf32> to vector<1xf32>
      %reduce_sum3A_3063 = vector.shape_cast %reduce_sum3A_3062 : vector<1xf32> to vector<1x1x1xf32>
      %reduce_sum3A_3064 = vector.extract %reduce_sum3A_3063[0, 0, 0] : f32 from vector<1x1x1xf32>
      %get3A_3065 = arith.constant 1 : index
      %get3A_3066 = arith.index_cast %select_n3A_3033 : i32 to index
      %get3A_3067 = arith.constant 0 : index
      %get3A_3068 = vector.load %arg1[%get3A_3065, %get3A_3066, %get3A_3067] : memref<4x512x128xf32, #tpu.memory_space<vmem>>, vector<1x1x128xf32>
      %get3A_3069 = vector.shape_cast %get3A_3068 : vector<1x1x128xf32> to vector<1x128xf32>
      %eq3A_3070 = vector.broadcast %select_n3A_3049 : i32 to vector<1x128xi32>
      %eq3A_3071 = arith.cmpi eq, %iota3A, %eq3A_3070 : vector<1x128xi32>
      %jit3A_3072 = arith.constant 0.000000e+00 : f32
      %broadcast_in_dim3A_3073 = vector.broadcast %jit3A_3072 : f32 to vector<1x128xf32>
      %select_n3A_3074 = arith.select %eq3A_3071, %get3A_3069, %broadcast_in_dim3A_3073 : vector<1x128xi1>, vector<1x128xf32>
      %reduce_sum3A_3075 = vector.shape_cast %select_n3A_3074 : vector<1x128xf32> to vector<1x1x128xf32>
      %reduce_sum3A_3076 = arith.constant dense<0.000000e+00> : vector<1xf32>
      %reduce_sum3A_3077 = vector.multi_reduction <add>, %reduce_sum3A_3075, %reduce_sum3A_3076 [1, 2] : vector<1x1x128xf32> to vector<1xf32>
      %reduce_sum3A_3078 = vector.shape_cast %reduce_sum3A_3077 : vector<1xf32> to vector<1x1x1xf32>
      %reduce_sum3A_3079 = vector.extract %reduce_sum3A_3078[0, 0, 0] : f32 from vector<1x1x1xf32>
      %get3A_3080 = arith.constant 2 : index
      %get3A_3081 = arith.index_cast %select_n3A_3033 : i32 to index
      %get3A_3082 = arith.constant 0 : index
      %get3A_3083 = vector.load %arg1[%get3A_3080, %get3A_3081, %get3A_3082] : memref<4x512x128xf32, #tpu.memory_space<vmem>>, vector<1x1x128xf32>
      %get3A_3084 = vector.shape_cast %get3A_3083 : vector<1x1x128xf32> to vector<1x128xf32>
      %eq3A_3085 = vector.broadcast %select_n3A_3049 : i32 to vector<1x128xi32>
      %eq3A_3086 = arith.cmpi eq, %iota3A, %eq3A_3085 : vector<1x128xi32>
      %jit3A_3087 = arith.constant 0.000000e+00 : f32
      %broadcast_in_dim3A_3088 = vector.broadcast %jit3A_3087 : f32 to vector<1x128xf32>
      %select_n3A_3089 = arith.select %eq3A_3086, %get3A_3084, %broadcast_in_dim3A_3088 : vector<1x128xi1>, vector<1x128xf32>
      %reduce_sum3A_3090 = vector.shape_cast %select_n3A_3089 : vector<1x128xf32> to vector<1x1x128xf32>
      %reduce_sum3A_3091 = arith.constant dense<0.000000e+00> : vector<1xf32>
      %reduce_sum3A_3092 = vector.multi_reduction <add>, %reduce_sum3A_3090, %reduce_sum3A_3091 [1, 2] : vector<1x1x128xf32> to vector<1xf32>
      %reduce_sum3A_3093 = vector.shape_cast %reduce_sum3A_3092 : vector<1xf32> to vector<1x1x1xf32>
      %reduce_sum3A_3094 = vector.extract %reduce_sum3A_3093[0, 0, 0] : f32 from vector<1x1x1xf32>
      %get3A_3095 = arith.constant 3 : index
      %get3A_3096 = arith.index_cast %select_n3A_3033 : i32 to index
      %get3A_3097 = arith.constant 0 : index
      %get3A_3098 = vector.load %arg1[%get3A_3095, %get3A_3096, %get3A_3097] : memref<4x512x128xf32, #tpu.memory_space<vmem>>, vector<1x1x128xf32>
      %get3A_3099 = vector.shape_cast %get3A_3098 : vector<1x1x128xf32> to vector<1x128xf32>
      %eq3A_3100 = vector.broadcast %select_n3A_3049 : i32 to vector<1x128xi32>
      %eq3A_3101 = arith.cmpi eq, %iota3A, %eq3A_3100 : vector<1x128xi32>
      %jit3A_3102 = arith.constant 0.000000e+00 : f32
      %broadcast_in_dim3A_3103 = vector.broadcast %jit3A_3102 : f32 to vector<1x128xf32>
      %select_n3A_3104 = arith.select %eq3A_3101, %get3A_3099, %broadcast_in_dim3A_3103 : vector<1x128xi1>, vector<1x128xf32>
      %reduce_sum3A_3105 = vector.shape_cast %select_n3A_3104 : vector<1x128xf32> to vector<1x1x128xf32>
      %reduce_sum3A_3106 = arith.constant dense<0.000000e+00> : vector<1xf32>
      %reduce_sum3A_3107 = vector.multi_reduction <add>, %reduce_sum3A_3105, %reduce_sum3A_3106 [1, 2] : vector<1x1x128xf32> to vector<1xf32>
      %reduce_sum3A_3108 = vector.shape_cast %reduce_sum3A_3107 : vector<1xf32> to vector<1x1x1xf32>
      %reduce_sum3A_3109 = vector.extract %reduce_sum3A_3108[0, 0, 0] : f32 from vector<1x1x1xf32>
      %broadcast_in_dim3A_3110 = vector.broadcast %reduce_sum3A_3064 : f32 to vector<512x1xf32>
      %select_n3A_3111 = arith.select %and3A_1453, %broadcast_in_dim3A_3110, %select_n3A_2987 : vector<512x1xi1>, vector<512x1xf32>
      %broadcast_in_dim3A_3112 = vector.broadcast %reduce_sum3A_3079 : f32 to vector<512x1xf32>
      %select_n3A_3113 = arith.select %and3A_1453, %broadcast_in_dim3A_3112, %select_n3A_2989 : vector<512x1xi1>, vector<512x1xf32>
      %broadcast_in_dim3A_3114 = vector.broadcast %reduce_sum3A_3094 : f32 to vector<512x1xf32>
      %select_n3A_3115 = arith.select %and3A_1453, %broadcast_in_dim3A_3114, %select_n3A_2991 : vector<512x1xi1>, vector<512x1xf32>
      %broadcast_in_dim3A_3116 = vector.broadcast %reduce_sum3A_3109 : f32 to vector<512x1xf32>
      %select_n3A_3117 = arith.select %and3A_1453, %broadcast_in_dim3A_3116, %select_n3A_2993 : vector<512x1xi1>, vector<512x1xf32>
      %and3A_3118 = vector.broadcast %scan3A_1535 : i1 to vector<512x1xi1>
      %and3A_3119 = arith.andi %and3A_1453, %and3A_3118 : vector<512x1xi1>
      %jit3A_3120 = arith.constant 1.000000e+00 : f32
      %broadcast_in_dim3A_3121 = vector.broadcast %jit3A_3120 : f32 to vector<512x1xf32>
      %select_n3A_3122 = arith.select %and3A_3119, %broadcast_in_dim3A_3121, %select_n3A_2998 : vector<512x1xi1>, vector<512x1xf32>
      %jit3A_3123 = arith.constant 1.000000e+00 : f32
      %jit3A_3124 = arith.constant 0.000000e+00 : f32
      %select_n3A_3125 = arith.select %and3A_3007, %jit3A_3123, %jit3A_3124 : f32
      %broadcast_in_dim3A_3126 = vector.broadcast %select_n3A_3125 : f32 to vector<512x1xf32>
      %select_n3A_3127 = arith.select %and3A_1453, %broadcast_in_dim3A_3126, %select_n3A_3003 : vector<512x1xi1>, vector<512x1xf32>
      %get3A_3128 = arith.constant 0 : index
      %get3A_3129 = arith.constant 0 : index
      %get3A_3130 = vector.load %arg5[%get3A_3128, %get3A_3129] : memref<512x128xf32, #tpu.memory_space<vmem>>, vector<512x128xf32>
      %get3A_3131 = arith.constant 0 : index
      %get3A_3132 = arith.constant 0 : index
      %get3A_3133 = arith.constant 0 : index
      %get3A_3134 = vector.load %arg1[%get3A_3131, %get3A_3132, %get3A_3133] : memref<4x512x128xf32, #tpu.memory_space<vmem>>, vector<1x512x128xf32>
      %get3A_3135 = vector.shape_cast %get3A_3134 : vector<1x512x128xf32> to vector<512x128xf32>
      %sub3A_3136 = vector.broadcast %select_n3A_3111 : vector<512x1xf32> to vector<512x128xf32>
      %sub3A_3137 = arith.subf %get3A_3135, %sub3A_3136 : vector<512x128xf32>
      %integer_pow3A_3138 = arith.mulf %sub3A_3137, %sub3A_3137 : vector<512x128xf32>
      %get3A_3139 = arith.constant 1 : index
      %get3A_3140 = arith.constant 0 : index
      %get3A_3141 = arith.constant 0 : index
      %get3A_3142 = vector.load %arg1[%get3A_3139, %get3A_3140, %get3A_3141] : memref<4x512x128xf32, #tpu.memory_space<vmem>>, vector<1x512x128xf32>
      %get3A_3143 = vector.shape_cast %get3A_3142 : vector<1x512x128xf32> to vector<512x128xf32>
      %sub3A_3144 = vector.broadcast %select_n3A_3113 : vector<512x1xf32> to vector<512x128xf32>
      %sub3A_3145 = arith.subf %get3A_3143, %sub3A_3144 : vector<512x128xf32>
      %integer_pow3A_3146 = arith.mulf %sub3A_3145, %sub3A_3145 : vector<512x128xf32>
      %add3A_3147 = arith.addf %integer_pow3A_3138, %integer_pow3A_3146 : vector<512x128xf32>
      %get3A_3148 = arith.constant 2 : index
      %get3A_3149 = arith.constant 0 : index
      %get3A_3150 = arith.constant 0 : index
      %get3A_3151 = vector.load %arg1[%get3A_3148, %get3A_3149, %get3A_3150] : memref<4x512x128xf32, #tpu.memory_space<vmem>>, vector<1x512x128xf32>
      %get3A_3152 = vector.shape_cast %get3A_3151 : vector<1x512x128xf32> to vector<512x128xf32>
      %sub3A_3153 = vector.broadcast %select_n3A_3115 : vector<512x1xf32> to vector<512x128xf32>
      %sub3A_3154 = arith.subf %get3A_3152, %sub3A_3153 : vector<512x128xf32>
      %integer_pow3A_3155 = arith.mulf %sub3A_3154, %sub3A_3154 : vector<512x128xf32>
      %add3A_3156 = arith.addf %add3A_3147, %integer_pow3A_3155 : vector<512x128xf32>
      %get3A_3157 = arith.constant 3 : index
      %get3A_3158 = arith.constant 0 : index
      %get3A_3159 = arith.constant 0 : index
      %get3A_3160 = vector.load %arg1[%get3A_3157, %get3A_3158, %get3A_3159] : memref<4x512x128xf32, #tpu.memory_space<vmem>>, vector<1x512x128xf32>
      %get3A_3161 = vector.shape_cast %get3A_3160 : vector<1x512x128xf32> to vector<512x128xf32>
      %sub3A_3162 = vector.broadcast %select_n3A_3117 : vector<512x1xf32> to vector<512x128xf32>
      %sub3A_3163 = arith.subf %get3A_3161, %sub3A_3162 : vector<512x128xf32>
      %integer_pow3A_3164 = arith.mulf %sub3A_3163, %sub3A_3163 : vector<512x128xf32>
      %add3A_3165 = arith.addf %add3A_3156, %integer_pow3A_3164 : vector<512x128xf32>
      %eq3A_3166 = arith.constant 0 : i32
      %eq3A_3167 = arith.cmpi eq, %scan3A_1527, %eq3A_3166 : i32
      %min3A_3168 = arith.minimumf %get3A_3130, %add3A_3165 : vector<512x128xf32>
      %select_n3A_3169 = arith.select %eq3A_3167, %add3A_3165, %min3A_3168 : vector<512x128xf32>
      %gt3A_3170 = arith.constant 0.000000e+00 : f32
      %gt3A_3171 = vector.broadcast %gt3A_3170 : f32 to vector<512x1xf32>
      %gt3A_3172 = arith.cmpf ogt, %select_n3A_3122, %gt3A_3171 : vector<512x1xf32>
      %broadcast_in_dim3A_3173 = vector.shape_cast %gt3A_3172 : vector<512x1xi1> to vector<512x1xi1>
      %broadcast_in_dim3A_3174 = vector.broadcast %broadcast_in_dim3A_3173 : vector<512x1xi1> to vector<512x128xi1>
      %select_n3A_3175 = arith.select %broadcast_in_dim3A_3174, %select_n3A_3169, %get3A_3130 : vector<512x128xi1>, vector<512x128xf32>
      %gt3A_3176 = arith.constant 0.000000e+00 : f32
      %gt3A_3177 = vector.broadcast %gt3A_3176 : f32 to vector<512x1xf32>
      %gt3A_3178 = arith.cmpf ogt, %select_n3A_3127, %gt3A_3177 : vector<512x1xf32>
      %jit3A_3179 = arith.constant -3.40282347E+38 : f32
      %broadcast_in_dim3A_3180 = vector.shape_cast %gt3A_3178 : vector<512x1xi1> to vector<512x1xi1>
      %broadcast_in_dim3A_3181 = vector.broadcast %broadcast_in_dim3A_3180 : vector<512x1xi1> to vector<512x128xi1>
      %broadcast_in_dim3A_3182 = vector.broadcast %jit3A_3179 : f32 to vector<512x128xf32>
      %select_n3A_3183 = arith.select %broadcast_in_dim3A_3181, %select_n3A_3175, %broadcast_in_dim3A_3182 : vector<512x128xi1>, vector<512x128xf32>
      %swap3A_3184 = arith.constant 0 : index
      %swap3A_3185 = arith.constant 0 : index
      %swap3A_3186 = vector.load %arg5[%swap3A_3184, %swap3A_3185] : memref<512x128xf32, #tpu.memory_space<vmem>>, vector<512x128xf32>
      tpu.vector_store %arg5[%swap3A_3184, %swap3A_3185], %select_n3A_3183 {strides = array<i32>} : memref<512x128xf32, #tpu.memory_space<vmem>>, vector<512x128xf32>,
      %get3A_3187 = arith.index_cast %select_n3A_896 : i32 to index
      %get3A_3188 = arith.constant 0 : index
      %get3A_3189 = vector.load %arg5[%get3A_3187, %get3A_3188] : memref<512x128xf32, #tpu.memory_space<vmem>>, vector<1x128xf32>
      %get3A_3190 = arith.constant 0 : index
      %get3A_3191 = arith.index_cast %select_n3A_896 : i32 to index
      %get3A_3192 = arith.constant 0 : index
      %get3A_3193 = vector.load %arg1[%get3A_3190, %get3A_3191, %get3A_3192] : memref<4x512x128xf32, #tpu.memory_space<vmem>>, vector<1x1x128xf32>
      %get3A_3194 = vector.shape_cast %get3A_3193 : vector<1x1x128xf32> to vector<1x128xf32>
      %sub3A_3195 = vector.broadcast %reduce_sum3A_2196 : f32 to vector<1x128xf32>
      %sub3A_3196 = arith.subf %get3A_3194, %sub3A_3195 : vector<1x128xf32>
      %integer_pow3A_3197 = arith.mulf %sub3A_3196, %sub3A_3196 : vector<1x128xf32>
      %get3A_3198 = arith.constant 1 : index
      %get3A_3199 = arith.index_cast %select_n3A_896 : i32 to index
      %get3A_3200 = arith.constant 0 : index
      %get3A_3201 = vector.load %arg1[%get3A_3198, %get3A_3199, %get3A_3200] : memref<4x512x128xf32, #tpu.memory_space<vmem>>, vector<1x1x128xf32>
      %get3A_3202 = vector.shape_cast %get3A_3201 : vector<1x1x128xf32> to vector<1x128xf32>
      %sub3A_3203 = vector.broadcast %reduce_sum3A_2211 : f32 to vector<1x128xf32>
      %sub3A_3204 = arith.subf %get3A_3202, %sub3A_3203 : vector<1x128xf32>
      %integer_pow3A_3205 = arith.mulf %sub3A_3204, %sub3A_3204 : vector<1x128xf32>
      %add3A_3206 = arith.addf %integer_pow3A_3197, %integer_pow3A_3205 : vector<1x128xf32>
      %get3A_3207 = arith.constant 2 : index
      %get3A_3208 = arith.index_cast %select_n3A_896 : i32 to index
      %get3A_3209 = arith.constant 0 : index
      %get3A_3210 = vector.load %arg1[%get3A_3207, %get3A_3208, %get3A_3209] : memref<4x512x128xf32, #tpu.memory_space<vmem>>, vector<1x1x128xf32>
      %get3A_3211 = vector.shape_cast %get3A_3210 : vector<1x1x128xf32> to vector<1x128xf32>
      %sub3A_3212 = vector.broadcast %reduce_sum3A_2226 : f32 to vector<1x128xf32>
      %sub3A_3213 = arith.subf %get3A_3211, %sub3A_3212 : vector<1x128xf32>
      %integer_pow3A_3214 = arith.mulf %sub3A_3213, %sub3A_3213 : vector<1x128xf32>
      %add3A_3215 = arith.addf %add3A_3206, %integer_pow3A_3214 : vector<1x128xf32>
      %get3A_3216 = arith.constant 3 : index
      %get3A_3217 = arith.index_cast %select_n3A_896 : i32 to index
      %get3A_3218 = arith.constant 0 : index
      %get3A_3219 = vector.load %arg1[%get3A_3216, %get3A_3217, %get3A_3218] : memref<4x512x128xf32, #tpu.memory_space<vmem>>, vector<1x1x128xf32>
      %get3A_3220 = vector.shape_cast %get3A_3219 : vector<1x1x128xf32> to vector<1x128xf32>
      %sub3A_3221 = vector.broadcast %reduce_sum3A_2241 : f32 to vector<1x128xf32>
      %sub3A_3222 = arith.subf %get3A_3220, %sub3A_3221 : vector<1x128xf32>
      %integer_pow3A_3223 = arith.mulf %sub3A_3222, %sub3A_3222 : vector<1x128xf32>
      %add3A_3224 = arith.addf %add3A_3215, %integer_pow3A_3223 : vector<1x128xf32>
      %eq3A_3225 = arith.constant 0 : i32
      %eq3A_3226 = arith.cmpi eq, %scan3A_1527, %eq3A_3225 : i32
      %min3A_3227 = arith.minimumf %get3A_3189, %add3A_3224 : vector<1x128xf32>
      %select_n3A_3228 = arith.select %eq3A_3226, %add3A_3224, %min3A_3227 : vector<1x128xf32>
      %and3A_3229 = vector.broadcast %scan3A_1528 : i1 to vector<1x128xi1>
      %and3A_3230 = arith.andi %and3A_930, %and3A_3229 : vector<1x128xi1>
      %select_n3A_3231 = arith.select %and3A_3230, %select_n3A_3228, %get3A_3189 : vector<1x128xi1>, vector<1x128xf32>
      %not3A = arith.constant true
      %not3A_3232 = arith.xori %and3A_2139, %not3A : i1
      %and3A_3233 = vector.broadcast %not3A_3232 : i1 to vector<1x128xi1>
      %and3A_3234 = arith.andi %and3A_930, %and3A_3233 : vector<1x128xi1>
      %jit3A_3235 = arith.constant -3.40282347E+38 : f32
      %broadcast_in_dim3A_3236 = vector.broadcast %jit3A_3235 : f32 to vector<1x128xf32>
      %select_n3A_3237 = arith.select %and3A_3234, %broadcast_in_dim3A_3236, %select_n3A_3231 : vector<1x128xi1>, vector<1x128xf32>
      %swap3A_3238 = arith.index_cast %select_n3A_896 : i32 to index
      %swap3A_3239 = arith.constant 0 : index
      %swap3A_3240 = vector.load %arg5[%swap3A_3238, %swap3A_3239] : memref<512x128xf32, #tpu.memory_space<vmem>>, vector<1x128xf32>
      tpu.vector_store %arg5[%swap3A_3238, %swap3A_3239], %select_n3A_3237 {strides = array<i32>} : memref<512x128xf32, #tpu.memory_space<vmem>>, vector<1x128xf32>,
      %get3A_3241 = arith.index_cast %min3A_921 : i32 to index
      %get3A_3242 = arith.constant 0 : index
      %get3A_3243 = vector.load %arg5[%get3A_3241, %get3A_3242] : memref<512x128xf32, #tpu.memory_space<vmem>>, vector<1x128xf32>
      %get3A_3244 = arith.constant 0 : index
      %get3A_3245 = arith.index_cast %min3A_921 : i32 to index
      %get3A_3246 = arith.constant 0 : index
      %get3A_3247 = vector.load %arg1[%get3A_3244, %get3A_3245, %get3A_3246] : memref<4x512x128xf32, #tpu.memory_space<vmem>>, vector<1x1x128xf32>
      %get3A_3248 = vector.shape_cast %get3A_3247 : vector<1x1x128xf32> to vector<1x128xf32>
      %sub3A_3249 = vector.broadcast %reduce_sum3A_2196 : f32 to vector<1x128xf32>
      %sub3A_3250 = arith.subf %get3A_3248, %sub3A_3249 : vector<1x128xf32>
      %integer_pow3A_3251 = arith.mulf %sub3A_3250, %sub3A_3250 : vector<1x128xf32>
      %get3A_3252 = arith.constant 1 : index
      %get3A_3253 = arith.index_cast %min3A_921 : i32 to index
      %get3A_3254 = arith.constant 0 : index
      %get3A_3255 = vector.load %arg1[%get3A_3252, %get3A_3253, %get3A_3254] : memref<4x512x128xf32, #tpu.memory_space<vmem>>, vector<1x1x128xf32>
      %get3A_3256 = vector.shape_cast %get3A_3255 : vector<1x1x128xf32> to vector<1x128xf32>
      %sub3A_3257 = vector.broadcast %reduce_sum3A_2211 : f32 to vector<1x128xf32>
      %sub3A_3258 = arith.subf %get3A_3256, %sub3A_3257 : vector<1x128xf32>
      %integer_pow3A_3259 = arith.mulf %sub3A_3258, %sub3A_3258 : vector<1x128xf32>
      %add3A_3260 = arith.addf %integer_pow3A_3251, %integer_pow3A_3259 : vector<1x128xf32>
      %get3A_3261 = arith.constant 2 : index
      %get3A_3262 = arith.index_cast %min3A_921 : i32 to index
      %get3A_3263 = arith.constant 0 : index
      %get3A_3264 = vector.load %arg1[%get3A_3261, %get3A_3262, %get3A_3263] : memref<4x512x128xf32, #tpu.memory_space<vmem>>, vector<1x1x128xf32>
      %get3A_3265 = vector.shape_cast %get3A_3264 : vector<1x1x128xf32> to vector<1x128xf32>
      %sub3A_3266 = vector.broadcast %reduce_sum3A_2226 : f32 to vector<1x128xf32>
      %sub3A_3267 = arith.subf %get3A_3265, %sub3A_3266 : vector<1x128xf32>
      %integer_pow3A_3268 = arith.mulf %sub3A_3267, %sub3A_3267 : vector<1x128xf32>
      %add3A_3269 = arith.addf %add3A_3260, %integer_pow3A_3268 : vector<1x128xf32>
      %get3A_3270 = arith.constant 3 : index
      %get3A_3271 = arith.index_cast %min3A_921 : i32 to index
      %get3A_3272 = arith.constant 0 : index
      %get3A_3273 = vector.load %arg1[%get3A_3270, %get3A_3271, %get3A_3272] : memref<4x512x128xf32, #tpu.memory_space<vmem>>, vector<1x1x128xf32>
      %get3A_3274 = vector.shape_cast %get3A_3273 : vector<1x1x128xf32> to vector<1x128xf32>
      %sub3A_3275 = vector.broadcast %reduce_sum3A_2241 : f32 to vector<1x128xf32>
      %sub3A_3276 = arith.subf %get3A_3274, %sub3A_3275 : vector<1x128xf32>
      %integer_pow3A_3277 = arith.mulf %sub3A_3276, %sub3A_3276 : vector<1x128xf32>
      %add3A_3278 = arith.addf %add3A_3269, %integer_pow3A_3277 : vector<1x128xf32>
      %eq3A_3279 = arith.constant 0 : i32
      %eq3A_3280 = arith.cmpi eq, %scan3A_1527, %eq3A_3279 : i32
      %min3A_3281 = arith.minimumf %get3A_3243, %add3A_3278 : vector<1x128xf32>
      %select_n3A_3282 = arith.select %eq3A_3280, %add3A_3278, %min3A_3281 : vector<1x128xf32>
      %and3A_3283 = vector.broadcast %scan3A_1528 : i1 to vector<1x128xi1>
      %and3A_3284 = arith.andi %and3A_940, %and3A_3283 : vector<1x128xi1>
      %select_n3A_3285 = arith.select %and3A_3284, %select_n3A_3282, %get3A_3243 : vector<1x128xi1>, vector<1x128xf32>
      %not3A_3286 = arith.constant true
      %not3A_3287 = arith.xori %and3A_2139, %not3A_3286 : i1
      %and3A_3288 = vector.broadcast %not3A_3287 : i1 to vector<1x128xi1>
      %and3A_3289 = arith.andi %and3A_940, %and3A_3288 : vector<1x128xi1>
      %jit3A_3290 = arith.constant -3.40282347E+38 : f32
      %broadcast_in_dim3A_3291 = vector.broadcast %jit3A_3290 : f32 to vector<1x128xf32>
      %select_n3A_3292 = arith.select %and3A_3289, %broadcast_in_dim3A_3291, %select_n3A_3285 : vector<1x128xi1>, vector<1x128xf32>
      %swap3A_3293 = arith.index_cast %min3A_921 : i32 to index
      %swap3A_3294 = arith.constant 0 : index
      %swap3A_3295 = vector.load %arg5[%swap3A_3293, %swap3A_3294] : memref<512x128xf32, #tpu.memory_space<vmem>>, vector<1x128xf32>
      tpu.vector_store %arg5[%swap3A_3293, %swap3A_3294], %select_n3A_3292 {strides = array<i32>} : memref<512x128xf32, #tpu.memory_space<vmem>>, vector<1x128xf32>,
      %min3A_3296 = arith.constant 65535 : i32
      %min3A_3297 = arith.minsi %select_n3A_1619, %min3A_3296 : i32
      %jit3A_3298 = arith.constant 128 : i32
      %div3A_3299 = arith.divsi %min3A_3297, %jit3A_3298 : i32
      %sign3A_3300 = arith.constant 0 : i32
      %sign3A_3301 = arith.cmpi sgt, %min3A_3297, %sign3A_3300 : i32
      %sign3A_3302 = arith.extui %sign3A_3301 : i1 to i32
      %sign3A_3303 = arith.constant 0 : i32
      %sign3A_3304 = arith.cmpi slt, %min3A_3297, %sign3A_3303 : i32
      %sign3A_3305 = arith.extui %sign3A_3304 : i1 to i32
      %sign3A_3306 = arith.subi %sign3A_3302, %sign3A_3305 : i32
      %sign3A_3307 = arith.constant 0 : i32
      %sign3A_3308 = arith.cmpi sgt, %jit3A_3298, %sign3A_3307 : i32
      %sign3A_3309 = arith.extui %sign3A_3308 : i1 to i32
      %sign3A_3310 = arith.constant 0 : i32
      %sign3A_3311 = arith.cmpi slt, %jit3A_3298, %sign3A_3310 : i32
      %sign3A_3312 = arith.extui %sign3A_3311 : i1 to i32
      %sign3A_3313 = arith.subi %sign3A_3309, %sign3A_3312 : i32
      %ne3A_3314 = arith.cmpi ne, %sign3A_3306, %sign3A_3313 : i32
      %rem3A_3315 = arith.remsi %min3A_3297, %jit3A_3298 : i32
      %ne3A_3316 = arith.constant 0 : i32
      %ne3A_3317 = arith.cmpi ne, %rem3A_3315, %ne3A_3316 : i32
      %and3A_3318 = arith.andi %ne3A_3314, %ne3A_3317 : i1
      %sub3A_3319 = arith.constant 1 : i32
      %sub3A_3320 = arith.subi %div3A_3299, %sub3A_3319 : i32
      %select_n3A_3321 = arith.select %and3A_3318, %sub3A_3320, %div3A_3299 : i32
      %jit3A_3322 = arith.constant 128 : i32
      %eq3A_3323 = arith.constant 0 : i32
      %eq3A_3324 = arith.cmpi eq, %jit3A_3322, %eq3A_3323 : i32
      %jit3A_3325 = arith.constant 1 : i32
      %select_n3A_3326 = arith.select %eq3A_3324, %jit3A_3325, %jit3A_3322 : i32
      %rem3A_3327 = arith.remsi %min3A_3297, %select_n3A_3326 : i32
      %ne3A_3328 = arith.constant 0 : i32
      %ne3A_3329 = arith.cmpi ne, %rem3A_3327, %ne3A_3328 : i32
      %lt3A_3330 = arith.constant 0 : i32
      %lt3A_3331 = arith.cmpi slt, %rem3A_3327, %lt3A_3330 : i32
      %lt3A_3332 = arith.constant 0 : i32
      %lt3A_3333 = arith.cmpi slt, %select_n3A_3326, %lt3A_3332 : i32
      %ne3A_3334 = arith.xori %lt3A_3331, %lt3A_3333 : i1
      %and3A_3335 = arith.andi %ne3A_3334, %ne3A_3329 : i1
      %add3A_3336 = arith.addi %rem3A_3327, %select_n3A_3326 : i32
      %select_n3A_3337 = arith.select %and3A_3335, %add3A_3336, %rem3A_3327 : i32
      %get3A_3338 = arith.index_cast %select_n3A_3321 : i32 to index
      %get3A_3339 = arith.constant 0 : index
      %get3A_3340 = vector.load %arg5[%get3A_3338, %get3A_3339] : memref<512x128xf32, #tpu.memory_space<vmem>>, vector<1x128xf32>
      %eq3A_3341 = vector.broadcast %select_n3A_3337 : i32 to vector<1x128xi32>
      %eq3A_3342 = arith.cmpi eq, %iota3A, %eq3A_3341 : vector<1x128xi32>
      %and3A_3343 = vector.broadcast %scan3A_1528 : i1 to vector<1x128xi1>
      %and3A_3344 = arith.andi %eq3A_3342, %and3A_3343 : vector<1x128xi1>
      %jit3A_3345 = arith.constant -3.40282347E+38 : f32
      %broadcast_in_dim3A_3346 = vector.broadcast %jit3A_3345 : f32 to vector<1x128xf32>
      %select_n3A_3347 = arith.select %and3A_3344, %broadcast_in_dim3A_3346, %get3A_3340 : vector<1x128xi1>, vector<1x128xf32>
      %swap3A_3348 = arith.index_cast %select_n3A_3321 : i32 to index
      %swap3A_3349 = arith.constant 0 : index
      %swap3A_3350 = vector.load %arg5[%swap3A_3348, %swap3A_3349] : memref<512x128xf32, #tpu.memory_space<vmem>>, vector<1x128xf32>
      tpu.vector_store %arg5[%swap3A_3348, %swap3A_3349], %select_n3A_3347 {strides = array<i32>} : memref<512x128xf32, #tpu.memory_space<vmem>>, vector<1x128xf32>,
      %jit3A_3351 = arith.constant 65536 : i32
      %select_n3A_3352 = arith.select %scan3A_1528, %select_n3A_1619, %jit3A_3351 : i32
      %swap3A_3353 = arith.index_cast %scan3A_1527 : i32 to index
      %swap3A_3354 = arith.constant 0 : index
      %swap3A_3355 = memref.load %arg2[%swap3A_3353, %swap3A_3354] : memref<64x8xi32, #tpu.memory_space<smem>>
      memref.store %select_n3A_3352, %arg2[%swap3A_3353, %swap3A_3354] : memref<64x8xi32, #tpu.memory_space<smem>>
      %convert_element_type3A_3356 = arith.extui %scan3A_1528 : i1 to i32
      %swap3A_3357 = arith.index_cast %scan3A_1527 : i32 to index
      %swap3A_3358 = arith.constant 0 : index
      %swap3A_3359 = memref.load %arg3[%swap3A_3357, %swap3A_3358] : memref<64x8xi32, #tpu.memory_space<smem>>
      memref.store %convert_element_type3A_3356, %arg3[%swap3A_3357, %swap3A_3358] : memref<64x8xi32, #tpu.memory_space<smem>>
      %get3A_3360 = arith.index_cast %select_n3A_979 : i32 to index
      %get3A_3361 = arith.constant 0 : index
      %get3A_3362 = vector.load %arg5[%get3A_3360, %get3A_3361] : memref<512x128xf32, #tpu.memory_space<vmem>>, vector<1x128xf32>
      %get3A_3363 = arith.constant 0 : index
      %get3A_3364 = arith.index_cast %select_n3A_979 : i32 to index
      %get3A_3365 = arith.constant 0 : index
      %get3A_3366 = vector.load %arg1[%get3A_3363, %get3A_3364, %get3A_3365] : memref<4x512x128xf32, #tpu.memory_space<vmem>>, vector<1x1x128xf32>
      %get3A_3367 = vector.shape_cast %get3A_3366 : vector<1x1x128xf32> to vector<1x128xf32>
      %sub3A_3368 = vector.broadcast %reduce_sum3A_2320 : f32 to vector<1x128xf32>
      %sub3A_3369 = arith.subf %get3A_3367, %sub3A_3368 : vector<1x128xf32>
      %integer_pow3A_3370 = arith.mulf %sub3A_3369, %sub3A_3369 : vector<1x128xf32>
      %get3A_3371 = arith.constant 1 : index
      %get3A_3372 = arith.index_cast %select_n3A_979 : i32 to index
      %get3A_3373 = arith.constant 0 : index
      %get3A_3374 = vector.load %arg1[%get3A_3371, %get3A_3372, %get3A_3373] : memref<4x512x128xf32, #tpu.memory_space<vmem>>, vector<1x1x128xf32>
      %get3A_3375 = vector.shape_cast %get3A_3374 : vector<1x1x128xf32> to vector<1x128xf32>
      %sub3A_3376 = vector.broadcast %reduce_sum3A_2335 : f32 to vector<1x128xf32>
      %sub3A_3377 = arith.subf %get3A_3375, %sub3A_3376 : vector<1x128xf32>
      %integer_pow3A_3378 = arith.mulf %sub3A_3377, %sub3A_3377 : vector<1x128xf32>
      %add3A_3379 = arith.addf %integer_pow3A_3370, %integer_pow3A_3378 : vector<1x128xf32>
      %get3A_3380 = arith.constant 2 : index
      %get3A_3381 = arith.index_cast %select_n3A_979 : i32 to index
      %get3A_3382 = arith.constant 0 : index
      %get3A_3383 = vector.load %arg1[%get3A_3380, %get3A_3381, %get3A_3382] : memref<4x512x128xf32, #tpu.memory_space<vmem>>, vector<1x1x128xf32>
      %get3A_3384 = vector.shape_cast %get3A_3383 : vector<1x1x128xf32> to vector<1x128xf32>
      %sub3A_3385 = vector.broadcast %reduce_sum3A_2350 : f32 to vector<1x128xf32>
      %sub3A_3386 = arith.subf %get3A_3384, %sub3A_3385 : vector<1x128xf32>
      %integer_pow3A_3387 = arith.mulf %sub3A_3386, %sub3A_3386 : vector<1x128xf32>
      %add3A_3388 = arith.addf %add3A_3379, %integer_pow3A_3387 : vector<1x128xf32>
      %get3A_3389 = arith.constant 3 : index
      %get3A_3390 = arith.index_cast %select_n3A_979 : i32 to index
      %get3A_3391 = arith.constant 0 : index
      %get3A_3392 = vector.load %arg1[%get3A_3389, %get3A_3390, %get3A_3391] : memref<4x512x128xf32, #tpu.memory_space<vmem>>, vector<1x1x128xf32>
      %get3A_3393 = vector.shape_cast %get3A_3392 : vector<1x1x128xf32> to vector<1x128xf32>
      %sub3A_3394 = vector.broadcast %reduce_sum3A_2365 : f32 to vector<1x128xf32>
      %sub3A_3395 = arith.subf %get3A_3393, %sub3A_3394 : vector<1x128xf32>
      %integer_pow3A_3396 = arith.mulf %sub3A_3395, %sub3A_3395 : vector<1x128xf32>
      %add3A_3397 = arith.addf %add3A_3388, %integer_pow3A_3396 : vector<1x128xf32>
      %eq3A_3398 = arith.constant 0 : i32
      %eq3A_3399 = arith.cmpi eq, %scan3A_1527, %eq3A_3398 : i32
      %min3A_3400 = arith.minimumf %get3A_3362, %add3A_3397 : vector<1x128xf32>
      %select_n3A_3401 = arith.select %eq3A_3399, %add3A_3397, %min3A_3400 : vector<1x128xf32>
      %and3A_3402 = vector.broadcast %scan3A_1529 : i1 to vector<1x128xi1>
      %and3A_3403 = arith.andi %and3A_1014, %and3A_3402 : vector<1x128xi1>
      %select_n3A_3404 = arith.select %and3A_3403, %select_n3A_3401, %get3A_3362 : vector<1x128xi1>, vector<1x128xf32>
      %not3A_3405 = arith.constant true
      %not3A_3406 = arith.xori %and3A_2263, %not3A_3405 : i1
      %and3A_3407 = vector.broadcast %not3A_3406 : i1 to vector<1x128xi1>
      %and3A_3408 = arith.andi %and3A_1014, %and3A_3407 : vector<1x128xi1>
      %jit3A_3409 = arith.constant -3.40282347E+38 : f32
      %broadcast_in_dim3A_3410 = vector.broadcast %jit3A_3409 : f32 to vector<1x128xf32>
      %select_n3A_3411 = arith.select %and3A_3408, %broadcast_in_dim3A_3410, %select_n3A_3404 : vector<1x128xi1>, vector<1x128xf32>
      %swap3A_3412 = arith.index_cast %select_n3A_979 : i32 to index
      %swap3A_3413 = arith.constant 0 : index
      %swap3A_3414 = vector.load %arg5[%swap3A_3412, %swap3A_3413] : memref<512x128xf32, #tpu.memory_space<vmem>>, vector<1x128xf32>
      tpu.vector_store %arg5[%swap3A_3412, %swap3A_3413], %select_n3A_3411 {strides = array<i32>} : memref<512x128xf32, #tpu.memory_space<vmem>>, vector<1x128xf32>,
      %get3A_3415 = arith.index_cast %min3A_1005 : i32 to index
      %get3A_3416 = arith.constant 0 : index
      %get3A_3417 = vector.load %arg5[%get3A_3415, %get3A_3416] : memref<512x128xf32, #tpu.memory_space<vmem>>, vector<1x128xf32>
      %get3A_3418 = arith.constant 0 : index
      %get3A_3419 = arith.index_cast %min3A_1005 : i32 to index
      %get3A_3420 = arith.constant 0 : index
      %get3A_3421 = vector.load %arg1[%get3A_3418, %get3A_3419, %get3A_3420] : memref<4x512x128xf32, #tpu.memory_space<vmem>>, vector<1x1x128xf32>
      %get3A_3422 = vector.shape_cast %get3A_3421 : vector<1x1x128xf32> to vector<1x128xf32>
      %sub3A_3423 = vector.broadcast %reduce_sum3A_2320 : f32 to vector<1x128xf32>
      %sub3A_3424 = arith.subf %get3A_3422, %sub3A_3423 : vector<1x128xf32>
      %integer_pow3A_3425 = arith.mulf %sub3A_3424, %sub3A_3424 : vector<1x128xf32>
      %get3A_3426 = arith.constant 1 : index
      %get3A_3427 = arith.index_cast %min3A_1005 : i32 to index
      %get3A_3428 = arith.constant 0 : index
      %get3A_3429 = vector.load %arg1[%get3A_3426, %get3A_3427, %get3A_3428] : memref<4x512x128xf32, #tpu.memory_space<vmem>>, vector<1x1x128xf32>
      %get3A_3430 = vector.shape_cast %get3A_3429 : vector<1x1x128xf32> to vector<1x128xf32>
      %sub3A_3431 = vector.broadcast %reduce_sum3A_2335 : f32 to vector<1x128xf32>
      %sub3A_3432 = arith.subf %get3A_3430, %sub3A_3431 : vector<1x128xf32>
      %integer_pow3A_3433 = arith.mulf %sub3A_3432, %sub3A_3432 : vector<1x128xf32>
      %add3A_3434 = arith.addf %integer_pow3A_3425, %integer_pow3A_3433 : vector<1x128xf32>
      %get3A_3435 = arith.constant 2 : index
      %get3A_3436 = arith.index_cast %min3A_1005 : i32 to index
      %get3A_3437 = arith.constant 0 : index
      %get3A_3438 = vector.load %arg1[%get3A_3435, %get3A_3436, %get3A_3437] : memref<4x512x128xf32, #tpu.memory_space<vmem>>, vector<1x1x128xf32>
      %get3A_3439 = vector.shape_cast %get3A_3438 : vector<1x1x128xf32> to vector<1x128xf32>
      %sub3A_3440 = vector.broadcast %reduce_sum3A_2350 : f32 to vector<1x128xf32>
      %sub3A_3441 = arith.subf %get3A_3439, %sub3A_3440 : vector<1x128xf32>
      %integer_pow3A_3442 = arith.mulf %sub3A_3441, %sub3A_3441 : vector<1x128xf32>
      %add3A_3443 = arith.addf %add3A_3434, %integer_pow3A_3442 : vector<1x128xf32>
      %get3A_3444 = arith.constant 3 : index
      %get3A_3445 = arith.index_cast %min3A_1005 : i32 to index
      %get3A_3446 = arith.constant 0 : index
      %get3A_3447 = vector.load %arg1[%get3A_3444, %get3A_3445, %get3A_3446] : memref<4x512x128xf32, #tpu.memory_space<vmem>>, vector<1x1x128xf32>
      %get3A_3448 = vector.shape_cast %get3A_3447 : vector<1x1x128xf32> to vector<1x128xf32>
      %sub3A_3449 = vector.broadcast %reduce_sum3A_2365 : f32 to vector<1x128xf32>
      %sub3A_3450 = arith.subf %get3A_3448, %sub3A_3449 : vector<1x128xf32>
      %integer_pow3A_3451 = arith.mulf %sub3A_3450, %sub3A_3450 : vector<1x128xf32>
      %add3A_3452 = arith.addf %add3A_3443, %integer_pow3A_3451 : vector<1x128xf32>
      %eq3A_3453 = arith.constant 0 : i32
      %eq3A_3454 = arith.cmpi eq, %scan3A_1527, %eq3A_3453 : i32
      %min3A_3455 = arith.minimumf %get3A_3417, %add3A_3452 : vector<1x128xf32>
      %select_n3A_3456 = arith.select %eq3A_3454, %add3A_3452, %min3A_3455 : vector<1x128xf32>
      %and3A_3457 = vector.broadcast %scan3A_1529 : i1 to vector<1x128xi1>
      %and3A_3458 = arith.andi %and3A_1023, %and3A_3457 : vector<1x128xi1>
      %select_n3A_3459 = arith.select %and3A_3458, %select_n3A_3456, %get3A_3417 : vector<1x128xi1>, vector<1x128xf32>
      %not3A_3460 = arith.constant true
      %not3A_3461 = arith.xori %and3A_2263, %not3A_3460 : i1
      %and3A_3462 = vector.broadcast %not3A_3461 : i1 to vector<1x128xi1>
      %and3A_3463 = arith.andi %and3A_1023, %and3A_3462 : vector<1x128xi1>
      %jit3A_3464 = arith.constant -3.40282347E+38 : f32
      %broadcast_in_dim3A_3465 = vector.broadcast %jit3A_3464 : f32 to vector<1x128xf32>
      %select_n3A_3466 = arith.select %and3A_3463, %broadcast_in_dim3A_3465, %select_n3A_3459 : vector<1x128xi1>, vector<1x128xf32>
      %swap3A_3467 = arith.index_cast %min3A_1005 : i32 to index
      %swap3A_3468 = arith.constant 0 : index
      %swap3A_3469 = vector.load %arg5[%swap3A_3467, %swap3A_3468] : memref<512x128xf32, #tpu.memory_space<vmem>>, vector<1x128xf32>
      tpu.vector_store %arg5[%swap3A_3467, %swap3A_3468], %select_n3A_3466 {strides = array<i32>} : memref<512x128xf32, #tpu.memory_space<vmem>>, vector<1x128xf32>,
      %min3A_3470 = arith.constant 65535 : i32
      %min3A_3471 = arith.minsi %select_n3A_1691, %min3A_3470 : i32
      %jit3A_3472 = arith.constant 128 : i32
      %div3A_3473 = arith.divsi %min3A_3471, %jit3A_3472 : i32
      %sign3A_3474 = arith.constant 0 : i32
      %sign3A_3475 = arith.cmpi sgt, %min3A_3471, %sign3A_3474 : i32
      %sign3A_3476 = arith.extui %sign3A_3475 : i1 to i32
      %sign3A_3477 = arith.constant 0 : i32
      %sign3A_3478 = arith.cmpi slt, %min3A_3471, %sign3A_3477 : i32
      %sign3A_3479 = arith.extui %sign3A_3478 : i1 to i32
      %sign3A_3480 = arith.subi %sign3A_3476, %sign3A_3479 : i32
      %sign3A_3481 = arith.constant 0 : i32
      %sign3A_3482 = arith.cmpi sgt, %jit3A_3472, %sign3A_3481 : i32
      %sign3A_3483 = arith.extui %sign3A_3482 : i1 to i32
      %sign3A_3484 = arith.constant 0 : i32
      %sign3A_3485 = arith.cmpi slt, %jit3A_3472, %sign3A_3484 : i32
      %sign3A_3486 = arith.extui %sign3A_3485 : i1 to i32
      %sign3A_3487 = arith.subi %sign3A_3483, %sign3A_3486 : i32
      %ne3A_3488 = arith.cmpi ne, %sign3A_3480, %sign3A_3487 : i32
      %rem3A_3489 = arith.remsi %min3A_3471, %jit3A_3472 : i32
      %ne3A_3490 = arith.constant 0 : i32
      %ne3A_3491 = arith.cmpi ne, %rem3A_3489, %ne3A_3490 : i32
      %and3A_3492 = arith.andi %ne3A_3488, %ne3A_3491 : i1
      %sub3A_3493 = arith.constant 1 : i32
      %sub3A_3494 = arith.subi %div3A_3473, %sub3A_3493 : i32
      %select_n3A_3495 = arith.select %and3A_3492, %sub3A_3494, %div3A_3473 : i32
      %jit3A_3496 = arith.constant 128 : i32
      %eq3A_3497 = arith.constant 0 : i32
      %eq3A_3498 = arith.cmpi eq, %jit3A_3496, %eq3A_3497 : i32
      %jit3A_3499 = arith.constant 1 : i32
      %select_n3A_3500 = arith.select %eq3A_3498, %jit3A_3499, %jit3A_3496 : i32
      %rem3A_3501 = arith.remsi %min3A_3471, %select_n3A_3500 : i32
      %ne3A_3502 = arith.constant 0 : i32
      %ne3A_3503 = arith.cmpi ne, %rem3A_3501, %ne3A_3502 : i32
      %lt3A_3504 = arith.constant 0 : i32
      %lt3A_3505 = arith.cmpi slt, %rem3A_3501, %lt3A_3504 : i32
      %lt3A_3506 = arith.constant 0 : i32
      %lt3A_3507 = arith.cmpi slt, %select_n3A_3500, %lt3A_3506 : i32
      %ne3A_3508 = arith.xori %lt3A_3505, %lt3A_3507 : i1
      %and3A_3509 = arith.andi %ne3A_3508, %ne3A_3503 : i1
      %add3A_3510 = arith.addi %rem3A_3501, %select_n3A_3500 : i32
      %select_n3A_3511 = arith.select %and3A_3509, %add3A_3510, %rem3A_3501 : i32
      %get3A_3512 = arith.index_cast %select_n3A_3495 : i32 to index
      %get3A_3513 = arith.constant 0 : index
      %get3A_3514 = vector.load %arg5[%get3A_3512, %get3A_3513] : memref<512x128xf32, #tpu.memory_space<vmem>>, vector<1x128xf32>
      %eq3A_3515 = vector.broadcast %select_n3A_3511 : i32 to vector<1x128xi32>
      %eq3A_3516 = arith.cmpi eq, %iota3A, %eq3A_3515 : vector<1x128xi32>
      %and3A_3517 = vector.broadcast %scan3A_1529 : i1 to vector<1x128xi1>
      %and3A_3518 = arith.andi %eq3A_3516, %and3A_3517 : vector<1x128xi1>
      %jit3A_3519 = arith.constant -3.40282347E+38 : f32
      %broadcast_in_dim3A_3520 = vector.broadcast %jit3A_3519 : f32 to vector<1x128xf32>
      %select_n3A_3521 = arith.select %and3A_3518, %broadcast_in_dim3A_3520, %get3A_3514 : vector<1x128xi1>, vector<1x128xf32>
      %swap3A_3522 = arith.index_cast %select_n3A_3495 : i32 to index
      %swap3A_3523 = arith.constant 0 : index
      %swap3A_3524 = vector.load %arg5[%swap3A_3522, %swap3A_3523] : memref<512x128xf32, #tpu.memory_space<vmem>>, vector<1x128xf32>
      tpu.vector_store %arg5[%swap3A_3522, %swap3A_3523], %select_n3A_3521 {strides = array<i32>} : memref<512x128xf32, #tpu.memory_space<vmem>>, vector<1x128xf32>,
      %jit3A_3525 = arith.constant 65536 : i32
      %select_n3A_3526 = arith.select %scan3A_1529, %select_n3A_1691, %jit3A_3525 : i32
      %swap3A_3527 = arith.index_cast %scan3A_1527 : i32 to index
      %swap3A_3528 = arith.constant 1 : index
      %swap3A_3529 = memref.load %arg2[%swap3A_3527, %swap3A_3528] : memref<64x8xi32, #tpu.memory_space<smem>>
      memref.store %select_n3A_3526, %arg2[%swap3A_3527, %swap3A_3528] : memref<64x8xi32, #tpu.memory_space<smem>>
      %convert_element_type3A_3530 = arith.extui %scan3A_1529 : i1 to i32
      %swap3A_3531 = arith.index_cast %scan3A_1527 : i32 to index
      %swap3A_3532 = arith.constant 1 : index
      %swap3A_3533 = memref.load %arg3[%swap3A_3531, %swap3A_3532] : memref<64x8xi32, #tpu.memory_space<smem>>
      memref.store %convert_element_type3A_3530, %arg3[%swap3A_3531, %swap3A_3532] : memref<64x8xi32, #tpu.memory_space<smem>>
      %get3A_3534 = arith.index_cast %select_n3A_1062 : i32 to index
      %get3A_3535 = arith.constant 0 : index
      %get3A_3536 = vector.load %arg5[%get3A_3534, %get3A_3535] : memref<512x128xf32, #tpu.memory_space<vmem>>, vector<1x128xf32>
      %get3A_3537 = arith.constant 0 : index
      %get3A_3538 = arith.index_cast %select_n3A_1062 : i32 to index
      %get3A_3539 = arith.constant 0 : index
      %get3A_3540 = vector.load %arg1[%get3A_3537, %get3A_3538, %get3A_3539] : memref<4x512x128xf32, #tpu.memory_space<vmem>>, vector<1x1x128xf32>
      %get3A_3541 = vector.shape_cast %get3A_3540 : vector<1x1x128xf32> to vector<1x128xf32>
      %sub3A_3542 = vector.broadcast %reduce_sum3A_2444 : f32 to vector<1x128xf32>
      %sub3A_3543 = arith.subf %get3A_3541, %sub3A_3542 : vector<1x128xf32>
      %integer_pow3A_3544 = arith.mulf %sub3A_3543, %sub3A_3543 : vector<1x128xf32>
      %get3A_3545 = arith.constant 1 : index
      %get3A_3546 = arith.index_cast %select_n3A_1062 : i32 to index
      %get3A_3547 = arith.constant 0 : index
      %get3A_3548 = vector.load %arg1[%get3A_3545, %get3A_3546, %get3A_3547] : memref<4x512x128xf32, #tpu.memory_space<vmem>>, vector<1x1x128xf32>
      %get3A_3549 = vector.shape_cast %get3A_3548 : vector<1x1x128xf32> to vector<1x128xf32>
      %sub3A_3550 = vector.broadcast %reduce_sum3A_2459 : f32 to vector<1x128xf32>
      %sub3A_3551 = arith.subf %get3A_3549, %sub3A_3550 : vector<1x128xf32>
      %integer_pow3A_3552 = arith.mulf %sub3A_3551, %sub3A_3551 : vector<1x128xf32>
      %add3A_3553 = arith.addf %integer_pow3A_3544, %integer_pow3A_3552 : vector<1x128xf32>
      %get3A_3554 = arith.constant 2 : index
      %get3A_3555 = arith.index_cast %select_n3A_1062 : i32 to index
      %get3A_3556 = arith.constant 0 : index
      %get3A_3557 = vector.load %arg1[%get3A_3554, %get3A_3555, %get3A_3556] : memref<4x512x128xf32, #tpu.memory_space<vmem>>, vector<1x1x128xf32>
      %get3A_3558 = vector.shape_cast %get3A_3557 : vector<1x1x128xf32> to vector<1x128xf32>
      %sub3A_3559 = vector.broadcast %reduce_sum3A_2474 : f32 to vector<1x128xf32>
      %sub3A_3560 = arith.subf %get3A_3558, %sub3A_3559 : vector<1x128xf32>
      %integer_pow3A_3561 = arith.mulf %sub3A_3560, %sub3A_3560 : vector<1x128xf32>
      %add3A_3562 = arith.addf %add3A_3553, %integer_pow3A_3561 : vector<1x128xf32>
      %get3A_3563 = arith.constant 3 : index
      %get3A_3564 = arith.index_cast %select_n3A_1062 : i32 to index
      %get3A_3565 = arith.constant 0 : index
      %get3A_3566 = vector.load %arg1[%get3A_3563, %get3A_3564, %get3A_3565] : memref<4x512x128xf32, #tpu.memory_space<vmem>>, vector<1x1x128xf32>
      %get3A_3567 = vector.shape_cast %get3A_3566 : vector<1x1x128xf32> to vector<1x128xf32>
      %sub3A_3568 = vector.broadcast %reduce_sum3A_2489 : f32 to vector<1x128xf32>
      %sub3A_3569 = arith.subf %get3A_3567, %sub3A_3568 : vector<1x128xf32>
      %integer_pow3A_3570 = arith.mulf %sub3A_3569, %sub3A_3569 : vector<1x128xf32>
      %add3A_3571 = arith.addf %add3A_3562, %integer_pow3A_3570 : vector<1x128xf32>
      %eq3A_3572 = arith.constant 0 : i32
      %eq3A_3573 = arith.cmpi eq, %scan3A_1527, %eq3A_3572 : i32
      %min3A_3574 = arith.minimumf %get3A_3536, %add3A_3571 : vector<1x128xf32>
      %select_n3A_3575 = arith.select %eq3A_3573, %add3A_3571, %min3A_3574 : vector<1x128xf32>
      %and3A_3576 = vector.broadcast %scan3A_1530 : i1 to vector<1x128xi1>
      %and3A_3577 = arith.andi %and3A_1097, %and3A_3576 : vector<1x128xi1>
      %select_n3A_3578 = arith.select %and3A_3577, %select_n3A_3575, %get3A_3536 : vector<1x128xi1>, vector<1x128xf32>
      %not3A_3579 = arith.constant true
      %not3A_3580 = arith.xori %and3A_2387, %not3A_3579 : i1
      %and3A_3581 = vector.broadcast %not3A_3580 : i1 to vector<1x128xi1>
      %and3A_3582 = arith.andi %and3A_1097, %and3A_3581 : vector<1x128xi1>
      %jit3A_3583 = arith.constant -3.40282347E+38 : f32
      %broadcast_in_dim3A_3584 = vector.broadcast %jit3A_3583 : f32 to vector<1x128xf32>
      %select_n3A_3585 = arith.select %and3A_3582, %broadcast_in_dim3A_3584, %select_n3A_3578 : vector<1x128xi1>, vector<1x128xf32>
      %swap3A_3586 = arith.index_cast %select_n3A_1062 : i32 to index
      %swap3A_3587 = arith.constant 0 : index
      %swap3A_3588 = vector.load %arg5[%swap3A_3586, %swap3A_3587] : memref<512x128xf32, #tpu.memory_space<vmem>>, vector<1x128xf32>
      tpu.vector_store %arg5[%swap3A_3586, %swap3A_3587], %select_n3A_3585 {strides = array<i32>} : memref<512x128xf32, #tpu.memory_space<vmem>>, vector<1x128xf32>,
      %get3A_3589 = arith.index_cast %min3A_1088 : i32 to index
      %get3A_3590 = arith.constant 0 : index
      %get3A_3591 = vector.load %arg5[%get3A_3589, %get3A_3590] : memref<512x128xf32, #tpu.memory_space<vmem>>, vector<1x128xf32>
      %get3A_3592 = arith.constant 0 : index
      %get3A_3593 = arith.index_cast %min3A_1088 : i32 to index
      %get3A_3594 = arith.constant 0 : index
      %get3A_3595 = vector.load %arg1[%get3A_3592, %get3A_3593, %get3A_3594] : memref<4x512x128xf32, #tpu.memory_space<vmem>>, vector<1x1x128xf32>
      %get3A_3596 = vector.shape_cast %get3A_3595 : vector<1x1x128xf32> to vector<1x128xf32>
      %sub3A_3597 = vector.broadcast %reduce_sum3A_2444 : f32 to vector<1x128xf32>
      %sub3A_3598 = arith.subf %get3A_3596, %sub3A_3597 : vector<1x128xf32>
      %integer_pow3A_3599 = arith.mulf %sub3A_3598, %sub3A_3598 : vector<1x128xf32>
      %get3A_3600 = arith.constant 1 : index
      %get3A_3601 = arith.index_cast %min3A_1088 : i32 to index
      %get3A_3602 = arith.constant 0 : index
      %get3A_3603 = vector.load %arg1[%get3A_3600, %get3A_3601, %get3A_3602] : memref<4x512x128xf32, #tpu.memory_space<vmem>>, vector<1x1x128xf32>
      %get3A_3604 = vector.shape_cast %get3A_3603 : vector<1x1x128xf32> to vector<1x128xf32>
      %sub3A_3605 = vector.broadcast %reduce_sum3A_2459 : f32 to vector<1x128xf32>
      %sub3A_3606 = arith.subf %get3A_3604, %sub3A_3605 : vector<1x128xf32>
      %integer_pow3A_3607 = arith.mulf %sub3A_3606, %sub3A_3606 : vector<1x128xf32>
      %add3A_3608 = arith.addf %integer_pow3A_3599, %integer_pow3A_3607 : vector<1x128xf32>
      %get3A_3609 = arith.constant 2 : index
      %get3A_3610 = arith.index_cast %min3A_1088 : i32 to index
      %get3A_3611 = arith.constant 0 : index
      %get3A_3612 = vector.load %arg1[%get3A_3609, %get3A_3610, %get3A_3611] : memref<4x512x128xf32, #tpu.memory_space<vmem>>, vector<1x1x128xf32>
      %get3A_3613 = vector.shape_cast %get3A_3612 : vector<1x1x128xf32> to vector<1x128xf32>
      %sub3A_3614 = vector.broadcast %reduce_sum3A_2474 : f32 to vector<1x128xf32>
      %sub3A_3615 = arith.subf %get3A_3613, %sub3A_3614 : vector<1x128xf32>
      %integer_pow3A_3616 = arith.mulf %sub3A_3615, %sub3A_3615 : vector<1x128xf32>
      %add3A_3617 = arith.addf %add3A_3608, %integer_pow3A_3616 : vector<1x128xf32>
      %get3A_3618 = arith.constant 3 : index
      %get3A_3619 = arith.index_cast %min3A_1088 : i32 to index
      %get3A_3620 = arith.constant 0 : index
      %get3A_3621 = vector.load %arg1[%get3A_3618, %get3A_3619, %get3A_3620] : memref<4x512x128xf32, #tpu.memory_space<vmem>>, vector<1x1x128xf32>
      %get3A_3622 = vector.shape_cast %get3A_3621 : vector<1x1x128xf32> to vector<1x128xf32>
      %sub3A_3623 = vector.broadcast %reduce_sum3A_2489 : f32 to vector<1x128xf32>
      %sub3A_3624 = arith.subf %get3A_3622, %sub3A_3623 : vector<1x128xf32>
      %integer_pow3A_3625 = arith.mulf %sub3A_3624, %sub3A_3624 : vector<1x128xf32>
      %add3A_3626 = arith.addf %add3A_3617, %integer_pow3A_3625 : vector<1x128xf32>
      %eq3A_3627 = arith.constant 0 : i32
      %eq3A_3628 = arith.cmpi eq, %scan3A_1527, %eq3A_3627 : i32
      %min3A_3629 = arith.minimumf %get3A_3591, %add3A_3626 : vector<1x128xf32>
      %select_n3A_3630 = arith.select %eq3A_3628, %add3A_3626, %min3A_3629 : vector<1x128xf32>
      %and3A_3631 = vector.broadcast %scan3A_1530 : i1 to vector<1x128xi1>
      %and3A_3632 = arith.andi %and3A_1106, %and3A_3631 : vector<1x128xi1>
      %select_n3A_3633 = arith.select %and3A_3632, %select_n3A_3630, %get3A_3591 : vector<1x128xi1>, vector<1x128xf32>
      %not3A_3634 = arith.constant true
      %not3A_3635 = arith.xori %and3A_2387, %not3A_3634 : i1
      %and3A_3636 = vector.broadcast %not3A_3635 : i1 to vector<1x128xi1>
      %and3A_3637 = arith.andi %and3A_1106, %and3A_3636 : vector<1x128xi1>
      %jit3A_3638 = arith.constant -3.40282347E+38 : f32
      %broadcast_in_dim3A_3639 = vector.broadcast %jit3A_3638 : f32 to vector<1x128xf32>
      %select_n3A_3640 = arith.select %and3A_3637, %broadcast_in_dim3A_3639, %select_n3A_3633 : vector<1x128xi1>, vector<1x128xf32>
      %swap3A_3641 = arith.index_cast %min3A_1088 : i32 to index
      %swap3A_3642 = arith.constant 0 : index
      %swap3A_3643 = vector.load %arg5[%swap3A_3641, %swap3A_3642] : memref<512x128xf32, #tpu.memory_space<vmem>>, vector<1x128xf32>
      tpu.vector_store %arg5[%swap3A_3641, %swap3A_3642], %select_n3A_3640 {strides = array<i32>} : memref<512x128xf32, #tpu.memory_space<vmem>>, vector<1x128xf32>,
      %min3A_3644 = arith.constant 65535 : i32
      %min3A_3645 = arith.minsi %select_n3A_1763, %min3A_3644 : i32
      %jit3A_3646 = arith.constant 128 : i32
      %div3A_3647 = arith.divsi %min3A_3645, %jit3A_3646 : i32
      %sign3A_3648 = arith.constant 0 : i32
      %sign3A_3649 = arith.cmpi sgt, %min3A_3645, %sign3A_3648 : i32
      %sign3A_3650 = arith.extui %sign3A_3649 : i1 to i32
      %sign3A_3651 = arith.constant 0 : i32
      %sign3A_3652 = arith.cmpi slt, %min3A_3645, %sign3A_3651 : i32
      %sign3A_3653 = arith.extui %sign3A_3652 : i1 to i32
      %sign3A_3654 = arith.subi %sign3A_3650, %sign3A_3653 : i32
      %sign3A_3655 = arith.constant 0 : i32
      %sign3A_3656 = arith.cmpi sgt, %jit3A_3646, %sign3A_3655 : i32
      %sign3A_3657 = arith.extui %sign3A_3656 : i1 to i32
      %sign3A_3658 = arith.constant 0 : i32
      %sign3A_3659 = arith.cmpi slt, %jit3A_3646, %sign3A_3658 : i32
      %sign3A_3660 = arith.extui %sign3A_3659 : i1 to i32
      %sign3A_3661 = arith.subi %sign3A_3657, %sign3A_3660 : i32
      %ne3A_3662 = arith.cmpi ne, %sign3A_3654, %sign3A_3661 : i32
      %rem3A_3663 = arith.remsi %min3A_3645, %jit3A_3646 : i32
      %ne3A_3664 = arith.constant 0 : i32
      %ne3A_3665 = arith.cmpi ne, %rem3A_3663, %ne3A_3664 : i32
      %and3A_3666 = arith.andi %ne3A_3662, %ne3A_3665 : i1
      %sub3A_3667 = arith.constant 1 : i32
      %sub3A_3668 = arith.subi %div3A_3647, %sub3A_3667 : i32
      %select_n3A_3669 = arith.select %and3A_3666, %sub3A_3668, %div3A_3647 : i32
      %jit3A_3670 = arith.constant 128 : i32
      %eq3A_3671 = arith.constant 0 : i32
      %eq3A_3672 = arith.cmpi eq, %jit3A_3670, %eq3A_3671 : i32
      %jit3A_3673 = arith.constant 1 : i32
      %select_n3A_3674 = arith.select %eq3A_3672, %jit3A_3673, %jit3A_3670 : i32
      %rem3A_3675 = arith.remsi %min3A_3645, %select_n3A_3674 : i32
      %ne3A_3676 = arith.constant 0 : i32
      %ne3A_3677 = arith.cmpi ne, %rem3A_3675, %ne3A_3676 : i32
      %lt3A_3678 = arith.constant 0 : i32
      %lt3A_3679 = arith.cmpi slt, %rem3A_3675, %lt3A_3678 : i32
      %lt3A_3680 = arith.constant 0 : i32
      %lt3A_3681 = arith.cmpi slt, %select_n3A_3674, %lt3A_3680 : i32
      %ne3A_3682 = arith.xori %lt3A_3679, %lt3A_3681 : i1
      %and3A_3683 = arith.andi %ne3A_3682, %ne3A_3677 : i1
      %add3A_3684 = arith.addi %rem3A_3675, %select_n3A_3674 : i32
      %select_n3A_3685 = arith.select %and3A_3683, %add3A_3684, %rem3A_3675 : i32
      %get3A_3686 = arith.index_cast %select_n3A_3669 : i32 to index
      %get3A_3687 = arith.constant 0 : index
      %get3A_3688 = vector.load %arg5[%get3A_3686, %get3A_3687] : memref<512x128xf32, #tpu.memory_space<vmem>>, vector<1x128xf32>
      %eq3A_3689 = vector.broadcast %select_n3A_3685 : i32 to vector<1x128xi32>
      %eq3A_3690 = arith.cmpi eq, %iota3A, %eq3A_3689 : vector<1x128xi32>
      %and3A_3691 = vector.broadcast %scan3A_1530 : i1 to vector<1x128xi1>
      %and3A_3692 = arith.andi %eq3A_3690, %and3A_3691 : vector<1x128xi1>
      %jit3A_3693 = arith.constant -3.40282347E+38 : f32
      %broadcast_in_dim3A_3694 = vector.broadcast %jit3A_3693 : f32 to vector<1x128xf32>
      %select_n3A_3695 = arith.select %and3A_3692, %broadcast_in_dim3A_3694, %get3A_3688 : vector<1x128xi1>, vector<1x128xf32>
      %swap3A_3696 = arith.index_cast %select_n3A_3669 : i32 to index
      %swap3A_3697 = arith.constant 0 : index
      %swap3A_3698 = vector.load %arg5[%swap3A_3696, %swap3A_3697] : memref<512x128xf32, #tpu.memory_space<vmem>>, vector<1x128xf32>
      tpu.vector_store %arg5[%swap3A_3696, %swap3A_3697], %select_n3A_3695 {strides = array<i32>} : memref<512x128xf32, #tpu.memory_space<vmem>>, vector<1x128xf32>,
      %jit3A_3699 = arith.constant 65536 : i32
      %select_n3A_3700 = arith.select %scan3A_1530, %select_n3A_1763, %jit3A_3699 : i32
      %swap3A_3701 = arith.index_cast %scan3A_1527 : i32 to index
      %swap3A_3702 = arith.constant 2 : index
      %swap3A_3703 = memref.load %arg2[%swap3A_3701, %swap3A_3702] : memref<64x8xi32, #tpu.memory_space<smem>>
      memref.store %select_n3A_3700, %arg2[%swap3A_3701, %swap3A_3702] : memref<64x8xi32, #tpu.memory_space<smem>>
      %convert_element_type3A_3704 = arith.extui %scan3A_1530 : i1 to i32
      %swap3A_3705 = arith.index_cast %scan3A_1527 : i32 to index
      %swap3A_3706 = arith.constant 2 : index
      %swap3A_3707 = memref.load %arg3[%swap3A_3705, %swap3A_3706] : memref<64x8xi32, #tpu.memory_space<smem>>
      memref.store %convert_element_type3A_3704, %arg3[%swap3A_3705, %swap3A_3706] : memref<64x8xi32, #tpu.memory_space<smem>>
      %get3A_3708 = arith.index_cast %select_n3A_1145 : i32 to index
      %get3A_3709 = arith.constant 0 : index
      %get3A_3710 = vector.load %arg5[%get3A_3708, %get3A_3709] : memref<512x128xf32, #tpu.memory_space<vmem>>, vector<1x128xf32>
      %get3A_3711 = arith.constant 0 : index
      %get3A_3712 = arith.index_cast %select_n3A_1145 : i32 to index
      %get3A_3713 = arith.constant 0 : index
      %get3A_3714 = vector.load %arg1[%get3A_3711, %get3A_3712, %get3A_3713] : memref<4x512x128xf32, #tpu.memory_space<vmem>>, vector<1x1x128xf32>
      %get3A_3715 = vector.shape_cast %get3A_3714 : vector<1x1x128xf32> to vector<1x128xf32>
      %sub3A_3716 = vector.broadcast %reduce_sum3A_2568 : f32 to vector<1x128xf32>
      %sub3A_3717 = arith.subf %get3A_3715, %sub3A_3716 : vector<1x128xf32>
      %integer_pow3A_3718 = arith.mulf %sub3A_3717, %sub3A_3717 : vector<1x128xf32>
      %get3A_3719 = arith.constant 1 : index
      %get3A_3720 = arith.index_cast %select_n3A_1145 : i32 to index
      %get3A_3721 = arith.constant 0 : index
      %get3A_3722 = vector.load %arg1[%get3A_3719, %get3A_3720, %get3A_3721] : memref<4x512x128xf32, #tpu.memory_space<vmem>>, vector<1x1x128xf32>
      %get3A_3723 = vector.shape_cast %get3A_3722 : vector<1x1x128xf32> to vector<1x128xf32>
      %sub3A_3724 = vector.broadcast %reduce_sum3A_2583 : f32 to vector<1x128xf32>
      %sub3A_3725 = arith.subf %get3A_3723, %sub3A_3724 : vector<1x128xf32>
      %integer_pow3A_3726 = arith.mulf %sub3A_3725, %sub3A_3725 : vector<1x128xf32>
      %add3A_3727 = arith.addf %integer_pow3A_3718, %integer_pow3A_3726 : vector<1x128xf32>
      %get3A_3728 = arith.constant 2 : index
      %get3A_3729 = arith.index_cast %select_n3A_1145 : i32 to index
      %get3A_3730 = arith.constant 0 : index
      %get3A_3731 = vector.load %arg1[%get3A_3728, %get3A_3729, %get3A_3730] : memref<4x512x128xf32, #tpu.memory_space<vmem>>, vector<1x1x128xf32>
      %get3A_3732 = vector.shape_cast %get3A_3731 : vector<1x1x128xf32> to vector<1x128xf32>
      %sub3A_3733 = vector.broadcast %reduce_sum3A_2598 : f32 to vector<1x128xf32>
      %sub3A_3734 = arith.subf %get3A_3732, %sub3A_3733 : vector<1x128xf32>
      %integer_pow3A_3735 = arith.mulf %sub3A_3734, %sub3A_3734 : vector<1x128xf32>
      %add3A_3736 = arith.addf %add3A_3727, %integer_pow3A_3735 : vector<1x128xf32>
      %get3A_3737 = arith.constant 3 : index
      %get3A_3738 = arith.index_cast %select_n3A_1145 : i32 to index
      %get3A_3739 = arith.constant 0 : index
      %get3A_3740 = vector.load %arg1[%get3A_3737, %get3A_3738, %get3A_3739] : memref<4x512x128xf32, #tpu.memory_space<vmem>>, vector<1x1x128xf32>
      %get3A_3741 = vector.shape_cast %get3A_3740 : vector<1x1x128xf32> to vector<1x128xf32>
      %sub3A_3742 = vector.broadcast %reduce_sum3A_2613 : f32 to vector<1x128xf32>
      %sub3A_3743 = arith.subf %get3A_3741, %sub3A_3742 : vector<1x128xf32>
      %integer_pow3A_3744 = arith.mulf %sub3A_3743, %sub3A_3743 : vector<1x128xf32>
      %add3A_3745 = arith.addf %add3A_3736, %integer_pow3A_3744 : vector<1x128xf32>
      %eq3A_3746 = arith.constant 0 : i32
      %eq3A_3747 = arith.cmpi eq, %scan3A_1527, %eq3A_3746 : i32
      %min3A_3748 = arith.minimumf %get3A_3710, %add3A_3745 : vector<1x128xf32>
      %select_n3A_3749 = arith.select %eq3A_3747, %add3A_3745, %min3A_3748 : vector<1x128xf32>
      %and3A_3750 = vector.broadcast %scan3A_1531 : i1 to vector<1x128xi1>
      %and3A_3751 = arith.andi %and3A_1180, %and3A_3750 : vector<1x128xi1>
      %select_n3A_3752 = arith.select %and3A_3751, %select_n3A_3749, %get3A_3710 : vector<1x128xi1>, vector<1x128xf32>
      %not3A_3753 = arith.constant true
      %not3A_3754 = arith.xori %and3A_2511, %not3A_3753 : i1
      %and3A_3755 = vector.broadcast %not3A_3754 : i1 to vector<1x128xi1>
      %and3A_3756 = arith.andi %and3A_1180, %and3A_3755 : vector<1x128xi1>
      %jit3A_3757 = arith.constant -3.40282347E+38 : f32
      %broadcast_in_dim3A_3758 = vector.broadcast %jit3A_3757 : f32 to vector<1x128xf32>
      %select_n3A_3759 = arith.select %and3A_3756, %broadcast_in_dim3A_3758, %select_n3A_3752 : vector<1x128xi1>, vector<1x128xf32>
      %swap3A_3760 = arith.index_cast %select_n3A_1145 : i32 to index
      %swap3A_3761 = arith.constant 0 : index
      %swap3A_3762 = vector.load %arg5[%swap3A_3760, %swap3A_3761] : memref<512x128xf32, #tpu.memory_space<vmem>>, vector<1x128xf32>
      tpu.vector_store %arg5[%swap3A_3760, %swap3A_3761], %select_n3A_3759 {strides = array<i32>} : memref<512x128xf32, #tpu.memory_space<vmem>>, vector<1x128xf32>,
      %get3A_3763 = arith.index_cast %min3A_1171 : i32 to index
      %get3A_3764 = arith.constant 0 : index
      %get3A_3765 = vector.load %arg5[%get3A_3763, %get3A_3764] : memref<512x128xf32, #tpu.memory_space<vmem>>, vector<1x128xf32>
      %get3A_3766 = arith.constant 0 : index
      %get3A_3767 = arith.index_cast %min3A_1171 : i32 to index
      %get3A_3768 = arith.constant 0 : index
      %get3A_3769 = vector.load %arg1[%get3A_3766, %get3A_3767, %get3A_3768] : memref<4x512x128xf32, #tpu.memory_space<vmem>>, vector<1x1x128xf32>
      %get3A_3770 = vector.shape_cast %get3A_3769 : vector<1x1x128xf32> to vector<1x128xf32>
      %sub3A_3771 = vector.broadcast %reduce_sum3A_2568 : f32 to vector<1x128xf32>
      %sub3A_3772 = arith.subf %get3A_3770, %sub3A_3771 : vector<1x128xf32>
      %integer_pow3A_3773 = arith.mulf %sub3A_3772, %sub3A_3772 : vector<1x128xf32>
      %get3A_3774 = arith.constant 1 : index
      %get3A_3775 = arith.index_cast %min3A_1171 : i32 to index
      %get3A_3776 = arith.constant 0 : index
      %get3A_3777 = vector.load %arg1[%get3A_3774, %get3A_3775, %get3A_3776] : memref<4x512x128xf32, #tpu.memory_space<vmem>>, vector<1x1x128xf32>
      %get3A_3778 = vector.shape_cast %get3A_3777 : vector<1x1x128xf32> to vector<1x128xf32>
      %sub3A_3779 = vector.broadcast %reduce_sum3A_2583 : f32 to vector<1x128xf32>
      %sub3A_3780 = arith.subf %get3A_3778, %sub3A_3779 : vector<1x128xf32>
      %integer_pow3A_3781 = arith.mulf %sub3A_3780, %sub3A_3780 : vector<1x128xf32>
      %add3A_3782 = arith.addf %integer_pow3A_3773, %integer_pow3A_3781 : vector<1x128xf32>
      %get3A_3783 = arith.constant 2 : index
      %get3A_3784 = arith.index_cast %min3A_1171 : i32 to index
      %get3A_3785 = arith.constant 0 : index
      %get3A_3786 = vector.load %arg1[%get3A_3783, %get3A_3784, %get3A_3785] : memref<4x512x128xf32, #tpu.memory_space<vmem>>, vector<1x1x128xf32>
      %get3A_3787 = vector.shape_cast %get3A_3786 : vector<1x1x128xf32> to vector<1x128xf32>
      %sub3A_3788 = vector.broadcast %reduce_sum3A_2598 : f32 to vector<1x128xf32>
      %sub3A_3789 = arith.subf %get3A_3787, %sub3A_3788 : vector<1x128xf32>
      %integer_pow3A_3790 = arith.mulf %sub3A_3789, %sub3A_3789 : vector<1x128xf32>
      %add3A_3791 = arith.addf %add3A_3782, %integer_pow3A_3790 : vector<1x128xf32>
      %get3A_3792 = arith.constant 3 : index
      %get3A_3793 = arith.index_cast %min3A_1171 : i32 to index
      %get3A_3794 = arith.constant 0 : index
      %get3A_3795 = vector.load %arg1[%get3A_3792, %get3A_3793, %get3A_3794] : memref<4x512x128xf32, #tpu.memory_space<vmem>>, vector<1x1x128xf32>
      %get3A_3796 = vector.shape_cast %get3A_3795 : vector<1x1x128xf32> to vector<1x128xf32>
      %sub3A_3797 = vector.broadcast %reduce_sum3A_2613 : f32 to vector<1x128xf32>
      %sub3A_3798 = arith.subf %get3A_3796, %sub3A_3797 : vector<1x128xf32>
      %integer_pow3A_3799 = arith.mulf %sub3A_3798, %sub3A_3798 : vector<1x128xf32>
      %add3A_3800 = arith.addf %add3A_3791, %integer_pow3A_3799 : vector<1x128xf32>
      %eq3A_3801 = arith.constant 0 : i32
      %eq3A_3802 = arith.cmpi eq, %scan3A_1527, %eq3A_3801 : i32
      %min3A_3803 = arith.minimumf %get3A_3765, %add3A_3800 : vector<1x128xf32>
      %select_n3A_3804 = arith.select %eq3A_3802, %add3A_3800, %min3A_3803 : vector<1x128xf32>
      %and3A_3805 = vector.broadcast %scan3A_1531 : i1 to vector<1x128xi1>
      %and3A_3806 = arith.andi %and3A_1189, %and3A_3805 : vector<1x128xi1>
      %select_n3A_3807 = arith.select %and3A_3806, %select_n3A_3804, %get3A_3765 : vector<1x128xi1>, vector<1x128xf32>
      %not3A_3808 = arith.constant true
      %not3A_3809 = arith.xori %and3A_2511, %not3A_3808 : i1
      %and3A_3810 = vector.broadcast %not3A_3809 : i1 to vector<1x128xi1>
      %and3A_3811 = arith.andi %and3A_1189, %and3A_3810 : vector<1x128xi1>
      %jit3A_3812 = arith.constant -3.40282347E+38 : f32
      %broadcast_in_dim3A_3813 = vector.broadcast %jit3A_3812 : f32 to vector<1x128xf32>
      %select_n3A_3814 = arith.select %and3A_3811, %broadcast_in_dim3A_3813, %select_n3A_3807 : vector<1x128xi1>, vector<1x128xf32>
      %swap3A_3815 = arith.index_cast %min3A_1171 : i32 to index
      %swap3A_3816 = arith.constant 0 : index
      %swap3A_3817 = vector.load %arg5[%swap3A_3815, %swap3A_3816] : memref<512x128xf32, #tpu.memory_space<vmem>>, vector<1x128xf32>
      tpu.vector_store %arg5[%swap3A_3815, %swap3A_3816], %select_n3A_3814 {strides = array<i32>} : memref<512x128xf32, #tpu.memory_space<vmem>>, vector<1x128xf32>,
      %min3A_3818 = arith.constant 65535 : i32
      %min3A_3819 = arith.minsi %select_n3A_1835, %min3A_3818 : i32
      %jit3A_3820 = arith.constant 128 : i32
      %div3A_3821 = arith.divsi %min3A_3819, %jit3A_3820 : i32
      %sign3A_3822 = arith.constant 0 : i32
      %sign3A_3823 = arith.cmpi sgt, %min3A_3819, %sign3A_3822 : i32
      %sign3A_3824 = arith.extui %sign3A_3823 : i1 to i32
      %sign3A_3825 = arith.constant 0 : i32
      %sign3A_3826 = arith.cmpi slt, %min3A_3819, %sign3A_3825 : i32
      %sign3A_3827 = arith.extui %sign3A_3826 : i1 to i32
      %sign3A_3828 = arith.subi %sign3A_3824, %sign3A_3827 : i32
      %sign3A_3829 = arith.constant 0 : i32
      %sign3A_3830 = arith.cmpi sgt, %jit3A_3820, %sign3A_3829 : i32
      %sign3A_3831 = arith.extui %sign3A_3830 : i1 to i32
      %sign3A_3832 = arith.constant 0 : i32
      %sign3A_3833 = arith.cmpi slt, %jit3A_3820, %sign3A_3832 : i32
      %sign3A_3834 = arith.extui %sign3A_3833 : i1 to i32
      %sign3A_3835 = arith.subi %sign3A_3831, %sign3A_3834 : i32
      %ne3A_3836 = arith.cmpi ne, %sign3A_3828, %sign3A_3835 : i32
      %rem3A_3837 = arith.remsi %min3A_3819, %jit3A_3820 : i32
      %ne3A_3838 = arith.constant 0 : i32
      %ne3A_3839 = arith.cmpi ne, %rem3A_3837, %ne3A_3838 : i32
      %and3A_3840 = arith.andi %ne3A_3836, %ne3A_3839 : i1
      %sub3A_3841 = arith.constant 1 : i32
      %sub3A_3842 = arith.subi %div3A_3821, %sub3A_3841 : i32
      %select_n3A_3843 = arith.select %and3A_3840, %sub3A_3842, %div3A_3821 : i32
      %jit3A_3844 = arith.constant 128 : i32
      %eq3A_3845 = arith.constant 0 : i32
      %eq3A_3846 = arith.cmpi eq, %jit3A_3844, %eq3A_3845 : i32
      %jit3A_3847 = arith.constant 1 : i32
      %select_n3A_3848 = arith.select %eq3A_3846, %jit3A_3847, %jit3A_3844 : i32
      %rem3A_3849 = arith.remsi %min3A_3819, %select_n3A_3848 : i32
      %ne3A_3850 = arith.constant 0 : i32
      %ne3A_3851 = arith.cmpi ne, %rem3A_3849, %ne3A_3850 : i32
      %lt3A_3852 = arith.constant 0 : i32
      %lt3A_3853 = arith.cmpi slt, %rem3A_3849, %lt3A_3852 : i32
      %lt3A_3854 = arith.constant 0 : i32
      %lt3A_3855 = arith.cmpi slt, %select_n3A_3848, %lt3A_3854 : i32
      %ne3A_3856 = arith.xori %lt3A_3853, %lt3A_3855 : i1
      %and3A_3857 = arith.andi %ne3A_3856, %ne3A_3851 : i1
      %add3A_3858 = arith.addi %rem3A_3849, %select_n3A_3848 : i32
      %select_n3A_3859 = arith.select %and3A_3857, %add3A_3858, %rem3A_3849 : i32
      %get3A_3860 = arith.index_cast %select_n3A_3843 : i32 to index
      %get3A_3861 = arith.constant 0 : index
      %get3A_3862 = vector.load %arg5[%get3A_3860, %get3A_3861] : memref<512x128xf32, #tpu.memory_space<vmem>>, vector<1x128xf32>
      %eq3A_3863 = vector.broadcast %select_n3A_3859 : i32 to vector<1x128xi32>
      %eq3A_3864 = arith.cmpi eq, %iota3A, %eq3A_3863 : vector<1x128xi32>
      %and3A_3865 = vector.broadcast %scan3A_1531 : i1 to vector<1x128xi1>
      %and3A_3866 = arith.andi %eq3A_3864, %and3A_3865 : vector<1x128xi1>
      %jit3A_3867 = arith.constant -3.40282347E+38 : f32
      %broadcast_in_dim3A_3868 = vector.broadcast %jit3A_3867 : f32 to vector<1x128xf32>
      %select_n3A_3869 = arith.select %and3A_3866, %broadcast_in_dim3A_3868, %get3A_3862 : vector<1x128xi1>, vector<1x128xf32>
      %swap3A_3870 = arith.index_cast %select_n3A_3843 : i32 to index
      %swap3A_3871 = arith.constant 0 : index
      %swap3A_3872 = vector.load %arg5[%swap3A_3870, %swap3A_3871] : memref<512x128xf32, #tpu.memory_space<vmem>>, vector<1x128xf32>
      tpu.vector_store %arg5[%swap3A_3870, %swap3A_3871], %select_n3A_3869 {strides = array<i32>} : memref<512x128xf32, #tpu.memory_space<vmem>>, vector<1x128xf32>,
      %jit3A_3873 = arith.constant 65536 : i32
      %select_n3A_3874 = arith.select %scan3A_1531, %select_n3A_1835, %jit3A_3873 : i32
      %swap3A_3875 = arith.index_cast %scan3A_1527 : i32 to index
      %swap3A_3876 = arith.constant 3 : index
      %swap3A_3877 = memref.load %arg2[%swap3A_3875, %swap3A_3876] : memref<64x8xi32, #tpu.memory_space<smem>>
      memref.store %select_n3A_3874, %arg2[%swap3A_3875, %swap3A_3876] : memref<64x8xi32, #tpu.memory_space<smem>>
      %convert_element_type3A_3878 = arith.extui %scan3A_1531 : i1 to i32
      %swap3A_3879 = arith.index_cast %scan3A_1527 : i32 to index
      %swap3A_3880 = arith.constant 3 : index
      %swap3A_3881 = memref.load %arg3[%swap3A_3879, %swap3A_3880] : memref<64x8xi32, #tpu.memory_space<smem>>
      memref.store %convert_element_type3A_3878, %arg3[%swap3A_3879, %swap3A_3880] : memref<64x8xi32, #tpu.memory_space<smem>>
      %get3A_3882 = arith.index_cast %select_n3A_1228 : i32 to index
      %get3A_3883 = arith.constant 0 : index
      %get3A_3884 = vector.load %arg5[%get3A_3882, %get3A_3883] : memref<512x128xf32, #tpu.memory_space<vmem>>, vector<1x128xf32>
      %get3A_3885 = arith.constant 0 : index
      %get3A_3886 = arith.index_cast %select_n3A_1228 : i32 to index
      %get3A_3887 = arith.constant 0 : index
      %get3A_3888 = vector.load %arg1[%get3A_3885, %get3A_3886, %get3A_3887] : memref<4x512x128xf32, #tpu.memory_space<vmem>>, vector<1x1x128xf32>
      %get3A_3889 = vector.shape_cast %get3A_3888 : vector<1x1x128xf32> to vector<1x128xf32>
      %sub3A_3890 = vector.broadcast %reduce_sum3A_2692 : f32 to vector<1x128xf32>
      %sub3A_3891 = arith.subf %get3A_3889, %sub3A_3890 : vector<1x128xf32>
      %integer_pow3A_3892 = arith.mulf %sub3A_3891, %sub3A_3891 : vector<1x128xf32>
      %get3A_3893 = arith.constant 1 : index
      %get3A_3894 = arith.index_cast %select_n3A_1228 : i32 to index
      %get3A_3895 = arith.constant 0 : index
      %get3A_3896 = vector.load %arg1[%get3A_3893, %get3A_3894, %get3A_3895] : memref<4x512x128xf32, #tpu.memory_space<vmem>>, vector<1x1x128xf32>
      %get3A_3897 = vector.shape_cast %get3A_3896 : vector<1x1x128xf32> to vector<1x128xf32>
      %sub3A_3898 = vector.broadcast %reduce_sum3A_2707 : f32 to vector<1x128xf32>
      %sub3A_3899 = arith.subf %get3A_3897, %sub3A_3898 : vector<1x128xf32>
      %integer_pow3A_3900 = arith.mulf %sub3A_3899, %sub3A_3899 : vector<1x128xf32>
      %add3A_3901 = arith.addf %integer_pow3A_3892, %integer_pow3A_3900 : vector<1x128xf32>
      %get3A_3902 = arith.constant 2 : index
      %get3A_3903 = arith.index_cast %select_n3A_1228 : i32 to index
      %get3A_3904 = arith.constant 0 : index
      %get3A_3905 = vector.load %arg1[%get3A_3902, %get3A_3903, %get3A_3904] : memref<4x512x128xf32, #tpu.memory_space<vmem>>, vector<1x1x128xf32>
      %get3A_3906 = vector.shape_cast %get3A_3905 : vector<1x1x128xf32> to vector<1x128xf32>
      %sub3A_3907 = vector.broadcast %reduce_sum3A_2722 : f32 to vector<1x128xf32>
      %sub3A_3908 = arith.subf %get3A_3906, %sub3A_3907 : vector<1x128xf32>
      %integer_pow3A_3909 = arith.mulf %sub3A_3908, %sub3A_3908 : vector<1x128xf32>
      %add3A_3910 = arith.addf %add3A_3901, %integer_pow3A_3909 : vector<1x128xf32>
      %get3A_3911 = arith.constant 3 : index
      %get3A_3912 = arith.index_cast %select_n3A_1228 : i32 to index
      %get3A_3913 = arith.constant 0 : index
      %get3A_3914 = vector.load %arg1[%get3A_3911, %get3A_3912, %get3A_3913] : memref<4x512x128xf32, #tpu.memory_space<vmem>>, vector<1x1x128xf32>
      %get3A_3915 = vector.shape_cast %get3A_3914 : vector<1x1x128xf32> to vector<1x128xf32>
      %sub3A_3916 = vector.broadcast %reduce_sum3A_2737 : f32 to vector<1x128xf32>
      %sub3A_3917 = arith.subf %get3A_3915, %sub3A_3916 : vector<1x128xf32>
      %integer_pow3A_3918 = arith.mulf %sub3A_3917, %sub3A_3917 : vector<1x128xf32>
      %add3A_3919 = arith.addf %add3A_3910, %integer_pow3A_3918 : vector<1x128xf32>
      %eq3A_3920 = arith.constant 0 : i32
      %eq3A_3921 = arith.cmpi eq, %scan3A_1527, %eq3A_3920 : i32
      %min3A_3922 = arith.minimumf %get3A_3884, %add3A_3919 : vector<1x128xf32>
      %select_n3A_3923 = arith.select %eq3A_3921, %add3A_3919, %min3A_3922 : vector<1x128xf32>
      %and3A_3924 = vector.broadcast %scan3A_1532 : i1 to vector<1x128xi1>
      %and3A_3925 = arith.andi %and3A_1263, %and3A_3924 : vector<1x128xi1>
      %select_n3A_3926 = arith.select %and3A_3925, %select_n3A_3923, %get3A_3884 : vector<1x128xi1>, vector<1x128xf32>
      %not3A_3927 = arith.constant true
      %not3A_3928 = arith.xori %and3A_2635, %not3A_3927 : i1
      %and3A_3929 = vector.broadcast %not3A_3928 : i1 to vector<1x128xi1>
      %and3A_3930 = arith.andi %and3A_1263, %and3A_3929 : vector<1x128xi1>
      %jit3A_3931 = arith.constant -3.40282347E+38 : f32
      %broadcast_in_dim3A_3932 = vector.broadcast %jit3A_3931 : f32 to vector<1x128xf32>
      %select_n3A_3933 = arith.select %and3A_3930, %broadcast_in_dim3A_3932, %select_n3A_3926 : vector<1x128xi1>, vector<1x128xf32>
      %swap3A_3934 = arith.index_cast %select_n3A_1228 : i32 to index
      %swap3A_3935 = arith.constant 0 : index
      %swap3A_3936 = vector.load %arg5[%swap3A_3934, %swap3A_3935] : memref<512x128xf32, #tpu.memory_space<vmem>>, vector<1x128xf32>
      tpu.vector_store %arg5[%swap3A_3934, %swap3A_3935], %select_n3A_3933 {strides = array<i32>} : memref<512x128xf32, #tpu.memory_space<vmem>>, vector<1x128xf32>,
      %get3A_3937 = arith.index_cast %min3A_1254 : i32 to index
      %get3A_3938 = arith.constant 0 : index
      %get3A_3939 = vector.load %arg5[%get3A_3937, %get3A_3938] : memref<512x128xf32, #tpu.memory_space<vmem>>, vector<1x128xf32>
      %get3A_3940 = arith.constant 0 : index
      %get3A_3941 = arith.index_cast %min3A_1254 : i32 to index
      %get3A_3942 = arith.constant 0 : index
      %get3A_3943 = vector.load %arg1[%get3A_3940, %get3A_3941, %get3A_3942] : memref<4x512x128xf32, #tpu.memory_space<vmem>>, vector<1x1x128xf32>
      %get3A_3944 = vector.shape_cast %get3A_3943 : vector<1x1x128xf32> to vector<1x128xf32>
      %sub3A_3945 = vector.broadcast %reduce_sum3A_2692 : f32 to vector<1x128xf32>
      %sub3A_3946 = arith.subf %get3A_3944, %sub3A_3945 : vector<1x128xf32>
      %integer_pow3A_3947 = arith.mulf %sub3A_3946, %sub3A_3946 : vector<1x128xf32>
      %get3A_3948 = arith.constant 1 : index
      %get3A_3949 = arith.index_cast %min3A_1254 : i32 to index
      %get3A_3950 = arith.constant 0 : index
      %get3A_3951 = vector.load %arg1[%get3A_3948, %get3A_3949, %get3A_3950] : memref<4x512x128xf32, #tpu.memory_space<vmem>>, vector<1x1x128xf32>
      %get3A_3952 = vector.shape_cast %get3A_3951 : vector<1x1x128xf32> to vector<1x128xf32>
      %sub3A_3953 = vector.broadcast %reduce_sum3A_2707 : f32 to vector<1x128xf32>
      %sub3A_3954 = arith.subf %get3A_3952, %sub3A_3953 : vector<1x128xf32>
      %integer_pow3A_3955 = arith.mulf %sub3A_3954, %sub3A_3954 : vector<1x128xf32>
      %add3A_3956 = arith.addf %integer_pow3A_3947, %integer_pow3A_3955 : vector<1x128xf32>
      %get3A_3957 = arith.constant 2 : index
      %get3A_3958 = arith.index_cast %min3A_1254 : i32 to index
      %get3A_3959 = arith.constant 0 : index
      %get3A_3960 = vector.load %arg1[%get3A_3957, %get3A_3958, %get3A_3959] : memref<4x512x128xf32, #tpu.memory_space<vmem>>, vector<1x1x128xf32>
      %get3A_3961 = vector.shape_cast %get3A_3960 : vector<1x1x128xf32> to vector<1x128xf32>
      %sub3A_3962 = vector.broadcast %reduce_sum3A_2722 : f32 to vector<1x128xf32>
      %sub3A_3963 = arith.subf %get3A_3961, %sub3A_3962 : vector<1x128xf32>
      %integer_pow3A_3964 = arith.mulf %sub3A_3963, %sub3A_3963 : vector<1x128xf32>
      %add3A_3965 = arith.addf %add3A_3956, %integer_pow3A_3964 : vector<1x128xf32>
      %get3A_3966 = arith.constant 3 : index
      %get3A_3967 = arith.index_cast %min3A_1254 : i32 to index
      %get3A_3968 = arith.constant 0 : index
      %get3A_3969 = vector.load %arg1[%get3A_3966, %get3A_3967, %get3A_3968] : memref<4x512x128xf32, #tpu.memory_space<vmem>>, vector<1x1x128xf32>
      %get3A_3970 = vector.shape_cast %get3A_3969 : vector<1x1x128xf32> to vector<1x128xf32>
      %sub3A_3971 = vector.broadcast %reduce_sum3A_2737 : f32 to vector<1x128xf32>
      %sub3A_3972 = arith.subf %get3A_3970, %sub3A_3971 : vector<1x128xf32>
      %integer_pow3A_3973 = arith.mulf %sub3A_3972, %sub3A_3972 : vector<1x128xf32>
      %add3A_3974 = arith.addf %add3A_3965, %integer_pow3A_3973 : vector<1x128xf32>
      %eq3A_3975 = arith.constant 0 : i32
      %eq3A_3976 = arith.cmpi eq, %scan3A_1527, %eq3A_3975 : i32
      %min3A_3977 = arith.minimumf %get3A_3939, %add3A_3974 : vector<1x128xf32>
      %select_n3A_3978 = arith.select %eq3A_3976, %add3A_3974, %min3A_3977 : vector<1x128xf32>
      %and3A_3979 = vector.broadcast %scan3A_1532 : i1 to vector<1x128xi1>
      %and3A_3980 = arith.andi %and3A_1272, %and3A_3979 : vector<1x128xi1>
      %select_n3A_3981 = arith.select %and3A_3980, %select_n3A_3978, %get3A_3939 : vector<1x128xi1>, vector<1x128xf32>
      %not3A_3982 = arith.constant true
      %not3A_3983 = arith.xori %and3A_2635, %not3A_3982 : i1
      %and3A_3984 = vector.broadcast %not3A_3983 : i1 to vector<1x128xi1>
      %and3A_3985 = arith.andi %and3A_1272, %and3A_3984 : vector<1x128xi1>
      %jit3A_3986 = arith.constant -3.40282347E+38 : f32
      %broadcast_in_dim3A_3987 = vector.broadcast %jit3A_3986 : f32 to vector<1x128xf32>
      %select_n3A_3988 = arith.select %and3A_3985, %broadcast_in_dim3A_3987, %select_n3A_3981 : vector<1x128xi1>, vector<1x128xf32>
      %swap3A_3989 = arith.index_cast %min3A_1254 : i32 to index
      %swap3A_3990 = arith.constant 0 : index
      %swap3A_3991 = vector.load %arg5[%swap3A_3989, %swap3A_3990] : memref<512x128xf32, #tpu.memory_space<vmem>>, vector<1x128xf32>
      tpu.vector_store %arg5[%swap3A_3989, %swap3A_3990], %select_n3A_3988 {strides = array<i32>} : memref<512x128xf32, #tpu.memory_space<vmem>>, vector<1x128xf32>,
      %min3A_3992 = arith.constant 65535 : i32
      %min3A_3993 = arith.minsi %select_n3A_1907, %min3A_3992 : i32
      %jit3A_3994 = arith.constant 128 : i32
      %div3A_3995 = arith.divsi %min3A_3993, %jit3A_3994 : i32
      %sign3A_3996 = arith.constant 0 : i32
      %sign3A_3997 = arith.cmpi sgt, %min3A_3993, %sign3A_3996 : i32
      %sign3A_3998 = arith.extui %sign3A_3997 : i1 to i32
      %sign3A_3999 = arith.constant 0 : i32
      %sign3A_4000 = arith.cmpi slt, %min3A_3993, %sign3A_3999 : i32
      %sign3A_4001 = arith.extui %sign3A_4000 : i1 to i32
      %sign3A_4002 = arith.subi %sign3A_3998, %sign3A_4001 : i32
      %sign3A_4003 = arith.constant 0 : i32
      %sign3A_4004 = arith.cmpi sgt, %jit3A_3994, %sign3A_4003 : i32
      %sign3A_4005 = arith.extui %sign3A_4004 : i1 to i32
      %sign3A_4006 = arith.constant 0 : i32
      %sign3A_4007 = arith.cmpi slt, %jit3A_3994, %sign3A_4006 : i32
      %sign3A_4008 = arith.extui %sign3A_4007 : i1 to i32
      %sign3A_4009 = arith.subi %sign3A_4005, %sign3A_4008 : i32
      %ne3A_4010 = arith.cmpi ne, %sign3A_4002, %sign3A_4009 : i32
      %rem3A_4011 = arith.remsi %min3A_3993, %jit3A_3994 : i32
      %ne3A_4012 = arith.constant 0 : i32
      %ne3A_4013 = arith.cmpi ne, %rem3A_4011, %ne3A_4012 : i32
      %and3A_4014 = arith.andi %ne3A_4010, %ne3A_4013 : i1
      %sub3A_4015 = arith.constant 1 : i32
      %sub3A_4016 = arith.subi %div3A_3995, %sub3A_4015 : i32
      %select_n3A_4017 = arith.select %and3A_4014, %sub3A_4016, %div3A_3995 : i32
      %jit3A_4018 = arith.constant 128 : i32
      %eq3A_4019 = arith.constant 0 : i32
      %eq3A_4020 = arith.cmpi eq, %jit3A_4018, %eq3A_4019 : i32
      %jit3A_4021 = arith.constant 1 : i32
      %select_n3A_4022 = arith.select %eq3A_4020, %jit3A_4021, %jit3A_4018 : i32
      %rem3A_4023 = arith.remsi %min3A_3993, %select_n3A_4022 : i32
      %ne3A_4024 = arith.constant 0 : i32
      %ne3A_4025 = arith.cmpi ne, %rem3A_4023, %ne3A_4024 : i32
      %lt3A_4026 = arith.constant 0 : i32
      %lt3A_4027 = arith.cmpi slt, %rem3A_4023, %lt3A_4026 : i32
      %lt3A_4028 = arith.constant 0 : i32
      %lt3A_4029 = arith.cmpi slt, %select_n3A_4022, %lt3A_4028 : i32
      %ne3A_4030 = arith.xori %lt3A_4027, %lt3A_4029 : i1
      %and3A_4031 = arith.andi %ne3A_4030, %ne3A_4025 : i1
      %add3A_4032 = arith.addi %rem3A_4023, %select_n3A_4022 : i32
      %select_n3A_4033 = arith.select %and3A_4031, %add3A_4032, %rem3A_4023 : i32
      %get3A_4034 = arith.index_cast %select_n3A_4017 : i32 to index
      %get3A_4035 = arith.constant 0 : index
      %get3A_4036 = vector.load %arg5[%get3A_4034, %get3A_4035] : memref<512x128xf32, #tpu.memory_space<vmem>>, vector<1x128xf32>
      %eq3A_4037 = vector.broadcast %select_n3A_4033 : i32 to vector<1x128xi32>
      %eq3A_4038 = arith.cmpi eq, %iota3A, %eq3A_4037 : vector<1x128xi32>
      %and3A_4039 = vector.broadcast %scan3A_1532 : i1 to vector<1x128xi1>
      %and3A_4040 = arith.andi %eq3A_4038, %and3A_4039 : vector<1x128xi1>
      %jit3A_4041 = arith.constant -3.40282347E+38 : f32
      %broadcast_in_dim3A_4042 = vector.broadcast %jit3A_4041 : f32 to vector<1x128xf32>
      %select_n3A_4043 = arith.select %and3A_4040, %broadcast_in_dim3A_4042, %get3A_4036 : vector<1x128xi1>, vector<1x128xf32>
      %swap3A_4044 = arith.index_cast %select_n3A_4017 : i32 to index
      %swap3A_4045 = arith.constant 0 : index
      %swap3A_4046 = vector.load %arg5[%swap3A_4044, %swap3A_4045] : memref<512x128xf32, #tpu.memory_space<vmem>>, vector<1x128xf32>
      tpu.vector_store %arg5[%swap3A_4044, %swap3A_4045], %select_n3A_4043 {strides = array<i32>} : memref<512x128xf32, #tpu.memory_space<vmem>>, vector<1x128xf32>,
      %jit3A_4047 = arith.constant 65536 : i32
      %select_n3A_4048 = arith.select %scan3A_1532, %select_n3A_1907, %jit3A_4047 : i32
      %swap3A_4049 = arith.index_cast %scan3A_1527 : i32 to index
      %swap3A_4050 = arith.constant 4 : index
      %swap3A_4051 = memref.load %arg2[%swap3A_4049, %swap3A_4050] : memref<64x8xi32, #tpu.memory_space<smem>>
      memref.store %select_n3A_4048, %arg2[%swap3A_4049, %swap3A_4050] : memref<64x8xi32, #tpu.memory_space<smem>>
      %convert_element_type3A_4052 = arith.extui %scan3A_1532 : i1 to i32
      %swap3A_4053 = arith.index_cast %scan3A_1527 : i32 to index
      %swap3A_4054 = arith.constant 4 : index
      %swap3A_4055 = memref.load %arg3[%swap3A_4053, %swap3A_4054] : memref<64x8xi32, #tpu.memory_space<smem>>
      memref.store %convert_element_type3A_4052, %arg3[%swap3A_4053, %swap3A_4054] : memref<64x8xi32, #tpu.memory_space<smem>>
      %get3A_4056 = arith.index_cast %select_n3A_1311 : i32 to index
      %get3A_4057 = arith.constant 0 : index
      %get3A_4058 = vector.load %arg5[%get3A_4056, %get3A_4057] : memref<512x128xf32, #tpu.memory_space<vmem>>, vector<1x128xf32>
      %get3A_4059 = arith.constant 0 : index
      %get3A_4060 = arith.index_cast %select_n3A_1311 : i32 to index
      %get3A_4061 = arith.constant 0 : index
      %get3A_4062 = vector.load %arg1[%get3A_4059, %get3A_4060, %get3A_4061] : memref<4x512x128xf32, #tpu.memory_space<vmem>>, vector<1x1x128xf32>
      %get3A_4063 = vector.shape_cast %get3A_4062 : vector<1x1x128xf32> to vector<1x128xf32>
      %sub3A_4064 = vector.broadcast %reduce_sum3A_2816 : f32 to vector<1x128xf32>
      %sub3A_4065 = arith.subf %get3A_4063, %sub3A_4064 : vector<1x128xf32>
      %integer_pow3A_4066 = arith.mulf %sub3A_4065, %sub3A_4065 : vector<1x128xf32>
      %get3A_4067 = arith.constant 1 : index
      %get3A_4068 = arith.index_cast %select_n3A_1311 : i32 to index
      %get3A_4069 = arith.constant 0 : index
      %get3A_4070 = vector.load %arg1[%get3A_4067, %get3A_4068, %get3A_4069] : memref<4x512x128xf32, #tpu.memory_space<vmem>>, vector<1x1x128xf32>
      %get3A_4071 = vector.shape_cast %get3A_4070 : vector<1x1x128xf32> to vector<1x128xf32>
      %sub3A_4072 = vector.broadcast %reduce_sum3A_2831 : f32 to vector<1x128xf32>
      %sub3A_4073 = arith.subf %get3A_4071, %sub3A_4072 : vector<1x128xf32>
      %integer_pow3A_4074 = arith.mulf %sub3A_4073, %sub3A_4073 : vector<1x128xf32>
      %add3A_4075 = arith.addf %integer_pow3A_4066, %integer_pow3A_4074 : vector<1x128xf32>
      %get3A_4076 = arith.constant 2 : index
      %get3A_4077 = arith.index_cast %select_n3A_1311 : i32 to index
      %get3A_4078 = arith.constant 0 : index
      %get3A_4079 = vector.load %arg1[%get3A_4076, %get3A_4077, %get3A_4078] : memref<4x512x128xf32, #tpu.memory_space<vmem>>, vector<1x1x128xf32>
      %get3A_4080 = vector.shape_cast %get3A_4079 : vector<1x1x128xf32> to vector<1x128xf32>
      %sub3A_4081 = vector.broadcast %reduce_sum3A_2846 : f32 to vector<1x128xf32>
      %sub3A_4082 = arith.subf %get3A_4080, %sub3A_4081 : vector<1x128xf32>
      %integer_pow3A_4083 = arith.mulf %sub3A_4082, %sub3A_4082 : vector<1x128xf32>
      %add3A_4084 = arith.addf %add3A_4075, %integer_pow3A_4083 : vector<1x128xf32>
      %get3A_4085 = arith.constant 3 : index
      %get3A_4086 = arith.index_cast %select_n3A_1311 : i32 to index
      %get3A_4087 = arith.constant 0 : index
      %get3A_4088 = vector.load %arg1[%get3A_4085, %get3A_4086, %get3A_4087] : memref<4x512x128xf32, #tpu.memory_space<vmem>>, vector<1x1x128xf32>
      %get3A_4089 = vector.shape_cast %get3A_4088 : vector<1x1x128xf32> to vector<1x128xf32>
      %sub3A_4090 = vector.broadcast %reduce_sum3A_2861 : f32 to vector<1x128xf32>
      %sub3A_4091 = arith.subf %get3A_4089, %sub3A_4090 : vector<1x128xf32>
      %integer_pow3A_4092 = arith.mulf %sub3A_4091, %sub3A_4091 : vector<1x128xf32>
      %add3A_4093 = arith.addf %add3A_4084, %integer_pow3A_4092 : vector<1x128xf32>
      %eq3A_4094 = arith.constant 0 : i32
      %eq3A_4095 = arith.cmpi eq, %scan3A_1527, %eq3A_4094 : i32
      %min3A_4096 = arith.minimumf %get3A_4058, %add3A_4093 : vector<1x128xf32>
      %select_n3A_4097 = arith.select %eq3A_4095, %add3A_4093, %min3A_4096 : vector<1x128xf32>
      %and3A_4098 = vector.broadcast %scan3A_1533 : i1 to vector<1x128xi1>
      %and3A_4099 = arith.andi %and3A_1346, %and3A_4098 : vector<1x128xi1>
      %select_n3A_4100 = arith.select %and3A_4099, %select_n3A_4097, %get3A_4058 : vector<1x128xi1>, vector<1x128xf32>
      %not3A_4101 = arith.constant true
      %not3A_4102 = arith.xori %and3A_2759, %not3A_4101 : i1
      %and3A_4103 = vector.broadcast %not3A_4102 : i1 to vector<1x128xi1>
      %and3A_4104 = arith.andi %and3A_1346, %and3A_4103 : vector<1x128xi1>
      %jit3A_4105 = arith.constant -3.40282347E+38 : f32
      %broadcast_in_dim3A_4106 = vector.broadcast %jit3A_4105 : f32 to vector<1x128xf32>
      %select_n3A_4107 = arith.select %and3A_4104, %broadcast_in_dim3A_4106, %select_n3A_4100 : vector<1x128xi1>, vector<1x128xf32>
      %swap3A_4108 = arith.index_cast %select_n3A_1311 : i32 to index
      %swap3A_4109 = arith.constant 0 : index
      %swap3A_4110 = vector.load %arg5[%swap3A_4108, %swap3A_4109] : memref<512x128xf32, #tpu.memory_space<vmem>>, vector<1x128xf32>
      tpu.vector_store %arg5[%swap3A_4108, %swap3A_4109], %select_n3A_4107 {strides = array<i32>} : memref<512x128xf32, #tpu.memory_space<vmem>>, vector<1x128xf32>,
      %get3A_4111 = arith.index_cast %min3A_1337 : i32 to index
      %get3A_4112 = arith.constant 0 : index
      %get3A_4113 = vector.load %arg5[%get3A_4111, %get3A_4112] : memref<512x128xf32, #tpu.memory_space<vmem>>, vector<1x128xf32>
      %get3A_4114 = arith.constant 0 : index
      %get3A_4115 = arith.index_cast %min3A_1337 : i32 to index
      %get3A_4116 = arith.constant 0 : index
      %get3A_4117 = vector.load %arg1[%get3A_4114, %get3A_4115, %get3A_4116] : memref<4x512x128xf32, #tpu.memory_space<vmem>>, vector<1x1x128xf32>
      %get3A_4118 = vector.shape_cast %get3A_4117 : vector<1x1x128xf32> to vector<1x128xf32>
      %sub3A_4119 = vector.broadcast %reduce_sum3A_2816 : f32 to vector<1x128xf32>
      %sub3A_4120 = arith.subf %get3A_4118, %sub3A_4119 : vector<1x128xf32>
      %integer_pow3A_4121 = arith.mulf %sub3A_4120, %sub3A_4120 : vector<1x128xf32>
      %get3A_4122 = arith.constant 1 : index
      %get3A_4123 = arith.index_cast %min3A_1337 : i32 to index
      %get3A_4124 = arith.constant 0 : index
      %get3A_4125 = vector.load %arg1[%get3A_4122, %get3A_4123, %get3A_4124] : memref<4x512x128xf32, #tpu.memory_space<vmem>>, vector<1x1x128xf32>
      %get3A_4126 = vector.shape_cast %get3A_4125 : vector<1x1x128xf32> to vector<1x128xf32>
      %sub3A_4127 = vector.broadcast %reduce_sum3A_2831 : f32 to vector<1x128xf32>
      %sub3A_4128 = arith.subf %get3A_4126, %sub3A_4127 : vector<1x128xf32>
      %integer_pow3A_4129 = arith.mulf %sub3A_4128, %sub3A_4128 : vector<1x128xf32>
      %add3A_4130 = arith.addf %integer_pow3A_4121, %integer_pow3A_4129 : vector<1x128xf32>
      %get3A_4131 = arith.constant 2 : index
      %get3A_4132 = arith.index_cast %min3A_1337 : i32 to index
      %get3A_4133 = arith.constant 0 : index
      %get3A_4134 = vector.load %arg1[%get3A_4131, %get3A_4132, %get3A_4133] : memref<4x512x128xf32, #tpu.memory_space<vmem>>, vector<1x1x128xf32>
      %get3A_4135 = vector.shape_cast %get3A_4134 : vector<1x1x128xf32> to vector<1x128xf32>
      %sub3A_4136 = vector.broadcast %reduce_sum3A_2846 : f32 to vector<1x128xf32>
      %sub3A_4137 = arith.subf %get3A_4135, %sub3A_4136 : vector<1x128xf32>
      %integer_pow3A_4138 = arith.mulf %sub3A_4137, %sub3A_4137 : vector<1x128xf32>
      %add3A_4139 = arith.addf %add3A_4130, %integer_pow3A_4138 : vector<1x128xf32>
      %get3A_4140 = arith.constant 3 : index
      %get3A_4141 = arith.index_cast %min3A_1337 : i32 to index
      %get3A_4142 = arith.constant 0 : index
      %get3A_4143 = vector.load %arg1[%get3A_4140, %get3A_4141, %get3A_4142] : memref<4x512x128xf32, #tpu.memory_space<vmem>>, vector<1x1x128xf32>
      %get3A_4144 = vector.shape_cast %get3A_4143 : vector<1x1x128xf32> to vector<1x128xf32>
      %sub3A_4145 = vector.broadcast %reduce_sum3A_2861 : f32 to vector<1x128xf32>
      %sub3A_4146 = arith.subf %get3A_4144, %sub3A_4145 : vector<1x128xf32>
      %integer_pow3A_4147 = arith.mulf %sub3A_4146, %sub3A_4146 : vector<1x128xf32>
      %add3A_4148 = arith.addf %add3A_4139, %integer_pow3A_4147 : vector<1x128xf32>
      %eq3A_4149 = arith.constant 0 : i32
      %eq3A_4150 = arith.cmpi eq, %scan3A_1527, %eq3A_4149 : i32
      %min3A_4151 = arith.minimumf %get3A_4113, %add3A_4148 : vector<1x128xf32>
      %select_n3A_4152 = arith.select %eq3A_4150, %add3A_4148, %min3A_4151 : vector<1x128xf32>
      %and3A_4153 = vector.broadcast %scan3A_1533 : i1 to vector<1x128xi1>
      %and3A_4154 = arith.andi %and3A_1355, %and3A_4153 : vector<1x128xi1>
      %select_n3A_4155 = arith.select %and3A_4154, %select_n3A_4152, %get3A_4113 : vector<1x128xi1>, vector<1x128xf32>
      %not3A_4156 = arith.constant true
      %not3A_4157 = arith.xori %and3A_2759, %not3A_4156 : i1
      %and3A_4158 = vector.broadcast %not3A_4157 : i1 to vector<1x128xi1>
      %and3A_4159 = arith.andi %and3A_1355, %and3A_4158 : vector<1x128xi1>
      %jit3A_4160 = arith.constant -3.40282347E+38 : f32
      %broadcast_in_dim3A_4161 = vector.broadcast %jit3A_4160 : f32 to vector<1x128xf32>
      %select_n3A_4162 = arith.select %and3A_4159, %broadcast_in_dim3A_4161, %select_n3A_4155 : vector<1x128xi1>, vector<1x128xf32>
      %swap3A_4163 = arith.index_cast %min3A_1337 : i32 to index
      %swap3A_4164 = arith.constant 0 : index
      %swap3A_4165 = vector.load %arg5[%swap3A_4163, %swap3A_4164] : memref<512x128xf32, #tpu.memory_space<vmem>>, vector<1x128xf32>
      tpu.vector_store %arg5[%swap3A_4163, %swap3A_4164], %select_n3A_4162 {strides = array<i32>} : memref<512x128xf32, #tpu.memory_space<vmem>>, vector<1x128xf32>,
      %min3A_4166 = arith.constant 65535 : i32
      %min3A_4167 = arith.minsi %select_n3A_1979, %min3A_4166 : i32
      %jit3A_4168 = arith.constant 128 : i32
      %div3A_4169 = arith.divsi %min3A_4167, %jit3A_4168 : i32
      %sign3A_4170 = arith.constant 0 : i32
      %sign3A_4171 = arith.cmpi sgt, %min3A_4167, %sign3A_4170 : i32
      %sign3A_4172 = arith.extui %sign3A_4171 : i1 to i32
      %sign3A_4173 = arith.constant 0 : i32
      %sign3A_4174 = arith.cmpi slt, %min3A_4167, %sign3A_4173 : i32
      %sign3A_4175 = arith.extui %sign3A_4174 : i1 to i32
      %sign3A_4176 = arith.subi %sign3A_4172, %sign3A_4175 : i32
      %sign3A_4177 = arith.constant 0 : i32
      %sign3A_4178 = arith.cmpi sgt, %jit3A_4168, %sign3A_4177 : i32
      %sign3A_4179 = arith.extui %sign3A_4178 : i1 to i32
      %sign3A_4180 = arith.constant 0 : i32
      %sign3A_4181 = arith.cmpi slt, %jit3A_4168, %sign3A_4180 : i32
      %sign3A_4182 = arith.extui %sign3A_4181 : i1 to i32
      %sign3A_4183 = arith.subi %sign3A_4179, %sign3A_4182 : i32
      %ne3A_4184 = arith.cmpi ne, %sign3A_4176, %sign3A_4183 : i32
      %rem3A_4185 = arith.remsi %min3A_4167, %jit3A_4168 : i32
      %ne3A_4186 = arith.constant 0 : i32
      %ne3A_4187 = arith.cmpi ne, %rem3A_4185, %ne3A_4186 : i32
      %and3A_4188 = arith.andi %ne3A_4184, %ne3A_4187 : i1
      %sub3A_4189 = arith.constant 1 : i32
      %sub3A_4190 = arith.subi %div3A_4169, %sub3A_4189 : i32
      %select_n3A_4191 = arith.select %and3A_4188, %sub3A_4190, %div3A_4169 : i32
      %jit3A_4192 = arith.constant 128 : i32
      %eq3A_4193 = arith.constant 0 : i32
      %eq3A_4194 = arith.cmpi eq, %jit3A_4192, %eq3A_4193 : i32
      %jit3A_4195 = arith.constant 1 : i32
      %select_n3A_4196 = arith.select %eq3A_4194, %jit3A_4195, %jit3A_4192 : i32
      %rem3A_4197 = arith.remsi %min3A_4167, %select_n3A_4196 : i32
      %ne3A_4198 = arith.constant 0 : i32
      %ne3A_4199 = arith.cmpi ne, %rem3A_4197, %ne3A_4198 : i32
      %lt3A_4200 = arith.constant 0 : i32
      %lt3A_4201 = arith.cmpi slt, %rem3A_4197, %lt3A_4200 : i32
      %lt3A_4202 = arith.constant 0 : i32
      %lt3A_4203 = arith.cmpi slt, %select_n3A_4196, %lt3A_4202 : i32
      %ne3A_4204 = arith.xori %lt3A_4201, %lt3A_4203 : i1
      %and3A_4205 = arith.andi %ne3A_4204, %ne3A_4199 : i1
      %add3A_4206 = arith.addi %rem3A_4197, %select_n3A_4196 : i32
      %select_n3A_4207 = arith.select %and3A_4205, %add3A_4206, %rem3A_4197 : i32
      %get3A_4208 = arith.index_cast %select_n3A_4191 : i32 to index
      %get3A_4209 = arith.constant 0 : index
      %get3A_4210 = vector.load %arg5[%get3A_4208, %get3A_4209] : memref<512x128xf32, #tpu.memory_space<vmem>>, vector<1x128xf32>
      %eq3A_4211 = vector.broadcast %select_n3A_4207 : i32 to vector<1x128xi32>
      %eq3A_4212 = arith.cmpi eq, %iota3A, %eq3A_4211 : vector<1x128xi32>
      %and3A_4213 = vector.broadcast %scan3A_1533 : i1 to vector<1x128xi1>
      %and3A_4214 = arith.andi %eq3A_4212, %and3A_4213 : vector<1x128xi1>
      %jit3A_4215 = arith.constant -3.40282347E+38 : f32
      %broadcast_in_dim3A_4216 = vector.broadcast %jit3A_4215 : f32 to vector<1x128xf32>
      %select_n3A_4217 = arith.select %and3A_4214, %broadcast_in_dim3A_4216, %get3A_4210 : vector<1x128xi1>, vector<1x128xf32>
      %swap3A_4218 = arith.index_cast %select_n3A_4191 : i32 to index
      %swap3A_4219 = arith.constant 0 : index
      %swap3A_4220 = vector.load %arg5[%swap3A_4218, %swap3A_4219] : memref<512x128xf32, #tpu.memory_space<vmem>>, vector<1x128xf32>
      tpu.vector_store %arg5[%swap3A_4218, %swap3A_4219], %select_n3A_4217 {strides = array<i32>} : memref<512x128xf32, #tpu.memory_space<vmem>>, vector<1x128xf32>,
      %jit3A_4221 = arith.constant 65536 : i32
      %select_n3A_4222 = arith.select %scan3A_1533, %select_n3A_1979, %jit3A_4221 : i32
      %swap3A_4223 = arith.index_cast %scan3A_1527 : i32 to index
      %swap3A_4224 = arith.constant 5 : index
      %swap3A_4225 = memref.load %arg2[%swap3A_4223, %swap3A_4224] : memref<64x8xi32, #tpu.memory_space<smem>>
      memref.store %select_n3A_4222, %arg2[%swap3A_4223, %swap3A_4224] : memref<64x8xi32, #tpu.memory_space<smem>>
      %convert_element_type3A_4226 = arith.extui %scan3A_1533 : i1 to i32
      %swap3A_4227 = arith.index_cast %scan3A_1527 : i32 to index
      %swap3A_4228 = arith.constant 5 : index
      %swap3A_4229 = memref.load %arg3[%swap3A_4227, %swap3A_4228] : memref<64x8xi32, #tpu.memory_space<smem>>
      memref.store %convert_element_type3A_4226, %arg3[%swap3A_4227, %swap3A_4228] : memref<64x8xi32, #tpu.memory_space<smem>>
      %get3A_4230 = arith.index_cast %select_n3A_1394 : i32 to index
      %get3A_4231 = arith.constant 0 : index
      %get3A_4232 = vector.load %arg5[%get3A_4230, %get3A_4231] : memref<512x128xf32, #tpu.memory_space<vmem>>, vector<1x128xf32>
      %get3A_4233 = arith.constant 0 : index
      %get3A_4234 = arith.index_cast %select_n3A_1394 : i32 to index
      %get3A_4235 = arith.constant 0 : index
      %get3A_4236 = vector.load %arg1[%get3A_4233, %get3A_4234, %get3A_4235] : memref<4x512x128xf32, #tpu.memory_space<vmem>>, vector<1x1x128xf32>
      %get3A_4237 = vector.shape_cast %get3A_4236 : vector<1x1x128xf32> to vector<1x128xf32>
      %sub3A_4238 = vector.broadcast %reduce_sum3A_2940 : f32 to vector<1x128xf32>
      %sub3A_4239 = arith.subf %get3A_4237, %sub3A_4238 : vector<1x128xf32>
      %integer_pow3A_4240 = arith.mulf %sub3A_4239, %sub3A_4239 : vector<1x128xf32>
      %get3A_4241 = arith.constant 1 : index
      %get3A_4242 = arith.index_cast %select_n3A_1394 : i32 to index
      %get3A_4243 = arith.constant 0 : index
      %get3A_4244 = vector.load %arg1[%get3A_4241, %get3A_4242, %get3A_4243] : memref<4x512x128xf32, #tpu.memory_space<vmem>>, vector<1x1x128xf32>
      %get3A_4245 = vector.shape_cast %get3A_4244 : vector<1x1x128xf32> to vector<1x128xf32>
      %sub3A_4246 = vector.broadcast %reduce_sum3A_2955 : f32 to vector<1x128xf32>
      %sub3A_4247 = arith.subf %get3A_4245, %sub3A_4246 : vector<1x128xf32>
      %integer_pow3A_4248 = arith.mulf %sub3A_4247, %sub3A_4247 : vector<1x128xf32>
      %add3A_4249 = arith.addf %integer_pow3A_4240, %integer_pow3A_4248 : vector<1x128xf32>
      %get3A_4250 = arith.constant 2 : index
      %get3A_4251 = arith.index_cast %select_n3A_1394 : i32 to index
      %get3A_4252 = arith.constant 0 : index
      %get3A_4253 = vector.load %arg1[%get3A_4250, %get3A_4251, %get3A_4252] : memref<4x512x128xf32, #tpu.memory_space<vmem>>, vector<1x1x128xf32>
      %get3A_4254 = vector.shape_cast %get3A_4253 : vector<1x1x128xf32> to vector<1x128xf32>
      %sub3A_4255 = vector.broadcast %reduce_sum3A_2970 : f32 to vector<1x128xf32>
      %sub3A_4256 = arith.subf %get3A_4254, %sub3A_4255 : vector<1x128xf32>
      %integer_pow3A_4257 = arith.mulf %sub3A_4256, %sub3A_4256 : vector<1x128xf32>
      %add3A_4258 = arith.addf %add3A_4249, %integer_pow3A_4257 : vector<1x128xf32>
      %get3A_4259 = arith.constant 3 : index
      %get3A_4260 = arith.index_cast %select_n3A_1394 : i32 to index
      %get3A_4261 = arith.constant 0 : index
      %get3A_4262 = vector.load %arg1[%get3A_4259, %get3A_4260, %get3A_4261] : memref<4x512x128xf32, #tpu.memory_space<vmem>>, vector<1x1x128xf32>
      %get3A_4263 = vector.shape_cast %get3A_4262 : vector<1x1x128xf32> to vector<1x128xf32>
      %sub3A_4264 = vector.broadcast %reduce_sum3A_2985 : f32 to vector<1x128xf32>
      %sub3A_4265 = arith.subf %get3A_4263, %sub3A_4264 : vector<1x128xf32>
      %integer_pow3A_4266 = arith.mulf %sub3A_4265, %sub3A_4265 : vector<1x128xf32>
      %add3A_4267 = arith.addf %add3A_4258, %integer_pow3A_4266 : vector<1x128xf32>
      %eq3A_4268 = arith.constant 0 : i32
      %eq3A_4269 = arith.cmpi eq, %scan3A_1527, %eq3A_4268 : i32
      %min3A_4270 = arith.minimumf %get3A_4232, %add3A_4267 : vector<1x128xf32>
      %select_n3A_4271 = arith.select %eq3A_4269, %add3A_4267, %min3A_4270 : vector<1x128xf32>
      %and3A_4272 = vector.broadcast %scan3A_1534 : i1 to vector<1x128xi1>
      %and3A_4273 = arith.andi %and3A_1429, %and3A_4272 : vector<1x128xi1>
      %select_n3A_4274 = arith.select %and3A_4273, %select_n3A_4271, %get3A_4232 : vector<1x128xi1>, vector<1x128xf32>
      %not3A_4275 = arith.constant true
      %not3A_4276 = arith.xori %and3A_2883, %not3A_4275 : i1
      %and3A_4277 = vector.broadcast %not3A_4276 : i1 to vector<1x128xi1>
      %and3A_4278 = arith.andi %and3A_1429, %and3A_4277 : vector<1x128xi1>
      %jit3A_4279 = arith.constant -3.40282347E+38 : f32
      %broadcast_in_dim3A_4280 = vector.broadcast %jit3A_4279 : f32 to vector<1x128xf32>
      %select_n3A_4281 = arith.select %and3A_4278, %broadcast_in_dim3A_4280, %select_n3A_4274 : vector<1x128xi1>, vector<1x128xf32>
      %swap3A_4282 = arith.index_cast %select_n3A_1394 : i32 to index
      %swap3A_4283 = arith.constant 0 : index
      %swap3A_4284 = vector.load %arg5[%swap3A_4282, %swap3A_4283] : memref<512x128xf32, #tpu.memory_space<vmem>>, vector<1x128xf32>
      tpu.vector_store %arg5[%swap3A_4282, %swap3A_4283], %select_n3A_4281 {strides = array<i32>} : memref<512x128xf32, #tpu.memory_space<vmem>>, vector<1x128xf32>,
      %get3A_4285 = arith.index_cast %min3A_1420 : i32 to index
      %get3A_4286 = arith.constant 0 : index
      %get3A_4287 = vector.load %arg5[%get3A_4285, %get3A_4286] : memref<512x128xf32, #tpu.memory_space<vmem>>, vector<1x128xf32>
      %get3A_4288 = arith.constant 0 : index
      %get3A_4289 = arith.index_cast %min3A_1420 : i32 to index
      %get3A_4290 = arith.constant 0 : index
      %get3A_4291 = vector.load %arg1[%get3A_4288, %get3A_4289, %get3A_4290] : memref<4x512x128xf32, #tpu.memory_space<vmem>>, vector<1x1x128xf32>
      %get3A_4292 = vector.shape_cast %get3A_4291 : vector<1x1x128xf32> to vector<1x128xf32>
      %sub3A_4293 = vector.broadcast %reduce_sum3A_2940 : f32 to vector<1x128xf32>
      %sub3A_4294 = arith.subf %get3A_4292, %sub3A_4293 : vector<1x128xf32>
      %integer_pow3A_4295 = arith.mulf %sub3A_4294, %sub3A_4294 : vector<1x128xf32>
      %get3A_4296 = arith.constant 1 : index
      %get3A_4297 = arith.index_cast %min3A_1420 : i32 to index
      %get3A_4298 = arith.constant 0 : index
      %get3A_4299 = vector.load %arg1[%get3A_4296, %get3A_4297, %get3A_4298] : memref<4x512x128xf32, #tpu.memory_space<vmem>>, vector<1x1x128xf32>
      %get3A_4300 = vector.shape_cast %get3A_4299 : vector<1x1x128xf32> to vector<1x128xf32>
      %sub3A_4301 = vector.broadcast %reduce_sum3A_2955 : f32 to vector<1x128xf32>
      %sub3A_4302 = arith.subf %get3A_4300, %sub3A_4301 : vector<1x128xf32>
      %integer_pow3A_4303 = arith.mulf %sub3A_4302, %sub3A_4302 : vector<1x128xf32>
      %add3A_4304 = arith.addf %integer_pow3A_4295, %integer_pow3A_4303 : vector<1x128xf32>
      %get3A_4305 = arith.constant 2 : index
      %get3A_4306 = arith.index_cast %min3A_1420 : i32 to index
      %get3A_4307 = arith.constant 0 : index
      %get3A_4308 = vector.load %arg1[%get3A_4305, %get3A_4306, %get3A_4307] : memref<4x512x128xf32, #tpu.memory_space<vmem>>, vector<1x1x128xf32>
      %get3A_4309 = vector.shape_cast %get3A_4308 : vector<1x1x128xf32> to vector<1x128xf32>
      %sub3A_4310 = vector.broadcast %reduce_sum3A_2970 : f32 to vector<1x128xf32>
      %sub3A_4311 = arith.subf %get3A_4309, %sub3A_4310 : vector<1x128xf32>
      %integer_pow3A_4312 = arith.mulf %sub3A_4311, %sub3A_4311 : vector<1x128xf32>
      %add3A_4313 = arith.addf %add3A_4304, %integer_pow3A_4312 : vector<1x128xf32>
      %get3A_4314 = arith.constant 3 : index
      %get3A_4315 = arith.index_cast %min3A_1420 : i32 to index
      %get3A_4316 = arith.constant 0 : index
      %get3A_4317 = vector.load %arg1[%get3A_4314, %get3A_4315, %get3A_4316] : memref<4x512x128xf32, #tpu.memory_space<vmem>>, vector<1x1x128xf32>
      %get3A_4318 = vector.shape_cast %get3A_4317 : vector<1x1x128xf32> to vector<1x128xf32>
      %sub3A_4319 = vector.broadcast %reduce_sum3A_2985 : f32 to vector<1x128xf32>
      %sub3A_4320 = arith.subf %get3A_4318, %sub3A_4319 : vector<1x128xf32>
      %integer_pow3A_4321 = arith.mulf %sub3A_4320, %sub3A_4320 : vector<1x128xf32>
      %add3A_4322 = arith.addf %add3A_4313, %integer_pow3A_4321 : vector<1x128xf32>
      %eq3A_4323 = arith.constant 0 : i32
      %eq3A_4324 = arith.cmpi eq, %scan3A_1527, %eq3A_4323 : i32
      %min3A_4325 = arith.minimumf %get3A_4287, %add3A_4322 : vector<1x128xf32>
      %select_n3A_4326 = arith.select %eq3A_4324, %add3A_4322, %min3A_4325 : vector<1x128xf32>
      %and3A_4327 = vector.broadcast %scan3A_1534 : i1 to vector<1x128xi1>
      %and3A_4328 = arith.andi %and3A_1438, %and3A_4327 : vector<1x128xi1>
      %select_n3A_4329 = arith.select %and3A_4328, %select_n3A_4326, %get3A_4287 : vector<1x128xi1>, vector<1x128xf32>
      %not3A_4330 = arith.constant true
      %not3A_4331 = arith.xori %and3A_2883, %not3A_4330 : i1
      %and3A_4332 = vector.broadcast %not3A_4331 : i1 to vector<1x128xi1>
      %and3A_4333 = arith.andi %and3A_1438, %and3A_4332 : vector<1x128xi1>
      %jit3A_4334 = arith.constant -3.40282347E+38 : f32
      %broadcast_in_dim3A_4335 = vector.broadcast %jit3A_4334 : f32 to vector<1x128xf32>
      %select_n3A_4336 = arith.select %and3A_4333, %broadcast_in_dim3A_4335, %select_n3A_4329 : vector<1x128xi1>, vector<1x128xf32>
      %swap3A_4337 = arith.index_cast %min3A_1420 : i32 to index
      %swap3A_4338 = arith.constant 0 : index
      %swap3A_4339 = vector.load %arg5[%swap3A_4337, %swap3A_4338] : memref<512x128xf32, #tpu.memory_space<vmem>>, vector<1x128xf32>
      tpu.vector_store %arg5[%swap3A_4337, %swap3A_4338], %select_n3A_4336 {strides = array<i32>} : memref<512x128xf32, #tpu.memory_space<vmem>>, vector<1x128xf32>,
      %min3A_4340 = arith.constant 65535 : i32
      %min3A_4341 = arith.minsi %select_n3A_2051, %min3A_4340 : i32
      %jit3A_4342 = arith.constant 128 : i32
      %div3A_4343 = arith.divsi %min3A_4341, %jit3A_4342 : i32
      %sign3A_4344 = arith.constant 0 : i32
      %sign3A_4345 = arith.cmpi sgt, %min3A_4341, %sign3A_4344 : i32
      %sign3A_4346 = arith.extui %sign3A_4345 : i1 to i32
      %sign3A_4347 = arith.constant 0 : i32
      %sign3A_4348 = arith.cmpi slt, %min3A_4341, %sign3A_4347 : i32
      %sign3A_4349 = arith.extui %sign3A_4348 : i1 to i32
      %sign3A_4350 = arith.subi %sign3A_4346, %sign3A_4349 : i32
      %sign3A_4351 = arith.constant 0 : i32
      %sign3A_4352 = arith.cmpi sgt, %jit3A_4342, %sign3A_4351 : i32
      %sign3A_4353 = arith.extui %sign3A_4352 : i1 to i32
      %sign3A_4354 = arith.constant 0 : i32
      %sign3A_4355 = arith.cmpi slt, %jit3A_4342, %sign3A_4354 : i32
      %sign3A_4356 = arith.extui %sign3A_4355 : i1 to i32
      %sign3A_4357 = arith.subi %sign3A_4353, %sign3A_4356 : i32
      %ne3A_4358 = arith.cmpi ne, %sign3A_4350, %sign3A_4357 : i32
      %rem3A_4359 = arith.remsi %min3A_4341, %jit3A_4342 : i32
      %ne3A_4360 = arith.constant 0 : i32
      %ne3A_4361 = arith.cmpi ne, %rem3A_4359, %ne3A_4360 : i32
      %and3A_4362 = arith.andi %ne3A_4358, %ne3A_4361 : i1
      %sub3A_4363 = arith.constant 1 : i32
      %sub3A_4364 = arith.subi %div3A_4343, %sub3A_4363 : i32
      %select_n3A_4365 = arith.select %and3A_4362, %sub3A_4364, %div3A_4343 : i32
      %jit3A_4366 = arith.constant 128 : i32
      %eq3A_4367 = arith.constant 0 : i32
      %eq3A_4368 = arith.cmpi eq, %jit3A_4366, %eq3A_4367 : i32
      %jit3A_4369 = arith.constant 1 : i32
      %select_n3A_4370 = arith.select %eq3A_4368, %jit3A_4369, %jit3A_4366 : i32
      %rem3A_4371 = arith.remsi %min3A_4341, %select_n3A_4370 : i32
      %ne3A_4372 = arith.constant 0 : i32
      %ne3A_4373 = arith.cmpi ne, %rem3A_4371, %ne3A_4372 : i32
      %lt3A_4374 = arith.constant 0 : i32
      %lt3A_4375 = arith.cmpi slt, %rem3A_4371, %lt3A_4374 : i32
      %lt3A_4376 = arith.constant 0 : i32
      %lt3A_4377 = arith.cmpi slt, %select_n3A_4370, %lt3A_4376 : i32
      %ne3A_4378 = arith.xori %lt3A_4375, %lt3A_4377 : i1
      %and3A_4379 = arith.andi %ne3A_4378, %ne3A_4373 : i1
      %add3A_4380 = arith.addi %rem3A_4371, %select_n3A_4370 : i32
      %select_n3A_4381 = arith.select %and3A_4379, %add3A_4380, %rem3A_4371 : i32
      %get3A_4382 = arith.index_cast %select_n3A_4365 : i32 to index
      %get3A_4383 = arith.constant 0 : index
      %get3A_4384 = vector.load %arg5[%get3A_4382, %get3A_4383] : memref<512x128xf32, #tpu.memory_space<vmem>>, vector<1x128xf32>
      %eq3A_4385 = vector.broadcast %select_n3A_4381 : i32 to vector<1x128xi32>
      %eq3A_4386 = arith.cmpi eq, %iota3A, %eq3A_4385 : vector<1x128xi32>
      %and3A_4387 = vector.broadcast %scan3A_1534 : i1 to vector<1x128xi1>
      %and3A_4388 = arith.andi %eq3A_4386, %and3A_4387 : vector<1x128xi1>
      %jit3A_4389 = arith.constant -3.40282347E+38 : f32
      %broadcast_in_dim3A_4390 = vector.broadcast %jit3A_4389 : f32 to vector<1x128xf32>
      %select_n3A_4391 = arith.select %and3A_4388, %broadcast_in_dim3A_4390, %get3A_4384 : vector<1x128xi1>, vector<1x128xf32>
      %swap3A_4392 = arith.index_cast %select_n3A_4365 : i32 to index
      %swap3A_4393 = arith.constant 0 : index
      %swap3A_4394 = vector.load %arg5[%swap3A_4392, %swap3A_4393] : memref<512x128xf32, #tpu.memory_space<vmem>>, vector<1x128xf32>
      tpu.vector_store %arg5[%swap3A_4392, %swap3A_4393], %select_n3A_4391 {strides = array<i32>} : memref<512x128xf32, #tpu.memory_space<vmem>>, vector<1x128xf32>,
      %jit3A_4395 = arith.constant 65536 : i32
      %select_n3A_4396 = arith.select %scan3A_1534, %select_n3A_2051, %jit3A_4395 : i32
      %swap3A_4397 = arith.index_cast %scan3A_1527 : i32 to index
      %swap3A_4398 = arith.constant 6 : index
      %swap3A_4399 = memref.load %arg2[%swap3A_4397, %swap3A_4398] : memref<64x8xi32, #tpu.memory_space<smem>>
      memref.store %select_n3A_4396, %arg2[%swap3A_4397, %swap3A_4398] : memref<64x8xi32, #tpu.memory_space<smem>>
      %convert_element_type3A_4400 = arith.extui %scan3A_1534 : i1 to i32
      %swap3A_4401 = arith.index_cast %scan3A_1527 : i32 to index
      %swap3A_4402 = arith.constant 6 : index
      %swap3A_4403 = memref.load %arg3[%swap3A_4401, %swap3A_4402] : memref<64x8xi32, #tpu.memory_space<smem>>
      memref.store %convert_element_type3A_4400, %arg3[%swap3A_4401, %swap3A_4402] : memref<64x8xi32, #tpu.memory_space<smem>>
      %get3A_4404 = arith.index_cast %select_n3A_1477 : i32 to index
      %get3A_4405 = arith.constant 0 : index
      %get3A_4406 = vector.load %arg5[%get3A_4404, %get3A_4405] : memref<512x128xf32, #tpu.memory_space<vmem>>, vector<1x128xf32>
      %get3A_4407 = arith.constant 0 : index
      %get3A_4408 = arith.index_cast %select_n3A_1477 : i32 to index
      %get3A_4409 = arith.constant 0 : index
      %get3A_4410 = vector.load %arg1[%get3A_4407, %get3A_4408, %get3A_4409] : memref<4x512x128xf32, #tpu.memory_space<vmem>>, vector<1x1x128xf32>
      %get3A_4411 = vector.shape_cast %get3A_4410 : vector<1x1x128xf32> to vector<1x128xf32>
      %sub3A_4412 = vector.broadcast %reduce_sum3A_3064 : f32 to vector<1x128xf32>
      %sub3A_4413 = arith.subf %get3A_4411, %sub3A_4412 : vector<1x128xf32>
      %integer_pow3A_4414 = arith.mulf %sub3A_4413, %sub3A_4413 : vector<1x128xf32>
      %get3A_4415 = arith.constant 1 : index
      %get3A_4416 = arith.index_cast %select_n3A_1477 : i32 to index
      %get3A_4417 = arith.constant 0 : index
      %get3A_4418 = vector.load %arg1[%get3A_4415, %get3A_4416, %get3A_4417] : memref<4x512x128xf32, #tpu.memory_space<vmem>>, vector<1x1x128xf32>
      %get3A_4419 = vector.shape_cast %get3A_4418 : vector<1x1x128xf32> to vector<1x128xf32>
      %sub3A_4420 = vector.broadcast %reduce_sum3A_3079 : f32 to vector<1x128xf32>
      %sub3A_4421 = arith.subf %get3A_4419, %sub3A_4420 : vector<1x128xf32>
      %integer_pow3A_4422 = arith.mulf %sub3A_4421, %sub3A_4421 : vector<1x128xf32>
      %add3A_4423 = arith.addf %integer_pow3A_4414, %integer_pow3A_4422 : vector<1x128xf32>
      %get3A_4424 = arith.constant 2 : index
      %get3A_4425 = arith.index_cast %select_n3A_1477 : i32 to index
      %get3A_4426 = arith.constant 0 : index
      %get3A_4427 = vector.load %arg1[%get3A_4424, %get3A_4425, %get3A_4426] : memref<4x512x128xf32, #tpu.memory_space<vmem>>, vector<1x1x128xf32>
      %get3A_4428 = vector.shape_cast %get3A_4427 : vector<1x1x128xf32> to vector<1x128xf32>
      %sub3A_4429 = vector.broadcast %reduce_sum3A_3094 : f32 to vector<1x128xf32>
      %sub3A_4430 = arith.subf %get3A_4428, %sub3A_4429 : vector<1x128xf32>
      %integer_pow3A_4431 = arith.mulf %sub3A_4430, %sub3A_4430 : vector<1x128xf32>
      %add3A_4432 = arith.addf %add3A_4423, %integer_pow3A_4431 : vector<1x128xf32>
      %get3A_4433 = arith.constant 3 : index
      %get3A_4434 = arith.index_cast %select_n3A_1477 : i32 to index
      %get3A_4435 = arith.constant 0 : index
      %get3A_4436 = vector.load %arg1[%get3A_4433, %get3A_4434, %get3A_4435] : memref<4x512x128xf32, #tpu.memory_space<vmem>>, vector<1x1x128xf32>
      %get3A_4437 = vector.shape_cast %get3A_4436 : vector<1x1x128xf32> to vector<1x128xf32>
      %sub3A_4438 = vector.broadcast %reduce_sum3A_3109 : f32 to vector<1x128xf32>
      %sub3A_4439 = arith.subf %get3A_4437, %sub3A_4438 : vector<1x128xf32>
      %integer_pow3A_4440 = arith.mulf %sub3A_4439, %sub3A_4439 : vector<1x128xf32>
      %add3A_4441 = arith.addf %add3A_4432, %integer_pow3A_4440 : vector<1x128xf32>
      %eq3A_4442 = arith.constant 0 : i32
      %eq3A_4443 = arith.cmpi eq, %scan3A_1527, %eq3A_4442 : i32
      %min3A_4444 = arith.minimumf %get3A_4406, %add3A_4441 : vector<1x128xf32>
      %select_n3A_4445 = arith.select %eq3A_4443, %add3A_4441, %min3A_4444 : vector<1x128xf32>
      %and3A_4446 = vector.broadcast %scan3A_1535 : i1 to vector<1x128xi1>
      %and3A_4447 = arith.andi %and3A_1512, %and3A_4446 : vector<1x128xi1>
      %select_n3A_4448 = arith.select %and3A_4447, %select_n3A_4445, %get3A_4406 : vector<1x128xi1>, vector<1x128xf32>
      %not3A_4449 = arith.constant true
      %not3A_4450 = arith.xori %and3A_3007, %not3A_4449 : i1
      %and3A_4451 = vector.broadcast %not3A_4450 : i1 to vector<1x128xi1>
      %and3A_4452 = arith.andi %and3A_1512, %and3A_4451 : vector<1x128xi1>
      %jit3A_4453 = arith.constant -3.40282347E+38 : f32
      %broadcast_in_dim3A_4454 = vector.broadcast %jit3A_4453 : f32 to vector<1x128xf32>
      %select_n3A_4455 = arith.select %and3A_4452, %broadcast_in_dim3A_4454, %select_n3A_4448 : vector<1x128xi1>, vector<1x128xf32>
      %swap3A_4456 = arith.index_cast %select_n3A_1477 : i32 to index
      %swap3A_4457 = arith.constant 0 : index
      %swap3A_4458 = vector.load %arg5[%swap3A_4456, %swap3A_4457] : memref<512x128xf32, #tpu.memory_space<vmem>>, vector<1x128xf32>
      tpu.vector_store %arg5[%swap3A_4456, %swap3A_4457], %select_n3A_4455 {strides = array<i32>} : memref<512x128xf32, #tpu.memory_space<vmem>>, vector<1x128xf32>,
      %get3A_4459 = arith.index_cast %min3A_1503 : i32 to index
      %get3A_4460 = arith.constant 0 : index
      %get3A_4461 = vector.load %arg5[%get3A_4459, %get3A_4460] : memref<512x128xf32, #tpu.memory_space<vmem>>, vector<1x128xf32>
      %get3A_4462 = arith.constant 0 : index
      %get3A_4463 = arith.index_cast %min3A_1503 : i32 to index
      %get3A_4464 = arith.constant 0 : index
      %get3A_4465 = vector.load %arg1[%get3A_4462, %get3A_4463, %get3A_4464] : memref<4x512x128xf32, #tpu.memory_space<vmem>>, vector<1x1x128xf32>
      %get3A_4466 = vector.shape_cast %get3A_4465 : vector<1x1x128xf32> to vector<1x128xf32>
      %sub3A_4467 = vector.broadcast %reduce_sum3A_3064 : f32 to vector<1x128xf32>
      %sub3A_4468 = arith.subf %get3A_4466, %sub3A_4467 : vector<1x128xf32>
      %integer_pow3A_4469 = arith.mulf %sub3A_4468, %sub3A_4468 : vector<1x128xf32>
      %get3A_4470 = arith.constant 1 : index
      %get3A_4471 = arith.index_cast %min3A_1503 : i32 to index
      %get3A_4472 = arith.constant 0 : index
      %get3A_4473 = vector.load %arg1[%get3A_4470, %get3A_4471, %get3A_4472] : memref<4x512x128xf32, #tpu.memory_space<vmem>>, vector<1x1x128xf32>
      %get3A_4474 = vector.shape_cast %get3A_4473 : vector<1x1x128xf32> to vector<1x128xf32>
      %sub3A_4475 = vector.broadcast %reduce_sum3A_3079 : f32 to vector<1x128xf32>
      %sub3A_4476 = arith.subf %get3A_4474, %sub3A_4475 : vector<1x128xf32>
      %integer_pow3A_4477 = arith.mulf %sub3A_4476, %sub3A_4476 : vector<1x128xf32>
      %add3A_4478 = arith.addf %integer_pow3A_4469, %integer_pow3A_4477 : vector<1x128xf32>
      %get3A_4479 = arith.constant 2 : index
      %get3A_4480 = arith.index_cast %min3A_1503 : i32 to index
      %get3A_4481 = arith.constant 0 : index
      %get3A_4482 = vector.load %arg1[%get3A_4479, %get3A_4480, %get3A_4481] : memref<4x512x128xf32, #tpu.memory_space<vmem>>, vector<1x1x128xf32>
      %get3A_4483 = vector.shape_cast %get3A_4482 : vector<1x1x128xf32> to vector<1x128xf32>
      %sub3A_4484 = vector.broadcast %reduce_sum3A_3094 : f32 to vector<1x128xf32>
      %sub3A_4485 = arith.subf %get3A_4483, %sub3A_4484 : vector<1x128xf32>
      %integer_pow3A_4486 = arith.mulf %sub3A_4485, %sub3A_4485 : vector<1x128xf32>
      %add3A_4487 = arith.addf %add3A_4478, %integer_pow3A_4486 : vector<1x128xf32>
      %get3A_4488 = arith.constant 3 : index
      %get3A_4489 = arith.index_cast %min3A_1503 : i32 to index
      %get3A_4490 = arith.constant 0 : index
      %get3A_4491 = vector.load %arg1[%get3A_4488, %get3A_4489, %get3A_4490] : memref<4x512x128xf32, #tpu.memory_space<vmem>>, vector<1x1x128xf32>
      %get3A_4492 = vector.shape_cast %get3A_4491 : vector<1x1x128xf32> to vector<1x128xf32>
      %sub3A_4493 = vector.broadcast %reduce_sum3A_3109 : f32 to vector<1x128xf32>
      %sub3A_4494 = arith.subf %get3A_4492, %sub3A_4493 : vector<1x128xf32>
      %integer_pow3A_4495 = arith.mulf %sub3A_4494, %sub3A_4494 : vector<1x128xf32>
      %add3A_4496 = arith.addf %add3A_4487, %integer_pow3A_4495 : vector<1x128xf32>
      %eq3A_4497 = arith.constant 0 : i32
      %eq3A_4498 = arith.cmpi eq, %scan3A_1527, %eq3A_4497 : i32
      %min3A_4499 = arith.minimumf %get3A_4461, %add3A_4496 : vector<1x128xf32>
      %select_n3A_4500 = arith.select %eq3A_4498, %add3A_4496, %min3A_4499 : vector<1x128xf32>
      %and3A_4501 = vector.broadcast %scan3A_1535 : i1 to vector<1x128xi1>
      %and3A_4502 = arith.andi %and3A_1521, %and3A_4501 : vector<1x128xi1>
      %select_n3A_4503 = arith.select %and3A_4502, %select_n3A_4500, %get3A_4461 : vector<1x128xi1>, vector<1x128xf32>
      %not3A_4504 = arith.constant true
      %not3A_4505 = arith.xori %and3A_3007, %not3A_4504 : i1
      %and3A_4506 = vector.broadcast %not3A_4505 : i1 to vector<1x128xi1>
      %and3A_4507 = arith.andi %and3A_1521, %and3A_4506 : vector<1x128xi1>
      %jit3A_4508 = arith.constant -3.40282347E+38 : f32
      %broadcast_in_dim3A_4509 = vector.broadcast %jit3A_4508 : f32 to vector<1x128xf32>
      %select_n3A_4510 = arith.select %and3A_4507, %broadcast_in_dim3A_4509, %select_n3A_4503 : vector<1x128xi1>, vector<1x128xf32>
      %swap3A_4511 = arith.index_cast %min3A_1503 : i32 to index
      %swap3A_4512 = arith.constant 0 : index
      %swap3A_4513 = vector.load %arg5[%swap3A_4511, %swap3A_4512] : memref<512x128xf32, #tpu.memory_space<vmem>>, vector<1x128xf32>
      tpu.vector_store %arg5[%swap3A_4511, %swap3A_4512], %select_n3A_4510 {strides = array<i32>} : memref<512x128xf32, #tpu.memory_space<vmem>>, vector<1x128xf32>,
      %min3A_4514 = arith.constant 65535 : i32
      %min3A_4515 = arith.minsi %select_n3A_2123, %min3A_4514 : i32
      %jit3A_4516 = arith.constant 128 : i32
      %div3A_4517 = arith.divsi %min3A_4515, %jit3A_4516 : i32
      %sign3A_4518 = arith.constant 0 : i32
      %sign3A_4519 = arith.cmpi sgt, %min3A_4515, %sign3A_4518 : i32
      %sign3A_4520 = arith.extui %sign3A_4519 : i1 to i32
      %sign3A_4521 = arith.constant 0 : i32
      %sign3A_4522 = arith.cmpi slt, %min3A_4515, %sign3A_4521 : i32
      %sign3A_4523 = arith.extui %sign3A_4522 : i1 to i32
      %sign3A_4524 = arith.subi %sign3A_4520, %sign3A_4523 : i32
      %sign3A_4525 = arith.constant 0 : i32
      %sign3A_4526 = arith.cmpi sgt, %jit3A_4516, %sign3A_4525 : i32
      %sign3A_4527 = arith.extui %sign3A_4526 : i1 to i32
      %sign3A_4528 = arith.constant 0 : i32
      %sign3A_4529 = arith.cmpi slt, %jit3A_4516, %sign3A_4528 : i32
      %sign3A_4530 = arith.extui %sign3A_4529 : i1 to i32
      %sign3A_4531 = arith.subi %sign3A_4527, %sign3A_4530 : i32
      %ne3A_4532 = arith.cmpi ne, %sign3A_4524, %sign3A_4531 : i32
      %rem3A_4533 = arith.remsi %min3A_4515, %jit3A_4516 : i32
      %ne3A_4534 = arith.constant 0 : i32
      %ne3A_4535 = arith.cmpi ne, %rem3A_4533, %ne3A_4534 : i32
      %and3A_4536 = arith.andi %ne3A_4532, %ne3A_4535 : i1
      %sub3A_4537 = arith.constant 1 : i32
      %sub3A_4538 = arith.subi %div3A_4517, %sub3A_4537 : i32
      %select_n3A_4539 = arith.select %and3A_4536, %sub3A_4538, %div3A_4517 : i32
      %jit3A_4540 = arith.constant 128 : i32
      %eq3A_4541 = arith.constant 0 : i32
      %eq3A_4542 = arith.cmpi eq, %jit3A_4540, %eq3A_4541 : i32
      %jit3A_4543 = arith.constant 1 : i32
      %select_n3A_4544 = arith.select %eq3A_4542, %jit3A_4543, %jit3A_4540 : i32
      %rem3A_4545 = arith.remsi %min3A_4515, %select_n3A_4544 : i32
      %ne3A_4546 = arith.constant 0 : i32
      %ne3A_4547 = arith.cmpi ne, %rem3A_4545, %ne3A_4546 : i32
      %lt3A_4548 = arith.constant 0 : i32
      %lt3A_4549 = arith.cmpi slt, %rem3A_4545, %lt3A_4548 : i32
      %lt3A_4550 = arith.constant 0 : i32
      %lt3A_4551 = arith.cmpi slt, %select_n3A_4544, %lt3A_4550 : i32
      %ne3A_4552 = arith.xori %lt3A_4549, %lt3A_4551 : i1
      %and3A_4553 = arith.andi %ne3A_4552, %ne3A_4547 : i1
      %add3A_4554 = arith.addi %rem3A_4545, %select_n3A_4544 : i32
      %select_n3A_4555 = arith.select %and3A_4553, %add3A_4554, %rem3A_4545 : i32
      %get3A_4556 = arith.index_cast %select_n3A_4539 : i32 to index
      %get3A_4557 = arith.constant 0 : index
      %get3A_4558 = vector.load %arg5[%get3A_4556, %get3A_4557] : memref<512x128xf32, #tpu.memory_space<vmem>>, vector<1x128xf32>
      %eq3A_4559 = vector.broadcast %select_n3A_4555 : i32 to vector<1x128xi32>
      %eq3A_4560 = arith.cmpi eq, %iota3A, %eq3A_4559 : vector<1x128xi32>
      %and3A_4561 = vector.broadcast %scan3A_1535 : i1 to vector<1x128xi1>
      %and3A_4562 = arith.andi %eq3A_4560, %and3A_4561 : vector<1x128xi1>
      %jit3A_4563 = arith.constant -3.40282347E+38 : f32
      %broadcast_in_dim3A_4564 = vector.broadcast %jit3A_4563 : f32 to vector<1x128xf32>
      %select_n3A_4565 = arith.select %and3A_4562, %broadcast_in_dim3A_4564, %get3A_4558 : vector<1x128xi1>, vector<1x128xf32>
      %swap3A_4566 = arith.index_cast %select_n3A_4539 : i32 to index
      %swap3A_4567 = arith.constant 0 : index
      %swap3A_4568 = vector.load %arg5[%swap3A_4566, %swap3A_4567] : memref<512x128xf32, #tpu.memory_space<vmem>>, vector<1x128xf32>
      tpu.vector_store %arg5[%swap3A_4566, %swap3A_4567], %select_n3A_4565 {strides = array<i32>} : memref<512x128xf32, #tpu.memory_space<vmem>>, vector<1x128xf32>,
      %jit3A_4569 = arith.constant 65536 : i32
      %select_n3A_4570 = arith.select %scan3A_1535, %select_n3A_2123, %jit3A_4569 : i32
      %swap3A_4571 = arith.index_cast %scan3A_1527 : i32 to index
      %swap3A_4572 = arith.constant 7 : index
      %swap3A_4573 = memref.load %arg2[%swap3A_4571, %swap3A_4572] : memref<64x8xi32, #tpu.memory_space<smem>>
      memref.store %select_n3A_4570, %arg2[%swap3A_4571, %swap3A_4572] : memref<64x8xi32, #tpu.memory_space<smem>>
      %convert_element_type3A_4574 = arith.extui %scan3A_1535 : i1 to i32
      %swap3A_4575 = arith.index_cast %scan3A_1527 : i32 to index
      %swap3A_4576 = arith.constant 7 : index
      %swap3A_4577 = memref.load %arg3[%swap3A_4575, %swap3A_4576] : memref<64x8xi32, #tpu.memory_space<smem>>
      memref.store %convert_element_type3A_4574, %arg3[%swap3A_4575, %swap3A_4576] : memref<64x8xi32, #tpu.memory_space<smem>>
      scf.yield %and3A_2139, %and3A_2263, %and3A_2387, %and3A_2511, %and3A_2635, %and3A_2759, %and3A_2883, %and3A_3007 : i1, i1, i1, i1, i1, i1, i1, i1
    }
    %scan3A_1526 = arith.constant 64 : i32
    return
  }
}

module attributes {stable_mosaic.version = 14 : i64} {
  func.func @_head_kernel(%arg0: memref<8192x32xf32, #tpu.memory_space<vmem>>, %arg1: memref<8192x1xf32, #tpu.memory_space<vmem>>, %arg2: memref<512x1xf32, #tpu.memory_space<vmem>>, %arg3: memref<32x64xf32, #tpu.memory_space<vmem>>, %arg4: memref<1x64xf32, #tpu.memory_space<vmem>>, %arg5: memref<64x128xf32, #tpu.memory_space<vmem>>, %arg6: memref<1x128xf32, #tpu.memory_space<vmem>>, %arg7: memref<128x256xf32, #tpu.memory_space<vmem>>, %arg8: memref<1x256xf32, #tpu.memory_space<vmem>>, %arg9: memref<256x256xf32, #tpu.memory_space<vmem>>, %arg10: memref<1x256xf32, #tpu.memory_space<vmem>>, %arg11: memref<256x256xf32, #tpu.memory_space<vmem>>, %arg12: memref<1x256xf32, #tpu.memory_space<vmem>>, %arg13: memref<512x256xf32, #tpu.memory_space<vmem>>) attributes {dimension_semantics = [], scalar_prefetch = 0 : i64, scratch_operands = 0 : i64, tpu.core_type = #tpu.core_type<tc>} {
    %get3A = arith.constant 0 : index
    %get3A_0 = arith.constant 0 : index
    %get3A_1 = vector.load %arg0[%get3A, %get3A_0] : memref<8192x32xf32, #tpu.memory_space<vmem>>, vector<8192x32xf32>
    %get3A_2 = arith.constant 0 : index
    %get3A_3 = arith.constant 0 : index
    %get3A_4 = vector.load %arg3[%get3A_2, %get3A_3] : memref<32x64xf32, #tpu.memory_space<vmem>>, vector<32x64xf32>
    %dot_general3A = arith.constant dense<0.000000e+00> : vector<8192x64xf32>
    %dot_general3A_5 = tpu.matmul %get3A_1, %get3A_4, %dot_general3A {dimension_numbers = #tpu.dot_dimension_numbers<[1], [0], [0], [1], [0, 0, 1, 1], [], []>, transpose_lhs_hint = false} : vector<8192x32xf32>, vector<32x64xf32>, vector<8192x64xf32> -> vector<8192x64xf32>
    %get3A_6 = arith.constant 0 : index
    %get3A_7 = arith.constant 0 : index
    %get3A_8 = vector.load %arg4[%get3A_6, %get3A_7] : memref<1x64xf32, #tpu.memory_space<vmem>>, vector<1x64xf32>
    %add3A = vector.broadcast %get3A_8 : vector<1x64xf32> to vector<8192x64xf32>
    %add3A_9 = arith.addf %dot_general3A_5, %add3A : vector<8192x64xf32>
    %max3A = arith.constant 0.000000e+00 : f32
    %max3A_10 = vector.broadcast %max3A : f32 to vector<8192x64xf32>
    %max3A_11 = arith.maximumf %add3A_9, %max3A_10 : vector<8192x64xf32>
    %get3A_12 = arith.constant 0 : index
    %get3A_13 = arith.constant 0 : index
    %get3A_14 = vector.load %arg5[%get3A_12, %get3A_13] : memref<64x128xf32, #tpu.memory_space<vmem>>, vector<64x128xf32>
    %dot_general3A_15 = arith.constant dense<0.000000e+00> : vector<8192x128xf32>
    %dot_general3A_16 = tpu.matmul %max3A_11, %get3A_14, %dot_general3A_15 {dimension_numbers = #tpu.dot_dimension_numbers<[1], [0], [0], [1], [0, 0, 1, 1], [], []>, transpose_lhs_hint = false} : vector<8192x64xf32>, vector<64x128xf32>, vector<8192x128xf32> -> vector<8192x128xf32>
    %get3A_17 = arith.constant 0 : index
    %get3A_18 = arith.constant 0 : index
    %get3A_19 = vector.load %arg6[%get3A_17, %get3A_18] : memref<1x128xf32, #tpu.memory_space<vmem>>, vector<1x128xf32>
    %add3A_20 = vector.broadcast %get3A_19 : vector<1x128xf32> to vector<8192x128xf32>
    %add3A_21 = arith.addf %dot_general3A_16, %add3A_20 : vector<8192x128xf32>
    %max3A_22 = arith.constant 0.000000e+00 : f32
    %max3A_23 = vector.broadcast %max3A_22 : f32 to vector<8192x128xf32>
    %max3A_24 = arith.maximumf %add3A_21, %max3A_23 : vector<8192x128xf32>
    %get3A_25 = arith.constant 0 : index
    %get3A_26 = arith.constant 0 : index
    %get3A_27 = vector.load %arg7[%get3A_25, %get3A_26] : memref<128x256xf32, #tpu.memory_space<vmem>>, vector<128x256xf32>
    %dot_general3A_28 = arith.constant dense<0.000000e+00> : vector<8192x256xf32>
    %dot_general3A_29 = tpu.matmul %max3A_24, %get3A_27, %dot_general3A_28 {dimension_numbers = #tpu.dot_dimension_numbers<[1], [0], [0], [1], [0, 0, 1, 1], [], []>, transpose_lhs_hint = false} : vector<8192x128xf32>, vector<128x256xf32>, vector<8192x256xf32> -> vector<8192x256xf32>
    %get3A_30 = arith.constant 0 : index
    %get3A_31 = arith.constant 0 : index
    %get3A_32 = vector.load %arg8[%get3A_30, %get3A_31] : memref<1x256xf32, #tpu.memory_space<vmem>>, vector<1x256xf32>
    %add3A_33 = vector.broadcast %get3A_32 : vector<1x256xf32> to vector<8192x256xf32>
    %add3A_34 = arith.addf %dot_general3A_29, %add3A_33 : vector<8192x256xf32>
    %get3A_35 = arith.constant 0 : index
    %get3A_36 = arith.constant 0 : index
    %get3A_37 = vector.load %arg1[%get3A_35, %get3A_36] : memref<8192x1xf32, #tpu.memory_space<vmem>>, vector<8192x1xf32>
    %gt3A = arith.constant 0.000000e+00 : f32
    %gt3A_38 = vector.broadcast %gt3A : f32 to vector<8192x1xf32>
    %gt3A_39 = arith.cmpf ogt, %get3A_37, %gt3A_38 : vector<8192x1xf32>
    %jit3A = arith.constant -3.40282347E+38 : f32
    %broadcast_in_dim3A = vector.shape_cast %gt3A_39 : vector<8192x1xi1> to vector<8192x1xi1>
    %broadcast_in_dim3A_40 = vector.broadcast %broadcast_in_dim3A : vector<8192x1xi1> to vector<8192x256xi1>
    %broadcast_in_dim3A_41 = vector.broadcast %jit3A : f32 to vector<8192x256xf32>
    %select_n3A = arith.select %broadcast_in_dim3A_40, %add3A_34, %broadcast_in_dim3A_41 : vector<8192x256xi1>, vector<8192x256xf32>
    %slice3A = vector.extract_strided_slice %select_n3A {offsets = [0, 0], sizes = [512, 256], strides = [1, 1]} : vector<8192x256xf32> to vector<512x256xf32>
    %slice3A_42 = vector.extract_strided_slice %select_n3A {offsets = [512, 0], sizes = [512, 256], strides = [1, 1]} : vector<8192x256xf32> to vector<512x256xf32>
    %max3A_43 = arith.maximumf %slice3A, %slice3A_42 : vector<512x256xf32>
    %slice3A_44 = vector.extract_strided_slice %select_n3A {offsets = [1024, 0], sizes = [512, 256], strides = [1, 1]} : vector<8192x256xf32> to vector<512x256xf32>
    %max3A_45 = arith.maximumf %max3A_43, %slice3A_44 : vector<512x256xf32>
    %slice3A_46 = vector.extract_strided_slice %select_n3A {offsets = [1536, 0], sizes = [512, 256], strides = [1, 1]} : vector<8192x256xf32> to vector<512x256xf32>
    %max3A_47 = arith.maximumf %max3A_45, %slice3A_46 : vector<512x256xf32>
    %slice3A_48 = vector.extract_strided_slice %select_n3A {offsets = [2048, 0], sizes = [512, 256], strides = [1, 1]} : vector<8192x256xf32> to vector<512x256xf32>
    %max3A_49 = arith.maximumf %max3A_47, %slice3A_48 : vector<512x256xf32>
    %slice3A_50 = vector.extract_strided_slice %select_n3A {offsets = [2560, 0], sizes = [512, 256], strides = [1, 1]} : vector<8192x256xf32> to vector<512x256xf32>
    %max3A_51 = arith.maximumf %max3A_49, %slice3A_50 : vector<512x256xf32>
    %slice3A_52 = vector.extract_strided_slice %select_n3A {offsets = [3072, 0], sizes = [512, 256], strides = [1, 1]} : vector<8192x256xf32> to vector<512x256xf32>
    %max3A_53 = arith.maximumf %max3A_51, %slice3A_52 : vector<512x256xf32>
    %slice3A_54 = vector.extract_strided_slice %select_n3A {offsets = [3584, 0], sizes = [512, 256], strides = [1, 1]} : vector<8192x256xf32> to vector<512x256xf32>
    %max3A_55 = arith.maximumf %max3A_53, %slice3A_54 : vector<512x256xf32>
    %slice3A_56 = vector.extract_strided_slice %select_n3A {offsets = [4096, 0], sizes = [512, 256], strides = [1, 1]} : vector<8192x256xf32> to vector<512x256xf32>
    %max3A_57 = arith.maximumf %max3A_55, %slice3A_56 : vector<512x256xf32>
    %slice3A_58 = vector.extract_strided_slice %select_n3A {offsets = [4608, 0], sizes = [512, 256], strides = [1, 1]} : vector<8192x256xf32> to vector<512x256xf32>
    %max3A_59 = arith.maximumf %max3A_57, %slice3A_58 : vector<512x256xf32>
    %slice3A_60 = vector.extract_strided_slice %select_n3A {offsets = [5120, 0], sizes = [512, 256], strides = [1, 1]} : vector<8192x256xf32> to vector<512x256xf32>
    %max3A_61 = arith.maximumf %max3A_59, %slice3A_60 : vector<512x256xf32>
    %slice3A_62 = vector.extract_strided_slice %select_n3A {offsets = [5632, 0], sizes = [512, 256], strides = [1, 1]} : vector<8192x256xf32> to vector<512x256xf32>
    %max3A_63 = arith.maximumf %max3A_61, %slice3A_62 : vector<512x256xf32>
    %slice3A_64 = vector.extract_strided_slice %select_n3A {offsets = [6144, 0], sizes = [512, 256], strides = [1, 1]} : vector<8192x256xf32> to vector<512x256xf32>
    %max3A_65 = arith.maximumf %max3A_63, %slice3A_64 : vector<512x256xf32>
    %slice3A_66 = vector.extract_strided_slice %select_n3A {offsets = [6656, 0], sizes = [512, 256], strides = [1, 1]} : vector<8192x256xf32> to vector<512x256xf32>
    %max3A_67 = arith.maximumf %max3A_65, %slice3A_66 : vector<512x256xf32>
    %slice3A_68 = vector.extract_strided_slice %select_n3A {offsets = [7168, 0], sizes = [512, 256], strides = [1, 1]} : vector<8192x256xf32> to vector<512x256xf32>
    %max3A_69 = arith.maximumf %max3A_67, %slice3A_68 : vector<512x256xf32>
    %slice3A_70 = vector.extract_strided_slice %select_n3A {offsets = [7680, 0], sizes = [512, 256], strides = [1, 1]} : vector<8192x256xf32> to vector<512x256xf32>
    %max3A_71 = arith.maximumf %max3A_69, %slice3A_70 : vector<512x256xf32>
    %get3A_72 = arith.constant 0 : index
    %get3A_73 = arith.constant 0 : index
    %get3A_74 = vector.load %arg9[%get3A_72, %get3A_73] : memref<256x256xf32, #tpu.memory_space<vmem>>, vector<256x256xf32>
    %dot_general3A_75 = arith.constant dense<0.000000e+00> : vector<512x256xf32>
    %dot_general3A_76 = tpu.matmul %max3A_71, %get3A_74, %dot_general3A_75 {dimension_numbers = #tpu.dot_dimension_numbers<[1], [0], [0], [1], [0, 0, 1, 1], [], []>, transpose_lhs_hint = false} : vector<512x256xf32>, vector<256x256xf32>, vector<512x256xf32> -> vector<512x256xf32>
    %get3A_77 = arith.constant 0 : index
    %get3A_78 = arith.constant 0 : index
    %get3A_79 = vector.load %arg10[%get3A_77, %get3A_78] : memref<1x256xf32, #tpu.memory_space<vmem>>, vector<1x256xf32>
    %add3A_80 = vector.broadcast %get3A_79 : vector<1x256xf32> to vector<512x256xf32>
    %add3A_81 = arith.addf %dot_general3A_76, %add3A_80 : vector<512x256xf32>
    %max3A_82 = arith.constant 0.000000e+00 : f32
    %max3A_83 = vector.broadcast %max3A_82 : f32 to vector<512x256xf32>
    %max3A_84 = arith.maximumf %add3A_81, %max3A_83 : vector<512x256xf32>
    %get3A_85 = arith.constant 0 : index
    %get3A_86 = arith.constant 0 : index
    %get3A_87 = vector.load %arg11[%get3A_85, %get3A_86] : memref<256x256xf32, #tpu.memory_space<vmem>>, vector<256x256xf32>
    %dot_general3A_88 = arith.constant dense<0.000000e+00> : vector<512x256xf32>
    %dot_general3A_89 = tpu.matmul %max3A_84, %get3A_87, %dot_general3A_88 {dimension_numbers = #tpu.dot_dimension_numbers<[1], [0], [0], [1], [0, 0, 1, 1], [], []>, transpose_lhs_hint = false} : vector<512x256xf32>, vector<256x256xf32>, vector<512x256xf32> -> vector<512x256xf32>
    %get3A_90 = arith.constant 0 : index
    %get3A_91 = arith.constant 0 : index
    %get3A_92 = vector.load %arg12[%get3A_90, %get3A_91] : memref<1x256xf32, #tpu.memory_space<vmem>>, vector<1x256xf32>
    %add3A_93 = vector.broadcast %get3A_92 : vector<1x256xf32> to vector<512x256xf32>
    %add3A_94 = arith.addf %dot_general3A_89, %add3A_93 : vector<512x256xf32>
    %get3A_95 = arith.constant 0 : index
    %get3A_96 = arith.constant 0 : index
    %get3A_97 = vector.load %arg2[%get3A_95, %get3A_96] : memref<512x1xf32, #tpu.memory_space<vmem>>, vector<512x1xf32>
    %gt3A_98 = arith.constant 0.000000e+00 : f32
    %gt3A_99 = vector.broadcast %gt3A_98 : f32 to vector<512x1xf32>
    %gt3A_100 = arith.cmpf ogt, %get3A_97, %gt3A_99 : vector<512x1xf32>
    %jit3A_101 = arith.constant 0.000000e+00 : f32
    %broadcast_in_dim3A_102 = vector.shape_cast %gt3A_100 : vector<512x1xi1> to vector<512x1xi1>
    %broadcast_in_dim3A_103 = vector.broadcast %broadcast_in_dim3A_102 : vector<512x1xi1> to vector<512x256xi1>
    %broadcast_in_dim3A_104 = vector.broadcast %jit3A_101 : f32 to vector<512x256xf32>
    %select_n3A_105 = arith.select %broadcast_in_dim3A_103, %add3A_94, %broadcast_in_dim3A_104 : vector<512x256xi1>, vector<512x256xf32>
    %swap3A = arith.constant 0 : index
    %swap3A_106 = arith.constant 0 : index
    %swap3A_107 = vector.load %arg13[%swap3A, %swap3A_106] : memref<512x256xf32, #tpu.memory_space<vmem>>, vector<512x256xf32>
    tpu.vector_store %arg13[%swap3A, %swap3A_106], %select_n3A_105 {strides = array<i32>} : memref<512x256xf32, #tpu.memory_space<vmem>>, vector<512x256xf32>,
    return
  }
}

</mosaic_0001>

<sc_bundles>
// kernel: gather_offload_async_start
scs
__scs_entry_jumppad:
0x0: {  	(pc) =	sbr.rel $0x88, $3  }
0x1: {  	(tag) =	ssettag $0x0;
	lr =	simm.s32 $0x1  }
0x2: {  	[smem:$0x3F94] =	sst lr;
	_ =	strace $0xD0000000  }
0x3: {  	_ = 	snop  }
0x4: {  	_ = 	snop  }
0x5: {  	_ = 	snop  }
0x6: {  	_ = 	snop  }
0x7: {  	_ = 	snop  }
__scs_overlays_trampoline_lowered:
0x8: {  	[smem:$0x3FA3] =	sst s0  }
0x9: {  	[smem:$0x3FA4] =	sst s1  }
0xa: {  	[smem:$0x3FA5] =	sst s2  }
0xb: {  	[smem:$0x3FA6] =	sst s3  }
0xc: {  	[smem:$0x3FA7] =	sst s4  }
0xd: {  	[smem:$0x3FA8] =	sst s5  }
0xe: {  	[smem:$0x3FA9] =	sst s6  }
0xf: {  	[smem:$0x3FAA] =	sst s7  }
0x10: {  	[smem:$0x3FAB] =	sst s8  }
0x11: {  	[smem:$0x3FAC] =	sst s9;
	s0 =	simm.s32 @!p0 $0x0  }
0x12: {  	s1 =	sld [smem:$0x3F92];
	s0 =	simm.s32 @p0 $0x1  }
0x13: {  	[smem:$0x3FAD] =	sst s0;
	s0 =	simm.s32 @!p1 $0x0  }
0x14: {  	s2 =	sld [smem:$0x3F91];
	s0 =	simm.s32 @p1 $0x1  }
0x15: {  	[smem:$0x3FAE] =	sst s0;
	s0 =	simm.s32 @!p2 $0x0  }
0x16: {  	s3 =	sld [smem:$0x3FDB];
	s0 =	simm.s32 @p2 $0x1  }
0x17: {  	s4 =	simm.s32 $0x1BF5;
	[smem:$0x3FB0] =	sst s0  }
0x18: {  	s0 =	sld [smem:$0x3F93];
	_ =	swait.ge [sflag:s4], $0x0  }
0x19: {  	s7 =	sld [smem:$0x3F94]  }
0x1a: {  	s8 =	sadd.s32 $0xFFFFE003, lr  }
0x1b: {  	s9 =	sadd.s32 $0xFFFFFEF7, lr;
	s5 =	simm.s32 $0xFFFFFFFF;
	p2 =	slt.u32 s8, $0xFFFFF086  }
0x1c: {  	p1 =	slt.u32 s9, $0xF7A;
	s5 =	simm.s32 @!p2 $0x0  }
0x1d: {  	s5 =	simm.s32 @p1 $0x1;
	p0 =	seq.s32 s7, s2  }
0x1e: {  	s7 =	smul.u32 @!p0 $0xF7A, s2;
	p2 =	seq.s32 @!p0 s5, $0x0  }
0x1f: {  	s9 =	smul.u32 $0xF7A, s1;
	s8 =	simm.s32 @!p0 $0x1BF5;
	p2 =	por !p2, p0  }
0x20: {  	[sflag:s8] =	ssyncset.s32 @!p0 $0xFFFFF086;
	s6 =	sadd.s32 @!p0 s3, s7;
	s7 =	simm.s32 @!p0 $0x108  }
0x21: {  	s3 =	sadd.s32 s3, s9;
	s6 =	sadd.s32 @!p0 $0x88, s6;
	s7 =	simm.s32 @p2 $0x1082  }
0x22: {  	[simem:s7], [sflag:s8] =	dma.local @!p0 [hbm:s6], $0xF7A  }
0x23: {  	s9 =	sor.u32 $0xD0000000, s2;
	s6 =	simm.s32 $0x108;
	_ =	swait.ge @!p0 [sflag:s8], $0x0  }
0x24: {  	s3 =	sadd.s32 $0x88, s3;
	s6 =	simm.s32 @!p1 $0x1082;
	[sflag:s4] =	ssyncset.s32 $0xFFFFF086  }
0x25: {  	[simem:s6], [sflag:s4] =	dma.local [hbm:s3], $0xF7A  }
0x26: {  	[smem:$0x3F94] =	sst s1;
	(tag) =	ssettag s2;
	_ =	strace s9  }
0x27: {  	s1 =	sld [smem:$0x3FA4]  }
0x28: {  	s2 =	sld [smem:$0x3FA5]  }
0x29: {  	s4 =	sld [smem:$0x3FA7]  }
0x2a: {  	p0 =	seq.s32 s5, $0x0;
	s5 =	sld [smem:$0x3FA8]  }
0x2b: {  	s6 =	sld [smem:$0x3FA9]  }
0x2c: {  	s7 =	sld [smem:$0x3FAA]  }
0x2d: {  	s3 =	simm.s32 $0x108;
	s8 =	sld [smem:$0x3FAB]  }
0x2e: {  	s3 =	simm.s32 @!p0 $0x1082;
	s9 =	sld [smem:$0x3FAC]  }
0x2f: {  	lr =	sadd.s32 s0, s3;
	s0 =	sld [smem:$0x3FA3]  }
0x30: {  	s3 =	sld [smem:$0x3FA6]  }
0x31: {  	[smem:$0x3FAF] =	sst s10  }
0x32: {  	s10 =	sld [smem:$0x3FAD];
	_ =	sdelay $0x3  }
0x33: {  	p0 =	seq.s32 s10, $0x1;
	s10 =	sld [smem:$0x3FAF];
	_ =	sdelay $0x3  }
0x34: {  	[smem:$0x3FAF] =	sst s10  }
0x35: {  	s10 =	sld [smem:$0x3FAE];
	_ =	sdelay $0x3  }
0x36: {  	p1 =	seq.s32 s10, $0x1;
	s10 =	sld [smem:$0x3FAF];
	_ =	sdelay $0x3  }
0x37: {  	[smem:$0x3FAF] =	sst s10  }
0x38: {  	s10 =	sld [smem:$0x3FB0]  }
0x39: {  	_ = 	snop;
	(pc) =	sbr.ind lr, $3  }
0x3a: {  	_ = 	snop  }
0x3b: {  	_ = 	snop  }
0x3c: {  	p2 =	seq.s32 s10, $0x1;
	s10 =	sld [smem:$0x3FAF]  }
0x3d: {  	_ =	shalt  }
0x3e: {  	_ =	shalt  }
0x3f: {  	_ =	shalt  }
0x40: {  	_ =	shalt  }
0x41: {  	_ =	shalt  }
0x42: {  	_ =	shalt  }
0x43: {  	_ =	shalt  }
0x44: {  	_ =	shalt  }
0x45: {  	_ =	shalt  }
0x46: {  	_ =	shalt  }
0x47: {  	_ =	shalt  }
0x48: {  	_ =	shalt  }
0x49: {  	_ =	shalt  }
0x4a: {  	_ =	shalt  }
0x4b: {  	_ =	shalt  }
0x4c: {  	_ =	shalt  }
0x4d: {  	_ =	shalt  }
0x4e: {  	_ =	shalt  }
0x4f: {  	_ =	shalt  }
0x50: {  	_ =	shalt  }
0x51: {  	_ =	shalt  }
0x52: {  	_ =	shalt  }
0x53: {  	_ =	shalt  }
0x54: {  	_ =	shalt  }
0x55: {  	_ =	shalt  }
0x56: {  	_ =	shalt  }
0x57: {  	_ =	shalt  }
0x58: {  	_ =	shalt  }
0x59: {  	_ =	shalt  }
0x5a: {  	_ =	shalt  }
0x5b: {  	_ =	shalt  }
0x5c: {  	_ =	shalt  }
0x5d: {  	_ =	shalt  }
0x5e: {  	_ =	shalt  }
0x5f: {  	_ =	shalt  }
0x60: {  	_ =	shalt  }
0x61: {  	_ =	shalt  }
0x62: {  	_ =	shalt  }
0x63: {  	_ =	shalt  }
0x64: {  	_ =	shalt  }
0x65: {  	_ =	shalt  }
0x66: {  	_ =	shalt  }
0x67: {  	_ =	shalt  }
0x68: {  	_ =	shalt  }
0x69: {  	_ =	shalt  }
0x6a: {  	_ =	shalt  }
0x6b: {  	_ =	shalt  }
0x6c: {  	_ =	shalt  }
0x6d: {  	_ =	shalt  }
0x6e: {  	_ =	shalt  }
0x6f: {  	_ =	shalt  }
0x70: {  	_ =	shalt  }
0x71: {  	_ =	shalt  }
0x72: {  	_ =	shalt  }
0x73: {  	_ =	shalt  }
0x74: {  	_ =	shalt  }
0x75: {  	_ =	shalt  }
0x76: {  	_ =	shalt  }
0x77: {  	_ =	shalt  }
0x78: {  	_ =	shalt  }
0x79: {  	_ =	shalt  }
0x7a: {  	_ =	shalt  }
0x7b: {  	_ =	shalt  }
0x7c: {  	_ =	shalt  }
0x7d: {  	_ =	shalt  }
0x7e: {  	_ =	shalt  }
0x7f: {  	_ =	shalt  }
0x80: {  	_ =	shalt  }
0x81: {  	_ =	shalt  }
0x82: {  	_ =	shalt  }
0x83: {  	_ =	shalt  }
0x84: {  	_ =	shalt  }
0x85: {  	_ =	shalt  }
0x86: {  	_ =	shalt  }
0x87: {  	_ =	shalt  }
.Lfunc_end0:
.L_simem_size_0:
called_computation_lowered:
.L_overlay_start_0:
0x88: {  	s2 =	sld [smem:$0x3FD9]  }
0x89: {  	s3 =	sld [smem:$0x3FFE];
	_ =	sdelay $0x1  }
0x8a: {  	s1 =	srdreg.scid  }
0x8b: {  	s0 =	sand.u32 $0x1, s1  }
0x8c: {  	s14 =	sshll.u32 s0, $0xA;
	s2 =	sadd.s32 s3, s2  }
0x8d: {  	s2 =	sadd.s32 s2, s14  }
0x8e: {  	[smem:$0x3FBB] =	sst s2  }
0x8f: {  	_ = 	snop  }
0x90: {  	s2 =	sld [smem:$0x3FD0];
	_ =	sdelay $0x2  }
0x91: {  	s15 =	simm.s32 $0xA;
	s4 =	simm.s32 $0x10  }
0x92: {  	[smem:s4], [sflag:s15] =	dma.local [hbm:s2], $0x1  }
0x93: {  	_ =	swait.eq [sflag:s15], $0x1  }
0x94: {  	[sflag:s15] =	ssyncset.done $0x0  }
0x95: {  	[sflag:s15] =	ssyncadd.s32 $0xFFFFFFFF  }
0x96: {  	s16 =	sld [smem:$0x10];
	(tm) =	ssettm $0x1  }
0x97: {  	s17 =	sld [smem:$0x3FFB];
	_ =	sdelay $0x3  }
0x98: {  	_ =	strace s17  }
0x99: {  	s3 =	sld [smem:$0x3FFC];
	_ =	sdelay $0x3  }
0x9a: {  	_ =	strace s3  }
0x9b: {  	s3 =	sld [smem:$0x3FFD];
	_ =	sdelay $0x3  }
0x9c: {  	_ =	strace s3  }
0x9d: {  	_ =	strace $0x8FFFFFFF  }
0x9e: {  	s18 =	sld [smem:$0x3FDB];
	_ =	sdelay $0x1  }
0x9f: {  	s19 =	simm.s32 $_scs_section_size  }
0xa0: {  	s5 =	simm.s32 $_size__tile_overlayer_lowered;
	s6 =	simm.s32 $_tile_overlayer_lowered  }
0xa1: {  	s22 =	simm.s32 $0x1BFF;
	s21 =	sshll.u32 s6, $0x1;
	s3 =	sadd.s32 s19, s18  }
0xa2: {  	s7 =	simm.s32 $0x0;
	s20 =	sshll.u32 s5, $0x1;
	s5 =	sadd.s32 s21, s3  }
0xa3: {  	[timem:s7], [sflag:s22] =	dma.local [hbm:s5], s20  }
0xa4: {  	_ =	swait.ge [sflag:s22], s20  }
0xa5: {  	s4 =	ssub.s32 $0x0, s20;
	[sflag:s22] =	ssyncset.done $0x0  }
0xa6: {  	[sflag:s22] =	ssyncadd.s32 s4;
	_ =	sdelay $0x1  }
0xa7: {  	s23 =	simm.s32 $0x1B8B  }
0xa8: {  	_ =	swait.ge [sflag:s23], $0x1  }
0xa9: {  	[sflag:s23] =	ssyncset.done $0x0  }
0xaa: {  	s25 =	simm.s32 $0x1B8E;
	s24 =	sld [smem:$0x3FFE];
	[sflag:s23] =	ssyncadd.s32 $0xFFFFFFFF  }
0xab: {  	s26 =	simm.s32 $execute0_lowered;
	[smem:$0x3FD2] =	sst s25  }
0xac: {  	s5 =	sshll.u32 s26, $0x1;
	_ =	strace $0x80000046;
	[dreg:$0x1] =	wrdreg $0xFFFFFFFF  }
0xad: {  	s28 =	simm.s32 $_size_execute0_lowered;
	s3 =	sadd.s32 s3, s5;
	[dreg:$0x0] =	wrdreg $0x0  }
0xae: {  	s5 =	sshll.u32 s28, $0x1;
	[dreg:$0x2] =	wrdreg s3  }
0xaf: {  	[dreg:$0x3] =	wrdreg s5  }
0xb0: {  	[dreg:$0x4] =	wrdreg $0xC0  }
0xb1: {  	_ =	task [dreg:s7], $0x5FFFF  }
0xb2: {  	[dreg:$0x1] =	wrdreg $0xFFFFFFFF  }
0xb3: {  	[dreg:$0x0] =	wrdreg $0x60  }
0xb4: {  	[dreg:$0x2] =	wrdreg s24  }
0xb5: {  	[dreg:$0x3] =	wrdreg s16  }
0xb6: {  	[dreg:$0x4] =	wrdreg $0x9  }
0xb7: {  	_ =	task.clear_ibuf [dreg:s7], $0x5FFFF;
	_ =	strace $0x90000046  }
0xb8: {  	s29 =	simm.s32 $0x9;
	_ =	strace $0x80000048  }
0xb9: {  	_ =	swait.ge [sflag:s29], $0x1  }
0xba: {  	[sflag:s29] =	ssyncadd.s32 $0xFFFFFFFF  }
0xbb: {  	_ =	strace $0x90000048  }
0xbc: {  	_ =	sfence  }
0xbd: {  	s30 =	sld [smem:$0x0];
	_ =	sdelay $0x2  }
0xbe: {  	s31 =	sshll.u32 s1, $0xD;
	s1 =	sshrl.u32 s1, $0x2  }
0xbf: {  	s3 =	sand.u32 $0x4000, s31;
	s1 =	sadd.s32 s1, s30  }
0xc0: {  	s0 =	sor.u32 s3, s0;
	s1 =	sshll.u32 s1, $0x11  }
0xc1: {  	s0 =	sor.u32 s1, s0  }
0xc2: {  	s0 =	sadd.s32 $0x8F2B, s0  }
0xc3: {  	[sflag:s0] =	ssyncadd.remote.s32 $0x1  }
0xc4: {  	_ =	sfence.sel $0xFFFF  }
0xc5: {  	[dreg:$0x0] =	wrdreg $0xFFFFFFFF;
	(pc) =	sbr.abs _section_cstart, $3  }
0xc6: {  	[dreg:$0x1] =	wrdreg $0xFFFFFFFF  }
0xc7: {  	_ =	task.clear_ibuf [dreg:s7], $0x2FFFF;
	_ =	strace $0x9FFFFFFF  }
0xc8: {  	(tm) =	ssettm $0x7FFFFFFF  }
0xc9: {  	_ =	shalt  }
tec
execute0_lowered:
.L_overlay_start_1:
0x0: {  	(tag) =	ssettag $0x1  }
0x1: {  	s7 =	rddreg [dreg:$0x0]  }
0x2: {  	s2 =	rddreg [dreg:$0x1]  }
0x3: {  	s0 =	rddreg [dreg:$0x2]  }
0x4: {  	s1 =	srdreg.scid;
	_ =	strace $0x80000047;
	s4 =	simm.s32 $0x1  }
0x5: {  	s9 =	simm.s32 $0x3;
	s12 =	simm.s32 $0x0;
	s5 =	sshll.u32 s1, $0x4  }
.Ltmp0:
0x6: {  	s1 =	stileid.u32;
	s5 =	sand.u32 $0x10, s5;
	(pc) =	sbr.rel .LBB2_1-.Ltmp0, $4  }
0x7: {  	s10 =	simm.s32 $0x0;
	s3 =	sadd.s32 $0x2000, s7;
	s6 =	sor.u32 s1, s5  }
0x8: {  	[sflag:s4] =	ssyncpa.u1 $0x0;
	s5 =	simm.s32 $0x2;
	s6 =	sshll.u32 s6, $0x8  }
0x9: {  	s7 =	sadd.s32 $0x102000, s7;
	[sflag:s5] =	ssyncpa.u1 $0x0;
	s8 =	sadd.s32 $0x100, s6  }
0xa: {  	vm0 =	vmmov $0xff;
	vm1 =	vcmask $0x3F20;
	[sflag:s9] =	ssyncpa.u1 $0x0;
	s9 =	simm.s32 $0x100;
	s11 =	smov.u32 s6  }
.LBB2_9:
0xb: {  	p0 =	seq.s32 s10, $0x2  }
.Ltmp1:
0xc: {  	_ = 	snop;
	(pc) =	sbr.rel @p0 .LBB2_11-.Ltmp1, $1  }
0xd: {  	_ =	sdelay $0x3  }
.LBB2_10:
0xe: {  	s12 =	sadd.s32 $0x100, s11  }
0xf: {  	s13 =	smov.u32 s6;
	p0 =	slt.s32 s12, s8  }
0x10: {  	s13 =	smov.u32 @p0 s12  }
0x11: {  	s10 =	sadd.s32 $0x1, s10;
	s12 =	smov.u32 s11;
	s11 =	smov.u32 s13  }
.LBB2_1:
0x12: {  	p0 =	sne.s32 s10, $0x0  }
.Ltmp2:
0x13: {  	_ = 	snop;
	(pc) =	sbr.rel @!p0 .LBB2_2-.Ltmp2, $1  }
0x14: {  	_ =	sdelay $0x3  }
0x15: {  	s13 =	sand.u32 $0x1, s10  }
0x16: {  	p0 =	seq.s32 s13, $0x0  }
.Ltmp3:
0x17: {  	_ = 	snop;
	(pc) =	sbr.rel @p0 .LBB2_9-.Ltmp3, $1  }
0x18: {  	_ =	sdelay $0x3  }
0x19: {  	_ =	swait.ge [sflag:s5], $0x100  }
0x1a: {  	[sflag:s5] =	ssyncset.done $0x0  }
0x1b: {  	s13 =	simm.s32 $0x0;
	[sflag:s5] =	ssyncadd.s32 $0xFFFFFF00  }
0x1c: {  	v0 =	vld.msk [tilespmem:s13+$0x100 ss:$0x1], $0xffff;
	_ =	sdelay $0x4  }
0x1d: {  	vm2 =	vgt.s32 v0, $0x0  }
0x1e: {  	v0 =	vnsel vm2, $0x0, v0  }
0x1f: {  	v0 =	vmin.u32 v0, $0xFFFF  }
0x20: {  	v0 =	vshll.u32 v0, $0x4;
	_ =	sdelay $0x3  }
0x21: {  	s13 =	simm.s32 $0x8200  }
0x22: {  	[tilespmem:s13], [sflag:$0x1] =	stream.indirect_vreg.gather [hbm:s3], $0x80, v0, vm0, $0x38;
	[tilespmem:$0x10200] =	vst v63  }
0x23: {  	s14 =	simm.s32 $0x8600;
	s31 =	simm.s32 $0x10  }
0x24: {  	[tilespmem:s14], [sflag:$0x1] =	stream.indirect_vreg.gather [hbm:s3], $0x80, v0, vm1, $0x38;
	[tilespmem:$0x10200] =	vst v63  }
0x25: {  	s14 =	simm.s32 $0x80;
	v0 =	vld.msk [tilespmem:s31+$0x100 ss:$0x1], $0xffff  }
.LBB2_5:
0x26: {  	p0 =	sne.s32 s14, $0x3C0;
	_ =	sdelay $0x4  }
0x27: {  	vm2 =	vgt.s32 v0, $0x0  }
0x28: {  	v0 =	vnsel vm2, $0x0, v0  }
0x29: {  	v0 =	vmin.u32 v0, $0xFFFF  }
0x2a: {  	v0 =	vshll.u32 v0, $0x4;
	_ =	sdelay $0x3  }
.Ltmp4:
0x2b: {  	s13 =	sadd.s32 $0x800, s13;
	(pc) =	sbr.rel @p0 .LBB2_5-.Ltmp4, $4  }
0x2c: {  	[tilespmem:s13], [sflag:$0x1] =	stream.indirect_vreg.gather [hbm:s3], $0x80, v0, vm0, $0x38;
	[tilespmem:$0x10200] =	vst v63  }
0x2d: {  	s15 =	sshra.s32 s14, $0x2;
	s16 =	sadd.s32 $0x400, s13  }
0x2e: {  	[tilespmem:s16], [sflag:$0x1] =	stream.indirect_vreg.gather [hbm:s3], $0x80, v0, vm1, $0x38;
	[tilespmem:$0x10200] =	vst v63  }
0x2f: {  	s14 =	sadd.s32 $0x40, s14;
	v0 =	vld.msk [tilespmem:s15+$0x100 ss:$0x1], $0xffff  }
0x30: {  	_ =	sdelay $0x3  }
0x31: {  	vm2 =	vgt.s32 v0, $0x0  }
0x32: {  	v0 =	vnsel vm2, $0x0, v0  }
0x33: {  	v0 =	vmin.u32 v0, $0xFFFF  }
0x34: {  	v0 =	vshll.u32 v0, $0x4;
	_ =	sdelay $0x3  }
0x35: {  	s13 =	sadd.s32 $0x800, s13  }
0x36: {  	[tilespmem:s13], [sflag:$0x1] =	stream.indirect_vreg.gather [hbm:s3], $0x80, v0, vm0, $0x38;
	[tilespmem:$0x10200] =	vst v63  }
0x37: {  	s13 =	sadd.s32 $0x400, s13  }
0x38: {  	[tilespmem:s13], [sflag:$0x1] =	stream.indirect_vreg.gather [hbm:s3], $0x80, v0, vm1, $0x38;
	[tilespmem:$0x10200] =	vst v63  }
0x39: {  	s12 =	sshll.u32 s12, $0x4;
	s14 =	simm.s32 $0x80;
	_ =	swait.ge [sflag:s4], $0x8000  }
0x3a: {  	s15 =	simm.s32 $0x8600;
	s12 =	sadd.s32 s12, s7;
	[sflag:s4] =	ssyncset.done $0x0  }
0x3b: {  	s16 =	sadd.s32 $0x0, s12;
	s13 =	simm.s32 $0x8200;
	[sflag:s4] =	ssyncadd.s32 $0xFFFF8000  }
.LBB2_7:
0x3c: {  	[hbm:s16] =	stream.linear.scatter [tilespmem:s13], [sflag:$0x3], $0x400, $0x38;
	[tilespmem:$0x10200] =	vst v63  }
0x3d: {  	s16 =	smov.u32 s14;
	s13 =	smov.u32 s15;
	p0 =	sne.s32 s14, $0xF80  }
.Ltmp5:
0x3e: {  	s14 =	sadd.s32 $0x80, s14;
	(pc) =	sbr.rel @p0 .LBB2_7-.Ltmp5, $2  }
0x3f: {  	_ =	sdelay $0x2  }
0x40: {  	s15 =	sadd.s32 $0x400, s15;
	s16 =	sadd.s32 s16, s12  }
.Ltmp6:
0x41: {  	(pc) =	sbr.rel .LBB2_9-.Ltmp6, $2  }
0x42: {  	_ =	sdelay $0x2  }
0x43: {  	[hbm:s16] =	stream.linear.scatter [tilespmem:s13], [sflag:$0x3], $0x400, $0x38;
	[tilespmem:$0x10200] =	vst v63  }
.LBB2_2:
.Ltmp7:
0x44: {  	(pc) =	sbr.rel .LBB2_10-.Ltmp7, $4  }
0x45: {  	_ = 	snop  }
0x46: {  	s12 =	sshrl.u32 s11, $0x3  }
0x47: {  	s13 =	sand.u32 $0x7, s11;
	s12 =	sadd.s32 s2, s12  }
0x48: {  	[tilespmem:s9], [sflag:$0x2] =	stream.linear.gather [hbm4b:s12+s13], $0x100, $0x38;
	[tilespmem:$0x10200] =	vst v63  }
.LBB2_11:
0x49: {  	s2 =	simm.s32 $0x3  }
0x4a: {  	_ =	swait.ge [sflag:s2], $0x8000  }
0x4b: {  	[sflag:s2] =	ssyncset.done $0x0  }
0x4c: {  	[sflag:s2] =	ssyncadd.s32 $0xFFFF8000  }
0x4d: {  	_ =	sfence.sel $0x180000  }
0x4e: {  	s3 =	simm.s32 $0x2;
	[bflag:$0x0] =	sbarrier.arrive $0xFFFF  }
0x4f: {  	[sflag:s3] =	ssyncpa.u1 $0x1  }
0x50: {  	s31 =	simm.s32 $0x1;
	[sflag:s2] =	ssyncpa.u1 $0x1  }
0x51: {  	[sflag:s31] =	ssyncpa.u1 $0x1  }
0x52: {  	p0 =	sne.s32 s1, $0x0;
	_ =	strace $0x90000047  }
0x53: {  	s0 =	sadd.s32 @!p0 $0x100000, s0;
	[bflag:$0x2] =	sbarrier.arrive $0xFFFF  }
0x54: {  	[sflag:s0] =	ssyncadd.tile.s32 @!p0 $0x1;
	_ =	shalt  }
.Lfunc_end2:
_tile_overlayer_lowered:
.L_overlay_start_2:
0x55: {  	(tag) =	ssettag $0x2  }
0x56: {  	s0 =	rddreg [dreg:$0x0];
	s2 =	stileid.u32  }
0x57: {  	s1 =	rddreg [dreg:$0x1];
	p0 =	sne.s32 s2, $0x0  }
0x58: {  	s3 =	rddreg [dreg:$0x2];
	[bflag:$0x3] =	sbarrier.arrive $0xFFFF;
	s2 =	simm.s32 @!p0 $0x1C01  }
0x59: {  	[timem:s3], [sflag:s2] =	dma.local @!p0 [hbm:s0], s1  }
0x5a: {  	s0 =	simm.s32 @!p0 $0x1  }
0x5b: {  	_ =	swait.ge @!p0 [sflag:s0], s1  }
0x5c: {  	s1 =	ssub.s32 @!p0 $0x0, s1;
	[sflag:s0] =	ssyncset.done @!p0 $0x0  }
0x5d: {  	[sflag:s0] =	ssyncadd.s32 @!p0 s1  }
0x5e: {  	[bflag:$0x3] =	sbarrier.arrive $0xFFFF  }
0x5f: {  	_ =	shalt  }

</sc_bundles>
